<compile_context>
chip_gen: v7x
topology: tpu7x:2x2x1
jax: 0.10.2.dev20260603
libtpu: 0.0.44.dev20260713+nightly
codegen_flags: <defaults>
</compile_context>

<pallas_src>
import functools

import jax
import jax.numpy as jnp
from jax import lax
from jax.experimental import pallas as pl
from jax.experimental.pallas import tpu as pltpu
from jax.experimental.pallas import tpu_sc as plsc

N_SPEAKERS = 100000
SIZE = 8192
BATCH = 4096

_info = plsc.get_sparse_core_info()
_NC = _info.num_cores
_NS = _info.num_subcores
_NW = _NC * _NS
_BPW = BATCH // _NW
_K = 2
_NBUF = 7
_G = 3
_NSTEPS = _BPW // _K


def _gather_kernel(idx_hbm, table_hbm, out_hbm, idx_v, *bufs_and_sems):
    bufs = bufs_and_sems[:_NBUF]
    gsems = bufs_and_sems[_NBUF:2 * _NBUF]
    wsems = bufs_and_sems[2 * _NBUF:3 * _NBUF]

    wid = lax.axis_index("s") * _NC + lax.axis_index("c")
    base = wid * _BPW

    pltpu.sync_copy(idx_hbm.at[wid], idx_v)

    gathers = [None] * _NBUF
    writes = [None] * _NBUF

    for j in range(_G):
        gathers[j % _NBUF] = pltpu.async_copy(
            table_hbm.at[idx_v.at[j]], bufs[j % _NBUF], gsems[j % _NBUF])

    for j in range(_NSTEPS):
        b = j % _NBUF
        gathers[b].wait()
        writes[b] = pltpu.async_copy(
            bufs[b], out_hbm.at[pl.ds(base + j * _K, _K)], wsems[b])
        nj = j + _G
        if nj < _NSTEPS:
            nb = nj % _NBUF
            if writes[nb] is not None:
                writes[nb].wait()
            gathers[nb] = pltpu.async_copy(
                table_hbm.at[idx_v.at[nj]], bufs[nb], gsems[nb])

    for b in range(_NBUF):
        if writes[b] is not None:
            writes[b].wait()


@jax.jit
def _run(sid32, emb):
    mesh = plsc.VectorSubcoreMesh(core_axis_name="c", subcore_axis_name="s")
    return pl.kernel(
        _gather_kernel,
        mesh=mesh,
        out_type=jax.ShapeDtypeStruct((BATCH, SIZE), jnp.float32),
        scratch_types=(
            [pltpu.VMEM((_NSTEPS, _K), jnp.int32)]
            + [pltpu.VMEM((_K, SIZE), jnp.float32) for _ in range(_NBUF)]
            + [pltpu.SemaphoreType.DMA for _ in range(2 * _NBUF)]
        ),
    )(sid32, emb)


def kernel(sid, emb):
    sid32 = sid.astype(jnp.int32).reshape(_NW, _NSTEPS, _K)
    return _run(sid32, emb)

# --- scband reference (transcript-rebuilt; emitter-appended) ---
"""Pipeline reference for scband-reverb-filter-bank-15341623181973 (READ-ONLY COPY).

The authoritative reference and input builder live on the scoring server;
editing this copy changes nothing except your own understanding.
"""

import jax, jax.numpy as jnp
import numpy as np

N_SPEAKERS = 100000
SIZE = 8192
BATCH = 4096

def setup_inputs(seed: int = 0) -> dict:
    key = jax.random.key(seed)
    k_emb, k_sid = jax.random.split(key, 2)
    emb = jax.random.normal(k_emb, (N_SPEAKERS, SIZE), dtype=jnp.float32)
    sid = jax.random.randint(k_sid, (BATCH,), 0, N_SPEAKERS, dtype=jnp.int64)
    return {"sid": sid, "emb": emb}

def reference(sid, emb):
    # nn.Embedding forward: gather rows of the table by index
    return jnp.take(emb, sid, axis=0)

if __name__ == "__main__":
    import jax
    _d = setup_inputs()
    print(jax.jit(kernel)(*tuple(_d.values())))

</pallas_src>

<mosaic_0001>
#map = affine_map<(d0, d1) -> (0, 0, 0)>
#map1 = affine_map<(d0, d1) -> (0, 0)>
module attributes {stable_mosaic.version = 14 : i64} {
  func.func @_gather_kernel(%arg0: i32, %arg1: i32, %arg2: memref<32x64x2xi32, #tpu.memory_space<hbm>>, %arg3: memref<100000x8192xf32, #tpu.memory_space<hbm>>, %arg4: memref<4096x8192xf32, #tpu.memory_space<hbm>>, %arg5: memref<64x2xi32, #tpu.memory_space<vmem>>, %arg6: memref<2x8192xf32, #tpu.memory_space<vmem>>, %arg7: memref<2x8192xf32, #tpu.memory_space<vmem>>, %arg8: memref<2x8192xf32, #tpu.memory_space<vmem>>, %arg9: memref<2x8192xf32, #tpu.memory_space<vmem>>, %arg10: memref<2x8192xf32, #tpu.memory_space<vmem>>, %arg11: memref<2x8192xf32, #tpu.memory_space<vmem>>, %arg12: memref<2x8192xf32, #tpu.memory_space<vmem>>, %arg13: memref<!tpu.dma_semaphore, #tpu.memory_space<semaphore_mem>>, %arg14: memref<!tpu.dma_semaphore, #tpu.memory_space<semaphore_mem>>, %arg15: memref<!tpu.dma_semaphore, #tpu.memory_space<semaphore_mem>>, %arg16: memref<!tpu.dma_semaphore, #tpu.memory_space<semaphore_mem>>, %arg17: memref<!tpu.dma_semaphore, #tpu.memory_space<semaphore_mem>>, %arg18: memref<!tpu.dma_semaphore, #tpu.memory_space<semaphore_mem>>, %arg19: memref<!tpu.dma_semaphore, #tpu.memory_space<semaphore_mem>>, %arg20: memref<!tpu.dma_semaphore, #tpu.memory_space<semaphore_mem>>, %arg21: memref<!tpu.dma_semaphore, #tpu.memory_space<semaphore_mem>>, %arg22: memref<!tpu.dma_semaphore, #tpu.memory_space<semaphore_mem>>, %arg23: memref<!tpu.dma_semaphore, #tpu.memory_space<semaphore_mem>>, %arg24: memref<!tpu.dma_semaphore, #tpu.memory_space<semaphore_mem>>, %arg25: memref<!tpu.dma_semaphore, #tpu.memory_space<semaphore_mem>>, %arg26: memref<!tpu.dma_semaphore, #tpu.memory_space<semaphore_mem>>) attributes {dimension_semantics = [#tpu.dimension_semantics<core_parallel>, #tpu.dimension_semantics<subcore_parallel>], iteration_bounds = array<i64: 2, 16>, scalar_prefetch = 0 : i64, scratch_operands = 22 : i64, tpu.core_type = #tpu.core_type<sc_vector_subcore>, window_params = [{transform_indices = #map}, {transform_indices = #map1}, {transform_indices = #map1}]} {
    %mul3A = arith.constant 2 : i32
    %mul3A_0 = arith.muli %arg1, %mul3A : i32
    %add3A = arith.addi %mul3A_0, %arg0 : i32
    %mul3A_1 = arith.constant 128 : i32
    %mul3A_2 = arith.muli %add3A, %mul3A_1 : i32
    "tpu.region"() ({
      %run_scoped3A = tpu.sem_alloc : memref<!tpu.dma_semaphore, #tpu.memory_space<semaphore_mem>>
      %dma_start3A_1537 = arith.constant 0 : i32
      %dma_start3A_1538 = arith.constant 0 : i32
      %dma_start3A_1539 = tpu.memref_slice %arg2[%add3A, %dma_start3A_1537, %dma_start3A_1538] : memref<32x64x2xi32, #tpu.memory_space<hbm>> -> memref<1x64x2xi32, #tpu.memory_space<hbm>>
      %dma_start3A_1540 = tpu.memref_squeeze %dma_start3A_1539 : memref<1x64x2xi32, #tpu.memory_space<hbm>> -> memref<64x2xi32, #tpu.memory_space<hbm>>
      %dma_start3A_1541 = arith.constant 0 : i32
      %dma_start3A_1542 = arith.constant 0 : i32
      %dma_start3A_1543 = tpu.memref_slice %arg2[%add3A, %dma_start3A_1541, %dma_start3A_1542] : memref<32x64x2xi32, #tpu.memory_space<hbm>> -> memref<1x64x2xi32, #tpu.memory_space<hbm>>
      %dma_start3A_1544 = tpu.memref_squeeze %dma_start3A_1543 : memref<1x64x2xi32, #tpu.memory_space<hbm>> -> memref<64x2xi32, #tpu.memory_space<hbm>>
      tpu.enqueue_dma source(%dma_start3A_1544 : memref<64x2xi32, #tpu.memory_space<hbm>>) target(%arg5 : memref<64x2xi32, #tpu.memory_space<vmem>>) target_semaphore(%run_scoped3A : memref<!tpu.dma_semaphore, #tpu.memory_space<semaphore_mem>>)
      %dma_wait3A_1545 = arith.constant 0 : i32
      %dma_wait3A_1546 = arith.constant 0 : i32
      %dma_wait3A_1547 = tpu.memref_slice %arg2[%add3A, %dma_wait3A_1545, %dma_wait3A_1546] : memref<32x64x2xi32, #tpu.memory_space<hbm>> -> memref<1x64x2xi32, #tpu.memory_space<hbm>>
      %dma_wait3A_1548 = tpu.memref_squeeze %dma_wait3A_1547 : memref<1x64x2xi32, #tpu.memory_space<hbm>> -> memref<64x2xi32, #tpu.memory_space<hbm>>
      %dma_wait3A_1549 = arith.constant 0 : i32
      %dma_wait3A_1550 = arith.constant 0 : i32
      %dma_wait3A_1551 = tpu.memref_slice %arg2[%add3A, %dma_wait3A_1549, %dma_wait3A_1550] : memref<32x64x2xi32, #tpu.memory_space<hbm>> -> memref<1x64x2xi32, #tpu.memory_space<hbm>>
      %dma_wait3A_1552 = tpu.memref_squeeze %dma_wait3A_1551 : memref<1x64x2xi32, #tpu.memory_space<hbm>> -> memref<64x2xi32, #tpu.memory_space<hbm>>
      tpu.wait_dma2 semaphore(%run_scoped3A : memref<!tpu.dma_semaphore, #tpu.memory_space<semaphore_mem>>) src(%dma_wait3A_1552 : memref<64x2xi32, #tpu.memory_space<hbm>>) dst(%arg5 : memref<64x2xi32, #tpu.memory_space<vmem>>)
      tpu.yield
    }) : () -> ()
    %dma_start3A = arith.constant 0 : i32
    %dma_start3A_3 = arith.constant 0 : i32
    %dma_start3A_4 = tpu.memref_slice %arg5[%dma_start3A, %dma_start3A_3] : memref<64x2xi32, #tpu.memory_space<vmem>> -> memref<1x2xi32, #tpu.memory_space<vmem>>
    %dma_start3A_5 = tpu.memref_squeeze %dma_start3A_4 : memref<1x2xi32, #tpu.memory_space<vmem>> -> memref<2xi32, #tpu.memory_space<vmem>>
    %dma_start3A_6 = arith.constant 0 : i32
    %dma_start3A_7 = arith.constant 0 : i32
    %dma_start3A_8 = tpu.memref_slice %arg3[%dma_start3A_6, %dma_start3A_7] : memref<100000x8192xf32, #tpu.memory_space<hbm>> -> memref<100000x8192xf32, #tpu.memory_space<hbm>>
    tpu.enqueue_indirect_dma source(%dma_start3A_8 : memref<100000x8192xf32, #tpu.memory_space<hbm>>) target(%arg6 : memref<2x8192xf32, #tpu.memory_space<vmem>>) offsets(%dma_start3A_5 : memref<2xi32, #tpu.memory_space<vmem>>) semaphore(%arg13 : memref<!tpu.dma_semaphore, #tpu.memory_space<semaphore_mem>>)
    %dma_start3A_9 = arith.constant 1 : i32
    %dma_start3A_10 = arith.constant 0 : i32
    %dma_start3A_11 = tpu.memref_slice %arg5[%dma_start3A_9, %dma_start3A_10] : memref<64x2xi32, #tpu.memory_space<vmem>> -> memref<1x2xi32, #tpu.memory_space<vmem>>
    %dma_start3A_12 = tpu.memref_squeeze %dma_start3A_11 : memref<1x2xi32, #tpu.memory_space<vmem>> -> memref<2xi32, #tpu.memory_space<vmem>>
    %dma_start3A_13 = arith.constant 0 : i32
    %dma_start3A_14 = arith.constant 0 : i32
    %dma_start3A_15 = tpu.memref_slice %arg3[%dma_start3A_13, %dma_start3A_14] : memref<100000x8192xf32, #tpu.memory_space<hbm>> -> memref<100000x8192xf32, #tpu.memory_space<hbm>>
    tpu.enqueue_indirect_dma source(%dma_start3A_15 : memref<100000x8192xf32, #tpu.memory_space<hbm>>) target(%arg7 : memref<2x8192xf32, #tpu.memory_space<vmem>>) offsets(%dma_start3A_12 : memref<2xi32, #tpu.memory_space<vmem>>) semaphore(%arg14 : memref<!tpu.dma_semaphore, #tpu.memory_space<semaphore_mem>>)
    %dma_start3A_16 = arith.constant 2 : i32
    %dma_start3A_17 = arith.constant 0 : i32
    %dma_start3A_18 = tpu.memref_slice %arg5[%dma_start3A_16, %dma_start3A_17] : memref<64x2xi32, #tpu.memory_space<vmem>> -> memref<1x2xi32, #tpu.memory_space<vmem>>
    %dma_start3A_19 = tpu.memref_squeeze %dma_start3A_18 : memref<1x2xi32, #tpu.memory_space<vmem>> -> memref<2xi32, #tpu.memory_space<vmem>>
    %dma_start3A_20 = arith.constant 0 : i32
    %dma_start3A_21 = arith.constant 0 : i32
    %dma_start3A_22 = tpu.memref_slice %arg3[%dma_start3A_20, %dma_start3A_21] : memref<100000x8192xf32, #tpu.memory_space<hbm>> -> memref<100000x8192xf32, #tpu.memory_space<hbm>>
    tpu.enqueue_indirect_dma source(%dma_start3A_22 : memref<100000x8192xf32, #tpu.memory_space<hbm>>) target(%arg8 : memref<2x8192xf32, #tpu.memory_space<vmem>>) offsets(%dma_start3A_19 : memref<2xi32, #tpu.memory_space<vmem>>) semaphore(%arg15 : memref<!tpu.dma_semaphore, #tpu.memory_space<semaphore_mem>>)
    %dma_wait3A = arith.constant 0 : i32
    %dma_wait3A_23 = arith.constant 0 : i32
    %dma_wait3A_24 = tpu.memref_slice %arg5[%dma_wait3A, %dma_wait3A_23] : memref<64x2xi32, #tpu.memory_space<vmem>> -> memref<1x2xi32, #tpu.memory_space<vmem>>
    %dma_wait3A_25 = tpu.memref_squeeze %dma_wait3A_24 : memref<1x2xi32, #tpu.memory_space<vmem>> -> memref<2xi32, #tpu.memory_space<vmem>>
    %dma_wait3A_26 = arith.constant 0 : i32
    %dma_wait3A_27 = arith.constant 0 : i32
    %dma_wait3A_28 = tpu.memref_slice %arg3[%dma_wait3A_26, %dma_wait3A_27] : memref<100000x8192xf32, #tpu.memory_space<hbm>> -> memref<100000x8192xf32, #tpu.memory_space<hbm>>
    tpu.wait_indirect_dma semaphore(%arg13 : memref<!tpu.dma_semaphore, #tpu.memory_space<semaphore_mem>>) src(%dma_wait3A_28 : memref<100000x8192xf32, #tpu.memory_space<hbm>>) dst(%arg6 : memref<2x8192xf32, #tpu.memory_space<vmem>>)
    %add3A_29 = arith.constant 0 : i32
    %add3A_30 = arith.addi %mul3A_2, %add3A_29 : i32
    %dma_start3A_31 = arith.constant 0 : i32
    %dma_start3A_32 = tpu.memref_slice %arg4[%add3A_30, %dma_start3A_31] : memref<4096x8192xf32, #tpu.memory_space<hbm>> -> memref<2x8192xf32, #tpu.memory_space<hbm>>
    %dma_start3A_33 = arith.constant 0 : i32
    %dma_start3A_34 = tpu.memref_slice %arg4[%add3A_30, %dma_start3A_33] : memref<4096x8192xf32, #tpu.memory_space<hbm>> -> memref<2x8192xf32, #tpu.memory_space<hbm>>
    tpu.enqueue_dma source(%arg6 : memref<2x8192xf32, #tpu.memory_space<vmem>>) target(%dma_start3A_34 : memref<2x8192xf32, #tpu.memory_space<hbm>>) target_semaphore(%arg20 : memref<!tpu.dma_semaphore, #tpu.memory_space<semaphore_mem>>)
    %dma_start3A_35 = arith.constant 3 : i32
    %dma_start3A_36 = arith.constant 0 : i32
    %dma_start3A_37 = tpu.memref_slice %arg5[%dma_start3A_35, %dma_start3A_36] : memref<64x2xi32, #tpu.memory_space<vmem>> -> memref<1x2xi32, #tpu.memory_space<vmem>>
    %dma_start3A_38 = tpu.memref_squeeze %dma_start3A_37 : memref<1x2xi32, #tpu.memory_space<vmem>> -> memref<2xi32, #tpu.memory_space<vmem>>
    %dma_start3A_39 = arith.constant 0 : i32
    %dma_start3A_40 = arith.constant 0 : i32
    %dma_start3A_41 = tpu.memref_slice %arg3[%dma_start3A_39, %dma_start3A_40] : memref<100000x8192xf32, #tpu.memory_space<hbm>> -> memref<100000x8192xf32, #tpu.memory_space<hbm>>
    tpu.enqueue_indirect_dma source(%dma_start3A_41 : memref<100000x8192xf32, #tpu.memory_space<hbm>>) target(%arg9 : memref<2x8192xf32, #tpu.memory_space<vmem>>) offsets(%dma_start3A_38 : memref<2xi32, #tpu.memory_space<vmem>>) semaphore(%arg16 : memref<!tpu.dma_semaphore, #tpu.memory_space<semaphore_mem>>)
    %dma_wait3A_42 = arith.constant 1 : i32
    %dma_wait3A_43 = arith.constant 0 : i32
    %dma_wait3A_44 = tpu.memref_slice %arg5[%dma_wait3A_42, %dma_wait3A_43] : memref<64x2xi32, #tpu.memory_space<vmem>> -> memref<1x2xi32, #tpu.memory_space<vmem>>
    %dma_wait3A_45 = tpu.memref_squeeze %dma_wait3A_44 : memref<1x2xi32, #tpu.memory_space<vmem>> -> memref<2xi32, #tpu.memory_space<vmem>>
    %dma_wait3A_46 = arith.constant 0 : i32
    %dma_wait3A_47 = arith.constant 0 : i32
    %dma_wait3A_48 = tpu.memref_slice %arg3[%dma_wait3A_46, %dma_wait3A_47] : memref<100000x8192xf32, #tpu.memory_space<hbm>> -> memref<100000x8192xf32, #tpu.memory_space<hbm>>
    tpu.wait_indirect_dma semaphore(%arg14 : memref<!tpu.dma_semaphore, #tpu.memory_space<semaphore_mem>>) src(%dma_wait3A_48 : memref<100000x8192xf32, #tpu.memory_space<hbm>>) dst(%arg7 : memref<2x8192xf32, #tpu.memory_space<vmem>>)
    %add3A_49 = arith.constant 2 : i32
    %add3A_50 = arith.addi %mul3A_2, %add3A_49 : i32
    %dma_start3A_51 = arith.constant 0 : i32
    %dma_start3A_52 = tpu.memref_slice %arg4[%add3A_50, %dma_start3A_51] : memref<4096x8192xf32, #tpu.memory_space<hbm>> -> memref<2x8192xf32, #tpu.memory_space<hbm>>
    %dma_start3A_53 = arith.constant 0 : i32
    %dma_start3A_54 = tpu.memref_slice %arg4[%add3A_50, %dma_start3A_53] : memref<4096x8192xf32, #tpu.memory_space<hbm>> -> memref<2x8192xf32, #tpu.memory_space<hbm>>
    tpu.enqueue_dma source(%arg7 : memref<2x8192xf32, #tpu.memory_space<vmem>>) target(%dma_start3A_54 : memref<2x8192xf32, #tpu.memory_space<hbm>>) target_semaphore(%arg21 : memref<!tpu.dma_semaphore, #tpu.memory_space<semaphore_mem>>)
    %dma_start3A_55 = arith.constant 4 : i32
    %dma_start3A_56 = arith.constant 0 : i32
    %dma_start3A_57 = tpu.memref_slice %arg5[%dma_start3A_55, %dma_start3A_56] : memref<64x2xi32, #tpu.memory_space<vmem>> -> memref<1x2xi32, #tpu.memory_space<vmem>>
    %dma_start3A_58 = tpu.memref_squeeze %dma_start3A_57 : memref<1x2xi32, #tpu.memory_space<vmem>> -> memref<2xi32, #tpu.memory_space<vmem>>
    %dma_start3A_59 = arith.constant 0 : i32
    %dma_start3A_60 = arith.constant 0 : i32
    %dma_start3A_61 = tpu.memref_slice %arg3[%dma_start3A_59, %dma_start3A_60] : memref<100000x8192xf32, #tpu.memory_space<hbm>> -> memref<100000x8192xf32, #tpu.memory_space<hbm>>
    tpu.enqueue_indirect_dma source(%dma_start3A_61 : memref<100000x8192xf32, #tpu.memory_space<hbm>>) target(%arg10 : memref<2x8192xf32, #tpu.memory_space<vmem>>) offsets(%dma_start3A_58 : memref<2xi32, #tpu.memory_space<vmem>>) semaphore(%arg17 : memref<!tpu.dma_semaphore, #tpu.memory_space<semaphore_mem>>)
    %dma_wait3A_62 = arith.constant 2 : i32
    %dma_wait3A_63 = arith.constant 0 : i32
    %dma_wait3A_64 = tpu.memref_slice %arg5[%dma_wait3A_62, %dma_wait3A_63] : memref<64x2xi32, #tpu.memory_space<vmem>> -> memref<1x2xi32, #tpu.memory_space<vmem>>
    %dma_wait3A_65 = tpu.memref_squeeze %dma_wait3A_64 : memref<1x2xi32, #tpu.memory_space<vmem>> -> memref<2xi32, #tpu.memory_space<vmem>>
    %dma_wait3A_66 = arith.constant 0 : i32
    %dma_wait3A_67 = arith.constant 0 : i32
    %dma_wait3A_68 = tpu.memref_slice %arg3[%dma_wait3A_66, %dma_wait3A_67] : memref<100000x8192xf32, #tpu.memory_space<hbm>> -> memref<100000x8192xf32, #tpu.memory_space<hbm>>
    tpu.wait_indirect_dma semaphore(%arg15 : memref<!tpu.dma_semaphore, #tpu.memory_space<semaphore_mem>>) src(%dma_wait3A_68 : memref<100000x8192xf32, #tpu.memory_space<hbm>>) dst(%arg8 : memref<2x8192xf32, #tpu.memory_space<vmem>>)
    %add3A_69 = arith.constant 4 : i32
    %add3A_70 = arith.addi %mul3A_2, %add3A_69 : i32
    %dma_start3A_71 = arith.constant 0 : i32
    %dma_start3A_72 = tpu.memref_slice %arg4[%add3A_70, %dma_start3A_71] : memref<4096x8192xf32, #tpu.memory_space<hbm>> -> memref<2x8192xf32, #tpu.memory_space<hbm>>
    %dma_start3A_73 = arith.constant 0 : i32
    %dma_start3A_74 = tpu.memref_slice %arg4[%add3A_70, %dma_start3A_73] : memref<4096x8192xf32, #tpu.memory_space<hbm>> -> memref<2x8192xf32, #tpu.memory_space<hbm>>
    tpu.enqueue_dma source(%arg8 : memref<2x8192xf32, #tpu.memory_space<vmem>>) target(%dma_start3A_74 : memref<2x8192xf32, #tpu.memory_space<hbm>>) target_semaphore(%arg22 : memref<!tpu.dma_semaphore, #tpu.memory_space<semaphore_mem>>)
    %dma_start3A_75 = arith.constant 5 : i32
    %dma_start3A_76 = arith.constant 0 : i32
    %dma_start3A_77 = tpu.memref_slice %arg5[%dma_start3A_75, %dma_start3A_76] : memref<64x2xi32, #tpu.memory_space<vmem>> -> memref<1x2xi32, #tpu.memory_space<vmem>>
    %dma_start3A_78 = tpu.memref_squeeze %dma_start3A_77 : memref<1x2xi32, #tpu.memory_space<vmem>> -> memref<2xi32, #tpu.memory_space<vmem>>
    %dma_start3A_79 = arith.constant 0 : i32
    %dma_start3A_80 = arith.constant 0 : i32
    %dma_start3A_81 = tpu.memref_slice %arg3[%dma_start3A_79, %dma_start3A_80] : memref<100000x8192xf32, #tpu.memory_space<hbm>> -> memref<100000x8192xf32, #tpu.memory_space<hbm>>
    tpu.enqueue_indirect_dma source(%dma_start3A_81 : memref<100000x8192xf32, #tpu.memory_space<hbm>>) target(%arg11 : memref<2x8192xf32, #tpu.memory_space<vmem>>) offsets(%dma_start3A_78 : memref<2xi32, #tpu.memory_space<vmem>>) semaphore(%arg18 : memref<!tpu.dma_semaphore, #tpu.memory_space<semaphore_mem>>)
    %dma_wait3A_82 = arith.constant 3 : i32
    %dma_wait3A_83 = arith.constant 0 : i32
    %dma_wait3A_84 = tpu.memref_slice %arg5[%dma_wait3A_82, %dma_wait3A_83] : memref<64x2xi32, #tpu.memory_space<vmem>> -> memref<1x2xi32, #tpu.memory_space<vmem>>
    %dma_wait3A_85 = tpu.memref_squeeze %dma_wait3A_84 : memref<1x2xi32, #tpu.memory_space<vmem>> -> memref<2xi32, #tpu.memory_space<vmem>>
    %dma_wait3A_86 = arith.constant 0 : i32
    %dma_wait3A_87 = arith.constant 0 : i32
    %dma_wait3A_88 = tpu.memref_slice %arg3[%dma_wait3A_86, %dma_wait3A_87] : memref<100000x8192xf32, #tpu.memory_space<hbm>> -> memref<100000x8192xf32, #tpu.memory_space<hbm>>
    tpu.wait_indirect_dma semaphore(%arg16 : memref<!tpu.dma_semaphore, #tpu.memory_space<semaphore_mem>>) src(%dma_wait3A_88 : memref<100000x8192xf32, #tpu.memory_space<hbm>>) dst(%arg9 : memref<2x8192xf32, #tpu.memory_space<vmem>>)
    %add3A_89 = arith.constant 6 : i32
    %add3A_90 = arith.addi %mul3A_2, %add3A_89 : i32
    %dma_start3A_91 = arith.constant 0 : i32
    %dma_start3A_92 = tpu.memref_slice %arg4[%add3A_90, %dma_start3A_91] : memref<4096x8192xf32, #tpu.memory_space<hbm>> -> memref<2x8192xf32, #tpu.memory_space<hbm>>
    %dma_start3A_93 = arith.constant 0 : i32
    %dma_start3A_94 = tpu.memref_slice %arg4[%add3A_90, %dma_start3A_93] : memref<4096x8192xf32, #tpu.memory_space<hbm>> -> memref<2x8192xf32, #tpu.memory_space<hbm>>
    tpu.enqueue_dma source(%arg9 : memref<2x8192xf32, #tpu.memory_space<vmem>>) target(%dma_start3A_94 : memref<2x8192xf32, #tpu.memory_space<hbm>>) target_semaphore(%arg23 : memref<!tpu.dma_semaphore, #tpu.memory_space<semaphore_mem>>)
    %dma_start3A_95 = arith.constant 6 : i32
    %dma_start3A_96 = arith.constant 0 : i32
    %dma_start3A_97 = tpu.memref_slice %arg5[%dma_start3A_95, %dma_start3A_96] : memref<64x2xi32, #tpu.memory_space<vmem>> -> memref<1x2xi32, #tpu.memory_space<vmem>>
    %dma_start3A_98 = tpu.memref_squeeze %dma_start3A_97 : memref<1x2xi32, #tpu.memory_space<vmem>> -> memref<2xi32, #tpu.memory_space<vmem>>
    %dma_start3A_99 = arith.constant 0 : i32
    %dma_start3A_100 = arith.constant 0 : i32
    %dma_start3A_101 = tpu.memref_slice %arg3[%dma_start3A_99, %dma_start3A_100] : memref<100000x8192xf32, #tpu.memory_space<hbm>> -> memref<100000x8192xf32, #tpu.memory_space<hbm>>
    tpu.enqueue_indirect_dma source(%dma_start3A_101 : memref<100000x8192xf32, #tpu.memory_space<hbm>>) target(%arg12 : memref<2x8192xf32, #tpu.memory_space<vmem>>) offsets(%dma_start3A_98 : memref<2xi32, #tpu.memory_space<vmem>>) semaphore(%arg19 : memref<!tpu.dma_semaphore, #tpu.memory_space<semaphore_mem>>)
    %dma_wait3A_102 = arith.constant 4 : i32
    %dma_wait3A_103 = arith.constant 0 : i32
    %dma_wait3A_104 = tpu.memref_slice %arg5[%dma_wait3A_102, %dma_wait3A_103] : memref<64x2xi32, #tpu.memory_space<vmem>> -> memref<1x2xi32, #tpu.memory_space<vmem>>
    %dma_wait3A_105 = tpu.memref_squeeze %dma_wait3A_104 : memref<1x2xi32, #tpu.memory_space<vmem>> -> memref<2xi32, #tpu.memory_space<vmem>>
    %dma_wait3A_106 = arith.constant 0 : i32
    %dma_wait3A_107 = arith.constant 0 : i32
    %dma_wait3A_108 = tpu.memref_slice %arg3[%dma_wait3A_106, %dma_wait3A_107] : memref<100000x8192xf32, #tpu.memory_space<hbm>> -> memref<100000x8192xf32, #tpu.memory_space<hbm>>
    tpu.wait_indirect_dma semaphore(%arg17 : memref<!tpu.dma_semaphore, #tpu.memory_space<semaphore_mem>>) src(%dma_wait3A_108 : memref<100000x8192xf32, #tpu.memory_space<hbm>>) dst(%arg10 : memref<2x8192xf32, #tpu.memory_space<vmem>>)
    %add3A_109 = arith.constant 8 : i32
    %add3A_110 = arith.addi %mul3A_2, %add3A_109 : i32
    %dma_start3A_111 = arith.constant 0 : i32
    %dma_start3A_112 = tpu.memref_slice %arg4[%add3A_110, %dma_start3A_111] : memref<4096x8192xf32, #tpu.memory_space<hbm>> -> memref<2x8192xf32, #tpu.memory_space<hbm>>
    %dma_start3A_113 = arith.constant 0 : i32
    %dma_start3A_114 = tpu.memref_slice %arg4[%add3A_110, %dma_start3A_113] : memref<4096x8192xf32, #tpu.memory_space<hbm>> -> memref<2x8192xf32, #tpu.memory_space<hbm>>
    tpu.enqueue_dma source(%arg10 : memref<2x8192xf32, #tpu.memory_space<vmem>>) target(%dma_start3A_114 : memref<2x8192xf32, #tpu.memory_space<hbm>>) target_semaphore(%arg24 : memref<!tpu.dma_semaphore, #tpu.memory_space<semaphore_mem>>)
    %dma_wait3A_115 = arith.constant 0 : i32
    %dma_wait3A_116 = tpu.memref_slice %arg4[%add3A_30, %dma_wait3A_115] : memref<4096x8192xf32, #tpu.memory_space<hbm>> -> memref<2x8192xf32, #tpu.memory_space<hbm>>
    %dma_wait3A_117 = arith.constant 0 : i32
    %dma_wait3A_118 = tpu.memref_slice %arg4[%add3A_30, %dma_wait3A_117] : memref<4096x8192xf32, #tpu.memory_space<hbm>> -> memref<2x8192xf32, #tpu.memory_space<hbm>>
    tpu.wait_dma2 semaphore(%arg20 : memref<!tpu.dma_semaphore, #tpu.memory_space<semaphore_mem>>) src(%arg6 : memref<2x8192xf32, #tpu.memory_space<vmem>>) dst(%dma_wait3A_118 : memref<2x8192xf32, #tpu.memory_space<hbm>>)
    %dma_start3A_119 = arith.constant 7 : i32
    %dma_start3A_120 = arith.constant 0 : i32
    %dma_start3A_121 = tpu.memref_slice %arg5[%dma_start3A_119, %dma_start3A_120] : memref<64x2xi32, #tpu.memory_space<vmem>> -> memref<1x2xi32, #tpu.memory_space<vmem>>
    %dma_start3A_122 = tpu.memref_squeeze %dma_start3A_121 : memref<1x2xi32, #tpu.memory_space<vmem>> -> memref<2xi32, #tpu.memory_space<vmem>>
    %dma_start3A_123 = arith.constant 0 : i32
    %dma_start3A_124 = arith.constant 0 : i32
    %dma_start3A_125 = tpu.memref_slice %arg3[%dma_start3A_123, %dma_start3A_124] : memref<100000x8192xf32, #tpu.memory_space<hbm>> -> memref<100000x8192xf32, #tpu.memory_space<hbm>>
    tpu.enqueue_indirect_dma source(%dma_start3A_125 : memref<100000x8192xf32, #tpu.memory_space<hbm>>) target(%arg6 : memref<2x8192xf32, #tpu.memory_space<vmem>>) offsets(%dma_start3A_122 : memref<2xi32, #tpu.memory_space<vmem>>) semaphore(%arg13 : memref<!tpu.dma_semaphore, #tpu.memory_space<semaphore_mem>>)
    %dma_wait3A_126 = arith.constant 5 : i32
    %dma_wait3A_127 = arith.constant 0 : i32
    %dma_wait3A_128 = tpu.memref_slice %arg5[%dma_wait3A_126, %dma_wait3A_127] : memref<64x2xi32, #tpu.memory_space<vmem>> -> memref<1x2xi32, #tpu.memory_space<vmem>>
    %dma_wait3A_129 = tpu.memref_squeeze %dma_wait3A_128 : memref<1x2xi32, #tpu.memory_space<vmem>> -> memref<2xi32, #tpu.memory_space<vmem>>
    %dma_wait3A_130 = arith.constant 0 : i32
    %dma_wait3A_131 = arith.constant 0 : i32
    %dma_wait3A_132 = tpu.memref_slice %arg3[%dma_wait3A_130, %dma_wait3A_131] : memref<100000x8192xf32, #tpu.memory_space<hbm>> -> memref<100000x8192xf32, #tpu.memory_space<hbm>>
    tpu.wait_indirect_dma semaphore(%arg18 : memref<!tpu.dma_semaphore, #tpu.memory_space<semaphore_mem>>) src(%dma_wait3A_132 : memref<100000x8192xf32, #tpu.memory_space<hbm>>) dst(%arg11 : memref<2x8192xf32, #tpu.memory_space<vmem>>)
    %add3A_133 = arith.constant 10 : i32
    %add3A_134 = arith.addi %mul3A_2, %add3A_133 : i32
    %dma_start3A_135 = arith.constant 0 : i32
    %dma_start3A_136 = tpu.memref_slice %arg4[%add3A_134, %dma_start3A_135] : memref<4096x8192xf32, #tpu.memory_space<hbm>> -> memref<2x8192xf32, #tpu.memory_space<hbm>>
    %dma_start3A_137 = arith.constant 0 : i32
    %dma_start3A_138 = tpu.memref_slice %arg4[%add3A_134, %dma_start3A_137] : memref<4096x8192xf32, #tpu.memory_space<hbm>> -> memref<2x8192xf32, #tpu.memory_space<hbm>>
    tpu.enqueue_dma source(%arg11 : memref<2x8192xf32, #tpu.memory_space<vmem>>) target(%dma_start3A_138 : memref<2x8192xf32, #tpu.memory_space<hbm>>) target_semaphore(%arg25 : memref<!tpu.dma_semaphore, #tpu.memory_space<semaphore_mem>>)
    %dma_wait3A_139 = arith.constant 0 : i32
    %dma_wait3A_140 = tpu.memref_slice %arg4[%add3A_50, %dma_wait3A_139] : memref<4096x8192xf32, #tpu.memory_space<hbm>> -> memref<2x8192xf32, #tpu.memory_space<hbm>>
    %dma_wait3A_141 = arith.constant 0 : i32
    %dma_wait3A_142 = tpu.memref_slice %arg4[%add3A_50, %dma_wait3A_141] : memref<4096x8192xf32, #tpu.memory_space<hbm>> -> memref<2x8192xf32, #tpu.memory_space<hbm>>
    tpu.wait_dma2 semaphore(%arg21 : memref<!tpu.dma_semaphore, #tpu.memory_space<semaphore_mem>>) src(%arg7 : memref<2x8192xf32, #tpu.memory_space<vmem>>) dst(%dma_wait3A_142 : memref<2x8192xf32, #tpu.memory_space<hbm>>)
    %dma_start3A_143 = arith.constant 8 : i32
    %dma_start3A_144 = arith.constant 0 : i32
    %dma_start3A_145 = tpu.memref_slice %arg5[%dma_start3A_143, %dma_start3A_144] : memref<64x2xi32, #tpu.memory_space<vmem>> -> memref<1x2xi32, #tpu.memory_space<vmem>>
    %dma_start3A_146 = tpu.memref_squeeze %dma_start3A_145 : memref<1x2xi32, #tpu.memory_space<vmem>> -> memref<2xi32, #tpu.memory_space<vmem>>
    %dma_start3A_147 = arith.constant 0 : i32
    %dma_start3A_148 = arith.constant 0 : i32
    %dma_start3A_149 = tpu.memref_slice %arg3[%dma_start3A_147, %dma_start3A_148] : memref<100000x8192xf32, #tpu.memory_space<hbm>> -> memref<100000x8192xf32, #tpu.memory_space<hbm>>
    tpu.enqueue_indirect_dma source(%dma_start3A_149 : memref<100000x8192xf32, #tpu.memory_space<hbm>>) target(%arg7 : memref<2x8192xf32, #tpu.memory_space<vmem>>) offsets(%dma_start3A_146 : memref<2xi32, #tpu.memory_space<vmem>>) semaphore(%arg14 : memref<!tpu.dma_semaphore, #tpu.memory_space<semaphore_mem>>)
    %dma_wait3A_150 = arith.constant 6 : i32
    %dma_wait3A_151 = arith.constant 0 : i32
    %dma_wait3A_152 = tpu.memref_slice %arg5[%dma_wait3A_150, %dma_wait3A_151] : memref<64x2xi32, #tpu.memory_space<vmem>> -> memref<1x2xi32, #tpu.memory_space<vmem>>
    %dma_wait3A_153 = tpu.memref_squeeze %dma_wait3A_152 : memref<1x2xi32, #tpu.memory_space<vmem>> -> memref<2xi32, #tpu.memory_space<vmem>>
    %dma_wait3A_154 = arith.constant 0 : i32
    %dma_wait3A_155 = arith.constant 0 : i32
    %dma_wait3A_156 = tpu.memref_slice %arg3[%dma_wait3A_154, %dma_wait3A_155] : memref<100000x8192xf32, #tpu.memory_space<hbm>> -> memref<100000x8192xf32, #tpu.memory_space<hbm>>
    tpu.wait_indirect_dma semaphore(%arg19 : memref<!tpu.dma_semaphore, #tpu.memory_space<semaphore_mem>>) src(%dma_wait3A_156 : memref<100000x8192xf32, #tpu.memory_space<hbm>>) dst(%arg12 : memref<2x8192xf32, #tpu.memory_space<vmem>>)
    %add3A_157 = arith.constant 12 : i32
    %add3A_158 = arith.addi %mul3A_2, %add3A_157 : i32
    %dma_start3A_159 = arith.constant 0 : i32
    %dma_start3A_160 = tpu.memref_slice %arg4[%add3A_158, %dma_start3A_159] : memref<4096x8192xf32, #tpu.memory_space<hbm>> -> memref<2x8192xf32, #tpu.memory_space<hbm>>
    %dma_start3A_161 = arith.constant 0 : i32
    %dma_start3A_162 = tpu.memref_slice %arg4[%add3A_158, %dma_start3A_161] : memref<4096x8192xf32, #tpu.memory_space<hbm>> -> memref<2x8192xf32, #tpu.memory_space<hbm>>
    tpu.enqueue_dma source(%arg12 : memref<2x8192xf32, #tpu.memory_space<vmem>>) target(%dma_start3A_162 : memref<2x8192xf32, #tpu.memory_space<hbm>>) target_semaphore(%arg26 : memref<!tpu.dma_semaphore, #tpu.memory_space<semaphore_mem>>)
    %dma_wait3A_163 = arith.constant 0 : i32
    %dma_wait3A_164 = tpu.memref_slice %arg4[%add3A_70, %dma_wait3A_163] : memref<4096x8192xf32, #tpu.memory_space<hbm>> -> memref<2x8192xf32, #tpu.memory_space<hbm>>
    %dma_wait3A_165 = arith.constant 0 : i32
    %dma_wait3A_166 = tpu.memref_slice %arg4[%add3A_70, %dma_wait3A_165] : memref<4096x8192xf32, #tpu.memory_space<hbm>> -> memref<2x8192xf32, #tpu.memory_space<hbm>>
    tpu.wait_dma2 semaphore(%arg22 : memref<!tpu.dma_semaphore, #tpu.memory_space<semaphore_mem>>) src(%arg8 : memref<2x8192xf32, #tpu.memory_space<vmem>>) dst(%dma_wait3A_166 : memref<2x8192xf32, #tpu.memory_space<hbm>>)
    %dma_start3A_167 = arith.constant 9 : i32
    %dma_start3A_168 = arith.constant 0 : i32
    %dma_start3A_169 = tpu.memref_slice %arg5[%dma_start3A_167, %dma_start3A_168] : memref<64x2xi32, #tpu.memory_space<vmem>> -> memref<1x2xi32, #tpu.memory_space<vmem>>
    %dma_start3A_170 = tpu.memref_squeeze %dma_start3A_169 : memref<1x2xi32, #tpu.memory_space<vmem>> -> memref<2xi32, #tpu.memory_space<vmem>>
    %dma_start3A_171 = arith.constant 0 : i32
    %dma_start3A_172 = arith.constant 0 : i32
    %dma_start3A_173 = tpu.memref_slice %arg3[%dma_start3A_171, %dma_start3A_172] : memref<100000x8192xf32, #tpu.memory_space<hbm>> -> memref<100000x8192xf32, #tpu.memory_space<hbm>>
    tpu.enqueue_indirect_dma source(%dma_start3A_173 : memref<100000x8192xf32, #tpu.memory_space<hbm>>) target(%arg8 : memref<2x8192xf32, #tpu.memory_space<vmem>>) offsets(%dma_start3A_170 : memref<2xi32, #tpu.memory_space<vmem>>) semaphore(%arg15 : memref<!tpu.dma_semaphore, #tpu.memory_space<semaphore_mem>>)
    %dma_wait3A_174 = arith.constant 7 : i32
    %dma_wait3A_175 = arith.constant 0 : i32
    %dma_wait3A_176 = tpu.memref_slice %arg5[%dma_wait3A_174, %dma_wait3A_175] : memref<64x2xi32, #tpu.memory_space<vmem>> -> memref<1x2xi32, #tpu.memory_space<vmem>>
    %dma_wait3A_177 = tpu.memref_squeeze %dma_wait3A_176 : memref<1x2xi32, #tpu.memory_space<vmem>> -> memref<2xi32, #tpu.memory_space<vmem>>
    %dma_wait3A_178 = arith.constant 0 : i32
    %dma_wait3A_179 = arith.constant 0 : i32
    %dma_wait3A_180 = tpu.memref_slice %arg3[%dma_wait3A_178, %dma_wait3A_179] : memref<100000x8192xf32, #tpu.memory_space<hbm>> -> memref<100000x8192xf32, #tpu.memory_space<hbm>>
    tpu.wait_indirect_dma semaphore(%arg13 : memref<!tpu.dma_semaphore, #tpu.memory_space<semaphore_mem>>) src(%dma_wait3A_180 : memref<100000x8192xf32, #tpu.memory_space<hbm>>) dst(%arg6 : memref<2x8192xf32, #tpu.memory_space<vmem>>)
    %add3A_181 = arith.constant 14 : i32
    %add3A_182 = arith.addi %mul3A_2, %add3A_181 : i32
    %dma_start3A_183 = arith.constant 0 : i32
    %dma_start3A_184 = tpu.memref_slice %arg4[%add3A_182, %dma_start3A_183] : memref<4096x8192xf32, #tpu.memory_space<hbm>> -> memref<2x8192xf32, #tpu.memory_space<hbm>>
    %dma_start3A_185 = arith.constant 0 : i32
    %dma_start3A_186 = tpu.memref_slice %arg4[%add3A_182, %dma_start3A_185] : memref<4096x8192xf32, #tpu.memory_space<hbm>> -> memref<2x8192xf32, #tpu.memory_space<hbm>>
    tpu.enqueue_dma source(%arg6 : memref<2x8192xf32, #tpu.memory_space<vmem>>) target(%dma_start3A_186 : memref<2x8192xf32, #tpu.memory_space<hbm>>) target_semaphore(%arg20 : memref<!tpu.dma_semaphore, #tpu.memory_space<semaphore_mem>>)
    %dma_wait3A_187 = arith.constant 0 : i32
    %dma_wait3A_188 = tpu.memref_slice %arg4[%add3A_90, %dma_wait3A_187] : memref<4096x8192xf32, #tpu.memory_space<hbm>> -> memref<2x8192xf32, #tpu.memory_space<hbm>>
    %dma_wait3A_189 = arith.constant 0 : i32
    %dma_wait3A_190 = tpu.memref_slice %arg4[%add3A_90, %dma_wait3A_189] : memref<4096x8192xf32, #tpu.memory_space<hbm>> -> memref<2x8192xf32, #tpu.memory_space<hbm>>
    tpu.wait_dma2 semaphore(%arg23 : memref<!tpu.dma_semaphore, #tpu.memory_space<semaphore_mem>>) src(%arg9 : memref<2x8192xf32, #tpu.memory_space<vmem>>) dst(%dma_wait3A_190 : memref<2x8192xf32, #tpu.memory_space<hbm>>)
    %dma_start3A_191 = arith.constant 10 : i32
    %dma_start3A_192 = arith.constant 0 : i32
    %dma_start3A_193 = tpu.memref_slice %arg5[%dma_start3A_191, %dma_start3A_192] : memref<64x2xi32, #tpu.memory_space<vmem>> -> memref<1x2xi32, #tpu.memory_space<vmem>>
    %dma_start3A_194 = tpu.memref_squeeze %dma_start3A_193 : memref<1x2xi32, #tpu.memory_space<vmem>> -> memref<2xi32, #tpu.memory_space<vmem>>
    %dma_start3A_195 = arith.constant 0 : i32
    %dma_start3A_196 = arith.constant 0 : i32
    %dma_start3A_197 = tpu.memref_slice %arg3[%dma_start3A_195, %dma_start3A_196] : memref<100000x8192xf32, #tpu.memory_space<hbm>> -> memref<100000x8192xf32, #tpu.memory_space<hbm>>
    tpu.enqueue_indirect_dma source(%dma_start3A_197 : memref<100000x8192xf32, #tpu.memory_space<hbm>>) target(%arg9 : memref<2x8192xf32, #tpu.memory_space<vmem>>) offsets(%dma_start3A_194 : memref<2xi32, #tpu.memory_space<vmem>>) semaphore(%arg16 : memref<!tpu.dma_semaphore, #tpu.memory_space<semaphore_mem>>)
    %dma_wait3A_198 = arith.constant 8 : i32
    %dma_wait3A_199 = arith.constant 0 : i32
    %dma_wait3A_200 = tpu.memref_slice %arg5[%dma_wait3A_198, %dma_wait3A_199] : memref<64x2xi32, #tpu.memory_space<vmem>> -> memref<1x2xi32, #tpu.memory_space<vmem>>
    %dma_wait3A_201 = tpu.memref_squeeze %dma_wait3A_200 : memref<1x2xi32, #tpu.memory_space<vmem>> -> memref<2xi32, #tpu.memory_space<vmem>>
    %dma_wait3A_202 = arith.constant 0 : i32
    %dma_wait3A_203 = arith.constant 0 : i32
    %dma_wait3A_204 = tpu.memref_slice %arg3[%dma_wait3A_202, %dma_wait3A_203] : memref<100000x8192xf32, #tpu.memory_space<hbm>> -> memref<100000x8192xf32, #tpu.memory_space<hbm>>
    tpu.wait_indirect_dma semaphore(%arg14 : memref<!tpu.dma_semaphore, #tpu.memory_space<semaphore_mem>>) src(%dma_wait3A_204 : memref<100000x8192xf32, #tpu.memory_space<hbm>>) dst(%arg7 : memref<2x8192xf32, #tpu.memory_space<vmem>>)
    %add3A_205 = arith.constant 16 : i32
    %add3A_206 = arith.addi %mul3A_2, %add3A_205 : i32
    %dma_start3A_207 = arith.constant 0 : i32
    %dma_start3A_208 = tpu.memref_slice %arg4[%add3A_206, %dma_start3A_207] : memref<4096x8192xf32, #tpu.memory_space<hbm>> -> memref<2x8192xf32, #tpu.memory_space<hbm>>
    %dma_start3A_209 = arith.constant 0 : i32
    %dma_start3A_210 = tpu.memref_slice %arg4[%add3A_206, %dma_start3A_209] : memref<4096x8192xf32, #tpu.memory_space<hbm>> -> memref<2x8192xf32, #tpu.memory_space<hbm>>
    tpu.enqueue_dma source(%arg7 : memref<2x8192xf32, #tpu.memory_space<vmem>>) target(%dma_start3A_210 : memref<2x8192xf32, #tpu.memory_space<hbm>>) target_semaphore(%arg21 : memref<!tpu.dma_semaphore, #tpu.memory_space<semaphore_mem>>)
    %dma_wait3A_211 = arith.constant 0 : i32
    %dma_wait3A_212 = tpu.memref_slice %arg4[%add3A_110, %dma_wait3A_211] : memref<4096x8192xf32, #tpu.memory_space<hbm>> -> memref<2x8192xf32, #tpu.memory_space<hbm>>
    %dma_wait3A_213 = arith.constant 0 : i32
    %dma_wait3A_214 = tpu.memref_slice %arg4[%add3A_110, %dma_wait3A_213] : memref<4096x8192xf32, #tpu.memory_space<hbm>> -> memref<2x8192xf32, #tpu.memory_space<hbm>>
    tpu.wait_dma2 semaphore(%arg24 : memref<!tpu.dma_semaphore, #tpu.memory_space<semaphore_mem>>) src(%arg10 : memref<2x8192xf32, #tpu.memory_space<vmem>>) dst(%dma_wait3A_214 : memref<2x8192xf32, #tpu.memory_space<hbm>>)
    %dma_start3A_215 = arith.constant 11 : i32
    %dma_start3A_216 = arith.constant 0 : i32
    %dma_start3A_217 = tpu.memref_slice %arg5[%dma_start3A_215, %dma_start3A_216] : memref<64x2xi32, #tpu.memory_space<vmem>> -> memref<1x2xi32, #tpu.memory_space<vmem>>
    %dma_start3A_218 = tpu.memref_squeeze %dma_start3A_217 : memref<1x2xi32, #tpu.memory_space<vmem>> -> memref<2xi32, #tpu.memory_space<vmem>>
    %dma_start3A_219 = arith.constant 0 : i32
    %dma_start3A_220 = arith.constant 0 : i32
    %dma_start3A_221 = tpu.memref_slice %arg3[%dma_start3A_219, %dma_start3A_220] : memref<100000x8192xf32, #tpu.memory_space<hbm>> -> memref<100000x8192xf32, #tpu.memory_space<hbm>>
    tpu.enqueue_indirect_dma source(%dma_start3A_221 : memref<100000x8192xf32, #tpu.memory_space<hbm>>) target(%arg10 : memref<2x8192xf32, #tpu.memory_space<vmem>>) offsets(%dma_start3A_218 : memref<2xi32, #tpu.memory_space<vmem>>) semaphore(%arg17 : memref<!tpu.dma_semaphore, #tpu.memory_space<semaphore_mem>>)
    %dma_wait3A_222 = arith.constant 9 : i32
    %dma_wait3A_223 = arith.constant 0 : i32
    %dma_wait3A_224 = tpu.memref_slice %arg5[%dma_wait3A_222, %dma_wait3A_223] : memref<64x2xi32, #tpu.memory_space<vmem>> -> memref<1x2xi32, #tpu.memory_space<vmem>>
    %dma_wait3A_225 = tpu.memref_squeeze %dma_wait3A_224 : memref<1x2xi32, #tpu.memory_space<vmem>> -> memref<2xi32, #tpu.memory_space<vmem>>
    %dma_wait3A_226 = arith.constant 0 : i32
    %dma_wait3A_227 = arith.constant 0 : i32
    %dma_wait3A_228 = tpu.memref_slice %arg3[%dma_wait3A_226, %dma_wait3A_227] : memref<100000x8192xf32, #tpu.memory_space<hbm>> -> memref<100000x8192xf32, #tpu.memory_space<hbm>>
    tpu.wait_indirect_dma semaphore(%arg15 : memref<!tpu.dma_semaphore, #tpu.memory_space<semaphore_mem>>) src(%dma_wait3A_228 : memref<100000x8192xf32, #tpu.memory_space<hbm>>) dst(%arg8 : memref<2x8192xf32, #tpu.memory_space<vmem>>)
    %add3A_229 = arith.constant 18 : i32
    %add3A_230 = arith.addi %mul3A_2, %add3A_229 : i32
    %dma_start3A_231 = arith.constant 0 : i32
    %dma_start3A_232 = tpu.memref_slice %arg4[%add3A_230, %dma_start3A_231] : memref<4096x8192xf32, #tpu.memory_space<hbm>> -> memref<2x8192xf32, #tpu.memory_space<hbm>>
    %dma_start3A_233 = arith.constant 0 : i32
    %dma_start3A_234 = tpu.memref_slice %arg4[%add3A_230, %dma_start3A_233] : memref<4096x8192xf32, #tpu.memory_space<hbm>> -> memref<2x8192xf32, #tpu.memory_space<hbm>>
    tpu.enqueue_dma source(%arg8 : memref<2x8192xf32, #tpu.memory_space<vmem>>) target(%dma_start3A_234 : memref<2x8192xf32, #tpu.memory_space<hbm>>) target_semaphore(%arg22 : memref<!tpu.dma_semaphore, #tpu.memory_space<semaphore_mem>>)
    %dma_wait3A_235 = arith.constant 0 : i32
    %dma_wait3A_236 = tpu.memref_slice %arg4[%add3A_134, %dma_wait3A_235] : memref<4096x8192xf32, #tpu.memory_space<hbm>> -> memref<2x8192xf32, #tpu.memory_space<hbm>>
    %dma_wait3A_237 = arith.constant 0 : i32
    %dma_wait3A_238 = tpu.memref_slice %arg4[%add3A_134, %dma_wait3A_237] : memref<4096x8192xf32, #tpu.memory_space<hbm>> -> memref<2x8192xf32, #tpu.memory_space<hbm>>
    tpu.wait_dma2 semaphore(%arg25 : memref<!tpu.dma_semaphore, #tpu.memory_space<semaphore_mem>>) src(%arg11 : memref<2x8192xf32, #tpu.memory_space<vmem>>) dst(%dma_wait3A_238 : memref<2x8192xf32, #tpu.memory_space<hbm>>)
    %dma_start3A_239 = arith.constant 12 : i32
    %dma_start3A_240 = arith.constant 0 : i32
    %dma_start3A_241 = tpu.memref_slice %arg5[%dma_start3A_239, %dma_start3A_240] : memref<64x2xi32, #tpu.memory_space<vmem>> -> memref<1x2xi32, #tpu.memory_space<vmem>>
    %dma_start3A_242 = tpu.memref_squeeze %dma_start3A_241 : memref<1x2xi32, #tpu.memory_space<vmem>> -> memref<2xi32, #tpu.memory_space<vmem>>
    %dma_start3A_243 = arith.constant 0 : i32
    %dma_start3A_244 = arith.constant 0 : i32
    %dma_start3A_245 = tpu.memref_slice %arg3[%dma_start3A_243, %dma_start3A_244] : memref<100000x8192xf32, #tpu.memory_space<hbm>> -> memref<100000x8192xf32, #tpu.memory_space<hbm>>
    tpu.enqueue_indirect_dma source(%dma_start3A_245 : memref<100000x8192xf32, #tpu.memory_space<hbm>>) target(%arg11 : memref<2x8192xf32, #tpu.memory_space<vmem>>) offsets(%dma_start3A_242 : memref<2xi32, #tpu.memory_space<vmem>>) semaphore(%arg18 : memref<!tpu.dma_semaphore, #tpu.memory_space<semaphore_mem>>)
    %dma_wait3A_246 = arith.constant 10 : i32
    %dma_wait3A_247 = arith.constant 0 : i32
    %dma_wait3A_248 = tpu.memref_slice %arg5[%dma_wait3A_246, %dma_wait3A_247] : memref<64x2xi32, #tpu.memory_space<vmem>> -> memref<1x2xi32, #tpu.memory_space<vmem>>
    %dma_wait3A_249 = tpu.memref_squeeze %dma_wait3A_248 : memref<1x2xi32, #tpu.memory_space<vmem>> -> memref<2xi32, #tpu.memory_space<vmem>>
    %dma_wait3A_250 = arith.constant 0 : i32
    %dma_wait3A_251 = arith.constant 0 : i32
    %dma_wait3A_252 = tpu.memref_slice %arg3[%dma_wait3A_250, %dma_wait3A_251] : memref<100000x8192xf32, #tpu.memory_space<hbm>> -> memref<100000x8192xf32, #tpu.memory_space<hbm>>
    tpu.wait_indirect_dma semaphore(%arg16 : memref<!tpu.dma_semaphore, #tpu.memory_space<semaphore_mem>>) src(%dma_wait3A_252 : memref<100000x8192xf32, #tpu.memory_space<hbm>>) dst(%arg9 : memref<2x8192xf32, #tpu.memory_space<vmem>>)
    %add3A_253 = arith.constant 20 : i32
    %add3A_254 = arith.addi %mul3A_2, %add3A_253 : i32
    %dma_start3A_255 = arith.constant 0 : i32
    %dma_start3A_256 = tpu.memref_slice %arg4[%add3A_254, %dma_start3A_255] : memref<4096x8192xf32, #tpu.memory_space<hbm>> -> memref<2x8192xf32, #tpu.memory_space<hbm>>
    %dma_start3A_257 = arith.constant 0 : i32
    %dma_start3A_258 = tpu.memref_slice %arg4[%add3A_254, %dma_start3A_257] : memref<4096x8192xf32, #tpu.memory_space<hbm>> -> memref<2x8192xf32, #tpu.memory_space<hbm>>
    tpu.enqueue_dma source(%arg9 : memref<2x8192xf32, #tpu.memory_space<vmem>>) target(%dma_start3A_258 : memref<2x8192xf32, #tpu.memory_space<hbm>>) target_semaphore(%arg23 : memref<!tpu.dma_semaphore, #tpu.memory_space<semaphore_mem>>)
    %dma_wait3A_259 = arith.constant 0 : i32
    %dma_wait3A_260 = tpu.memref_slice %arg4[%add3A_158, %dma_wait3A_259] : memref<4096x8192xf32, #tpu.memory_space<hbm>> -> memref<2x8192xf32, #tpu.memory_space<hbm>>
    %dma_wait3A_261 = arith.constant 0 : i32
    %dma_wait3A_262 = tpu.memref_slice %arg4[%add3A_158, %dma_wait3A_261] : memref<4096x8192xf32, #tpu.memory_space<hbm>> -> memref<2x8192xf32, #tpu.memory_space<hbm>>
    tpu.wait_dma2 semaphore(%arg26 : memref<!tpu.dma_semaphore, #tpu.memory_space<semaphore_mem>>) src(%arg12 : memref<2x8192xf32, #tpu.memory_space<vmem>>) dst(%dma_wait3A_262 : memref<2x8192xf32, #tpu.memory_space<hbm>>)
    %dma_start3A_263 = arith.constant 13 : i32
    %dma_start3A_264 = arith.constant 0 : i32
    %dma_start3A_265 = tpu.memref_slice %arg5[%dma_start3A_263, %dma_start3A_264] : memref<64x2xi32, #tpu.memory_space<vmem>> -> memref<1x2xi32, #tpu.memory_space<vmem>>
    %dma_start3A_266 = tpu.memref_squeeze %dma_start3A_265 : memref<1x2xi32, #tpu.memory_space<vmem>> -> memref<2xi32, #tpu.memory_space<vmem>>
    %dma_start3A_267 = arith.constant 0 : i32
    %dma_start3A_268 = arith.constant 0 : i32
    %dma_start3A_269 = tpu.memref_slice %arg3[%dma_start3A_267, %dma_start3A_268] : memref<100000x8192xf32, #tpu.memory_space<hbm>> -> memref<100000x8192xf32, #tpu.memory_space<hbm>>
    tpu.enqueue_indirect_dma source(%dma_start3A_269 : memref<100000x8192xf32, #tpu.memory_space<hbm>>) target(%arg12 : memref<2x8192xf32, #tpu.memory_space<vmem>>) offsets(%dma_start3A_266 : memref<2xi32, #tpu.memory_space<vmem>>) semaphore(%arg19 : memref<!tpu.dma_semaphore, #tpu.memory_space<semaphore_mem>>)
    %dma_wait3A_270 = arith.constant 11 : i32
    %dma_wait3A_271 = arith.constant 0 : i32
    %dma_wait3A_272 = tpu.memref_slice %arg5[%dma_wait3A_270, %dma_wait3A_271] : memref<64x2xi32, #tpu.memory_space<vmem>> -> memref<1x2xi32, #tpu.memory_space<vmem>>
    %dma_wait3A_273 = tpu.memref_squeeze %dma_wait3A_272 : memref<1x2xi32, #tpu.memory_space<vmem>> -> memref<2xi32, #tpu.memory_space<vmem>>
    %dma_wait3A_274 = arith.constant 0 : i32
    %dma_wait3A_275 = arith.constant 0 : i32
    %dma_wait3A_276 = tpu.memref_slice %arg3[%dma_wait3A_274, %dma_wait3A_275] : memref<100000x8192xf32, #tpu.memory_space<hbm>> -> memref<100000x8192xf32, #tpu.memory_space<hbm>>
    tpu.wait_indirect_dma semaphore(%arg17 : memref<!tpu.dma_semaphore, #tpu.memory_space<semaphore_mem>>) src(%dma_wait3A_276 : memref<100000x8192xf32, #tpu.memory_space<hbm>>) dst(%arg10 : memref<2x8192xf32, #tpu.memory_space<vmem>>)
    %add3A_277 = arith.constant 22 : i32
    %add3A_278 = arith.addi %mul3A_2, %add3A_277 : i32
    %dma_start3A_279 = arith.constant 0 : i32
    %dma_start3A_280 = tpu.memref_slice %arg4[%add3A_278, %dma_start3A_279] : memref<4096x8192xf32, #tpu.memory_space<hbm>> -> memref<2x8192xf32, #tpu.memory_space<hbm>>
    %dma_start3A_281 = arith.constant 0 : i32
    %dma_start3A_282 = tpu.memref_slice %arg4[%add3A_278, %dma_start3A_281] : memref<4096x8192xf32, #tpu.memory_space<hbm>> -> memref<2x8192xf32, #tpu.memory_space<hbm>>
    tpu.enqueue_dma source(%arg10 : memref<2x8192xf32, #tpu.memory_space<vmem>>) target(%dma_start3A_282 : memref<2x8192xf32, #tpu.memory_space<hbm>>) target_semaphore(%arg24 : memref<!tpu.dma_semaphore, #tpu.memory_space<semaphore_mem>>)
    %dma_wait3A_283 = arith.constant 0 : i32
    %dma_wait3A_284 = tpu.memref_slice %arg4[%add3A_182, %dma_wait3A_283] : memref<4096x8192xf32, #tpu.memory_space<hbm>> -> memref<2x8192xf32, #tpu.memory_space<hbm>>
    %dma_wait3A_285 = arith.constant 0 : i32
    %dma_wait3A_286 = tpu.memref_slice %arg4[%add3A_182, %dma_wait3A_285] : memref<4096x8192xf32, #tpu.memory_space<hbm>> -> memref<2x8192xf32, #tpu.memory_space<hbm>>
    tpu.wait_dma2 semaphore(%arg20 : memref<!tpu.dma_semaphore, #tpu.memory_space<semaphore_mem>>) src(%arg6 : memref<2x8192xf32, #tpu.memory_space<vmem>>) dst(%dma_wait3A_286 : memref<2x8192xf32, #tpu.memory_space<hbm>>)
    %dma_start3A_287 = arith.constant 14 : i32
    %dma_start3A_288 = arith.constant 0 : i32
    %dma_start3A_289 = tpu.memref_slice %arg5[%dma_start3A_287, %dma_start3A_288] : memref<64x2xi32, #tpu.memory_space<vmem>> -> memref<1x2xi32, #tpu.memory_space<vmem>>
    %dma_start3A_290 = tpu.memref_squeeze %dma_start3A_289 : memref<1x2xi32, #tpu.memory_space<vmem>> -> memref<2xi32, #tpu.memory_space<vmem>>
    %dma_start3A_291 = arith.constant 0 : i32
    %dma_start3A_292 = arith.constant 0 : i32
    %dma_start3A_293 = tpu.memref_slice %arg3[%dma_start3A_291, %dma_start3A_292] : memref<100000x8192xf32, #tpu.memory_space<hbm>> -> memref<100000x8192xf32, #tpu.memory_space<hbm>>
    tpu.enqueue_indirect_dma source(%dma_start3A_293 : memref<100000x8192xf32, #tpu.memory_space<hbm>>) target(%arg6 : memref<2x8192xf32, #tpu.memory_space<vmem>>) offsets(%dma_start3A_290 : memref<2xi32, #tpu.memory_space<vmem>>) semaphore(%arg13 : memref<!tpu.dma_semaphore, #tpu.memory_space<semaphore_mem>>)
    %dma_wait3A_294 = arith.constant 12 : i32
    %dma_wait3A_295 = arith.constant 0 : i32
    %dma_wait3A_296 = tpu.memref_slice %arg5[%dma_wait3A_294, %dma_wait3A_295] : memref<64x2xi32, #tpu.memory_space<vmem>> -> memref<1x2xi32, #tpu.memory_space<vmem>>
    %dma_wait3A_297 = tpu.memref_squeeze %dma_wait3A_296 : memref<1x2xi32, #tpu.memory_space<vmem>> -> memref<2xi32, #tpu.memory_space<vmem>>
    %dma_wait3A_298 = arith.constant 0 : i32
    %dma_wait3A_299 = arith.constant 0 : i32
    %dma_wait3A_300 = tpu.memref_slice %arg3[%dma_wait3A_298, %dma_wait3A_299] : memref<100000x8192xf32, #tpu.memory_space<hbm>> -> memref<100000x8192xf32, #tpu.memory_space<hbm>>
    tpu.wait_indirect_dma semaphore(%arg18 : memref<!tpu.dma_semaphore, #tpu.memory_space<semaphore_mem>>) src(%dma_wait3A_300 : memref<100000x8192xf32, #tpu.memory_space<hbm>>) dst(%arg11 : memref<2x8192xf32, #tpu.memory_space<vmem>>)
    %add3A_301 = arith.constant 24 : i32
    %add3A_302 = arith.addi %mul3A_2, %add3A_301 : i32
    %dma_start3A_303 = arith.constant 0 : i32
    %dma_start3A_304 = tpu.memref_slice %arg4[%add3A_302, %dma_start3A_303] : memref<4096x8192xf32, #tpu.memory_space<hbm>> -> memref<2x8192xf32, #tpu.memory_space<hbm>>
    %dma_start3A_305 = arith.constant 0 : i32
    %dma_start3A_306 = tpu.memref_slice %arg4[%add3A_302, %dma_start3A_305] : memref<4096x8192xf32, #tpu.memory_space<hbm>> -> memref<2x8192xf32, #tpu.memory_space<hbm>>
    tpu.enqueue_dma source(%arg11 : memref<2x8192xf32, #tpu.memory_space<vmem>>) target(%dma_start3A_306 : memref<2x8192xf32, #tpu.memory_space<hbm>>) target_semaphore(%arg25 : memref<!tpu.dma_semaphore, #tpu.memory_space<semaphore_mem>>)
    %dma_wait3A_307 = arith.constant 0 : i32
    %dma_wait3A_308 = tpu.memref_slice %arg4[%add3A_206, %dma_wait3A_307] : memref<4096x8192xf32, #tpu.memory_space<hbm>> -> memref<2x8192xf32, #tpu.memory_space<hbm>>
    %dma_wait3A_309 = arith.constant 0 : i32
    %dma_wait3A_310 = tpu.memref_slice %arg4[%add3A_206, %dma_wait3A_309] : memref<4096x8192xf32, #tpu.memory_space<hbm>> -> memref<2x8192xf32, #tpu.memory_space<hbm>>
    tpu.wait_dma2 semaphore(%arg21 : memref<!tpu.dma_semaphore, #tpu.memory_space<semaphore_mem>>) src(%arg7 : memref<2x8192xf32, #tpu.memory_space<vmem>>) dst(%dma_wait3A_310 : memref<2x8192xf32, #tpu.memory_space<hbm>>)
    %dma_start3A_311 = arith.constant 15 : i32
    %dma_start3A_312 = arith.constant 0 : i32
    %dma_start3A_313 = tpu.memref_slice %arg5[%dma_start3A_311, %dma_start3A_312] : memref<64x2xi32, #tpu.memory_space<vmem>> -> memref<1x2xi32, #tpu.memory_space<vmem>>
    %dma_start3A_314 = tpu.memref_squeeze %dma_start3A_313 : memref<1x2xi32, #tpu.memory_space<vmem>> -> memref<2xi32, #tpu.memory_space<vmem>>
    %dma_start3A_315 = arith.constant 0 : i32
    %dma_start3A_316 = arith.constant 0 : i32
    %dma_start3A_317 = tpu.memref_slice %arg3[%dma_start3A_315, %dma_start3A_316] : memref<100000x8192xf32, #tpu.memory_space<hbm>> -> memref<100000x8192xf32, #tpu.memory_space<hbm>>
    tpu.enqueue_indirect_dma source(%dma_start3A_317 : memref<100000x8192xf32, #tpu.memory_space<hbm>>) target(%arg7 : memref<2x8192xf32, #tpu.memory_space<vmem>>) offsets(%dma_start3A_314 : memref<2xi32, #tpu.memory_space<vmem>>) semaphore(%arg14 : memref<!tpu.dma_semaphore, #tpu.memory_space<semaphore_mem>>)
    %dma_wait3A_318 = arith.constant 13 : i32
    %dma_wait3A_319 = arith.constant 0 : i32
    %dma_wait3A_320 = tpu.memref_slice %arg5[%dma_wait3A_318, %dma_wait3A_319] : memref<64x2xi32, #tpu.memory_space<vmem>> -> memref<1x2xi32, #tpu.memory_space<vmem>>
    %dma_wait3A_321 = tpu.memref_squeeze %dma_wait3A_320 : memref<1x2xi32, #tpu.memory_space<vmem>> -> memref<2xi32, #tpu.memory_space<vmem>>
    %dma_wait3A_322 = arith.constant 0 : i32
    %dma_wait3A_323 = arith.constant 0 : i32
    %dma_wait3A_324 = tpu.memref_slice %arg3[%dma_wait3A_322, %dma_wait3A_323] : memref<100000x8192xf32, #tpu.memory_space<hbm>> -> memref<100000x8192xf32, #tpu.memory_space<hbm>>
    tpu.wait_indirect_dma semaphore(%arg19 : memref<!tpu.dma_semaphore, #tpu.memory_space<semaphore_mem>>) src(%dma_wait3A_324 : memref<100000x8192xf32, #tpu.memory_space<hbm>>) dst(%arg12 : memref<2x8192xf32, #tpu.memory_space<vmem>>)
    %add3A_325 = arith.constant 26 : i32
    %add3A_326 = arith.addi %mul3A_2, %add3A_325 : i32
    %dma_start3A_327 = arith.constant 0 : i32
    %dma_start3A_328 = tpu.memref_slice %arg4[%add3A_326, %dma_start3A_327] : memref<4096x8192xf32, #tpu.memory_space<hbm>> -> memref<2x8192xf32, #tpu.memory_space<hbm>>
    %dma_start3A_329 = arith.constant 0 : i32
    %dma_start3A_330 = tpu.memref_slice %arg4[%add3A_326, %dma_start3A_329] : memref<4096x8192xf32, #tpu.memory_space<hbm>> -> memref<2x8192xf32, #tpu.memory_space<hbm>>
    tpu.enqueue_dma source(%arg12 : memref<2x8192xf32, #tpu.memory_space<vmem>>) target(%dma_start3A_330 : memref<2x8192xf32, #tpu.memory_space<hbm>>) target_semaphore(%arg26 : memref<!tpu.dma_semaphore, #tpu.memory_space<semaphore_mem>>)
    %dma_wait3A_331 = arith.constant 0 : i32
    %dma_wait3A_332 = tpu.memref_slice %arg4[%add3A_230, %dma_wait3A_331] : memref<4096x8192xf32, #tpu.memory_space<hbm>> -> memref<2x8192xf32, #tpu.memory_space<hbm>>
    %dma_wait3A_333 = arith.constant 0 : i32
    %dma_wait3A_334 = tpu.memref_slice %arg4[%add3A_230, %dma_wait3A_333] : memref<4096x8192xf32, #tpu.memory_space<hbm>> -> memref<2x8192xf32, #tpu.memory_space<hbm>>
    tpu.wait_dma2 semaphore(%arg22 : memref<!tpu.dma_semaphore, #tpu.memory_space<semaphore_mem>>) src(%arg8 : memref<2x8192xf32, #tpu.memory_space<vmem>>) dst(%dma_wait3A_334 : memref<2x8192xf32, #tpu.memory_space<hbm>>)
    %dma_start3A_335 = arith.constant 16 : i32
    %dma_start3A_336 = arith.constant 0 : i32
    %dma_start3A_337 = tpu.memref_slice %arg5[%dma_start3A_335, %dma_start3A_336] : memref<64x2xi32, #tpu.memory_space<vmem>> -> memref<1x2xi32, #tpu.memory_space<vmem>>
    %dma_start3A_338 = tpu.memref_squeeze %dma_start3A_337 : memref<1x2xi32, #tpu.memory_space<vmem>> -> memref<2xi32, #tpu.memory_space<vmem>>
    %dma_start3A_339 = arith.constant 0 : i32
    %dma_start3A_340 = arith.constant 0 : i32
    %dma_start3A_341 = tpu.memref_slice %arg3[%dma_start3A_339, %dma_start3A_340] : memref<100000x8192xf32, #tpu.memory_space<hbm>> -> memref<100000x8192xf32, #tpu.memory_space<hbm>>
    tpu.enqueue_indirect_dma source(%dma_start3A_341 : memref<100000x8192xf32, #tpu.memory_space<hbm>>) target(%arg8 : memref<2x8192xf32, #tpu.memory_space<vmem>>) offsets(%dma_start3A_338 : memref<2xi32, #tpu.memory_space<vmem>>) semaphore(%arg15 : memref<!tpu.dma_semaphore, #tpu.memory_space<semaphore_mem>>)
    %dma_wait3A_342 = arith.constant 14 : i32
    %dma_wait3A_343 = arith.constant 0 : i32
    %dma_wait3A_344 = tpu.memref_slice %arg5[%dma_wait3A_342, %dma_wait3A_343] : memref<64x2xi32, #tpu.memory_space<vmem>> -> memref<1x2xi32, #tpu.memory_space<vmem>>
    %dma_wait3A_345 = tpu.memref_squeeze %dma_wait3A_344 : memref<1x2xi32, #tpu.memory_space<vmem>> -> memref<2xi32, #tpu.memory_space<vmem>>
    %dma_wait3A_346 = arith.constant 0 : i32
    %dma_wait3A_347 = arith.constant 0 : i32
    %dma_wait3A_348 = tpu.memref_slice %arg3[%dma_wait3A_346, %dma_wait3A_347] : memref<100000x8192xf32, #tpu.memory_space<hbm>> -> memref<100000x8192xf32, #tpu.memory_space<hbm>>
    tpu.wait_indirect_dma semaphore(%arg13 : memref<!tpu.dma_semaphore, #tpu.memory_space<semaphore_mem>>) src(%dma_wait3A_348 : memref<100000x8192xf32, #tpu.memory_space<hbm>>) dst(%arg6 : memref<2x8192xf32, #tpu.memory_space<vmem>>)
    %add3A_349 = arith.constant 28 : i32
    %add3A_350 = arith.addi %mul3A_2, %add3A_349 : i32
    %dma_start3A_351 = arith.constant 0 : i32
    %dma_start3A_352 = tpu.memref_slice %arg4[%add3A_350, %dma_start3A_351] : memref<4096x8192xf32, #tpu.memory_space<hbm>> -> memref<2x8192xf32, #tpu.memory_space<hbm>>
    %dma_start3A_353 = arith.constant 0 : i32
    %dma_start3A_354 = tpu.memref_slice %arg4[%add3A_350, %dma_start3A_353] : memref<4096x8192xf32, #tpu.memory_space<hbm>> -> memref<2x8192xf32, #tpu.memory_space<hbm>>
    tpu.enqueue_dma source(%arg6 : memref<2x8192xf32, #tpu.memory_space<vmem>>) target(%dma_start3A_354 : memref<2x8192xf32, #tpu.memory_space<hbm>>) target_semaphore(%arg20 : memref<!tpu.dma_semaphore, #tpu.memory_space<semaphore_mem>>)
    %dma_wait3A_355 = arith.constant 0 : i32
    %dma_wait3A_356 = tpu.memref_slice %arg4[%add3A_254, %dma_wait3A_355] : memref<4096x8192xf32, #tpu.memory_space<hbm>> -> memref<2x8192xf32, #tpu.memory_space<hbm>>
    %dma_wait3A_357 = arith.constant 0 : i32
    %dma_wait3A_358 = tpu.memref_slice %arg4[%add3A_254, %dma_wait3A_357] : memref<4096x8192xf32, #tpu.memory_space<hbm>> -> memref<2x8192xf32, #tpu.memory_space<hbm>>
    tpu.wait_dma2 semaphore(%arg23 : memref<!tpu.dma_semaphore, #tpu.memory_space<semaphore_mem>>) src(%arg9 : memref<2x8192xf32, #tpu.memory_space<vmem>>) dst(%dma_wait3A_358 : memref<2x8192xf32, #tpu.memory_space<hbm>>)
    %dma_start3A_359 = arith.constant 17 : i32
    %dma_start3A_360 = arith.constant 0 : i32
    %dma_start3A_361 = tpu.memref_slice %arg5[%dma_start3A_359, %dma_start3A_360] : memref<64x2xi32, #tpu.memory_space<vmem>> -> memref<1x2xi32, #tpu.memory_space<vmem>>
    %dma_start3A_362 = tpu.memref_squeeze %dma_start3A_361 : memref<1x2xi32, #tpu.memory_space<vmem>> -> memref<2xi32, #tpu.memory_space<vmem>>
    %dma_start3A_363 = arith.constant 0 : i32
    %dma_start3A_364 = arith.constant 0 : i32
    %dma_start3A_365 = tpu.memref_slice %arg3[%dma_start3A_363, %dma_start3A_364] : memref<100000x8192xf32, #tpu.memory_space<hbm>> -> memref<100000x8192xf32, #tpu.memory_space<hbm>>
    tpu.enqueue_indirect_dma source(%dma_start3A_365 : memref<100000x8192xf32, #tpu.memory_space<hbm>>) target(%arg9 : memref<2x8192xf32, #tpu.memory_space<vmem>>) offsets(%dma_start3A_362 : memref<2xi32, #tpu.memory_space<vmem>>) semaphore(%arg16 : memref<!tpu.dma_semaphore, #tpu.memory_space<semaphore_mem>>)
    %dma_wait3A_366 = arith.constant 15 : i32
    %dma_wait3A_367 = arith.constant 0 : i32
    %dma_wait3A_368 = tpu.memref_slice %arg5[%dma_wait3A_366, %dma_wait3A_367] : memref<64x2xi32, #tpu.memory_space<vmem>> -> memref<1x2xi32, #tpu.memory_space<vmem>>
    %dma_wait3A_369 = tpu.memref_squeeze %dma_wait3A_368 : memref<1x2xi32, #tpu.memory_space<vmem>> -> memref<2xi32, #tpu.memory_space<vmem>>
    %dma_wait3A_370 = arith.constant 0 : i32
    %dma_wait3A_371 = arith.constant 0 : i32
    %dma_wait3A_372 = tpu.memref_slice %arg3[%dma_wait3A_370, %dma_wait3A_371] : memref<100000x8192xf32, #tpu.memory_space<hbm>> -> memref<100000x8192xf32, #tpu.memory_space<hbm>>
    tpu.wait_indirect_dma semaphore(%arg14 : memref<!tpu.dma_semaphore, #tpu.memory_space<semaphore_mem>>) src(%dma_wait3A_372 : memref<100000x8192xf32, #tpu.memory_space<hbm>>) dst(%arg7 : memref<2x8192xf32, #tpu.memory_space<vmem>>)
    %add3A_373 = arith.constant 30 : i32
    %add3A_374 = arith.addi %mul3A_2, %add3A_373 : i32
    %dma_start3A_375 = arith.constant 0 : i32
    %dma_start3A_376 = tpu.memref_slice %arg4[%add3A_374, %dma_start3A_375] : memref<4096x8192xf32, #tpu.memory_space<hbm>> -> memref<2x8192xf32, #tpu.memory_space<hbm>>
    %dma_start3A_377 = arith.constant 0 : i32
    %dma_start3A_378 = tpu.memref_slice %arg4[%add3A_374, %dma_start3A_377] : memref<4096x8192xf32, #tpu.memory_space<hbm>> -> memref<2x8192xf32, #tpu.memory_space<hbm>>
    tpu.enqueue_dma source(%arg7 : memref<2x8192xf32, #tpu.memory_space<vmem>>) target(%dma_start3A_378 : memref<2x8192xf32, #tpu.memory_space<hbm>>) target_semaphore(%arg21 : memref<!tpu.dma_semaphore, #tpu.memory_space<semaphore_mem>>)
    %dma_wait3A_379 = arith.constant 0 : i32
    %dma_wait3A_380 = tpu.memref_slice %arg4[%add3A_278, %dma_wait3A_379] : memref<4096x8192xf32, #tpu.memory_space<hbm>> -> memref<2x8192xf32, #tpu.memory_space<hbm>>
    %dma_wait3A_381 = arith.constant 0 : i32
    %dma_wait3A_382 = tpu.memref_slice %arg4[%add3A_278, %dma_wait3A_381] : memref<4096x8192xf32, #tpu.memory_space<hbm>> -> memref<2x8192xf32, #tpu.memory_space<hbm>>
    tpu.wait_dma2 semaphore(%arg24 : memref<!tpu.dma_semaphore, #tpu.memory_space<semaphore_mem>>) src(%arg10 : memref<2x8192xf32, #tpu.memory_space<vmem>>) dst(%dma_wait3A_382 : memref<2x8192xf32, #tpu.memory_space<hbm>>)
    %dma_start3A_383 = arith.constant 18 : i32
    %dma_start3A_384 = arith.constant 0 : i32
    %dma_start3A_385 = tpu.memref_slice %arg5[%dma_start3A_383, %dma_start3A_384] : memref<64x2xi32, #tpu.memory_space<vmem>> -> memref<1x2xi32, #tpu.memory_space<vmem>>
    %dma_start3A_386 = tpu.memref_squeeze %dma_start3A_385 : memref<1x2xi32, #tpu.memory_space<vmem>> -> memref<2xi32, #tpu.memory_space<vmem>>
    %dma_start3A_387 = arith.constant 0 : i32
    %dma_start3A_388 = arith.constant 0 : i32
    %dma_start3A_389 = tpu.memref_slice %arg3[%dma_start3A_387, %dma_start3A_388] : memref<100000x8192xf32, #tpu.memory_space<hbm>> -> memref<100000x8192xf32, #tpu.memory_space<hbm>>
    tpu.enqueue_indirect_dma source(%dma_start3A_389 : memref<100000x8192xf32, #tpu.memory_space<hbm>>) target(%arg10 : memref<2x8192xf32, #tpu.memory_space<vmem>>) offsets(%dma_start3A_386 : memref<2xi32, #tpu.memory_space<vmem>>) semaphore(%arg17 : memref<!tpu.dma_semaphore, #tpu.memory_space<semaphore_mem>>)
    %dma_wait3A_390 = arith.constant 16 : i32
    %dma_wait3A_391 = arith.constant 0 : i32
    %dma_wait3A_392 = tpu.memref_slice %arg5[%dma_wait3A_390, %dma_wait3A_391] : memref<64x2xi32, #tpu.memory_space<vmem>> -> memref<1x2xi32, #tpu.memory_space<vmem>>
    %dma_wait3A_393 = tpu.memref_squeeze %dma_wait3A_392 : memref<1x2xi32, #tpu.memory_space<vmem>> -> memref<2xi32, #tpu.memory_space<vmem>>
    %dma_wait3A_394 = arith.constant 0 : i32
    %dma_wait3A_395 = arith.constant 0 : i32
    %dma_wait3A_396 = tpu.memref_slice %arg3[%dma_wait3A_394, %dma_wait3A_395] : memref<100000x8192xf32, #tpu.memory_space<hbm>> -> memref<100000x8192xf32, #tpu.memory_space<hbm>>
    tpu.wait_indirect_dma semaphore(%arg15 : memref<!tpu.dma_semaphore, #tpu.memory_space<semaphore_mem>>) src(%dma_wait3A_396 : memref<100000x8192xf32, #tpu.memory_space<hbm>>) dst(%arg8 : memref<2x8192xf32, #tpu.memory_space<vmem>>)
    %add3A_397 = arith.constant 32 : i32
    %add3A_398 = arith.addi %mul3A_2, %add3A_397 : i32
    %dma_start3A_399 = arith.constant 0 : i32
    %dma_start3A_400 = tpu.memref_slice %arg4[%add3A_398, %dma_start3A_399] : memref<4096x8192xf32, #tpu.memory_space<hbm>> -> memref<2x8192xf32, #tpu.memory_space<hbm>>
    %dma_start3A_401 = arith.constant 0 : i32
    %dma_start3A_402 = tpu.memref_slice %arg4[%add3A_398, %dma_start3A_401] : memref<4096x8192xf32, #tpu.memory_space<hbm>> -> memref<2x8192xf32, #tpu.memory_space<hbm>>
    tpu.enqueue_dma source(%arg8 : memref<2x8192xf32, #tpu.memory_space<vmem>>) target(%dma_start3A_402 : memref<2x8192xf32, #tpu.memory_space<hbm>>) target_semaphore(%arg22 : memref<!tpu.dma_semaphore, #tpu.memory_space<semaphore_mem>>)
    %dma_wait3A_403 = arith.constant 0 : i32
    %dma_wait3A_404 = tpu.memref_slice %arg4[%add3A_302, %dma_wait3A_403] : memref<4096x8192xf32, #tpu.memory_space<hbm>> -> memref<2x8192xf32, #tpu.memory_space<hbm>>
    %dma_wait3A_405 = arith.constant 0 : i32
    %dma_wait3A_406 = tpu.memref_slice %arg4[%add3A_302, %dma_wait3A_405] : memref<4096x8192xf32, #tpu.memory_space<hbm>> -> memref<2x8192xf32, #tpu.memory_space<hbm>>
    tpu.wait_dma2 semaphore(%arg25 : memref<!tpu.dma_semaphore, #tpu.memory_space<semaphore_mem>>) src(%arg11 : memref<2x8192xf32, #tpu.memory_space<vmem>>) dst(%dma_wait3A_406 : memref<2x8192xf32, #tpu.memory_space<hbm>>)
    %dma_start3A_407 = arith.constant 19 : i32
    %dma_start3A_408 = arith.constant 0 : i32
    %dma_start3A_409 = tpu.memref_slice %arg5[%dma_start3A_407, %dma_start3A_408] : memref<64x2xi32, #tpu.memory_space<vmem>> -> memref<1x2xi32, #tpu.memory_space<vmem>>
    %dma_start3A_410 = tpu.memref_squeeze %dma_start3A_409 : memref<1x2xi32, #tpu.memory_space<vmem>> -> memref<2xi32, #tpu.memory_space<vmem>>
    %dma_start3A_411 = arith.constant 0 : i32
    %dma_start3A_412 = arith.constant 0 : i32
    %dma_start3A_413 = tpu.memref_slice %arg3[%dma_start3A_411, %dma_start3A_412] : memref<100000x8192xf32, #tpu.memory_space<hbm>> -> memref<100000x8192xf32, #tpu.memory_space<hbm>>
    tpu.enqueue_indirect_dma source(%dma_start3A_413 : memref<100000x8192xf32, #tpu.memory_space<hbm>>) target(%arg11 : memref<2x8192xf32, #tpu.memory_space<vmem>>) offsets(%dma_start3A_410 : memref<2xi32, #tpu.memory_space<vmem>>) semaphore(%arg18 : memref<!tpu.dma_semaphore, #tpu.memory_space<semaphore_mem>>)
    %dma_wait3A_414 = arith.constant 17 : i32
    %dma_wait3A_415 = arith.constant 0 : i32
    %dma_wait3A_416 = tpu.memref_slice %arg5[%dma_wait3A_414, %dma_wait3A_415] : memref<64x2xi32, #tpu.memory_space<vmem>> -> memref<1x2xi32, #tpu.memory_space<vmem>>
    %dma_wait3A_417 = tpu.memref_squeeze %dma_wait3A_416 : memref<1x2xi32, #tpu.memory_space<vmem>> -> memref<2xi32, #tpu.memory_space<vmem>>
    %dma_wait3A_418 = arith.constant 0 : i32
    %dma_wait3A_419 = arith.constant 0 : i32
    %dma_wait3A_420 = tpu.memref_slice %arg3[%dma_wait3A_418, %dma_wait3A_419] : memref<100000x8192xf32, #tpu.memory_space<hbm>> -> memref<100000x8192xf32, #tpu.memory_space<hbm>>
    tpu.wait_indirect_dma semaphore(%arg16 : memref<!tpu.dma_semaphore, #tpu.memory_space<semaphore_mem>>) src(%dma_wait3A_420 : memref<100000x8192xf32, #tpu.memory_space<hbm>>) dst(%arg9 : memref<2x8192xf32, #tpu.memory_space<vmem>>)
    %add3A_421 = arith.constant 34 : i32
    %add3A_422 = arith.addi %mul3A_2, %add3A_421 : i32
    %dma_start3A_423 = arith.constant 0 : i32
    %dma_start3A_424 = tpu.memref_slice %arg4[%add3A_422, %dma_start3A_423] : memref<4096x8192xf32, #tpu.memory_space<hbm>> -> memref<2x8192xf32, #tpu.memory_space<hbm>>
    %dma_start3A_425 = arith.constant 0 : i32
    %dma_start3A_426 = tpu.memref_slice %arg4[%add3A_422, %dma_start3A_425] : memref<4096x8192xf32, #tpu.memory_space<hbm>> -> memref<2x8192xf32, #tpu.memory_space<hbm>>
    tpu.enqueue_dma source(%arg9 : memref<2x8192xf32, #tpu.memory_space<vmem>>) target(%dma_start3A_426 : memref<2x8192xf32, #tpu.memory_space<hbm>>) target_semaphore(%arg23 : memref<!tpu.dma_semaphore, #tpu.memory_space<semaphore_mem>>)
    %dma_wait3A_427 = arith.constant 0 : i32
    %dma_wait3A_428 = tpu.memref_slice %arg4[%add3A_326, %dma_wait3A_427] : memref<4096x8192xf32, #tpu.memory_space<hbm>> -> memref<2x8192xf32, #tpu.memory_space<hbm>>
    %dma_wait3A_429 = arith.constant 0 : i32
    %dma_wait3A_430 = tpu.memref_slice %arg4[%add3A_326, %dma_wait3A_429] : memref<4096x8192xf32, #tpu.memory_space<hbm>> -> memref<2x8192xf32, #tpu.memory_space<hbm>>
    tpu.wait_dma2 semaphore(%arg26 : memref<!tpu.dma_semaphore, #tpu.memory_space<semaphore_mem>>) src(%arg12 : memref<2x8192xf32, #tpu.memory_space<vmem>>) dst(%dma_wait3A_430 : memref<2x8192xf32, #tpu.memory_space<hbm>>)
    %dma_start3A_431 = arith.constant 20 : i32
    %dma_start3A_432 = arith.constant 0 : i32
    %dma_start3A_433 = tpu.memref_slice %arg5[%dma_start3A_431, %dma_start3A_432] : memref<64x2xi32, #tpu.memory_space<vmem>> -> memref<1x2xi32, #tpu.memory_space<vmem>>
    %dma_start3A_434 = tpu.memref_squeeze %dma_start3A_433 : memref<1x2xi32, #tpu.memory_space<vmem>> -> memref<2xi32, #tpu.memory_space<vmem>>
    %dma_start3A_435 = arith.constant 0 : i32
    %dma_start3A_436 = arith.constant 0 : i32
    %dma_start3A_437 = tpu.memref_slice %arg3[%dma_start3A_435, %dma_start3A_436] : memref<100000x8192xf32, #tpu.memory_space<hbm>> -> memref<100000x8192xf32, #tpu.memory_space<hbm>>
    tpu.enqueue_indirect_dma source(%dma_start3A_437 : memref<100000x8192xf32, #tpu.memory_space<hbm>>) target(%arg12 : memref<2x8192xf32, #tpu.memory_space<vmem>>) offsets(%dma_start3A_434 : memref<2xi32, #tpu.memory_space<vmem>>) semaphore(%arg19 : memref<!tpu.dma_semaphore, #tpu.memory_space<semaphore_mem>>)
    %dma_wait3A_438 = arith.constant 18 : i32
    %dma_wait3A_439 = arith.constant 0 : i32
    %dma_wait3A_440 = tpu.memref_slice %arg5[%dma_wait3A_438, %dma_wait3A_439] : memref<64x2xi32, #tpu.memory_space<vmem>> -> memref<1x2xi32, #tpu.memory_space<vmem>>
    %dma_wait3A_441 = tpu.memref_squeeze %dma_wait3A_440 : memref<1x2xi32, #tpu.memory_space<vmem>> -> memref<2xi32, #tpu.memory_space<vmem>>
    %dma_wait3A_442 = arith.constant 0 : i32
    %dma_wait3A_443 = arith.constant 0 : i32
    %dma_wait3A_444 = tpu.memref_slice %arg3[%dma_wait3A_442, %dma_wait3A_443] : memref<100000x8192xf32, #tpu.memory_space<hbm>> -> memref<100000x8192xf32, #tpu.memory_space<hbm>>
    tpu.wait_indirect_dma semaphore(%arg17 : memref<!tpu.dma_semaphore, #tpu.memory_space<semaphore_mem>>) src(%dma_wait3A_444 : memref<100000x8192xf32, #tpu.memory_space<hbm>>) dst(%arg10 : memref<2x8192xf32, #tpu.memory_space<vmem>>)
    %add3A_445 = arith.constant 36 : i32
    %add3A_446 = arith.addi %mul3A_2, %add3A_445 : i32
    %dma_start3A_447 = arith.constant 0 : i32
    %dma_start3A_448 = tpu.memref_slice %arg4[%add3A_446, %dma_start3A_447] : memref<4096x8192xf32, #tpu.memory_space<hbm>> -> memref<2x8192xf32, #tpu.memory_space<hbm>>
    %dma_start3A_449 = arith.constant 0 : i32
    %dma_start3A_450 = tpu.memref_slice %arg4[%add3A_446, %dma_start3A_449] : memref<4096x8192xf32, #tpu.memory_space<hbm>> -> memref<2x8192xf32, #tpu.memory_space<hbm>>
    tpu.enqueue_dma source(%arg10 : memref<2x8192xf32, #tpu.memory_space<vmem>>) target(%dma_start3A_450 : memref<2x8192xf32, #tpu.memory_space<hbm>>) target_semaphore(%arg24 : memref<!tpu.dma_semaphore, #tpu.memory_space<semaphore_mem>>)
    %dma_wait3A_451 = arith.constant 0 : i32
    %dma_wait3A_452 = tpu.memref_slice %arg4[%add3A_350, %dma_wait3A_451] : memref<4096x8192xf32, #tpu.memory_space<hbm>> -> memref<2x8192xf32, #tpu.memory_space<hbm>>
    %dma_wait3A_453 = arith.constant 0 : i32
    %dma_wait3A_454 = tpu.memref_slice %arg4[%add3A_350, %dma_wait3A_453] : memref<4096x8192xf32, #tpu.memory_space<hbm>> -> memref<2x8192xf32, #tpu.memory_space<hbm>>
    tpu.wait_dma2 semaphore(%arg20 : memref<!tpu.dma_semaphore, #tpu.memory_space<semaphore_mem>>) src(%arg6 : memref<2x8192xf32, #tpu.memory_space<vmem>>) dst(%dma_wait3A_454 : memref<2x8192xf32, #tpu.memory_space<hbm>>)
    %dma_start3A_455 = arith.constant 21 : i32
    %dma_start3A_456 = arith.constant 0 : i32
    %dma_start3A_457 = tpu.memref_slice %arg5[%dma_start3A_455, %dma_start3A_456] : memref<64x2xi32, #tpu.memory_space<vmem>> -> memref<1x2xi32, #tpu.memory_space<vmem>>
    %dma_start3A_458 = tpu.memref_squeeze %dma_start3A_457 : memref<1x2xi32, #tpu.memory_space<vmem>> -> memref<2xi32, #tpu.memory_space<vmem>>
    %dma_start3A_459 = arith.constant 0 : i32
    %dma_start3A_460 = arith.constant 0 : i32
    %dma_start3A_461 = tpu.memref_slice %arg3[%dma_start3A_459, %dma_start3A_460] : memref<100000x8192xf32, #tpu.memory_space<hbm>> -> memref<100000x8192xf32, #tpu.memory_space<hbm>>
    tpu.enqueue_indirect_dma source(%dma_start3A_461 : memref<100000x8192xf32, #tpu.memory_space<hbm>>) target(%arg6 : memref<2x8192xf32, #tpu.memory_space<vmem>>) offsets(%dma_start3A_458 : memref<2xi32, #tpu.memory_space<vmem>>) semaphore(%arg13 : memref<!tpu.dma_semaphore, #tpu.memory_space<semaphore_mem>>)
    %dma_wait3A_462 = arith.constant 19 : i32
    %dma_wait3A_463 = arith.constant 0 : i32
    %dma_wait3A_464 = tpu.memref_slice %arg5[%dma_wait3A_462, %dma_wait3A_463] : memref<64x2xi32, #tpu.memory_space<vmem>> -> memref<1x2xi32, #tpu.memory_space<vmem>>
    %dma_wait3A_465 = tpu.memref_squeeze %dma_wait3A_464 : memref<1x2xi32, #tpu.memory_space<vmem>> -> memref<2xi32, #tpu.memory_space<vmem>>
    %dma_wait3A_466 = arith.constant 0 : i32
    %dma_wait3A_467 = arith.constant 0 : i32
    %dma_wait3A_468 = tpu.memref_slice %arg3[%dma_wait3A_466, %dma_wait3A_467] : memref<100000x8192xf32, #tpu.memory_space<hbm>> -> memref<100000x8192xf32, #tpu.memory_space<hbm>>
    tpu.wait_indirect_dma semaphore(%arg18 : memref<!tpu.dma_semaphore, #tpu.memory_space<semaphore_mem>>) src(%dma_wait3A_468 : memref<100000x8192xf32, #tpu.memory_space<hbm>>) dst(%arg11 : memref<2x8192xf32, #tpu.memory_space<vmem>>)
    %add3A_469 = arith.constant 38 : i32
    %add3A_470 = arith.addi %mul3A_2, %add3A_469 : i32
    %dma_start3A_471 = arith.constant 0 : i32
    %dma_start3A_472 = tpu.memref_slice %arg4[%add3A_470, %dma_start3A_471] : memref<4096x8192xf32, #tpu.memory_space<hbm>> -> memref<2x8192xf32, #tpu.memory_space<hbm>>
    %dma_start3A_473 = arith.constant 0 : i32
    %dma_start3A_474 = tpu.memref_slice %arg4[%add3A_470, %dma_start3A_473] : memref<4096x8192xf32, #tpu.memory_space<hbm>> -> memref<2x8192xf32, #tpu.memory_space<hbm>>
    tpu.enqueue_dma source(%arg11 : memref<2x8192xf32, #tpu.memory_space<vmem>>) target(%dma_start3A_474 : memref<2x8192xf32, #tpu.memory_space<hbm>>) target_semaphore(%arg25 : memref<!tpu.dma_semaphore, #tpu.memory_space<semaphore_mem>>)
    %dma_wait3A_475 = arith.constant 0 : i32
    %dma_wait3A_476 = tpu.memref_slice %arg4[%add3A_374, %dma_wait3A_475] : memref<4096x8192xf32, #tpu.memory_space<hbm>> -> memref<2x8192xf32, #tpu.memory_space<hbm>>
    %dma_wait3A_477 = arith.constant 0 : i32
    %dma_wait3A_478 = tpu.memref_slice %arg4[%add3A_374, %dma_wait3A_477] : memref<4096x8192xf32, #tpu.memory_space<hbm>> -> memref<2x8192xf32, #tpu.memory_space<hbm>>
    tpu.wait_dma2 semaphore(%arg21 : memref<!tpu.dma_semaphore, #tpu.memory_space<semaphore_mem>>) src(%arg7 : memref<2x8192xf32, #tpu.memory_space<vmem>>) dst(%dma_wait3A_478 : memref<2x8192xf32, #tpu.memory_space<hbm>>)
    %dma_start3A_479 = arith.constant 22 : i32
    %dma_start3A_480 = arith.constant 0 : i32
    %dma_start3A_481 = tpu.memref_slice %arg5[%dma_start3A_479, %dma_start3A_480] : memref<64x2xi32, #tpu.memory_space<vmem>> -> memref<1x2xi32, #tpu.memory_space<vmem>>
    %dma_start3A_482 = tpu.memref_squeeze %dma_start3A_481 : memref<1x2xi32, #tpu.memory_space<vmem>> -> memref<2xi32, #tpu.memory_space<vmem>>
    %dma_start3A_483 = arith.constant 0 : i32
    %dma_start3A_484 = arith.constant 0 : i32
    %dma_start3A_485 = tpu.memref_slice %arg3[%dma_start3A_483, %dma_start3A_484] : memref<100000x8192xf32, #tpu.memory_space<hbm>> -> memref<100000x8192xf32, #tpu.memory_space<hbm>>
    tpu.enqueue_indirect_dma source(%dma_start3A_485 : memref<100000x8192xf32, #tpu.memory_space<hbm>>) target(%arg7 : memref<2x8192xf32, #tpu.memory_space<vmem>>) offsets(%dma_start3A_482 : memref<2xi32, #tpu.memory_space<vmem>>) semaphore(%arg14 : memref<!tpu.dma_semaphore, #tpu.memory_space<semaphore_mem>>)
    %dma_wait3A_486 = arith.constant 20 : i32
    %dma_wait3A_487 = arith.constant 0 : i32
    %dma_wait3A_488 = tpu.memref_slice %arg5[%dma_wait3A_486, %dma_wait3A_487] : memref<64x2xi32, #tpu.memory_space<vmem>> -> memref<1x2xi32, #tpu.memory_space<vmem>>
    %dma_wait3A_489 = tpu.memref_squeeze %dma_wait3A_488 : memref<1x2xi32, #tpu.memory_space<vmem>> -> memref<2xi32, #tpu.memory_space<vmem>>
    %dma_wait3A_490 = arith.constant 0 : i32
    %dma_wait3A_491 = arith.constant 0 : i32
    %dma_wait3A_492 = tpu.memref_slice %arg3[%dma_wait3A_490, %dma_wait3A_491] : memref<100000x8192xf32, #tpu.memory_space<hbm>> -> memref<100000x8192xf32, #tpu.memory_space<hbm>>
    tpu.wait_indirect_dma semaphore(%arg19 : memref<!tpu.dma_semaphore, #tpu.memory_space<semaphore_mem>>) src(%dma_wait3A_492 : memref<100000x8192xf32, #tpu.memory_space<hbm>>) dst(%arg12 : memref<2x8192xf32, #tpu.memory_space<vmem>>)
    %add3A_493 = arith.constant 40 : i32
    %add3A_494 = arith.addi %mul3A_2, %add3A_493 : i32
    %dma_start3A_495 = arith.constant 0 : i32
    %dma_start3A_496 = tpu.memref_slice %arg4[%add3A_494, %dma_start3A_495] : memref<4096x8192xf32, #tpu.memory_space<hbm>> -> memref<2x8192xf32, #tpu.memory_space<hbm>>
    %dma_start3A_497 = arith.constant 0 : i32
    %dma_start3A_498 = tpu.memref_slice %arg4[%add3A_494, %dma_start3A_497] : memref<4096x8192xf32, #tpu.memory_space<hbm>> -> memref<2x8192xf32, #tpu.memory_space<hbm>>
    tpu.enqueue_dma source(%arg12 : memref<2x8192xf32, #tpu.memory_space<vmem>>) target(%dma_start3A_498 : memref<2x8192xf32, #tpu.memory_space<hbm>>) target_semaphore(%arg26 : memref<!tpu.dma_semaphore, #tpu.memory_space<semaphore_mem>>)
    %dma_wait3A_499 = arith.constant 0 : i32
    %dma_wait3A_500 = tpu.memref_slice %arg4[%add3A_398, %dma_wait3A_499] : memref<4096x8192xf32, #tpu.memory_space<hbm>> -> memref<2x8192xf32, #tpu.memory_space<hbm>>
    %dma_wait3A_501 = arith.constant 0 : i32
    %dma_wait3A_502 = tpu.memref_slice %arg4[%add3A_398, %dma_wait3A_501] : memref<4096x8192xf32, #tpu.memory_space<hbm>> -> memref<2x8192xf32, #tpu.memory_space<hbm>>
    tpu.wait_dma2 semaphore(%arg22 : memref<!tpu.dma_semaphore, #tpu.memory_space<semaphore_mem>>) src(%arg8 : memref<2x8192xf32, #tpu.memory_space<vmem>>) dst(%dma_wait3A_502 : memref<2x8192xf32, #tpu.memory_space<hbm>>)
    %dma_start3A_503 = arith.constant 23 : i32
    %dma_start3A_504 = arith.constant 0 : i32
    %dma_start3A_505 = tpu.memref_slice %arg5[%dma_start3A_503, %dma_start3A_504] : memref<64x2xi32, #tpu.memory_space<vmem>> -> memref<1x2xi32, #tpu.memory_space<vmem>>
    %dma_start3A_506 = tpu.memref_squeeze %dma_start3A_505 : memref<1x2xi32, #tpu.memory_space<vmem>> -> memref<2xi32, #tpu.memory_space<vmem>>
    %dma_start3A_507 = arith.constant 0 : i32
    %dma_start3A_508 = arith.constant 0 : i32
    %dma_start3A_509 = tpu.memref_slice %arg3[%dma_start3A_507, %dma_start3A_508] : memref<100000x8192xf32, #tpu.memory_space<hbm>> -> memref<100000x8192xf32, #tpu.memory_space<hbm>>
    tpu.enqueue_indirect_dma source(%dma_start3A_509 : memref<100000x8192xf32, #tpu.memory_space<hbm>>) target(%arg8 : memref<2x8192xf32, #tpu.memory_space<vmem>>) offsets(%dma_start3A_506 : memref<2xi32, #tpu.memory_space<vmem>>) semaphore(%arg15 : memref<!tpu.dma_semaphore, #tpu.memory_space<semaphore_mem>>)
    %dma_wait3A_510 = arith.constant 21 : i32
    %dma_wait3A_511 = arith.constant 0 : i32
    %dma_wait3A_512 = tpu.memref_slice %arg5[%dma_wait3A_510, %dma_wait3A_511] : memref<64x2xi32, #tpu.memory_space<vmem>> -> memref<1x2xi32, #tpu.memory_space<vmem>>
    %dma_wait3A_513 = tpu.memref_squeeze %dma_wait3A_512 : memref<1x2xi32, #tpu.memory_space<vmem>> -> memref<2xi32, #tpu.memory_space<vmem>>
    %dma_wait3A_514 = arith.constant 0 : i32
    %dma_wait3A_515 = arith.constant 0 : i32
    %dma_wait3A_516 = tpu.memref_slice %arg3[%dma_wait3A_514, %dma_wait3A_515] : memref<100000x8192xf32, #tpu.memory_space<hbm>> -> memref<100000x8192xf32, #tpu.memory_space<hbm>>
    tpu.wait_indirect_dma semaphore(%arg13 : memref<!tpu.dma_semaphore, #tpu.memory_space<semaphore_mem>>) src(%dma_wait3A_516 : memref<100000x8192xf32, #tpu.memory_space<hbm>>) dst(%arg6 : memref<2x8192xf32, #tpu.memory_space<vmem>>)
    %add3A_517 = arith.constant 42 : i32
    %add3A_518 = arith.addi %mul3A_2, %add3A_517 : i32
    %dma_start3A_519 = arith.constant 0 : i32
    %dma_start3A_520 = tpu.memref_slice %arg4[%add3A_518, %dma_start3A_519] : memref<4096x8192xf32, #tpu.memory_space<hbm>> -> memref<2x8192xf32, #tpu.memory_space<hbm>>
    %dma_start3A_521 = arith.constant 0 : i32
    %dma_start3A_522 = tpu.memref_slice %arg4[%add3A_518, %dma_start3A_521] : memref<4096x8192xf32, #tpu.memory_space<hbm>> -> memref<2x8192xf32, #tpu.memory_space<hbm>>
    tpu.enqueue_dma source(%arg6 : memref<2x8192xf32, #tpu.memory_space<vmem>>) target(%dma_start3A_522 : memref<2x8192xf32, #tpu.memory_space<hbm>>) target_semaphore(%arg20 : memref<!tpu.dma_semaphore, #tpu.memory_space<semaphore_mem>>)
    %dma_wait3A_523 = arith.constant 0 : i32
    %dma_wait3A_524 = tpu.memref_slice %arg4[%add3A_422, %dma_wait3A_523] : memref<4096x8192xf32, #tpu.memory_space<hbm>> -> memref<2x8192xf32, #tpu.memory_space<hbm>>
    %dma_wait3A_525 = arith.constant 0 : i32
    %dma_wait3A_526 = tpu.memref_slice %arg4[%add3A_422, %dma_wait3A_525] : memref<4096x8192xf32, #tpu.memory_space<hbm>> -> memref<2x8192xf32, #tpu.memory_space<hbm>>
    tpu.wait_dma2 semaphore(%arg23 : memref<!tpu.dma_semaphore, #tpu.memory_space<semaphore_mem>>) src(%arg9 : memref<2x8192xf32, #tpu.memory_space<vmem>>) dst(%dma_wait3A_526 : memref<2x8192xf32, #tpu.memory_space<hbm>>)
    %dma_start3A_527 = arith.constant 24 : i32
    %dma_start3A_528 = arith.constant 0 : i32
    %dma_start3A_529 = tpu.memref_slice %arg5[%dma_start3A_527, %dma_start3A_528] : memref<64x2xi32, #tpu.memory_space<vmem>> -> memref<1x2xi32, #tpu.memory_space<vmem>>
    %dma_start3A_530 = tpu.memref_squeeze %dma_start3A_529 : memref<1x2xi32, #tpu.memory_space<vmem>> -> memref<2xi32, #tpu.memory_space<vmem>>
    %dma_start3A_531 = arith.constant 0 : i32
    %dma_start3A_532 = arith.constant 0 : i32
    %dma_start3A_533 = tpu.memref_slice %arg3[%dma_start3A_531, %dma_start3A_532] : memref<100000x8192xf32, #tpu.memory_space<hbm>> -> memref<100000x8192xf32, #tpu.memory_space<hbm>>
    tpu.enqueue_indirect_dma source(%dma_start3A_533 : memref<100000x8192xf32, #tpu.memory_space<hbm>>) target(%arg9 : memref<2x8192xf32, #tpu.memory_space<vmem>>) offsets(%dma_start3A_530 : memref<2xi32, #tpu.memory_space<vmem>>) semaphore(%arg16 : memref<!tpu.dma_semaphore, #tpu.memory_space<semaphore_mem>>)
    %dma_wait3A_534 = arith.constant 22 : i32
    %dma_wait3A_535 = arith.constant 0 : i32
    %dma_wait3A_536 = tpu.memref_slice %arg5[%dma_wait3A_534, %dma_wait3A_535] : memref<64x2xi32, #tpu.memory_space<vmem>> -> memref<1x2xi32, #tpu.memory_space<vmem>>
    %dma_wait3A_537 = tpu.memref_squeeze %dma_wait3A_536 : memref<1x2xi32, #tpu.memory_space<vmem>> -> memref<2xi32, #tpu.memory_space<vmem>>
    %dma_wait3A_538 = arith.constant 0 : i32
    %dma_wait3A_539 = arith.constant 0 : i32
    %dma_wait3A_540 = tpu.memref_slice %arg3[%dma_wait3A_538, %dma_wait3A_539] : memref<100000x8192xf32, #tpu.memory_space<hbm>> -> memref<100000x8192xf32, #tpu.memory_space<hbm>>
    tpu.wait_indirect_dma semaphore(%arg14 : memref<!tpu.dma_semaphore, #tpu.memory_space<semaphore_mem>>) src(%dma_wait3A_540 : memref<100000x8192xf32, #tpu.memory_space<hbm>>) dst(%arg7 : memref<2x8192xf32, #tpu.memory_space<vmem>>)
    %add3A_541 = arith.constant 44 : i32
    %add3A_542 = arith.addi %mul3A_2, %add3A_541 : i32
    %dma_start3A_543 = arith.constant 0 : i32
    %dma_start3A_544 = tpu.memref_slice %arg4[%add3A_542, %dma_start3A_543] : memref<4096x8192xf32, #tpu.memory_space<hbm>> -> memref<2x8192xf32, #tpu.memory_space<hbm>>
    %dma_start3A_545 = arith.constant 0 : i32
    %dma_start3A_546 = tpu.memref_slice %arg4[%add3A_542, %dma_start3A_545] : memref<4096x8192xf32, #tpu.memory_space<hbm>> -> memref<2x8192xf32, #tpu.memory_space<hbm>>
    tpu.enqueue_dma source(%arg7 : memref<2x8192xf32, #tpu.memory_space<vmem>>) target(%dma_start3A_546 : memref<2x8192xf32, #tpu.memory_space<hbm>>) target_semaphore(%arg21 : memref<!tpu.dma_semaphore, #tpu.memory_space<semaphore_mem>>)
    %dma_wait3A_547 = arith.constant 0 : i32
    %dma_wait3A_548 = tpu.memref_slice %arg4[%add3A_446, %dma_wait3A_547] : memref<4096x8192xf32, #tpu.memory_space<hbm>> -> memref<2x8192xf32, #tpu.memory_space<hbm>>
    %dma_wait3A_549 = arith.constant 0 : i32
    %dma_wait3A_550 = tpu.memref_slice %arg4[%add3A_446, %dma_wait3A_549] : memref<4096x8192xf32, #tpu.memory_space<hbm>> -> memref<2x8192xf32, #tpu.memory_space<hbm>>
    tpu.wait_dma2 semaphore(%arg24 : memref<!tpu.dma_semaphore, #tpu.memory_space<semaphore_mem>>) src(%arg10 : memref<2x8192xf32, #tpu.memory_space<vmem>>) dst(%dma_wait3A_550 : memref<2x8192xf32, #tpu.memory_space<hbm>>)
    %dma_start3A_551 = arith.constant 25 : i32
    %dma_start3A_552 = arith.constant 0 : i32
    %dma_start3A_553 = tpu.memref_slice %arg5[%dma_start3A_551, %dma_start3A_552] : memref<64x2xi32, #tpu.memory_space<vmem>> -> memref<1x2xi32, #tpu.memory_space<vmem>>
    %dma_start3A_554 = tpu.memref_squeeze %dma_start3A_553 : memref<1x2xi32, #tpu.memory_space<vmem>> -> memref<2xi32, #tpu.memory_space<vmem>>
    %dma_start3A_555 = arith.constant 0 : i32
    %dma_start3A_556 = arith.constant 0 : i32
    %dma_start3A_557 = tpu.memref_slice %arg3[%dma_start3A_555, %dma_start3A_556] : memref<100000x8192xf32, #tpu.memory_space<hbm>> -> memref<100000x8192xf32, #tpu.memory_space<hbm>>
    tpu.enqueue_indirect_dma source(%dma_start3A_557 : memref<100000x8192xf32, #tpu.memory_space<hbm>>) target(%arg10 : memref<2x8192xf32, #tpu.memory_space<vmem>>) offsets(%dma_start3A_554 : memref<2xi32, #tpu.memory_space<vmem>>) semaphore(%arg17 : memref<!tpu.dma_semaphore, #tpu.memory_space<semaphore_mem>>)
    %dma_wait3A_558 = arith.constant 23 : i32
    %dma_wait3A_559 = arith.constant 0 : i32
    %dma_wait3A_560 = tpu.memref_slice %arg5[%dma_wait3A_558, %dma_wait3A_559] : memref<64x2xi32, #tpu.memory_space<vmem>> -> memref<1x2xi32, #tpu.memory_space<vmem>>
    %dma_wait3A_561 = tpu.memref_squeeze %dma_wait3A_560 : memref<1x2xi32, #tpu.memory_space<vmem>> -> memref<2xi32, #tpu.memory_space<vmem>>
    %dma_wait3A_562 = arith.constant 0 : i32
    %dma_wait3A_563 = arith.constant 0 : i32
    %dma_wait3A_564 = tpu.memref_slice %arg3[%dma_wait3A_562, %dma_wait3A_563] : memref<100000x8192xf32, #tpu.memory_space<hbm>> -> memref<100000x8192xf32, #tpu.memory_space<hbm>>
    tpu.wait_indirect_dma semaphore(%arg15 : memref<!tpu.dma_semaphore, #tpu.memory_space<semaphore_mem>>) src(%dma_wait3A_564 : memref<100000x8192xf32, #tpu.memory_space<hbm>>) dst(%arg8 : memref<2x8192xf32, #tpu.memory_space<vmem>>)
    %add3A_565 = arith.constant 46 : i32
    %add3A_566 = arith.addi %mul3A_2, %add3A_565 : i32
    %dma_start3A_567 = arith.constant 0 : i32
    %dma_start3A_568 = tpu.memref_slice %arg4[%add3A_566, %dma_start3A_567] : memref<4096x8192xf32, #tpu.memory_space<hbm>> -> memref<2x8192xf32, #tpu.memory_space<hbm>>
    %dma_start3A_569 = arith.constant 0 : i32
    %dma_start3A_570 = tpu.memref_slice %arg4[%add3A_566, %dma_start3A_569] : memref<4096x8192xf32, #tpu.memory_space<hbm>> -> memref<2x8192xf32, #tpu.memory_space<hbm>>
    tpu.enqueue_dma source(%arg8 : memref<2x8192xf32, #tpu.memory_space<vmem>>) target(%dma_start3A_570 : memref<2x8192xf32, #tpu.memory_space<hbm>>) target_semaphore(%arg22 : memref<!tpu.dma_semaphore, #tpu.memory_space<semaphore_mem>>)
    %dma_wait3A_571 = arith.constant 0 : i32
    %dma_wait3A_572 = tpu.memref_slice %arg4[%add3A_470, %dma_wait3A_571] : memref<4096x8192xf32, #tpu.memory_space<hbm>> -> memref<2x8192xf32, #tpu.memory_space<hbm>>
    %dma_wait3A_573 = arith.constant 0 : i32
    %dma_wait3A_574 = tpu.memref_slice %arg4[%add3A_470, %dma_wait3A_573] : memref<4096x8192xf32, #tpu.memory_space<hbm>> -> memref<2x8192xf32, #tpu.memory_space<hbm>>
    tpu.wait_dma2 semaphore(%arg25 : memref<!tpu.dma_semaphore, #tpu.memory_space<semaphore_mem>>) src(%arg11 : memref<2x8192xf32, #tpu.memory_space<vmem>>) dst(%dma_wait3A_574 : memref<2x8192xf32, #tpu.memory_space<hbm>>)
    %dma_start3A_575 = arith.constant 26 : i32
    %dma_start3A_576 = arith.constant 0 : i32
    %dma_start3A_577 = tpu.memref_slice %arg5[%dma_start3A_575, %dma_start3A_576] : memref<64x2xi32, #tpu.memory_space<vmem>> -> memref<1x2xi32, #tpu.memory_space<vmem>>
    %dma_start3A_578 = tpu.memref_squeeze %dma_start3A_577 : memref<1x2xi32, #tpu.memory_space<vmem>> -> memref<2xi32, #tpu.memory_space<vmem>>
    %dma_start3A_579 = arith.constant 0 : i32
    %dma_start3A_580 = arith.constant 0 : i32
    %dma_start3A_581 = tpu.memref_slice %arg3[%dma_start3A_579, %dma_start3A_580] : memref<100000x8192xf32, #tpu.memory_space<hbm>> -> memref<100000x8192xf32, #tpu.memory_space<hbm>>
    tpu.enqueue_indirect_dma source(%dma_start3A_581 : memref<100000x8192xf32, #tpu.memory_space<hbm>>) target(%arg11 : memref<2x8192xf32, #tpu.memory_space<vmem>>) offsets(%dma_start3A_578 : memref<2xi32, #tpu.memory_space<vmem>>) semaphore(%arg18 : memref<!tpu.dma_semaphore, #tpu.memory_space<semaphore_mem>>)
    %dma_wait3A_582 = arith.constant 24 : i32
    %dma_wait3A_583 = arith.constant 0 : i32
    %dma_wait3A_584 = tpu.memref_slice %arg5[%dma_wait3A_582, %dma_wait3A_583] : memref<64x2xi32, #tpu.memory_space<vmem>> -> memref<1x2xi32, #tpu.memory_space<vmem>>
    %dma_wait3A_585 = tpu.memref_squeeze %dma_wait3A_584 : memref<1x2xi32, #tpu.memory_space<vmem>> -> memref<2xi32, #tpu.memory_space<vmem>>
    %dma_wait3A_586 = arith.constant 0 : i32
    %dma_wait3A_587 = arith.constant 0 : i32
    %dma_wait3A_588 = tpu.memref_slice %arg3[%dma_wait3A_586, %dma_wait3A_587] : memref<100000x8192xf32, #tpu.memory_space<hbm>> -> memref<100000x8192xf32, #tpu.memory_space<hbm>>
    tpu.wait_indirect_dma semaphore(%arg16 : memref<!tpu.dma_semaphore, #tpu.memory_space<semaphore_mem>>) src(%dma_wait3A_588 : memref<100000x8192xf32, #tpu.memory_space<hbm>>) dst(%arg9 : memref<2x8192xf32, #tpu.memory_space<vmem>>)
    %add3A_589 = arith.constant 48 : i32
    %add3A_590 = arith.addi %mul3A_2, %add3A_589 : i32
    %dma_start3A_591 = arith.constant 0 : i32
    %dma_start3A_592 = tpu.memref_slice %arg4[%add3A_590, %dma_start3A_591] : memref<4096x8192xf32, #tpu.memory_space<hbm>> -> memref<2x8192xf32, #tpu.memory_space<hbm>>
    %dma_start3A_593 = arith.constant 0 : i32
    %dma_start3A_594 = tpu.memref_slice %arg4[%add3A_590, %dma_start3A_593] : memref<4096x8192xf32, #tpu.memory_space<hbm>> -> memref<2x8192xf32, #tpu.memory_space<hbm>>
    tpu.enqueue_dma source(%arg9 : memref<2x8192xf32, #tpu.memory_space<vmem>>) target(%dma_start3A_594 : memref<2x8192xf32, #tpu.memory_space<hbm>>) target_semaphore(%arg23 : memref<!tpu.dma_semaphore, #tpu.memory_space<semaphore_mem>>)
    %dma_wait3A_595 = arith.constant 0 : i32
    %dma_wait3A_596 = tpu.memref_slice %arg4[%add3A_494, %dma_wait3A_595] : memref<4096x8192xf32, #tpu.memory_space<hbm>> -> memref<2x8192xf32, #tpu.memory_space<hbm>>
    %dma_wait3A_597 = arith.constant 0 : i32
    %dma_wait3A_598 = tpu.memref_slice %arg4[%add3A_494, %dma_wait3A_597] : memref<4096x8192xf32, #tpu.memory_space<hbm>> -> memref<2x8192xf32, #tpu.memory_space<hbm>>
    tpu.wait_dma2 semaphore(%arg26 : memref<!tpu.dma_semaphore, #tpu.memory_space<semaphore_mem>>) src(%arg12 : memref<2x8192xf32, #tpu.memory_space<vmem>>) dst(%dma_wait3A_598 : memref<2x8192xf32, #tpu.memory_space<hbm>>)
    %dma_start3A_599 = arith.constant 27 : i32
    %dma_start3A_600 = arith.constant 0 : i32
    %dma_start3A_601 = tpu.memref_slice %arg5[%dma_start3A_599, %dma_start3A_600] : memref<64x2xi32, #tpu.memory_space<vmem>> -> memref<1x2xi32, #tpu.memory_space<vmem>>
    %dma_start3A_602 = tpu.memref_squeeze %dma_start3A_601 : memref<1x2xi32, #tpu.memory_space<vmem>> -> memref<2xi32, #tpu.memory_space<vmem>>
    %dma_start3A_603 = arith.constant 0 : i32
    %dma_start3A_604 = arith.constant 0 : i32
    %dma_start3A_605 = tpu.memref_slice %arg3[%dma_start3A_603, %dma_start3A_604] : memref<100000x8192xf32, #tpu.memory_space<hbm>> -> memref<100000x8192xf32, #tpu.memory_space<hbm>>
    tpu.enqueue_indirect_dma source(%dma_start3A_605 : memref<100000x8192xf32, #tpu.memory_space<hbm>>) target(%arg12 : memref<2x8192xf32, #tpu.memory_space<vmem>>) offsets(%dma_start3A_602 : memref<2xi32, #tpu.memory_space<vmem>>) semaphore(%arg19 : memref<!tpu.dma_semaphore, #tpu.memory_space<semaphore_mem>>)
    %dma_wait3A_606 = arith.constant 25 : i32
    %dma_wait3A_607 = arith.constant 0 : i32
    %dma_wait3A_608 = tpu.memref_slice %arg5[%dma_wait3A_606, %dma_wait3A_607] : memref<64x2xi32, #tpu.memory_space<vmem>> -> memref<1x2xi32, #tpu.memory_space<vmem>>
    %dma_wait3A_609 = tpu.memref_squeeze %dma_wait3A_608 : memref<1x2xi32, #tpu.memory_space<vmem>> -> memref<2xi32, #tpu.memory_space<vmem>>
    %dma_wait3A_610 = arith.constant 0 : i32
    %dma_wait3A_611 = arith.constant 0 : i32
    %dma_wait3A_612 = tpu.memref_slice %arg3[%dma_wait3A_610, %dma_wait3A_611] : memref<100000x8192xf32, #tpu.memory_space<hbm>> -> memref<100000x8192xf32, #tpu.memory_space<hbm>>
    tpu.wait_indirect_dma semaphore(%arg17 : memref<!tpu.dma_semaphore, #tpu.memory_space<semaphore_mem>>) src(%dma_wait3A_612 : memref<100000x8192xf32, #tpu.memory_space<hbm>>) dst(%arg10 : memref<2x8192xf32, #tpu.memory_space<vmem>>)
    %add3A_613 = arith.constant 50 : i32
    %add3A_614 = arith.addi %mul3A_2, %add3A_613 : i32
    %dma_start3A_615 = arith.constant 0 : i32
    %dma_start3A_616 = tpu.memref_slice %arg4[%add3A_614, %dma_start3A_615] : memref<4096x8192xf32, #tpu.memory_space<hbm>> -> memref<2x8192xf32, #tpu.memory_space<hbm>>
    %dma_start3A_617 = arith.constant 0 : i32
    %dma_start3A_618 = tpu.memref_slice %arg4[%add3A_614, %dma_start3A_617] : memref<4096x8192xf32, #tpu.memory_space<hbm>> -> memref<2x8192xf32, #tpu.memory_space<hbm>>
    tpu.enqueue_dma source(%arg10 : memref<2x8192xf32, #tpu.memory_space<vmem>>) target(%dma_start3A_618 : memref<2x8192xf32, #tpu.memory_space<hbm>>) target_semaphore(%arg24 : memref<!tpu.dma_semaphore, #tpu.memory_space<semaphore_mem>>)
    %dma_wait3A_619 = arith.constant 0 : i32
    %dma_wait3A_620 = tpu.memref_slice %arg4[%add3A_518, %dma_wait3A_619] : memref<4096x8192xf32, #tpu.memory_space<hbm>> -> memref<2x8192xf32, #tpu.memory_space<hbm>>
    %dma_wait3A_621 = arith.constant 0 : i32
    %dma_wait3A_622 = tpu.memref_slice %arg4[%add3A_518, %dma_wait3A_621] : memref<4096x8192xf32, #tpu.memory_space<hbm>> -> memref<2x8192xf32, #tpu.memory_space<hbm>>
    tpu.wait_dma2 semaphore(%arg20 : memref<!tpu.dma_semaphore, #tpu.memory_space<semaphore_mem>>) src(%arg6 : memref<2x8192xf32, #tpu.memory_space<vmem>>) dst(%dma_wait3A_622 : memref<2x8192xf32, #tpu.memory_space<hbm>>)
    %dma_start3A_623 = arith.constant 28 : i32
    %dma_start3A_624 = arith.constant 0 : i32
    %dma_start3A_625 = tpu.memref_slice %arg5[%dma_start3A_623, %dma_start3A_624] : memref<64x2xi32, #tpu.memory_space<vmem>> -> memref<1x2xi32, #tpu.memory_space<vmem>>
    %dma_start3A_626 = tpu.memref_squeeze %dma_start3A_625 : memref<1x2xi32, #tpu.memory_space<vmem>> -> memref<2xi32, #tpu.memory_space<vmem>>
    %dma_start3A_627 = arith.constant 0 : i32
    %dma_start3A_628 = arith.constant 0 : i32
    %dma_start3A_629 = tpu.memref_slice %arg3[%dma_start3A_627, %dma_start3A_628] : memref<100000x8192xf32, #tpu.memory_space<hbm>> -> memref<100000x8192xf32, #tpu.memory_space<hbm>>
    tpu.enqueue_indirect_dma source(%dma_start3A_629 : memref<100000x8192xf32, #tpu.memory_space<hbm>>) target(%arg6 : memref<2x8192xf32, #tpu.memory_space<vmem>>) offsets(%dma_start3A_626 : memref<2xi32, #tpu.memory_space<vmem>>) semaphore(%arg13 : memref<!tpu.dma_semaphore, #tpu.memory_space<semaphore_mem>>)
    %dma_wait3A_630 = arith.constant 26 : i32
    %dma_wait3A_631 = arith.constant 0 : i32
    %dma_wait3A_632 = tpu.memref_slice %arg5[%dma_wait3A_630, %dma_wait3A_631] : memref<64x2xi32, #tpu.memory_space<vmem>> -> memref<1x2xi32, #tpu.memory_space<vmem>>
    %dma_wait3A_633 = tpu.memref_squeeze %dma_wait3A_632 : memref<1x2xi32, #tpu.memory_space<vmem>> -> memref<2xi32, #tpu.memory_space<vmem>>
    %dma_wait3A_634 = arith.constant 0 : i32
    %dma_wait3A_635 = arith.constant 0 : i32
    %dma_wait3A_636 = tpu.memref_slice %arg3[%dma_wait3A_634, %dma_wait3A_635] : memref<100000x8192xf32, #tpu.memory_space<hbm>> -> memref<100000x8192xf32, #tpu.memory_space<hbm>>
    tpu.wait_indirect_dma semaphore(%arg18 : memref<!tpu.dma_semaphore, #tpu.memory_space<semaphore_mem>>) src(%dma_wait3A_636 : memref<100000x8192xf32, #tpu.memory_space<hbm>>) dst(%arg11 : memref<2x8192xf32, #tpu.memory_space<vmem>>)
    %add3A_637 = arith.constant 52 : i32
    %add3A_638 = arith.addi %mul3A_2, %add3A_637 : i32
    %dma_start3A_639 = arith.constant 0 : i32
    %dma_start3A_640 = tpu.memref_slice %arg4[%add3A_638, %dma_start3A_639] : memref<4096x8192xf32, #tpu.memory_space<hbm>> -> memref<2x8192xf32, #tpu.memory_space<hbm>>
    %dma_start3A_641 = arith.constant 0 : i32
    %dma_start3A_642 = tpu.memref_slice %arg4[%add3A_638, %dma_start3A_641] : memref<4096x8192xf32, #tpu.memory_space<hbm>> -> memref<2x8192xf32, #tpu.memory_space<hbm>>
    tpu.enqueue_dma source(%arg11 : memref<2x8192xf32, #tpu.memory_space<vmem>>) target(%dma_start3A_642 : memref<2x8192xf32, #tpu.memory_space<hbm>>) target_semaphore(%arg25 : memref<!tpu.dma_semaphore, #tpu.memory_space<semaphore_mem>>)
    %dma_wait3A_643 = arith.constant 0 : i32
    %dma_wait3A_644 = tpu.memref_slice %arg4[%add3A_542, %dma_wait3A_643] : memref<4096x8192xf32, #tpu.memory_space<hbm>> -> memref<2x8192xf32, #tpu.memory_space<hbm>>
    %dma_wait3A_645 = arith.constant 0 : i32
    %dma_wait3A_646 = tpu.memref_slice %arg4[%add3A_542, %dma_wait3A_645] : memref<4096x8192xf32, #tpu.memory_space<hbm>> -> memref<2x8192xf32, #tpu.memory_space<hbm>>
    tpu.wait_dma2 semaphore(%arg21 : memref<!tpu.dma_semaphore, #tpu.memory_space<semaphore_mem>>) src(%arg7 : memref<2x8192xf32, #tpu.memory_space<vmem>>) dst(%dma_wait3A_646 : memref<2x8192xf32, #tpu.memory_space<hbm>>)
    %dma_start3A_647 = arith.constant 29 : i32
    %dma_start3A_648 = arith.constant 0 : i32
    %dma_start3A_649 = tpu.memref_slice %arg5[%dma_start3A_647, %dma_start3A_648] : memref<64x2xi32, #tpu.memory_space<vmem>> -> memref<1x2xi32, #tpu.memory_space<vmem>>
    %dma_start3A_650 = tpu.memref_squeeze %dma_start3A_649 : memref<1x2xi32, #tpu.memory_space<vmem>> -> memref<2xi32, #tpu.memory_space<vmem>>
    %dma_start3A_651 = arith.constant 0 : i32
    %dma_start3A_652 = arith.constant 0 : i32
    %dma_start3A_653 = tpu.memref_slice %arg3[%dma_start3A_651, %dma_start3A_652] : memref<100000x8192xf32, #tpu.memory_space<hbm>> -> memref<100000x8192xf32, #tpu.memory_space<hbm>>
    tpu.enqueue_indirect_dma source(%dma_start3A_653 : memref<100000x8192xf32, #tpu.memory_space<hbm>>) target(%arg7 : memref<2x8192xf32, #tpu.memory_space<vmem>>) offsets(%dma_start3A_650 : memref<2xi32, #tpu.memory_space<vmem>>) semaphore(%arg14 : memref<!tpu.dma_semaphore, #tpu.memory_space<semaphore_mem>>)
    %dma_wait3A_654 = arith.constant 27 : i32
    %dma_wait3A_655 = arith.constant 0 : i32
    %dma_wait3A_656 = tpu.memref_slice %arg5[%dma_wait3A_654, %dma_wait3A_655] : memref<64x2xi32, #tpu.memory_space<vmem>> -> memref<1x2xi32, #tpu.memory_space<vmem>>
    %dma_wait3A_657 = tpu.memref_squeeze %dma_wait3A_656 : memref<1x2xi32, #tpu.memory_space<vmem>> -> memref<2xi32, #tpu.memory_space<vmem>>
    %dma_wait3A_658 = arith.constant 0 : i32
    %dma_wait3A_659 = arith.constant 0 : i32
    %dma_wait3A_660 = tpu.memref_slice %arg3[%dma_wait3A_658, %dma_wait3A_659] : memref<100000x8192xf32, #tpu.memory_space<hbm>> -> memref<100000x8192xf32, #tpu.memory_space<hbm>>
    tpu.wait_indirect_dma semaphore(%arg19 : memref<!tpu.dma_semaphore, #tpu.memory_space<semaphore_mem>>) src(%dma_wait3A_660 : memref<100000x8192xf32, #tpu.memory_space<hbm>>) dst(%arg12 : memref<2x8192xf32, #tpu.memory_space<vmem>>)
    %add3A_661 = arith.constant 54 : i32
    %add3A_662 = arith.addi %mul3A_2, %add3A_661 : i32
    %dma_start3A_663 = arith.constant 0 : i32
    %dma_start3A_664 = tpu.memref_slice %arg4[%add3A_662, %dma_start3A_663] : memref<4096x8192xf32, #tpu.memory_space<hbm>> -> memref<2x8192xf32, #tpu.memory_space<hbm>>
    %dma_start3A_665 = arith.constant 0 : i32
    %dma_start3A_666 = tpu.memref_slice %arg4[%add3A_662, %dma_start3A_665] : memref<4096x8192xf32, #tpu.memory_space<hbm>> -> memref<2x8192xf32, #tpu.memory_space<hbm>>
    tpu.enqueue_dma source(%arg12 : memref<2x8192xf32, #tpu.memory_space<vmem>>) target(%dma_start3A_666 : memref<2x8192xf32, #tpu.memory_space<hbm>>) target_semaphore(%arg26 : memref<!tpu.dma_semaphore, #tpu.memory_space<semaphore_mem>>)
    %dma_wait3A_667 = arith.constant 0 : i32
    %dma_wait3A_668 = tpu.memref_slice %arg4[%add3A_566, %dma_wait3A_667] : memref<4096x8192xf32, #tpu.memory_space<hbm>> -> memref<2x8192xf32, #tpu.memory_space<hbm>>
    %dma_wait3A_669 = arith.constant 0 : i32
    %dma_wait3A_670 = tpu.memref_slice %arg4[%add3A_566, %dma_wait3A_669] : memref<4096x8192xf32, #tpu.memory_space<hbm>> -> memref<2x8192xf32, #tpu.memory_space<hbm>>
    tpu.wait_dma2 semaphore(%arg22 : memref<!tpu.dma_semaphore, #tpu.memory_space<semaphore_mem>>) src(%arg8 : memref<2x8192xf32, #tpu.memory_space<vmem>>) dst(%dma_wait3A_670 : memref<2x8192xf32, #tpu.memory_space<hbm>>)
    %dma_start3A_671 = arith.constant 30 : i32
    %dma_start3A_672 = arith.constant 0 : i32
    %dma_start3A_673 = tpu.memref_slice %arg5[%dma_start3A_671, %dma_start3A_672] : memref<64x2xi32, #tpu.memory_space<vmem>> -> memref<1x2xi32, #tpu.memory_space<vmem>>
    %dma_start3A_674 = tpu.memref_squeeze %dma_start3A_673 : memref<1x2xi32, #tpu.memory_space<vmem>> -> memref<2xi32, #tpu.memory_space<vmem>>
    %dma_start3A_675 = arith.constant 0 : i32
    %dma_start3A_676 = arith.constant 0 : i32
    %dma_start3A_677 = tpu.memref_slice %arg3[%dma_start3A_675, %dma_start3A_676] : memref<100000x8192xf32, #tpu.memory_space<hbm>> -> memref<100000x8192xf32, #tpu.memory_space<hbm>>
    tpu.enqueue_indirect_dma source(%dma_start3A_677 : memref<100000x8192xf32, #tpu.memory_space<hbm>>) target(%arg8 : memref<2x8192xf32, #tpu.memory_space<vmem>>) offsets(%dma_start3A_674 : memref<2xi32, #tpu.memory_space<vmem>>) semaphore(%arg15 : memref<!tpu.dma_semaphore, #tpu.memory_space<semaphore_mem>>)
    %dma_wait3A_678 = arith.constant 28 : i32
    %dma_wait3A_679 = arith.constant 0 : i32
    %dma_wait3A_680 = tpu.memref_slice %arg5[%dma_wait3A_678, %dma_wait3A_679] : memref<64x2xi32, #tpu.memory_space<vmem>> -> memref<1x2xi32, #tpu.memory_space<vmem>>
    %dma_wait3A_681 = tpu.memref_squeeze %dma_wait3A_680 : memref<1x2xi32, #tpu.memory_space<vmem>> -> memref<2xi32, #tpu.memory_space<vmem>>
    %dma_wait3A_682 = arith.constant 0 : i32
    %dma_wait3A_683 = arith.constant 0 : i32
    %dma_wait3A_684 = tpu.memref_slice %arg3[%dma_wait3A_682, %dma_wait3A_683] : memref<100000x8192xf32, #tpu.memory_space<hbm>> -> memref<100000x8192xf32, #tpu.memory_space<hbm>>
    tpu.wait_indirect_dma semaphore(%arg13 : memref<!tpu.dma_semaphore, #tpu.memory_space<semaphore_mem>>) src(%dma_wait3A_684 : memref<100000x8192xf32, #tpu.memory_space<hbm>>) dst(%arg6 : memref<2x8192xf32, #tpu.memory_space<vmem>>)
    %add3A_685 = arith.constant 56 : i32
    %add3A_686 = arith.addi %mul3A_2, %add3A_685 : i32
    %dma_start3A_687 = arith.constant 0 : i32
    %dma_start3A_688 = tpu.memref_slice %arg4[%add3A_686, %dma_start3A_687] : memref<4096x8192xf32, #tpu.memory_space<hbm>> -> memref<2x8192xf32, #tpu.memory_space<hbm>>
    %dma_start3A_689 = arith.constant 0 : i32
    %dma_start3A_690 = tpu.memref_slice %arg4[%add3A_686, %dma_start3A_689] : memref<4096x8192xf32, #tpu.memory_space<hbm>> -> memref<2x8192xf32, #tpu.memory_space<hbm>>
    tpu.enqueue_dma source(%arg6 : memref<2x8192xf32, #tpu.memory_space<vmem>>) target(%dma_start3A_690 : memref<2x8192xf32, #tpu.memory_space<hbm>>) target_semaphore(%arg20 : memref<!tpu.dma_semaphore, #tpu.memory_space<semaphore_mem>>)
    %dma_wait3A_691 = arith.constant 0 : i32
    %dma_wait3A_692 = tpu.memref_slice %arg4[%add3A_590, %dma_wait3A_691] : memref<4096x8192xf32, #tpu.memory_space<hbm>> -> memref<2x8192xf32, #tpu.memory_space<hbm>>
    %dma_wait3A_693 = arith.constant 0 : i32
    %dma_wait3A_694 = tpu.memref_slice %arg4[%add3A_590, %dma_wait3A_693] : memref<4096x8192xf32, #tpu.memory_space<hbm>> -> memref<2x8192xf32, #tpu.memory_space<hbm>>
    tpu.wait_dma2 semaphore(%arg23 : memref<!tpu.dma_semaphore, #tpu.memory_space<semaphore_mem>>) src(%arg9 : memref<2x8192xf32, #tpu.memory_space<vmem>>) dst(%dma_wait3A_694 : memref<2x8192xf32, #tpu.memory_space<hbm>>)
    %dma_start3A_695 = arith.constant 31 : i32
    %dma_start3A_696 = arith.constant 0 : i32
    %dma_start3A_697 = tpu.memref_slice %arg5[%dma_start3A_695, %dma_start3A_696] : memref<64x2xi32, #tpu.memory_space<vmem>> -> memref<1x2xi32, #tpu.memory_space<vmem>>
    %dma_start3A_698 = tpu.memref_squeeze %dma_start3A_697 : memref<1x2xi32, #tpu.memory_space<vmem>> -> memref<2xi32, #tpu.memory_space<vmem>>
    %dma_start3A_699 = arith.constant 0 : i32
    %dma_start3A_700 = arith.constant 0 : i32
    %dma_start3A_701 = tpu.memref_slice %arg3[%dma_start3A_699, %dma_start3A_700] : memref<100000x8192xf32, #tpu.memory_space<hbm>> -> memref<100000x8192xf32, #tpu.memory_space<hbm>>
    tpu.enqueue_indirect_dma source(%dma_start3A_701 : memref<100000x8192xf32, #tpu.memory_space<hbm>>) target(%arg9 : memref<2x8192xf32, #tpu.memory_space<vmem>>) offsets(%dma_start3A_698 : memref<2xi32, #tpu.memory_space<vmem>>) semaphore(%arg16 : memref<!tpu.dma_semaphore, #tpu.memory_space<semaphore_mem>>)
    %dma_wait3A_702 = arith.constant 29 : i32
    %dma_wait3A_703 = arith.constant 0 : i32
    %dma_wait3A_704 = tpu.memref_slice %arg5[%dma_wait3A_702, %dma_wait3A_703] : memref<64x2xi32, #tpu.memory_space<vmem>> -> memref<1x2xi32, #tpu.memory_space<vmem>>
    %dma_wait3A_705 = tpu.memref_squeeze %dma_wait3A_704 : memref<1x2xi32, #tpu.memory_space<vmem>> -> memref<2xi32, #tpu.memory_space<vmem>>
    %dma_wait3A_706 = arith.constant 0 : i32
    %dma_wait3A_707 = arith.constant 0 : i32
    %dma_wait3A_708 = tpu.memref_slice %arg3[%dma_wait3A_706, %dma_wait3A_707] : memref<100000x8192xf32, #tpu.memory_space<hbm>> -> memref<100000x8192xf32, #tpu.memory_space<hbm>>
    tpu.wait_indirect_dma semaphore(%arg14 : memref<!tpu.dma_semaphore, #tpu.memory_space<semaphore_mem>>) src(%dma_wait3A_708 : memref<100000x8192xf32, #tpu.memory_space<hbm>>) dst(%arg7 : memref<2x8192xf32, #tpu.memory_space<vmem>>)
    %add3A_709 = arith.constant 58 : i32
    %add3A_710 = arith.addi %mul3A_2, %add3A_709 : i32
    %dma_start3A_711 = arith.constant 0 : i32
    %dma_start3A_712 = tpu.memref_slice %arg4[%add3A_710, %dma_start3A_711] : memref<4096x8192xf32, #tpu.memory_space<hbm>> -> memref<2x8192xf32, #tpu.memory_space<hbm>>
    %dma_start3A_713 = arith.constant 0 : i32
    %dma_start3A_714 = tpu.memref_slice %arg4[%add3A_710, %dma_start3A_713] : memref<4096x8192xf32, #tpu.memory_space<hbm>> -> memref<2x8192xf32, #tpu.memory_space<hbm>>
    tpu.enqueue_dma source(%arg7 : memref<2x8192xf32, #tpu.memory_space<vmem>>) target(%dma_start3A_714 : memref<2x8192xf32, #tpu.memory_space<hbm>>) target_semaphore(%arg21 : memref<!tpu.dma_semaphore, #tpu.memory_space<semaphore_mem>>)
    %dma_wait3A_715 = arith.constant 0 : i32
    %dma_wait3A_716 = tpu.memref_slice %arg4[%add3A_614, %dma_wait3A_715] : memref<4096x8192xf32, #tpu.memory_space<hbm>> -> memref<2x8192xf32, #tpu.memory_space<hbm>>
    %dma_wait3A_717 = arith.constant 0 : i32
    %dma_wait3A_718 = tpu.memref_slice %arg4[%add3A_614, %dma_wait3A_717] : memref<4096x8192xf32, #tpu.memory_space<hbm>> -> memref<2x8192xf32, #tpu.memory_space<hbm>>
    tpu.wait_dma2 semaphore(%arg24 : memref<!tpu.dma_semaphore, #tpu.memory_space<semaphore_mem>>) src(%arg10 : memref<2x8192xf32, #tpu.memory_space<vmem>>) dst(%dma_wait3A_718 : memref<2x8192xf32, #tpu.memory_space<hbm>>)
    %dma_start3A_719 = arith.constant 32 : i32
    %dma_start3A_720 = arith.constant 0 : i32
    %dma_start3A_721 = tpu.memref_slice %arg5[%dma_start3A_719, %dma_start3A_720] : memref<64x2xi32, #tpu.memory_space<vmem>> -> memref<1x2xi32, #tpu.memory_space<vmem>>
    %dma_start3A_722 = tpu.memref_squeeze %dma_start3A_721 : memref<1x2xi32, #tpu.memory_space<vmem>> -> memref<2xi32, #tpu.memory_space<vmem>>
    %dma_start3A_723 = arith.constant 0 : i32
    %dma_start3A_724 = arith.constant 0 : i32
    %dma_start3A_725 = tpu.memref_slice %arg3[%dma_start3A_723, %dma_start3A_724] : memref<100000x8192xf32, #tpu.memory_space<hbm>> -> memref<100000x8192xf32, #tpu.memory_space<hbm>>
    tpu.enqueue_indirect_dma source(%dma_start3A_725 : memref<100000x8192xf32, #tpu.memory_space<hbm>>) target(%arg10 : memref<2x8192xf32, #tpu.memory_space<vmem>>) offsets(%dma_start3A_722 : memref<2xi32, #tpu.memory_space<vmem>>) semaphore(%arg17 : memref<!tpu.dma_semaphore, #tpu.memory_space<semaphore_mem>>)
    %dma_wait3A_726 = arith.constant 30 : i32
    %dma_wait3A_727 = arith.constant 0 : i32
    %dma_wait3A_728 = tpu.memref_slice %arg5[%dma_wait3A_726, %dma_wait3A_727] : memref<64x2xi32, #tpu.memory_space<vmem>> -> memref<1x2xi32, #tpu.memory_space<vmem>>
    %dma_wait3A_729 = tpu.memref_squeeze %dma_wait3A_728 : memref<1x2xi32, #tpu.memory_space<vmem>> -> memref<2xi32, #tpu.memory_space<vmem>>
    %dma_wait3A_730 = arith.constant 0 : i32
    %dma_wait3A_731 = arith.constant 0 : i32
    %dma_wait3A_732 = tpu.memref_slice %arg3[%dma_wait3A_730, %dma_wait3A_731] : memref<100000x8192xf32, #tpu.memory_space<hbm>> -> memref<100000x8192xf32, #tpu.memory_space<hbm>>
    tpu.wait_indirect_dma semaphore(%arg15 : memref<!tpu.dma_semaphore, #tpu.memory_space<semaphore_mem>>) src(%dma_wait3A_732 : memref<100000x8192xf32, #tpu.memory_space<hbm>>) dst(%arg8 : memref<2x8192xf32, #tpu.memory_space<vmem>>)
    %add3A_733 = arith.constant 60 : i32
    %add3A_734 = arith.addi %mul3A_2, %add3A_733 : i32
    %dma_start3A_735 = arith.constant 0 : i32
    %dma_start3A_736 = tpu.memref_slice %arg4[%add3A_734, %dma_start3A_735] : memref<4096x8192xf32, #tpu.memory_space<hbm>> -> memref<2x8192xf32, #tpu.memory_space<hbm>>
    %dma_start3A_737 = arith.constant 0 : i32
    %dma_start3A_738 = tpu.memref_slice %arg4[%add3A_734, %dma_start3A_737] : memref<4096x8192xf32, #tpu.memory_space<hbm>> -> memref<2x8192xf32, #tpu.memory_space<hbm>>
    tpu.enqueue_dma source(%arg8 : memref<2x8192xf32, #tpu.memory_space<vmem>>) target(%dma_start3A_738 : memref<2x8192xf32, #tpu.memory_space<hbm>>) target_semaphore(%arg22 : memref<!tpu.dma_semaphore, #tpu.memory_space<semaphore_mem>>)
    %dma_wait3A_739 = arith.constant 0 : i32
    %dma_wait3A_740 = tpu.memref_slice %arg4[%add3A_638, %dma_wait3A_739] : memref<4096x8192xf32, #tpu.memory_space<hbm>> -> memref<2x8192xf32, #tpu.memory_space<hbm>>
    %dma_wait3A_741 = arith.constant 0 : i32
    %dma_wait3A_742 = tpu.memref_slice %arg4[%add3A_638, %dma_wait3A_741] : memref<4096x8192xf32, #tpu.memory_space<hbm>> -> memref<2x8192xf32, #tpu.memory_space<hbm>>
    tpu.wait_dma2 semaphore(%arg25 : memref<!tpu.dma_semaphore, #tpu.memory_space<semaphore_mem>>) src(%arg11 : memref<2x8192xf32, #tpu.memory_space<vmem>>) dst(%dma_wait3A_742 : memref<2x8192xf32, #tpu.memory_space<hbm>>)
    %dma_start3A_743 = arith.constant 33 : i32
    %dma_start3A_744 = arith.constant 0 : i32
    %dma_start3A_745 = tpu.memref_slice %arg5[%dma_start3A_743, %dma_start3A_744] : memref<64x2xi32, #tpu.memory_space<vmem>> -> memref<1x2xi32, #tpu.memory_space<vmem>>
    %dma_start3A_746 = tpu.memref_squeeze %dma_start3A_745 : memref<1x2xi32, #tpu.memory_space<vmem>> -> memref<2xi32, #tpu.memory_space<vmem>>
    %dma_start3A_747 = arith.constant 0 : i32
    %dma_start3A_748 = arith.constant 0 : i32
    %dma_start3A_749 = tpu.memref_slice %arg3[%dma_start3A_747, %dma_start3A_748] : memref<100000x8192xf32, #tpu.memory_space<hbm>> -> memref<100000x8192xf32, #tpu.memory_space<hbm>>
    tpu.enqueue_indirect_dma source(%dma_start3A_749 : memref<100000x8192xf32, #tpu.memory_space<hbm>>) target(%arg11 : memref<2x8192xf32, #tpu.memory_space<vmem>>) offsets(%dma_start3A_746 : memref<2xi32, #tpu.memory_space<vmem>>) semaphore(%arg18 : memref<!tpu.dma_semaphore, #tpu.memory_space<semaphore_mem>>)
    %dma_wait3A_750 = arith.constant 31 : i32
    %dma_wait3A_751 = arith.constant 0 : i32
    %dma_wait3A_752 = tpu.memref_slice %arg5[%dma_wait3A_750, %dma_wait3A_751] : memref<64x2xi32, #tpu.memory_space<vmem>> -> memref<1x2xi32, #tpu.memory_space<vmem>>
    %dma_wait3A_753 = tpu.memref_squeeze %dma_wait3A_752 : memref<1x2xi32, #tpu.memory_space<vmem>> -> memref<2xi32, #tpu.memory_space<vmem>>
    %dma_wait3A_754 = arith.constant 0 : i32
    %dma_wait3A_755 = arith.constant 0 : i32
    %dma_wait3A_756 = tpu.memref_slice %arg3[%dma_wait3A_754, %dma_wait3A_755] : memref<100000x8192xf32, #tpu.memory_space<hbm>> -> memref<100000x8192xf32, #tpu.memory_space<hbm>>
    tpu.wait_indirect_dma semaphore(%arg16 : memref<!tpu.dma_semaphore, #tpu.memory_space<semaphore_mem>>) src(%dma_wait3A_756 : memref<100000x8192xf32, #tpu.memory_space<hbm>>) dst(%arg9 : memref<2x8192xf32, #tpu.memory_space<vmem>>)
    %add3A_757 = arith.constant 62 : i32
    %add3A_758 = arith.addi %mul3A_2, %add3A_757 : i32
    %dma_start3A_759 = arith.constant 0 : i32
    %dma_start3A_760 = tpu.memref_slice %arg4[%add3A_758, %dma_start3A_759] : memref<4096x8192xf32, #tpu.memory_space<hbm>> -> memref<2x8192xf32, #tpu.memory_space<hbm>>
    %dma_start3A_761 = arith.constant 0 : i32
    %dma_start3A_762 = tpu.memref_slice %arg4[%add3A_758, %dma_start3A_761] : memref<4096x8192xf32, #tpu.memory_space<hbm>> -> memref<2x8192xf32, #tpu.memory_space<hbm>>
    tpu.enqueue_dma source(%arg9 : memref<2x8192xf32, #tpu.memory_space<vmem>>) target(%dma_start3A_762 : memref<2x8192xf32, #tpu.memory_space<hbm>>) target_semaphore(%arg23 : memref<!tpu.dma_semaphore, #tpu.memory_space<semaphore_mem>>)
    %dma_wait3A_763 = arith.constant 0 : i32
    %dma_wait3A_764 = tpu.memref_slice %arg4[%add3A_662, %dma_wait3A_763] : memref<4096x8192xf32, #tpu.memory_space<hbm>> -> memref<2x8192xf32, #tpu.memory_space<hbm>>
    %dma_wait3A_765 = arith.constant 0 : i32
    %dma_wait3A_766 = tpu.memref_slice %arg4[%add3A_662, %dma_wait3A_765] : memref<4096x8192xf32, #tpu.memory_space<hbm>> -> memref<2x8192xf32, #tpu.memory_space<hbm>>
    tpu.wait_dma2 semaphore(%arg26 : memref<!tpu.dma_semaphore, #tpu.memory_space<semaphore_mem>>) src(%arg12 : memref<2x8192xf32, #tpu.memory_space<vmem>>) dst(%dma_wait3A_766 : memref<2x8192xf32, #tpu.memory_space<hbm>>)
    %dma_start3A_767 = arith.constant 34 : i32
    %dma_start3A_768 = arith.constant 0 : i32
    %dma_start3A_769 = tpu.memref_slice %arg5[%dma_start3A_767, %dma_start3A_768] : memref<64x2xi32, #tpu.memory_space<vmem>> -> memref<1x2xi32, #tpu.memory_space<vmem>>
    %dma_start3A_770 = tpu.memref_squeeze %dma_start3A_769 : memref<1x2xi32, #tpu.memory_space<vmem>> -> memref<2xi32, #tpu.memory_space<vmem>>
    %dma_start3A_771 = arith.constant 0 : i32
    %dma_start3A_772 = arith.constant 0 : i32
    %dma_start3A_773 = tpu.memref_slice %arg3[%dma_start3A_771, %dma_start3A_772] : memref<100000x8192xf32, #tpu.memory_space<hbm>> -> memref<100000x8192xf32, #tpu.memory_space<hbm>>
    tpu.enqueue_indirect_dma source(%dma_start3A_773 : memref<100000x8192xf32, #tpu.memory_space<hbm>>) target(%arg12 : memref<2x8192xf32, #tpu.memory_space<vmem>>) offsets(%dma_start3A_770 : memref<2xi32, #tpu.memory_space<vmem>>) semaphore(%arg19 : memref<!tpu.dma_semaphore, #tpu.memory_space<semaphore_mem>>)
    %dma_wait3A_774 = arith.constant 32 : i32
    %dma_wait3A_775 = arith.constant 0 : i32
    %dma_wait3A_776 = tpu.memref_slice %arg5[%dma_wait3A_774, %dma_wait3A_775] : memref<64x2xi32, #tpu.memory_space<vmem>> -> memref<1x2xi32, #tpu.memory_space<vmem>>
    %dma_wait3A_777 = tpu.memref_squeeze %dma_wait3A_776 : memref<1x2xi32, #tpu.memory_space<vmem>> -> memref<2xi32, #tpu.memory_space<vmem>>
    %dma_wait3A_778 = arith.constant 0 : i32
    %dma_wait3A_779 = arith.constant 0 : i32
    %dma_wait3A_780 = tpu.memref_slice %arg3[%dma_wait3A_778, %dma_wait3A_779] : memref<100000x8192xf32, #tpu.memory_space<hbm>> -> memref<100000x8192xf32, #tpu.memory_space<hbm>>
    tpu.wait_indirect_dma semaphore(%arg17 : memref<!tpu.dma_semaphore, #tpu.memory_space<semaphore_mem>>) src(%dma_wait3A_780 : memref<100000x8192xf32, #tpu.memory_space<hbm>>) dst(%arg10 : memref<2x8192xf32, #tpu.memory_space<vmem>>)
    %add3A_781 = arith.constant 64 : i32
    %add3A_782 = arith.addi %mul3A_2, %add3A_781 : i32
    %dma_start3A_783 = arith.constant 0 : i32
    %dma_start3A_784 = tpu.memref_slice %arg4[%add3A_782, %dma_start3A_783] : memref<4096x8192xf32, #tpu.memory_space<hbm>> -> memref<2x8192xf32, #tpu.memory_space<hbm>>
    %dma_start3A_785 = arith.constant 0 : i32
    %dma_start3A_786 = tpu.memref_slice %arg4[%add3A_782, %dma_start3A_785] : memref<4096x8192xf32, #tpu.memory_space<hbm>> -> memref<2x8192xf32, #tpu.memory_space<hbm>>
    tpu.enqueue_dma source(%arg10 : memref<2x8192xf32, #tpu.memory_space<vmem>>) target(%dma_start3A_786 : memref<2x8192xf32, #tpu.memory_space<hbm>>) target_semaphore(%arg24 : memref<!tpu.dma_semaphore, #tpu.memory_space<semaphore_mem>>)
    %dma_wait3A_787 = arith.constant 0 : i32
    %dma_wait3A_788 = tpu.memref_slice %arg4[%add3A_686, %dma_wait3A_787] : memref<4096x8192xf32, #tpu.memory_space<hbm>> -> memref<2x8192xf32, #tpu.memory_space<hbm>>
    %dma_wait3A_789 = arith.constant 0 : i32
    %dma_wait3A_790 = tpu.memref_slice %arg4[%add3A_686, %dma_wait3A_789] : memref<4096x8192xf32, #tpu.memory_space<hbm>> -> memref<2x8192xf32, #tpu.memory_space<hbm>>
    tpu.wait_dma2 semaphore(%arg20 : memref<!tpu.dma_semaphore, #tpu.memory_space<semaphore_mem>>) src(%arg6 : memref<2x8192xf32, #tpu.memory_space<vmem>>) dst(%dma_wait3A_790 : memref<2x8192xf32, #tpu.memory_space<hbm>>)
    %dma_start3A_791 = arith.constant 35 : i32
    %dma_start3A_792 = arith.constant 0 : i32
    %dma_start3A_793 = tpu.memref_slice %arg5[%dma_start3A_791, %dma_start3A_792] : memref<64x2xi32, #tpu.memory_space<vmem>> -> memref<1x2xi32, #tpu.memory_space<vmem>>
    %dma_start3A_794 = tpu.memref_squeeze %dma_start3A_793 : memref<1x2xi32, #tpu.memory_space<vmem>> -> memref<2xi32, #tpu.memory_space<vmem>>
    %dma_start3A_795 = arith.constant 0 : i32
    %dma_start3A_796 = arith.constant 0 : i32
    %dma_start3A_797 = tpu.memref_slice %arg3[%dma_start3A_795, %dma_start3A_796] : memref<100000x8192xf32, #tpu.memory_space<hbm>> -> memref<100000x8192xf32, #tpu.memory_space<hbm>>
    tpu.enqueue_indirect_dma source(%dma_start3A_797 : memref<100000x8192xf32, #tpu.memory_space<hbm>>) target(%arg6 : memref<2x8192xf32, #tpu.memory_space<vmem>>) offsets(%dma_start3A_794 : memref<2xi32, #tpu.memory_space<vmem>>) semaphore(%arg13 : memref<!tpu.dma_semaphore, #tpu.memory_space<semaphore_mem>>)
    %dma_wait3A_798 = arith.constant 33 : i32
    %dma_wait3A_799 = arith.constant 0 : i32
    %dma_wait3A_800 = tpu.memref_slice %arg5[%dma_wait3A_798, %dma_wait3A_799] : memref<64x2xi32, #tpu.memory_space<vmem>> -> memref<1x2xi32, #tpu.memory_space<vmem>>
    %dma_wait3A_801 = tpu.memref_squeeze %dma_wait3A_800 : memref<1x2xi32, #tpu.memory_space<vmem>> -> memref<2xi32, #tpu.memory_space<vmem>>
    %dma_wait3A_802 = arith.constant 0 : i32
    %dma_wait3A_803 = arith.constant 0 : i32
    %dma_wait3A_804 = tpu.memref_slice %arg3[%dma_wait3A_802, %dma_wait3A_803] : memref<100000x8192xf32, #tpu.memory_space<hbm>> -> memref<100000x8192xf32, #tpu.memory_space<hbm>>
    tpu.wait_indirect_dma semaphore(%arg18 : memref<!tpu.dma_semaphore, #tpu.memory_space<semaphore_mem>>) src(%dma_wait3A_804 : memref<100000x8192xf32, #tpu.memory_space<hbm>>) dst(%arg11 : memref<2x8192xf32, #tpu.memory_space<vmem>>)
    %add3A_805 = arith.constant 66 : i32
    %add3A_806 = arith.addi %mul3A_2, %add3A_805 : i32
    %dma_start3A_807 = arith.constant 0 : i32
    %dma_start3A_808 = tpu.memref_slice %arg4[%add3A_806, %dma_start3A_807] : memref<4096x8192xf32, #tpu.memory_space<hbm>> -> memref<2x8192xf32, #tpu.memory_space<hbm>>
    %dma_start3A_809 = arith.constant 0 : i32
    %dma_start3A_810 = tpu.memref_slice %arg4[%add3A_806, %dma_start3A_809] : memref<4096x8192xf32, #tpu.memory_space<hbm>> -> memref<2x8192xf32, #tpu.memory_space<hbm>>
    tpu.enqueue_dma source(%arg11 : memref<2x8192xf32, #tpu.memory_space<vmem>>) target(%dma_start3A_810 : memref<2x8192xf32, #tpu.memory_space<hbm>>) target_semaphore(%arg25 : memref<!tpu.dma_semaphore, #tpu.memory_space<semaphore_mem>>)
    %dma_wait3A_811 = arith.constant 0 : i32
    %dma_wait3A_812 = tpu.memref_slice %arg4[%add3A_710, %dma_wait3A_811] : memref<4096x8192xf32, #tpu.memory_space<hbm>> -> memref<2x8192xf32, #tpu.memory_space<hbm>>
    %dma_wait3A_813 = arith.constant 0 : i32
    %dma_wait3A_814 = tpu.memref_slice %arg4[%add3A_710, %dma_wait3A_813] : memref<4096x8192xf32, #tpu.memory_space<hbm>> -> memref<2x8192xf32, #tpu.memory_space<hbm>>
    tpu.wait_dma2 semaphore(%arg21 : memref<!tpu.dma_semaphore, #tpu.memory_space<semaphore_mem>>) src(%arg7 : memref<2x8192xf32, #tpu.memory_space<vmem>>) dst(%dma_wait3A_814 : memref<2x8192xf32, #tpu.memory_space<hbm>>)
    %dma_start3A_815 = arith.constant 36 : i32
    %dma_start3A_816 = arith.constant 0 : i32
    %dma_start3A_817 = tpu.memref_slice %arg5[%dma_start3A_815, %dma_start3A_816] : memref<64x2xi32, #tpu.memory_space<vmem>> -> memref<1x2xi32, #tpu.memory_space<vmem>>
    %dma_start3A_818 = tpu.memref_squeeze %dma_start3A_817 : memref<1x2xi32, #tpu.memory_space<vmem>> -> memref<2xi32, #tpu.memory_space<vmem>>
    %dma_start3A_819 = arith.constant 0 : i32
    %dma_start3A_820 = arith.constant 0 : i32
    %dma_start3A_821 = tpu.memref_slice %arg3[%dma_start3A_819, %dma_start3A_820] : memref<100000x8192xf32, #tpu.memory_space<hbm>> -> memref<100000x8192xf32, #tpu.memory_space<hbm>>
    tpu.enqueue_indirect_dma source(%dma_start3A_821 : memref<100000x8192xf32, #tpu.memory_space<hbm>>) target(%arg7 : memref<2x8192xf32, #tpu.memory_space<vmem>>) offsets(%dma_start3A_818 : memref<2xi32, #tpu.memory_space<vmem>>) semaphore(%arg14 : memref<!tpu.dma_semaphore, #tpu.memory_space<semaphore_mem>>)
    %dma_wait3A_822 = arith.constant 34 : i32
    %dma_wait3A_823 = arith.constant 0 : i32
    %dma_wait3A_824 = tpu.memref_slice %arg5[%dma_wait3A_822, %dma_wait3A_823] : memref<64x2xi32, #tpu.memory_space<vmem>> -> memref<1x2xi32, #tpu.memory_space<vmem>>
    %dma_wait3A_825 = tpu.memref_squeeze %dma_wait3A_824 : memref<1x2xi32, #tpu.memory_space<vmem>> -> memref<2xi32, #tpu.memory_space<vmem>>
    %dma_wait3A_826 = arith.constant 0 : i32
    %dma_wait3A_827 = arith.constant 0 : i32
    %dma_wait3A_828 = tpu.memref_slice %arg3[%dma_wait3A_826, %dma_wait3A_827] : memref<100000x8192xf32, #tpu.memory_space<hbm>> -> memref<100000x8192xf32, #tpu.memory_space<hbm>>
    tpu.wait_indirect_dma semaphore(%arg19 : memref<!tpu.dma_semaphore, #tpu.memory_space<semaphore_mem>>) src(%dma_wait3A_828 : memref<100000x8192xf32, #tpu.memory_space<hbm>>) dst(%arg12 : memref<2x8192xf32, #tpu.memory_space<vmem>>)
    %add3A_829 = arith.constant 68 : i32
    %add3A_830 = arith.addi %mul3A_2, %add3A_829 : i32
    %dma_start3A_831 = arith.constant 0 : i32
    %dma_start3A_832 = tpu.memref_slice %arg4[%add3A_830, %dma_start3A_831] : memref<4096x8192xf32, #tpu.memory_space<hbm>> -> memref<2x8192xf32, #tpu.memory_space<hbm>>
    %dma_start3A_833 = arith.constant 0 : i32
    %dma_start3A_834 = tpu.memref_slice %arg4[%add3A_830, %dma_start3A_833] : memref<4096x8192xf32, #tpu.memory_space<hbm>> -> memref<2x8192xf32, #tpu.memory_space<hbm>>
    tpu.enqueue_dma source(%arg12 : memref<2x8192xf32, #tpu.memory_space<vmem>>) target(%dma_start3A_834 : memref<2x8192xf32, #tpu.memory_space<hbm>>) target_semaphore(%arg26 : memref<!tpu.dma_semaphore, #tpu.memory_space<semaphore_mem>>)
    %dma_wait3A_835 = arith.constant 0 : i32
    %dma_wait3A_836 = tpu.memref_slice %arg4[%add3A_734, %dma_wait3A_835] : memref<4096x8192xf32, #tpu.memory_space<hbm>> -> memref<2x8192xf32, #tpu.memory_space<hbm>>
    %dma_wait3A_837 = arith.constant 0 : i32
    %dma_wait3A_838 = tpu.memref_slice %arg4[%add3A_734, %dma_wait3A_837] : memref<4096x8192xf32, #tpu.memory_space<hbm>> -> memref<2x8192xf32, #tpu.memory_space<hbm>>
    tpu.wait_dma2 semaphore(%arg22 : memref<!tpu.dma_semaphore, #tpu.memory_space<semaphore_mem>>) src(%arg8 : memref<2x8192xf32, #tpu.memory_space<vmem>>) dst(%dma_wait3A_838 : memref<2x8192xf32, #tpu.memory_space<hbm>>)
    %dma_start3A_839 = arith.constant 37 : i32
    %dma_start3A_840 = arith.constant 0 : i32
    %dma_start3A_841 = tpu.memref_slice %arg5[%dma_start3A_839, %dma_start3A_840] : memref<64x2xi32, #tpu.memory_space<vmem>> -> memref<1x2xi32, #tpu.memory_space<vmem>>
    %dma_start3A_842 = tpu.memref_squeeze %dma_start3A_841 : memref<1x2xi32, #tpu.memory_space<vmem>> -> memref<2xi32, #tpu.memory_space<vmem>>
    %dma_start3A_843 = arith.constant 0 : i32
    %dma_start3A_844 = arith.constant 0 : i32
    %dma_start3A_845 = tpu.memref_slice %arg3[%dma_start3A_843, %dma_start3A_844] : memref<100000x8192xf32, #tpu.memory_space<hbm>> -> memref<100000x8192xf32, #tpu.memory_space<hbm>>
    tpu.enqueue_indirect_dma source(%dma_start3A_845 : memref<100000x8192xf32, #tpu.memory_space<hbm>>) target(%arg8 : memref<2x8192xf32, #tpu.memory_space<vmem>>) offsets(%dma_start3A_842 : memref<2xi32, #tpu.memory_space<vmem>>) semaphore(%arg15 : memref<!tpu.dma_semaphore, #tpu.memory_space<semaphore_mem>>)
    %dma_wait3A_846 = arith.constant 35 : i32
    %dma_wait3A_847 = arith.constant 0 : i32
    %dma_wait3A_848 = tpu.memref_slice %arg5[%dma_wait3A_846, %dma_wait3A_847] : memref<64x2xi32, #tpu.memory_space<vmem>> -> memref<1x2xi32, #tpu.memory_space<vmem>>
    %dma_wait3A_849 = tpu.memref_squeeze %dma_wait3A_848 : memref<1x2xi32, #tpu.memory_space<vmem>> -> memref<2xi32, #tpu.memory_space<vmem>>
    %dma_wait3A_850 = arith.constant 0 : i32
    %dma_wait3A_851 = arith.constant 0 : i32
    %dma_wait3A_852 = tpu.memref_slice %arg3[%dma_wait3A_850, %dma_wait3A_851] : memref<100000x8192xf32, #tpu.memory_space<hbm>> -> memref<100000x8192xf32, #tpu.memory_space<hbm>>
    tpu.wait_indirect_dma semaphore(%arg13 : memref<!tpu.dma_semaphore, #tpu.memory_space<semaphore_mem>>) src(%dma_wait3A_852 : memref<100000x8192xf32, #tpu.memory_space<hbm>>) dst(%arg6 : memref<2x8192xf32, #tpu.memory_space<vmem>>)
    %add3A_853 = arith.constant 70 : i32
    %add3A_854 = arith.addi %mul3A_2, %add3A_853 : i32
    %dma_start3A_855 = arith.constant 0 : i32
    %dma_start3A_856 = tpu.memref_slice %arg4[%add3A_854, %dma_start3A_855] : memref<4096x8192xf32, #tpu.memory_space<hbm>> -> memref<2x8192xf32, #tpu.memory_space<hbm>>
    %dma_start3A_857 = arith.constant 0 : i32
    %dma_start3A_858 = tpu.memref_slice %arg4[%add3A_854, %dma_start3A_857] : memref<4096x8192xf32, #tpu.memory_space<hbm>> -> memref<2x8192xf32, #tpu.memory_space<hbm>>
    tpu.enqueue_dma source(%arg6 : memref<2x8192xf32, #tpu.memory_space<vmem>>) target(%dma_start3A_858 : memref<2x8192xf32, #tpu.memory_space<hbm>>) target_semaphore(%arg20 : memref<!tpu.dma_semaphore, #tpu.memory_space<semaphore_mem>>)
    %dma_wait3A_859 = arith.constant 0 : i32
    %dma_wait3A_860 = tpu.memref_slice %arg4[%add3A_758, %dma_wait3A_859] : memref<4096x8192xf32, #tpu.memory_space<hbm>> -> memref<2x8192xf32, #tpu.memory_space<hbm>>
    %dma_wait3A_861 = arith.constant 0 : i32
    %dma_wait3A_862 = tpu.memref_slice %arg4[%add3A_758, %dma_wait3A_861] : memref<4096x8192xf32, #tpu.memory_space<hbm>> -> memref<2x8192xf32, #tpu.memory_space<hbm>>
    tpu.wait_dma2 semaphore(%arg23 : memref<!tpu.dma_semaphore, #tpu.memory_space<semaphore_mem>>) src(%arg9 : memref<2x8192xf32, #tpu.memory_space<vmem>>) dst(%dma_wait3A_862 : memref<2x8192xf32, #tpu.memory_space<hbm>>)
    %dma_start3A_863 = arith.constant 38 : i32
    %dma_start3A_864 = arith.constant 0 : i32
    %dma_start3A_865 = tpu.memref_slice %arg5[%dma_start3A_863, %dma_start3A_864] : memref<64x2xi32, #tpu.memory_space<vmem>> -> memref<1x2xi32, #tpu.memory_space<vmem>>
    %dma_start3A_866 = tpu.memref_squeeze %dma_start3A_865 : memref<1x2xi32, #tpu.memory_space<vmem>> -> memref<2xi32, #tpu.memory_space<vmem>>
    %dma_start3A_867 = arith.constant 0 : i32
    %dma_start3A_868 = arith.constant 0 : i32
    %dma_start3A_869 = tpu.memref_slice %arg3[%dma_start3A_867, %dma_start3A_868] : memref<100000x8192xf32, #tpu.memory_space<hbm>> -> memref<100000x8192xf32, #tpu.memory_space<hbm>>
    tpu.enqueue_indirect_dma source(%dma_start3A_869 : memref<100000x8192xf32, #tpu.memory_space<hbm>>) target(%arg9 : memref<2x8192xf32, #tpu.memory_space<vmem>>) offsets(%dma_start3A_866 : memref<2xi32, #tpu.memory_space<vmem>>) semaphore(%arg16 : memref<!tpu.dma_semaphore, #tpu.memory_space<semaphore_mem>>)
    %dma_wait3A_870 = arith.constant 36 : i32
    %dma_wait3A_871 = arith.constant 0 : i32
    %dma_wait3A_872 = tpu.memref_slice %arg5[%dma_wait3A_870, %dma_wait3A_871] : memref<64x2xi32, #tpu.memory_space<vmem>> -> memref<1x2xi32, #tpu.memory_space<vmem>>
    %dma_wait3A_873 = tpu.memref_squeeze %dma_wait3A_872 : memref<1x2xi32, #tpu.memory_space<vmem>> -> memref<2xi32, #tpu.memory_space<vmem>>
    %dma_wait3A_874 = arith.constant 0 : i32
    %dma_wait3A_875 = arith.constant 0 : i32
    %dma_wait3A_876 = tpu.memref_slice %arg3[%dma_wait3A_874, %dma_wait3A_875] : memref<100000x8192xf32, #tpu.memory_space<hbm>> -> memref<100000x8192xf32, #tpu.memory_space<hbm>>
    tpu.wait_indirect_dma semaphore(%arg14 : memref<!tpu.dma_semaphore, #tpu.memory_space<semaphore_mem>>) src(%dma_wait3A_876 : memref<100000x8192xf32, #tpu.memory_space<hbm>>) dst(%arg7 : memref<2x8192xf32, #tpu.memory_space<vmem>>)
    %add3A_877 = arith.constant 72 : i32
    %add3A_878 = arith.addi %mul3A_2, %add3A_877 : i32
    %dma_start3A_879 = arith.constant 0 : i32
    %dma_start3A_880 = tpu.memref_slice %arg4[%add3A_878, %dma_start3A_879] : memref<4096x8192xf32, #tpu.memory_space<hbm>> -> memref<2x8192xf32, #tpu.memory_space<hbm>>
    %dma_start3A_881 = arith.constant 0 : i32
    %dma_start3A_882 = tpu.memref_slice %arg4[%add3A_878, %dma_start3A_881] : memref<4096x8192xf32, #tpu.memory_space<hbm>> -> memref<2x8192xf32, #tpu.memory_space<hbm>>
    tpu.enqueue_dma source(%arg7 : memref<2x8192xf32, #tpu.memory_space<vmem>>) target(%dma_start3A_882 : memref<2x8192xf32, #tpu.memory_space<hbm>>) target_semaphore(%arg21 : memref<!tpu.dma_semaphore, #tpu.memory_space<semaphore_mem>>)
    %dma_wait3A_883 = arith.constant 0 : i32
    %dma_wait3A_884 = tpu.memref_slice %arg4[%add3A_782, %dma_wait3A_883] : memref<4096x8192xf32, #tpu.memory_space<hbm>> -> memref<2x8192xf32, #tpu.memory_space<hbm>>
    %dma_wait3A_885 = arith.constant 0 : i32
    %dma_wait3A_886 = tpu.memref_slice %arg4[%add3A_782, %dma_wait3A_885] : memref<4096x8192xf32, #tpu.memory_space<hbm>> -> memref<2x8192xf32, #tpu.memory_space<hbm>>
    tpu.wait_dma2 semaphore(%arg24 : memref<!tpu.dma_semaphore, #tpu.memory_space<semaphore_mem>>) src(%arg10 : memref<2x8192xf32, #tpu.memory_space<vmem>>) dst(%dma_wait3A_886 : memref<2x8192xf32, #tpu.memory_space<hbm>>)
    %dma_start3A_887 = arith.constant 39 : i32
    %dma_start3A_888 = arith.constant 0 : i32
    %dma_start3A_889 = tpu.memref_slice %arg5[%dma_start3A_887, %dma_start3A_888] : memref<64x2xi32, #tpu.memory_space<vmem>> -> memref<1x2xi32, #tpu.memory_space<vmem>>
    %dma_start3A_890 = tpu.memref_squeeze %dma_start3A_889 : memref<1x2xi32, #tpu.memory_space<vmem>> -> memref<2xi32, #tpu.memory_space<vmem>>
    %dma_start3A_891 = arith.constant 0 : i32
    %dma_start3A_892 = arith.constant 0 : i32
    %dma_start3A_893 = tpu.memref_slice %arg3[%dma_start3A_891, %dma_start3A_892] : memref<100000x8192xf32, #tpu.memory_space<hbm>> -> memref<100000x8192xf32, #tpu.memory_space<hbm>>
    tpu.enqueue_indirect_dma source(%dma_start3A_893 : memref<100000x8192xf32, #tpu.memory_space<hbm>>) target(%arg10 : memref<2x8192xf32, #tpu.memory_space<vmem>>) offsets(%dma_start3A_890 : memref<2xi32, #tpu.memory_space<vmem>>) semaphore(%arg17 : memref<!tpu.dma_semaphore, #tpu.memory_space<semaphore_mem>>)
    %dma_wait3A_894 = arith.constant 37 : i32
    %dma_wait3A_895 = arith.constant 0 : i32
    %dma_wait3A_896 = tpu.memref_slice %arg5[%dma_wait3A_894, %dma_wait3A_895] : memref<64x2xi32, #tpu.memory_space<vmem>> -> memref<1x2xi32, #tpu.memory_space<vmem>>
    %dma_wait3A_897 = tpu.memref_squeeze %dma_wait3A_896 : memref<1x2xi32, #tpu.memory_space<vmem>> -> memref<2xi32, #tpu.memory_space<vmem>>
    %dma_wait3A_898 = arith.constant 0 : i32
    %dma_wait3A_899 = arith.constant 0 : i32
    %dma_wait3A_900 = tpu.memref_slice %arg3[%dma_wait3A_898, %dma_wait3A_899] : memref<100000x8192xf32, #tpu.memory_space<hbm>> -> memref<100000x8192xf32, #tpu.memory_space<hbm>>
    tpu.wait_indirect_dma semaphore(%arg15 : memref<!tpu.dma_semaphore, #tpu.memory_space<semaphore_mem>>) src(%dma_wait3A_900 : memref<100000x8192xf32, #tpu.memory_space<hbm>>) dst(%arg8 : memref<2x8192xf32, #tpu.memory_space<vmem>>)
    %add3A_901 = arith.constant 74 : i32
    %add3A_902 = arith.addi %mul3A_2, %add3A_901 : i32
    %dma_start3A_903 = arith.constant 0 : i32
    %dma_start3A_904 = tpu.memref_slice %arg4[%add3A_902, %dma_start3A_903] : memref<4096x8192xf32, #tpu.memory_space<hbm>> -> memref<2x8192xf32, #tpu.memory_space<hbm>>
    %dma_start3A_905 = arith.constant 0 : i32
    %dma_start3A_906 = tpu.memref_slice %arg4[%add3A_902, %dma_start3A_905] : memref<4096x8192xf32, #tpu.memory_space<hbm>> -> memref<2x8192xf32, #tpu.memory_space<hbm>>
    tpu.enqueue_dma source(%arg8 : memref<2x8192xf32, #tpu.memory_space<vmem>>) target(%dma_start3A_906 : memref<2x8192xf32, #tpu.memory_space<hbm>>) target_semaphore(%arg22 : memref<!tpu.dma_semaphore, #tpu.memory_space<semaphore_mem>>)
    %dma_wait3A_907 = arith.constant 0 : i32
    %dma_wait3A_908 = tpu.memref_slice %arg4[%add3A_806, %dma_wait3A_907] : memref<4096x8192xf32, #tpu.memory_space<hbm>> -> memref<2x8192xf32, #tpu.memory_space<hbm>>
    %dma_wait3A_909 = arith.constant 0 : i32
    %dma_wait3A_910 = tpu.memref_slice %arg4[%add3A_806, %dma_wait3A_909] : memref<4096x8192xf32, #tpu.memory_space<hbm>> -> memref<2x8192xf32, #tpu.memory_space<hbm>>
    tpu.wait_dma2 semaphore(%arg25 : memref<!tpu.dma_semaphore, #tpu.memory_space<semaphore_mem>>) src(%arg11 : memref<2x8192xf32, #tpu.memory_space<vmem>>) dst(%dma_wait3A_910 : memref<2x8192xf32, #tpu.memory_space<hbm>>)
    %dma_start3A_911 = arith.constant 40 : i32
    %dma_start3A_912 = arith.constant 0 : i32
    %dma_start3A_913 = tpu.memref_slice %arg5[%dma_start3A_911, %dma_start3A_912] : memref<64x2xi32, #tpu.memory_space<vmem>> -> memref<1x2xi32, #tpu.memory_space<vmem>>
    %dma_start3A_914 = tpu.memref_squeeze %dma_start3A_913 : memref<1x2xi32, #tpu.memory_space<vmem>> -> memref<2xi32, #tpu.memory_space<vmem>>
    %dma_start3A_915 = arith.constant 0 : i32
    %dma_start3A_916 = arith.constant 0 : i32
    %dma_start3A_917 = tpu.memref_slice %arg3[%dma_start3A_915, %dma_start3A_916] : memref<100000x8192xf32, #tpu.memory_space<hbm>> -> memref<100000x8192xf32, #tpu.memory_space<hbm>>
    tpu.enqueue_indirect_dma source(%dma_start3A_917 : memref<100000x8192xf32, #tpu.memory_space<hbm>>) target(%arg11 : memref<2x8192xf32, #tpu.memory_space<vmem>>) offsets(%dma_start3A_914 : memref<2xi32, #tpu.memory_space<vmem>>) semaphore(%arg18 : memref<!tpu.dma_semaphore, #tpu.memory_space<semaphore_mem>>)
    %dma_wait3A_918 = arith.constant 38 : i32
    %dma_wait3A_919 = arith.constant 0 : i32
    %dma_wait3A_920 = tpu.memref_slice %arg5[%dma_wait3A_918, %dma_wait3A_919] : memref<64x2xi32, #tpu.memory_space<vmem>> -> memref<1x2xi32, #tpu.memory_space<vmem>>
    %dma_wait3A_921 = tpu.memref_squeeze %dma_wait3A_920 : memref<1x2xi32, #tpu.memory_space<vmem>> -> memref<2xi32, #tpu.memory_space<vmem>>
    %dma_wait3A_922 = arith.constant 0 : i32
    %dma_wait3A_923 = arith.constant 0 : i32
    %dma_wait3A_924 = tpu.memref_slice %arg3[%dma_wait3A_922, %dma_wait3A_923] : memref<100000x8192xf32, #tpu.memory_space<hbm>> -> memref<100000x8192xf32, #tpu.memory_space<hbm>>
    tpu.wait_indirect_dma semaphore(%arg16 : memref<!tpu.dma_semaphore, #tpu.memory_space<semaphore_mem>>) src(%dma_wait3A_924 : memref<100000x8192xf32, #tpu.memory_space<hbm>>) dst(%arg9 : memref<2x8192xf32, #tpu.memory_space<vmem>>)
    %add3A_925 = arith.constant 76 : i32
    %add3A_926 = arith.addi %mul3A_2, %add3A_925 : i32
    %dma_start3A_927 = arith.constant 0 : i32
    %dma_start3A_928 = tpu.memref_slice %arg4[%add3A_926, %dma_start3A_927] : memref<4096x8192xf32, #tpu.memory_space<hbm>> -> memref<2x8192xf32, #tpu.memory_space<hbm>>
    %dma_start3A_929 = arith.constant 0 : i32
    %dma_start3A_930 = tpu.memref_slice %arg4[%add3A_926, %dma_start3A_929] : memref<4096x8192xf32, #tpu.memory_space<hbm>> -> memref<2x8192xf32, #tpu.memory_space<hbm>>
    tpu.enqueue_dma source(%arg9 : memref<2x8192xf32, #tpu.memory_space<vmem>>) target(%dma_start3A_930 : memref<2x8192xf32, #tpu.memory_space<hbm>>) target_semaphore(%arg23 : memref<!tpu.dma_semaphore, #tpu.memory_space<semaphore_mem>>)
    %dma_wait3A_931 = arith.constant 0 : i32
    %dma_wait3A_932 = tpu.memref_slice %arg4[%add3A_830, %dma_wait3A_931] : memref<4096x8192xf32, #tpu.memory_space<hbm>> -> memref<2x8192xf32, #tpu.memory_space<hbm>>
    %dma_wait3A_933 = arith.constant 0 : i32
    %dma_wait3A_934 = tpu.memref_slice %arg4[%add3A_830, %dma_wait3A_933] : memref<4096x8192xf32, #tpu.memory_space<hbm>> -> memref<2x8192xf32, #tpu.memory_space<hbm>>
    tpu.wait_dma2 semaphore(%arg26 : memref<!tpu.dma_semaphore, #tpu.memory_space<semaphore_mem>>) src(%arg12 : memref<2x8192xf32, #tpu.memory_space<vmem>>) dst(%dma_wait3A_934 : memref<2x8192xf32, #tpu.memory_space<hbm>>)
    %dma_start3A_935 = arith.constant 41 : i32
    %dma_start3A_936 = arith.constant 0 : i32
    %dma_start3A_937 = tpu.memref_slice %arg5[%dma_start3A_935, %dma_start3A_936] : memref<64x2xi32, #tpu.memory_space<vmem>> -> memref<1x2xi32, #tpu.memory_space<vmem>>
    %dma_start3A_938 = tpu.memref_squeeze %dma_start3A_937 : memref<1x2xi32, #tpu.memory_space<vmem>> -> memref<2xi32, #tpu.memory_space<vmem>>
    %dma_start3A_939 = arith.constant 0 : i32
    %dma_start3A_940 = arith.constant 0 : i32
    %dma_start3A_941 = tpu.memref_slice %arg3[%dma_start3A_939, %dma_start3A_940] : memref<100000x8192xf32, #tpu.memory_space<hbm>> -> memref<100000x8192xf32, #tpu.memory_space<hbm>>
    tpu.enqueue_indirect_dma source(%dma_start3A_941 : memref<100000x8192xf32, #tpu.memory_space<hbm>>) target(%arg12 : memref<2x8192xf32, #tpu.memory_space<vmem>>) offsets(%dma_start3A_938 : memref<2xi32, #tpu.memory_space<vmem>>) semaphore(%arg19 : memref<!tpu.dma_semaphore, #tpu.memory_space<semaphore_mem>>)
    %dma_wait3A_942 = arith.constant 39 : i32
    %dma_wait3A_943 = arith.constant 0 : i32
    %dma_wait3A_944 = tpu.memref_slice %arg5[%dma_wait3A_942, %dma_wait3A_943] : memref<64x2xi32, #tpu.memory_space<vmem>> -> memref<1x2xi32, #tpu.memory_space<vmem>>
    %dma_wait3A_945 = tpu.memref_squeeze %dma_wait3A_944 : memref<1x2xi32, #tpu.memory_space<vmem>> -> memref<2xi32, #tpu.memory_space<vmem>>
    %dma_wait3A_946 = arith.constant 0 : i32
    %dma_wait3A_947 = arith.constant 0 : i32
    %dma_wait3A_948 = tpu.memref_slice %arg3[%dma_wait3A_946, %dma_wait3A_947] : memref<100000x8192xf32, #tpu.memory_space<hbm>> -> memref<100000x8192xf32, #tpu.memory_space<hbm>>
    tpu.wait_indirect_dma semaphore(%arg17 : memref<!tpu.dma_semaphore, #tpu.memory_space<semaphore_mem>>) src(%dma_wait3A_948 : memref<100000x8192xf32, #tpu.memory_space<hbm>>) dst(%arg10 : memref<2x8192xf32, #tpu.memory_space<vmem>>)
    %add3A_949 = arith.constant 78 : i32
    %add3A_950 = arith.addi %mul3A_2, %add3A_949 : i32
    %dma_start3A_951 = arith.constant 0 : i32
    %dma_start3A_952 = tpu.memref_slice %arg4[%add3A_950, %dma_start3A_951] : memref<4096x8192xf32, #tpu.memory_space<hbm>> -> memref<2x8192xf32, #tpu.memory_space<hbm>>
    %dma_start3A_953 = arith.constant 0 : i32
    %dma_start3A_954 = tpu.memref_slice %arg4[%add3A_950, %dma_start3A_953] : memref<4096x8192xf32, #tpu.memory_space<hbm>> -> memref<2x8192xf32, #tpu.memory_space<hbm>>
    tpu.enqueue_dma source(%arg10 : memref<2x8192xf32, #tpu.memory_space<vmem>>) target(%dma_start3A_954 : memref<2x8192xf32, #tpu.memory_space<hbm>>) target_semaphore(%arg24 : memref<!tpu.dma_semaphore, #tpu.memory_space<semaphore_mem>>)
    %dma_wait3A_955 = arith.constant 0 : i32
    %dma_wait3A_956 = tpu.memref_slice %arg4[%add3A_854, %dma_wait3A_955] : memref<4096x8192xf32, #tpu.memory_space<hbm>> -> memref<2x8192xf32, #tpu.memory_space<hbm>>
    %dma_wait3A_957 = arith.constant 0 : i32
    %dma_wait3A_958 = tpu.memref_slice %arg4[%add3A_854, %dma_wait3A_957] : memref<4096x8192xf32, #tpu.memory_space<hbm>> -> memref<2x8192xf32, #tpu.memory_space<hbm>>
    tpu.wait_dma2 semaphore(%arg20 : memref<!tpu.dma_semaphore, #tpu.memory_space<semaphore_mem>>) src(%arg6 : memref<2x8192xf32, #tpu.memory_space<vmem>>) dst(%dma_wait3A_958 : memref<2x8192xf32, #tpu.memory_space<hbm>>)
    %dma_start3A_959 = arith.constant 42 : i32
    %dma_start3A_960 = arith.constant 0 : i32
    %dma_start3A_961 = tpu.memref_slice %arg5[%dma_start3A_959, %dma_start3A_960] : memref<64x2xi32, #tpu.memory_space<vmem>> -> memref<1x2xi32, #tpu.memory_space<vmem>>
    %dma_start3A_962 = tpu.memref_squeeze %dma_start3A_961 : memref<1x2xi32, #tpu.memory_space<vmem>> -> memref<2xi32, #tpu.memory_space<vmem>>
    %dma_start3A_963 = arith.constant 0 : i32
    %dma_start3A_964 = arith.constant 0 : i32
    %dma_start3A_965 = tpu.memref_slice %arg3[%dma_start3A_963, %dma_start3A_964] : memref<100000x8192xf32, #tpu.memory_space<hbm>> -> memref<100000x8192xf32, #tpu.memory_space<hbm>>
    tpu.enqueue_indirect_dma source(%dma_start3A_965 : memref<100000x8192xf32, #tpu.memory_space<hbm>>) target(%arg6 : memref<2x8192xf32, #tpu.memory_space<vmem>>) offsets(%dma_start3A_962 : memref<2xi32, #tpu.memory_space<vmem>>) semaphore(%arg13 : memref<!tpu.dma_semaphore, #tpu.memory_space<semaphore_mem>>)
    %dma_wait3A_966 = arith.constant 40 : i32
    %dma_wait3A_967 = arith.constant 0 : i32
    %dma_wait3A_968 = tpu.memref_slice %arg5[%dma_wait3A_966, %dma_wait3A_967] : memref<64x2xi32, #tpu.memory_space<vmem>> -> memref<1x2xi32, #tpu.memory_space<vmem>>
    %dma_wait3A_969 = tpu.memref_squeeze %dma_wait3A_968 : memref<1x2xi32, #tpu.memory_space<vmem>> -> memref<2xi32, #tpu.memory_space<vmem>>
    %dma_wait3A_970 = arith.constant 0 : i32
    %dma_wait3A_971 = arith.constant 0 : i32
    %dma_wait3A_972 = tpu.memref_slice %arg3[%dma_wait3A_970, %dma_wait3A_971] : memref<100000x8192xf32, #tpu.memory_space<hbm>> -> memref<100000x8192xf32, #tpu.memory_space<hbm>>
    tpu.wait_indirect_dma semaphore(%arg18 : memref<!tpu.dma_semaphore, #tpu.memory_space<semaphore_mem>>) src(%dma_wait3A_972 : memref<100000x8192xf32, #tpu.memory_space<hbm>>) dst(%arg11 : memref<2x8192xf32, #tpu.memory_space<vmem>>)
    %add3A_973 = arith.constant 80 : i32
    %add3A_974 = arith.addi %mul3A_2, %add3A_973 : i32
    %dma_start3A_975 = arith.constant 0 : i32
    %dma_start3A_976 = tpu.memref_slice %arg4[%add3A_974, %dma_start3A_975] : memref<4096x8192xf32, #tpu.memory_space<hbm>> -> memref<2x8192xf32, #tpu.memory_space<hbm>>
    %dma_start3A_977 = arith.constant 0 : i32
    %dma_start3A_978 = tpu.memref_slice %arg4[%add3A_974, %dma_start3A_977] : memref<4096x8192xf32, #tpu.memory_space<hbm>> -> memref<2x8192xf32, #tpu.memory_space<hbm>>
    tpu.enqueue_dma source(%arg11 : memref<2x8192xf32, #tpu.memory_space<vmem>>) target(%dma_start3A_978 : memref<2x8192xf32, #tpu.memory_space<hbm>>) target_semaphore(%arg25 : memref<!tpu.dma_semaphore, #tpu.memory_space<semaphore_mem>>)
    %dma_wait3A_979 = arith.constant 0 : i32
    %dma_wait3A_980 = tpu.memref_slice %arg4[%add3A_878, %dma_wait3A_979] : memref<4096x8192xf32, #tpu.memory_space<hbm>> -> memref<2x8192xf32, #tpu.memory_space<hbm>>
    %dma_wait3A_981 = arith.constant 0 : i32
    %dma_wait3A_982 = tpu.memref_slice %arg4[%add3A_878, %dma_wait3A_981] : memref<4096x8192xf32, #tpu.memory_space<hbm>> -> memref<2x8192xf32, #tpu.memory_space<hbm>>
    tpu.wait_dma2 semaphore(%arg21 : memref<!tpu.dma_semaphore, #tpu.memory_space<semaphore_mem>>) src(%arg7 : memref<2x8192xf32, #tpu.memory_space<vmem>>) dst(%dma_wait3A_982 : memref<2x8192xf32, #tpu.memory_space<hbm>>)
    %dma_start3A_983 = arith.constant 43 : i32
    %dma_start3A_984 = arith.constant 0 : i32
    %dma_start3A_985 = tpu.memref_slice %arg5[%dma_start3A_983, %dma_start3A_984] : memref<64x2xi32, #tpu.memory_space<vmem>> -> memref<1x2xi32, #tpu.memory_space<vmem>>
    %dma_start3A_986 = tpu.memref_squeeze %dma_start3A_985 : memref<1x2xi32, #tpu.memory_space<vmem>> -> memref<2xi32, #tpu.memory_space<vmem>>
    %dma_start3A_987 = arith.constant 0 : i32
    %dma_start3A_988 = arith.constant 0 : i32
    %dma_start3A_989 = tpu.memref_slice %arg3[%dma_start3A_987, %dma_start3A_988] : memref<100000x8192xf32, #tpu.memory_space<hbm>> -> memref<100000x8192xf32, #tpu.memory_space<hbm>>
    tpu.enqueue_indirect_dma source(%dma_start3A_989 : memref<100000x8192xf32, #tpu.memory_space<hbm>>) target(%arg7 : memref<2x8192xf32, #tpu.memory_space<vmem>>) offsets(%dma_start3A_986 : memref<2xi32, #tpu.memory_space<vmem>>) semaphore(%arg14 : memref<!tpu.dma_semaphore, #tpu.memory_space<semaphore_mem>>)
    %dma_wait3A_990 = arith.constant 41 : i32
    %dma_wait3A_991 = arith.constant 0 : i32
    %dma_wait3A_992 = tpu.memref_slice %arg5[%dma_wait3A_990, %dma_wait3A_991] : memref<64x2xi32, #tpu.memory_space<vmem>> -> memref<1x2xi32, #tpu.memory_space<vmem>>
    %dma_wait3A_993 = tpu.memref_squeeze %dma_wait3A_992 : memref<1x2xi32, #tpu.memory_space<vmem>> -> memref<2xi32, #tpu.memory_space<vmem>>
    %dma_wait3A_994 = arith.constant 0 : i32
    %dma_wait3A_995 = arith.constant 0 : i32
    %dma_wait3A_996 = tpu.memref_slice %arg3[%dma_wait3A_994, %dma_wait3A_995] : memref<100000x8192xf32, #tpu.memory_space<hbm>> -> memref<100000x8192xf32, #tpu.memory_space<hbm>>
    tpu.wait_indirect_dma semaphore(%arg19 : memref<!tpu.dma_semaphore, #tpu.memory_space<semaphore_mem>>) src(%dma_wait3A_996 : memref<100000x8192xf32, #tpu.memory_space<hbm>>) dst(%arg12 : memref<2x8192xf32, #tpu.memory_space<vmem>>)
    %add3A_997 = arith.constant 82 : i32
    %add3A_998 = arith.addi %mul3A_2, %add3A_997 : i32
    %dma_start3A_999 = arith.constant 0 : i32
    %dma_start3A_1000 = tpu.memref_slice %arg4[%add3A_998, %dma_start3A_999] : memref<4096x8192xf32, #tpu.memory_space<hbm>> -> memref<2x8192xf32, #tpu.memory_space<hbm>>
    %dma_start3A_1001 = arith.constant 0 : i32
    %dma_start3A_1002 = tpu.memref_slice %arg4[%add3A_998, %dma_start3A_1001] : memref<4096x8192xf32, #tpu.memory_space<hbm>> -> memref<2x8192xf32, #tpu.memory_space<hbm>>
    tpu.enqueue_dma source(%arg12 : memref<2x8192xf32, #tpu.memory_space<vmem>>) target(%dma_start3A_1002 : memref<2x8192xf32, #tpu.memory_space<hbm>>) target_semaphore(%arg26 : memref<!tpu.dma_semaphore, #tpu.memory_space<semaphore_mem>>)
    %dma_wait3A_1003 = arith.constant 0 : i32
    %dma_wait3A_1004 = tpu.memref_slice %arg4[%add3A_902, %dma_wait3A_1003] : memref<4096x8192xf32, #tpu.memory_space<hbm>> -> memref<2x8192xf32, #tpu.memory_space<hbm>>
    %dma_wait3A_1005 = arith.constant 0 : i32
    %dma_wait3A_1006 = tpu.memref_slice %arg4[%add3A_902, %dma_wait3A_1005] : memref<4096x8192xf32, #tpu.memory_space<hbm>> -> memref<2x8192xf32, #tpu.memory_space<hbm>>
    tpu.wait_dma2 semaphore(%arg22 : memref<!tpu.dma_semaphore, #tpu.memory_space<semaphore_mem>>) src(%arg8 : memref<2x8192xf32, #tpu.memory_space<vmem>>) dst(%dma_wait3A_1006 : memref<2x8192xf32, #tpu.memory_space<hbm>>)
    %dma_start3A_1007 = arith.constant 44 : i32
    %dma_start3A_1008 = arith.constant 0 : i32
    %dma_start3A_1009 = tpu.memref_slice %arg5[%dma_start3A_1007, %dma_start3A_1008] : memref<64x2xi32, #tpu.memory_space<vmem>> -> memref<1x2xi32, #tpu.memory_space<vmem>>
    %dma_start3A_1010 = tpu.memref_squeeze %dma_start3A_1009 : memref<1x2xi32, #tpu.memory_space<vmem>> -> memref<2xi32, #tpu.memory_space<vmem>>
    %dma_start3A_1011 = arith.constant 0 : i32
    %dma_start3A_1012 = arith.constant 0 : i32
    %dma_start3A_1013 = tpu.memref_slice %arg3[%dma_start3A_1011, %dma_start3A_1012] : memref<100000x8192xf32, #tpu.memory_space<hbm>> -> memref<100000x8192xf32, #tpu.memory_space<hbm>>
    tpu.enqueue_indirect_dma source(%dma_start3A_1013 : memref<100000x8192xf32, #tpu.memory_space<hbm>>) target(%arg8 : memref<2x8192xf32, #tpu.memory_space<vmem>>) offsets(%dma_start3A_1010 : memref<2xi32, #tpu.memory_space<vmem>>) semaphore(%arg15 : memref<!tpu.dma_semaphore, #tpu.memory_space<semaphore_mem>>)
    %dma_wait3A_1014 = arith.constant 42 : i32
    %dma_wait3A_1015 = arith.constant 0 : i32
    %dma_wait3A_1016 = tpu.memref_slice %arg5[%dma_wait3A_1014, %dma_wait3A_1015] : memref<64x2xi32, #tpu.memory_space<vmem>> -> memref<1x2xi32, #tpu.memory_space<vmem>>
    %dma_wait3A_1017 = tpu.memref_squeeze %dma_wait3A_1016 : memref<1x2xi32, #tpu.memory_space<vmem>> -> memref<2xi32, #tpu.memory_space<vmem>>
    %dma_wait3A_1018 = arith.constant 0 : i32
    %dma_wait3A_1019 = arith.constant 0 : i32
    %dma_wait3A_1020 = tpu.memref_slice %arg3[%dma_wait3A_1018, %dma_wait3A_1019] : memref<100000x8192xf32, #tpu.memory_space<hbm>> -> memref<100000x8192xf32, #tpu.memory_space<hbm>>
    tpu.wait_indirect_dma semaphore(%arg13 : memref<!tpu.dma_semaphore, #tpu.memory_space<semaphore_mem>>) src(%dma_wait3A_1020 : memref<100000x8192xf32, #tpu.memory_space<hbm>>) dst(%arg6 : memref<2x8192xf32, #tpu.memory_space<vmem>>)
    %add3A_1021 = arith.constant 84 : i32
    %add3A_1022 = arith.addi %mul3A_2, %add3A_1021 : i32
    %dma_start3A_1023 = arith.constant 0 : i32
    %dma_start3A_1024 = tpu.memref_slice %arg4[%add3A_1022, %dma_start3A_1023] : memref<4096x8192xf32, #tpu.memory_space<hbm>> -> memref<2x8192xf32, #tpu.memory_space<hbm>>
    %dma_start3A_1025 = arith.constant 0 : i32
    %dma_start3A_1026 = tpu.memref_slice %arg4[%add3A_1022, %dma_start3A_1025] : memref<4096x8192xf32, #tpu.memory_space<hbm>> -> memref<2x8192xf32, #tpu.memory_space<hbm>>
    tpu.enqueue_dma source(%arg6 : memref<2x8192xf32, #tpu.memory_space<vmem>>) target(%dma_start3A_1026 : memref<2x8192xf32, #tpu.memory_space<hbm>>) target_semaphore(%arg20 : memref<!tpu.dma_semaphore, #tpu.memory_space<semaphore_mem>>)
    %dma_wait3A_1027 = arith.constant 0 : i32
    %dma_wait3A_1028 = tpu.memref_slice %arg4[%add3A_926, %dma_wait3A_1027] : memref<4096x8192xf32, #tpu.memory_space<hbm>> -> memref<2x8192xf32, #tpu.memory_space<hbm>>
    %dma_wait3A_1029 = arith.constant 0 : i32
    %dma_wait3A_1030 = tpu.memref_slice %arg4[%add3A_926, %dma_wait3A_1029] : memref<4096x8192xf32, #tpu.memory_space<hbm>> -> memref<2x8192xf32, #tpu.memory_space<hbm>>
    tpu.wait_dma2 semaphore(%arg23 : memref<!tpu.dma_semaphore, #tpu.memory_space<semaphore_mem>>) src(%arg9 : memref<2x8192xf32, #tpu.memory_space<vmem>>) dst(%dma_wait3A_1030 : memref<2x8192xf32, #tpu.memory_space<hbm>>)
    %dma_start3A_1031 = arith.constant 45 : i32
    %dma_start3A_1032 = arith.constant 0 : i32
    %dma_start3A_1033 = tpu.memref_slice %arg5[%dma_start3A_1031, %dma_start3A_1032] : memref<64x2xi32, #tpu.memory_space<vmem>> -> memref<1x2xi32, #tpu.memory_space<vmem>>
    %dma_start3A_1034 = tpu.memref_squeeze %dma_start3A_1033 : memref<1x2xi32, #tpu.memory_space<vmem>> -> memref<2xi32, #tpu.memory_space<vmem>>
    %dma_start3A_1035 = arith.constant 0 : i32
    %dma_start3A_1036 = arith.constant 0 : i32
    %dma_start3A_1037 = tpu.memref_slice %arg3[%dma_start3A_1035, %dma_start3A_1036] : memref<100000x8192xf32, #tpu.memory_space<hbm>> -> memref<100000x8192xf32, #tpu.memory_space<hbm>>
    tpu.enqueue_indirect_dma source(%dma_start3A_1037 : memref<100000x8192xf32, #tpu.memory_space<hbm>>) target(%arg9 : memref<2x8192xf32, #tpu.memory_space<vmem>>) offsets(%dma_start3A_1034 : memref<2xi32, #tpu.memory_space<vmem>>) semaphore(%arg16 : memref<!tpu.dma_semaphore, #tpu.memory_space<semaphore_mem>>)
    %dma_wait3A_1038 = arith.constant 43 : i32
    %dma_wait3A_1039 = arith.constant 0 : i32
    %dma_wait3A_1040 = tpu.memref_slice %arg5[%dma_wait3A_1038, %dma_wait3A_1039] : memref<64x2xi32, #tpu.memory_space<vmem>> -> memref<1x2xi32, #tpu.memory_space<vmem>>
    %dma_wait3A_1041 = tpu.memref_squeeze %dma_wait3A_1040 : memref<1x2xi32, #tpu.memory_space<vmem>> -> memref<2xi32, #tpu.memory_space<vmem>>
    %dma_wait3A_1042 = arith.constant 0 : i32
    %dma_wait3A_1043 = arith.constant 0 : i32
    %dma_wait3A_1044 = tpu.memref_slice %arg3[%dma_wait3A_1042, %dma_wait3A_1043] : memref<100000x8192xf32, #tpu.memory_space<hbm>> -> memref<100000x8192xf32, #tpu.memory_space<hbm>>
    tpu.wait_indirect_dma semaphore(%arg14 : memref<!tpu.dma_semaphore, #tpu.memory_space<semaphore_mem>>) src(%dma_wait3A_1044 : memref<100000x8192xf32, #tpu.memory_space<hbm>>) dst(%arg7 : memref<2x8192xf32, #tpu.memory_space<vmem>>)
    %add3A_1045 = arith.constant 86 : i32
    %add3A_1046 = arith.addi %mul3A_2, %add3A_1045 : i32
    %dma_start3A_1047 = arith.constant 0 : i32
    %dma_start3A_1048 = tpu.memref_slice %arg4[%add3A_1046, %dma_start3A_1047] : memref<4096x8192xf32, #tpu.memory_space<hbm>> -> memref<2x8192xf32, #tpu.memory_space<hbm>>
    %dma_start3A_1049 = arith.constant 0 : i32
    %dma_start3A_1050 = tpu.memref_slice %arg4[%add3A_1046, %dma_start3A_1049] : memref<4096x8192xf32, #tpu.memory_space<hbm>> -> memref<2x8192xf32, #tpu.memory_space<hbm>>
    tpu.enqueue_dma source(%arg7 : memref<2x8192xf32, #tpu.memory_space<vmem>>) target(%dma_start3A_1050 : memref<2x8192xf32, #tpu.memory_space<hbm>>) target_semaphore(%arg21 : memref<!tpu.dma_semaphore, #tpu.memory_space<semaphore_mem>>)
    %dma_wait3A_1051 = arith.constant 0 : i32
    %dma_wait3A_1052 = tpu.memref_slice %arg4[%add3A_950, %dma_wait3A_1051] : memref<4096x8192xf32, #tpu.memory_space<hbm>> -> memref<2x8192xf32, #tpu.memory_space<hbm>>
    %dma_wait3A_1053 = arith.constant 0 : i32
    %dma_wait3A_1054 = tpu.memref_slice %arg4[%add3A_950, %dma_wait3A_1053] : memref<4096x8192xf32, #tpu.memory_space<hbm>> -> memref<2x8192xf32, #tpu.memory_space<hbm>>
    tpu.wait_dma2 semaphore(%arg24 : memref<!tpu.dma_semaphore, #tpu.memory_space<semaphore_mem>>) src(%arg10 : memref<2x8192xf32, #tpu.memory_space<vmem>>) dst(%dma_wait3A_1054 : memref<2x8192xf32, #tpu.memory_space<hbm>>)
    %dma_start3A_1055 = arith.constant 46 : i32
    %dma_start3A_1056 = arith.constant 0 : i32
    %dma_start3A_1057 = tpu.memref_slice %arg5[%dma_start3A_1055, %dma_start3A_1056] : memref<64x2xi32, #tpu.memory_space<vmem>> -> memref<1x2xi32, #tpu.memory_space<vmem>>
    %dma_start3A_1058 = tpu.memref_squeeze %dma_start3A_1057 : memref<1x2xi32, #tpu.memory_space<vmem>> -> memref<2xi32, #tpu.memory_space<vmem>>
    %dma_start3A_1059 = arith.constant 0 : i32
    %dma_start3A_1060 = arith.constant 0 : i32
    %dma_start3A_1061 = tpu.memref_slice %arg3[%dma_start3A_1059, %dma_start3A_1060] : memref<100000x8192xf32, #tpu.memory_space<hbm>> -> memref<100000x8192xf32, #tpu.memory_space<hbm>>
    tpu.enqueue_indirect_dma source(%dma_start3A_1061 : memref<100000x8192xf32, #tpu.memory_space<hbm>>) target(%arg10 : memref<2x8192xf32, #tpu.memory_space<vmem>>) offsets(%dma_start3A_1058 : memref<2xi32, #tpu.memory_space<vmem>>) semaphore(%arg17 : memref<!tpu.dma_semaphore, #tpu.memory_space<semaphore_mem>>)
    %dma_wait3A_1062 = arith.constant 44 : i32
    %dma_wait3A_1063 = arith.constant 0 : i32
    %dma_wait3A_1064 = tpu.memref_slice %arg5[%dma_wait3A_1062, %dma_wait3A_1063] : memref<64x2xi32, #tpu.memory_space<vmem>> -> memref<1x2xi32, #tpu.memory_space<vmem>>
    %dma_wait3A_1065 = tpu.memref_squeeze %dma_wait3A_1064 : memref<1x2xi32, #tpu.memory_space<vmem>> -> memref<2xi32, #tpu.memory_space<vmem>>
    %dma_wait3A_1066 = arith.constant 0 : i32
    %dma_wait3A_1067 = arith.constant 0 : i32
    %dma_wait3A_1068 = tpu.memref_slice %arg3[%dma_wait3A_1066, %dma_wait3A_1067] : memref<100000x8192xf32, #tpu.memory_space<hbm>> -> memref<100000x8192xf32, #tpu.memory_space<hbm>>
    tpu.wait_indirect_dma semaphore(%arg15 : memref<!tpu.dma_semaphore, #tpu.memory_space<semaphore_mem>>) src(%dma_wait3A_1068 : memref<100000x8192xf32, #tpu.memory_space<hbm>>) dst(%arg8 : memref<2x8192xf32, #tpu.memory_space<vmem>>)
    %add3A_1069 = arith.constant 88 : i32
    %add3A_1070 = arith.addi %mul3A_2, %add3A_1069 : i32
    %dma_start3A_1071 = arith.constant 0 : i32
    %dma_start3A_1072 = tpu.memref_slice %arg4[%add3A_1070, %dma_start3A_1071] : memref<4096x8192xf32, #tpu.memory_space<hbm>> -> memref<2x8192xf32, #tpu.memory_space<hbm>>
    %dma_start3A_1073 = arith.constant 0 : i32
    %dma_start3A_1074 = tpu.memref_slice %arg4[%add3A_1070, %dma_start3A_1073] : memref<4096x8192xf32, #tpu.memory_space<hbm>> -> memref<2x8192xf32, #tpu.memory_space<hbm>>
    tpu.enqueue_dma source(%arg8 : memref<2x8192xf32, #tpu.memory_space<vmem>>) target(%dma_start3A_1074 : memref<2x8192xf32, #tpu.memory_space<hbm>>) target_semaphore(%arg22 : memref<!tpu.dma_semaphore, #tpu.memory_space<semaphore_mem>>)
    %dma_wait3A_1075 = arith.constant 0 : i32
    %dma_wait3A_1076 = tpu.memref_slice %arg4[%add3A_974, %dma_wait3A_1075] : memref<4096x8192xf32, #tpu.memory_space<hbm>> -> memref<2x8192xf32, #tpu.memory_space<hbm>>
    %dma_wait3A_1077 = arith.constant 0 : i32
    %dma_wait3A_1078 = tpu.memref_slice %arg4[%add3A_974, %dma_wait3A_1077] : memref<4096x8192xf32, #tpu.memory_space<hbm>> -> memref<2x8192xf32, #tpu.memory_space<hbm>>
    tpu.wait_dma2 semaphore(%arg25 : memref<!tpu.dma_semaphore, #tpu.memory_space<semaphore_mem>>) src(%arg11 : memref<2x8192xf32, #tpu.memory_space<vmem>>) dst(%dma_wait3A_1078 : memref<2x8192xf32, #tpu.memory_space<hbm>>)
    %dma_start3A_1079 = arith.constant 47 : i32
    %dma_start3A_1080 = arith.constant 0 : i32
    %dma_start3A_1081 = tpu.memref_slice %arg5[%dma_start3A_1079, %dma_start3A_1080] : memref<64x2xi32, #tpu.memory_space<vmem>> -> memref<1x2xi32, #tpu.memory_space<vmem>>
    %dma_start3A_1082 = tpu.memref_squeeze %dma_start3A_1081 : memref<1x2xi32, #tpu.memory_space<vmem>> -> memref<2xi32, #tpu.memory_space<vmem>>
    %dma_start3A_1083 = arith.constant 0 : i32
    %dma_start3A_1084 = arith.constant 0 : i32
    %dma_start3A_1085 = tpu.memref_slice %arg3[%dma_start3A_1083, %dma_start3A_1084] : memref<100000x8192xf32, #tpu.memory_space<hbm>> -> memref<100000x8192xf32, #tpu.memory_space<hbm>>
    tpu.enqueue_indirect_dma source(%dma_start3A_1085 : memref<100000x8192xf32, #tpu.memory_space<hbm>>) target(%arg11 : memref<2x8192xf32, #tpu.memory_space<vmem>>) offsets(%dma_start3A_1082 : memref<2xi32, #tpu.memory_space<vmem>>) semaphore(%arg18 : memref<!tpu.dma_semaphore, #tpu.memory_space<semaphore_mem>>)
    %dma_wait3A_1086 = arith.constant 45 : i32
    %dma_wait3A_1087 = arith.constant 0 : i32
    %dma_wait3A_1088 = tpu.memref_slice %arg5[%dma_wait3A_1086, %dma_wait3A_1087] : memref<64x2xi32, #tpu.memory_space<vmem>> -> memref<1x2xi32, #tpu.memory_space<vmem>>
    %dma_wait3A_1089 = tpu.memref_squeeze %dma_wait3A_1088 : memref<1x2xi32, #tpu.memory_space<vmem>> -> memref<2xi32, #tpu.memory_space<vmem>>
    %dma_wait3A_1090 = arith.constant 0 : i32
    %dma_wait3A_1091 = arith.constant 0 : i32
    %dma_wait3A_1092 = tpu.memref_slice %arg3[%dma_wait3A_1090, %dma_wait3A_1091] : memref<100000x8192xf32, #tpu.memory_space<hbm>> -> memref<100000x8192xf32, #tpu.memory_space<hbm>>
    tpu.wait_indirect_dma semaphore(%arg16 : memref<!tpu.dma_semaphore, #tpu.memory_space<semaphore_mem>>) src(%dma_wait3A_1092 : memref<100000x8192xf32, #tpu.memory_space<hbm>>) dst(%arg9 : memref<2x8192xf32, #tpu.memory_space<vmem>>)
    %add3A_1093 = arith.constant 90 : i32
    %add3A_1094 = arith.addi %mul3A_2, %add3A_1093 : i32
    %dma_start3A_1095 = arith.constant 0 : i32
    %dma_start3A_1096 = tpu.memref_slice %arg4[%add3A_1094, %dma_start3A_1095] : memref<4096x8192xf32, #tpu.memory_space<hbm>> -> memref<2x8192xf32, #tpu.memory_space<hbm>>
    %dma_start3A_1097 = arith.constant 0 : i32
    %dma_start3A_1098 = tpu.memref_slice %arg4[%add3A_1094, %dma_start3A_1097] : memref<4096x8192xf32, #tpu.memory_space<hbm>> -> memref<2x8192xf32, #tpu.memory_space<hbm>>
    tpu.enqueue_dma source(%arg9 : memref<2x8192xf32, #tpu.memory_space<vmem>>) target(%dma_start3A_1098 : memref<2x8192xf32, #tpu.memory_space<hbm>>) target_semaphore(%arg23 : memref<!tpu.dma_semaphore, #tpu.memory_space<semaphore_mem>>)
    %dma_wait3A_1099 = arith.constant 0 : i32
    %dma_wait3A_1100 = tpu.memref_slice %arg4[%add3A_998, %dma_wait3A_1099] : memref<4096x8192xf32, #tpu.memory_space<hbm>> -> memref<2x8192xf32, #tpu.memory_space<hbm>>
    %dma_wait3A_1101 = arith.constant 0 : i32
    %dma_wait3A_1102 = tpu.memref_slice %arg4[%add3A_998, %dma_wait3A_1101] : memref<4096x8192xf32, #tpu.memory_space<hbm>> -> memref<2x8192xf32, #tpu.memory_space<hbm>>
    tpu.wait_dma2 semaphore(%arg26 : memref<!tpu.dma_semaphore, #tpu.memory_space<semaphore_mem>>) src(%arg12 : memref<2x8192xf32, #tpu.memory_space<vmem>>) dst(%dma_wait3A_1102 : memref<2x8192xf32, #tpu.memory_space<hbm>>)
    %dma_start3A_1103 = arith.constant 48 : i32
    %dma_start3A_1104 = arith.constant 0 : i32
    %dma_start3A_1105 = tpu.memref_slice %arg5[%dma_start3A_1103, %dma_start3A_1104] : memref<64x2xi32, #tpu.memory_space<vmem>> -> memref<1x2xi32, #tpu.memory_space<vmem>>
    %dma_start3A_1106 = tpu.memref_squeeze %dma_start3A_1105 : memref<1x2xi32, #tpu.memory_space<vmem>> -> memref<2xi32, #tpu.memory_space<vmem>>
    %dma_start3A_1107 = arith.constant 0 : i32
    %dma_start3A_1108 = arith.constant 0 : i32
    %dma_start3A_1109 = tpu.memref_slice %arg3[%dma_start3A_1107, %dma_start3A_1108] : memref<100000x8192xf32, #tpu.memory_space<hbm>> -> memref<100000x8192xf32, #tpu.memory_space<hbm>>
    tpu.enqueue_indirect_dma source(%dma_start3A_1109 : memref<100000x8192xf32, #tpu.memory_space<hbm>>) target(%arg12 : memref<2x8192xf32, #tpu.memory_space<vmem>>) offsets(%dma_start3A_1106 : memref<2xi32, #tpu.memory_space<vmem>>) semaphore(%arg19 : memref<!tpu.dma_semaphore, #tpu.memory_space<semaphore_mem>>)
    %dma_wait3A_1110 = arith.constant 46 : i32
    %dma_wait3A_1111 = arith.constant 0 : i32
    %dma_wait3A_1112 = tpu.memref_slice %arg5[%dma_wait3A_1110, %dma_wait3A_1111] : memref<64x2xi32, #tpu.memory_space<vmem>> -> memref<1x2xi32, #tpu.memory_space<vmem>>
    %dma_wait3A_1113 = tpu.memref_squeeze %dma_wait3A_1112 : memref<1x2xi32, #tpu.memory_space<vmem>> -> memref<2xi32, #tpu.memory_space<vmem>>
    %dma_wait3A_1114 = arith.constant 0 : i32
    %dma_wait3A_1115 = arith.constant 0 : i32
    %dma_wait3A_1116 = tpu.memref_slice %arg3[%dma_wait3A_1114, %dma_wait3A_1115] : memref<100000x8192xf32, #tpu.memory_space<hbm>> -> memref<100000x8192xf32, #tpu.memory_space<hbm>>
    tpu.wait_indirect_dma semaphore(%arg17 : memref<!tpu.dma_semaphore, #tpu.memory_space<semaphore_mem>>) src(%dma_wait3A_1116 : memref<100000x8192xf32, #tpu.memory_space<hbm>>) dst(%arg10 : memref<2x8192xf32, #tpu.memory_space<vmem>>)
    %add3A_1117 = arith.constant 92 : i32
    %add3A_1118 = arith.addi %mul3A_2, %add3A_1117 : i32
    %dma_start3A_1119 = arith.constant 0 : i32
    %dma_start3A_1120 = tpu.memref_slice %arg4[%add3A_1118, %dma_start3A_1119] : memref<4096x8192xf32, #tpu.memory_space<hbm>> -> memref<2x8192xf32, #tpu.memory_space<hbm>>
    %dma_start3A_1121 = arith.constant 0 : i32
    %dma_start3A_1122 = tpu.memref_slice %arg4[%add3A_1118, %dma_start3A_1121] : memref<4096x8192xf32, #tpu.memory_space<hbm>> -> memref<2x8192xf32, #tpu.memory_space<hbm>>
    tpu.enqueue_dma source(%arg10 : memref<2x8192xf32, #tpu.memory_space<vmem>>) target(%dma_start3A_1122 : memref<2x8192xf32, #tpu.memory_space<hbm>>) target_semaphore(%arg24 : memref<!tpu.dma_semaphore, #tpu.memory_space<semaphore_mem>>)
    %dma_wait3A_1123 = arith.constant 0 : i32
    %dma_wait3A_1124 = tpu.memref_slice %arg4[%add3A_1022, %dma_wait3A_1123] : memref<4096x8192xf32, #tpu.memory_space<hbm>> -> memref<2x8192xf32, #tpu.memory_space<hbm>>
    %dma_wait3A_1125 = arith.constant 0 : i32
    %dma_wait3A_1126 = tpu.memref_slice %arg4[%add3A_1022, %dma_wait3A_1125] : memref<4096x8192xf32, #tpu.memory_space<hbm>> -> memref<2x8192xf32, #tpu.memory_space<hbm>>
    tpu.wait_dma2 semaphore(%arg20 : memref<!tpu.dma_semaphore, #tpu.memory_space<semaphore_mem>>) src(%arg6 : memref<2x8192xf32, #tpu.memory_space<vmem>>) dst(%dma_wait3A_1126 : memref<2x8192xf32, #tpu.memory_space<hbm>>)
    %dma_start3A_1127 = arith.constant 49 : i32
    %dma_start3A_1128 = arith.constant 0 : i32
    %dma_start3A_1129 = tpu.memref_slice %arg5[%dma_start3A_1127, %dma_start3A_1128] : memref<64x2xi32, #tpu.memory_space<vmem>> -> memref<1x2xi32, #tpu.memory_space<vmem>>
    %dma_start3A_1130 = tpu.memref_squeeze %dma_start3A_1129 : memref<1x2xi32, #tpu.memory_space<vmem>> -> memref<2xi32, #tpu.memory_space<vmem>>
    %dma_start3A_1131 = arith.constant 0 : i32
    %dma_start3A_1132 = arith.constant 0 : i32
    %dma_start3A_1133 = tpu.memref_slice %arg3[%dma_start3A_1131, %dma_start3A_1132] : memref<100000x8192xf32, #tpu.memory_space<hbm>> -> memref<100000x8192xf32, #tpu.memory_space<hbm>>
    tpu.enqueue_indirect_dma source(%dma_start3A_1133 : memref<100000x8192xf32, #tpu.memory_space<hbm>>) target(%arg6 : memref<2x8192xf32, #tpu.memory_space<vmem>>) offsets(%dma_start3A_1130 : memref<2xi32, #tpu.memory_space<vmem>>) semaphore(%arg13 : memref<!tpu.dma_semaphore, #tpu.memory_space<semaphore_mem>>)
    %dma_wait3A_1134 = arith.constant 47 : i32
    %dma_wait3A_1135 = arith.constant 0 : i32
    %dma_wait3A_1136 = tpu.memref_slice %arg5[%dma_wait3A_1134, %dma_wait3A_1135] : memref<64x2xi32, #tpu.memory_space<vmem>> -> memref<1x2xi32, #tpu.memory_space<vmem>>
    %dma_wait3A_1137 = tpu.memref_squeeze %dma_wait3A_1136 : memref<1x2xi32, #tpu.memory_space<vmem>> -> memref<2xi32, #tpu.memory_space<vmem>>
    %dma_wait3A_1138 = arith.constant 0 : i32
    %dma_wait3A_1139 = arith.constant 0 : i32
    %dma_wait3A_1140 = tpu.memref_slice %arg3[%dma_wait3A_1138, %dma_wait3A_1139] : memref<100000x8192xf32, #tpu.memory_space<hbm>> -> memref<100000x8192xf32, #tpu.memory_space<hbm>>
    tpu.wait_indirect_dma semaphore(%arg18 : memref<!tpu.dma_semaphore, #tpu.memory_space<semaphore_mem>>) src(%dma_wait3A_1140 : memref<100000x8192xf32, #tpu.memory_space<hbm>>) dst(%arg11 : memref<2x8192xf32, #tpu.memory_space<vmem>>)
    %add3A_1141 = arith.constant 94 : i32
    %add3A_1142 = arith.addi %mul3A_2, %add3A_1141 : i32
    %dma_start3A_1143 = arith.constant 0 : i32
    %dma_start3A_1144 = tpu.memref_slice %arg4[%add3A_1142, %dma_start3A_1143] : memref<4096x8192xf32, #tpu.memory_space<hbm>> -> memref<2x8192xf32, #tpu.memory_space<hbm>>
    %dma_start3A_1145 = arith.constant 0 : i32
    %dma_start3A_1146 = tpu.memref_slice %arg4[%add3A_1142, %dma_start3A_1145] : memref<4096x8192xf32, #tpu.memory_space<hbm>> -> memref<2x8192xf32, #tpu.memory_space<hbm>>
    tpu.enqueue_dma source(%arg11 : memref<2x8192xf32, #tpu.memory_space<vmem>>) target(%dma_start3A_1146 : memref<2x8192xf32, #tpu.memory_space<hbm>>) target_semaphore(%arg25 : memref<!tpu.dma_semaphore, #tpu.memory_space<semaphore_mem>>)
    %dma_wait3A_1147 = arith.constant 0 : i32
    %dma_wait3A_1148 = tpu.memref_slice %arg4[%add3A_1046, %dma_wait3A_1147] : memref<4096x8192xf32, #tpu.memory_space<hbm>> -> memref<2x8192xf32, #tpu.memory_space<hbm>>
    %dma_wait3A_1149 = arith.constant 0 : i32
    %dma_wait3A_1150 = tpu.memref_slice %arg4[%add3A_1046, %dma_wait3A_1149] : memref<4096x8192xf32, #tpu.memory_space<hbm>> -> memref<2x8192xf32, #tpu.memory_space<hbm>>
    tpu.wait_dma2 semaphore(%arg21 : memref<!tpu.dma_semaphore, #tpu.memory_space<semaphore_mem>>) src(%arg7 : memref<2x8192xf32, #tpu.memory_space<vmem>>) dst(%dma_wait3A_1150 : memref<2x8192xf32, #tpu.memory_space<hbm>>)
    %dma_start3A_1151 = arith.constant 50 : i32
    %dma_start3A_1152 = arith.constant 0 : i32
    %dma_start3A_1153 = tpu.memref_slice %arg5[%dma_start3A_1151, %dma_start3A_1152] : memref<64x2xi32, #tpu.memory_space<vmem>> -> memref<1x2xi32, #tpu.memory_space<vmem>>
    %dma_start3A_1154 = tpu.memref_squeeze %dma_start3A_1153 : memref<1x2xi32, #tpu.memory_space<vmem>> -> memref<2xi32, #tpu.memory_space<vmem>>
    %dma_start3A_1155 = arith.constant 0 : i32
    %dma_start3A_1156 = arith.constant 0 : i32
    %dma_start3A_1157 = tpu.memref_slice %arg3[%dma_start3A_1155, %dma_start3A_1156] : memref<100000x8192xf32, #tpu.memory_space<hbm>> -> memref<100000x8192xf32, #tpu.memory_space<hbm>>
    tpu.enqueue_indirect_dma source(%dma_start3A_1157 : memref<100000x8192xf32, #tpu.memory_space<hbm>>) target(%arg7 : memref<2x8192xf32, #tpu.memory_space<vmem>>) offsets(%dma_start3A_1154 : memref<2xi32, #tpu.memory_space<vmem>>) semaphore(%arg14 : memref<!tpu.dma_semaphore, #tpu.memory_space<semaphore_mem>>)
    %dma_wait3A_1158 = arith.constant 48 : i32
    %dma_wait3A_1159 = arith.constant 0 : i32
    %dma_wait3A_1160 = tpu.memref_slice %arg5[%dma_wait3A_1158, %dma_wait3A_1159] : memref<64x2xi32, #tpu.memory_space<vmem>> -> memref<1x2xi32, #tpu.memory_space<vmem>>
    %dma_wait3A_1161 = tpu.memref_squeeze %dma_wait3A_1160 : memref<1x2xi32, #tpu.memory_space<vmem>> -> memref<2xi32, #tpu.memory_space<vmem>>
    %dma_wait3A_1162 = arith.constant 0 : i32
    %dma_wait3A_1163 = arith.constant 0 : i32
    %dma_wait3A_1164 = tpu.memref_slice %arg3[%dma_wait3A_1162, %dma_wait3A_1163] : memref<100000x8192xf32, #tpu.memory_space<hbm>> -> memref<100000x8192xf32, #tpu.memory_space<hbm>>
    tpu.wait_indirect_dma semaphore(%arg19 : memref<!tpu.dma_semaphore, #tpu.memory_space<semaphore_mem>>) src(%dma_wait3A_1164 : memref<100000x8192xf32, #tpu.memory_space<hbm>>) dst(%arg12 : memref<2x8192xf32, #tpu.memory_space<vmem>>)
    %add3A_1165 = arith.constant 96 : i32
    %add3A_1166 = arith.addi %mul3A_2, %add3A_1165 : i32
    %dma_start3A_1167 = arith.constant 0 : i32
    %dma_start3A_1168 = tpu.memref_slice %arg4[%add3A_1166, %dma_start3A_1167] : memref<4096x8192xf32, #tpu.memory_space<hbm>> -> memref<2x8192xf32, #tpu.memory_space<hbm>>
    %dma_start3A_1169 = arith.constant 0 : i32
    %dma_start3A_1170 = tpu.memref_slice %arg4[%add3A_1166, %dma_start3A_1169] : memref<4096x8192xf32, #tpu.memory_space<hbm>> -> memref<2x8192xf32, #tpu.memory_space<hbm>>
    tpu.enqueue_dma source(%arg12 : memref<2x8192xf32, #tpu.memory_space<vmem>>) target(%dma_start3A_1170 : memref<2x8192xf32, #tpu.memory_space<hbm>>) target_semaphore(%arg26 : memref<!tpu.dma_semaphore, #tpu.memory_space<semaphore_mem>>)
    %dma_wait3A_1171 = arith.constant 0 : i32
    %dma_wait3A_1172 = tpu.memref_slice %arg4[%add3A_1070, %dma_wait3A_1171] : memref<4096x8192xf32, #tpu.memory_space<hbm>> -> memref<2x8192xf32, #tpu.memory_space<hbm>>
    %dma_wait3A_1173 = arith.constant 0 : i32
    %dma_wait3A_1174 = tpu.memref_slice %arg4[%add3A_1070, %dma_wait3A_1173] : memref<4096x8192xf32, #tpu.memory_space<hbm>> -> memref<2x8192xf32, #tpu.memory_space<hbm>>
    tpu.wait_dma2 semaphore(%arg22 : memref<!tpu.dma_semaphore, #tpu.memory_space<semaphore_mem>>) src(%arg8 : memref<2x8192xf32, #tpu.memory_space<vmem>>) dst(%dma_wait3A_1174 : memref<2x8192xf32, #tpu.memory_space<hbm>>)
    %dma_start3A_1175 = arith.constant 51 : i32
    %dma_start3A_1176 = arith.constant 0 : i32
    %dma_start3A_1177 = tpu.memref_slice %arg5[%dma_start3A_1175, %dma_start3A_1176] : memref<64x2xi32, #tpu.memory_space<vmem>> -> memref<1x2xi32, #tpu.memory_space<vmem>>
    %dma_start3A_1178 = tpu.memref_squeeze %dma_start3A_1177 : memref<1x2xi32, #tpu.memory_space<vmem>> -> memref<2xi32, #tpu.memory_space<vmem>>
    %dma_start3A_1179 = arith.constant 0 : i32
    %dma_start3A_1180 = arith.constant 0 : i32
    %dma_start3A_1181 = tpu.memref_slice %arg3[%dma_start3A_1179, %dma_start3A_1180] : memref<100000x8192xf32, #tpu.memory_space<hbm>> -> memref<100000x8192xf32, #tpu.memory_space<hbm>>
    tpu.enqueue_indirect_dma source(%dma_start3A_1181 : memref<100000x8192xf32, #tpu.memory_space<hbm>>) target(%arg8 : memref<2x8192xf32, #tpu.memory_space<vmem>>) offsets(%dma_start3A_1178 : memref<2xi32, #tpu.memory_space<vmem>>) semaphore(%arg15 : memref<!tpu.dma_semaphore, #tpu.memory_space<semaphore_mem>>)
    %dma_wait3A_1182 = arith.constant 49 : i32
    %dma_wait3A_1183 = arith.constant 0 : i32
    %dma_wait3A_1184 = tpu.memref_slice %arg5[%dma_wait3A_1182, %dma_wait3A_1183] : memref<64x2xi32, #tpu.memory_space<vmem>> -> memref<1x2xi32, #tpu.memory_space<vmem>>
    %dma_wait3A_1185 = tpu.memref_squeeze %dma_wait3A_1184 : memref<1x2xi32, #tpu.memory_space<vmem>> -> memref<2xi32, #tpu.memory_space<vmem>>
    %dma_wait3A_1186 = arith.constant 0 : i32
    %dma_wait3A_1187 = arith.constant 0 : i32
    %dma_wait3A_1188 = tpu.memref_slice %arg3[%dma_wait3A_1186, %dma_wait3A_1187] : memref<100000x8192xf32, #tpu.memory_space<hbm>> -> memref<100000x8192xf32, #tpu.memory_space<hbm>>
    tpu.wait_indirect_dma semaphore(%arg13 : memref<!tpu.dma_semaphore, #tpu.memory_space<semaphore_mem>>) src(%dma_wait3A_1188 : memref<100000x8192xf32, #tpu.memory_space<hbm>>) dst(%arg6 : memref<2x8192xf32, #tpu.memory_space<vmem>>)
    %add3A_1189 = arith.constant 98 : i32
    %add3A_1190 = arith.addi %mul3A_2, %add3A_1189 : i32
    %dma_start3A_1191 = arith.constant 0 : i32
    %dma_start3A_1192 = tpu.memref_slice %arg4[%add3A_1190, %dma_start3A_1191] : memref<4096x8192xf32, #tpu.memory_space<hbm>> -> memref<2x8192xf32, #tpu.memory_space<hbm>>
    %dma_start3A_1193 = arith.constant 0 : i32
    %dma_start3A_1194 = tpu.memref_slice %arg4[%add3A_1190, %dma_start3A_1193] : memref<4096x8192xf32, #tpu.memory_space<hbm>> -> memref<2x8192xf32, #tpu.memory_space<hbm>>
    tpu.enqueue_dma source(%arg6 : memref<2x8192xf32, #tpu.memory_space<vmem>>) target(%dma_start3A_1194 : memref<2x8192xf32, #tpu.memory_space<hbm>>) target_semaphore(%arg20 : memref<!tpu.dma_semaphore, #tpu.memory_space<semaphore_mem>>)
    %dma_wait3A_1195 = arith.constant 0 : i32
    %dma_wait3A_1196 = tpu.memref_slice %arg4[%add3A_1094, %dma_wait3A_1195] : memref<4096x8192xf32, #tpu.memory_space<hbm>> -> memref<2x8192xf32, #tpu.memory_space<hbm>>
    %dma_wait3A_1197 = arith.constant 0 : i32
    %dma_wait3A_1198 = tpu.memref_slice %arg4[%add3A_1094, %dma_wait3A_1197] : memref<4096x8192xf32, #tpu.memory_space<hbm>> -> memref<2x8192xf32, #tpu.memory_space<hbm>>
    tpu.wait_dma2 semaphore(%arg23 : memref<!tpu.dma_semaphore, #tpu.memory_space<semaphore_mem>>) src(%arg9 : memref<2x8192xf32, #tpu.memory_space<vmem>>) dst(%dma_wait3A_1198 : memref<2x8192xf32, #tpu.memory_space<hbm>>)
    %dma_start3A_1199 = arith.constant 52 : i32
    %dma_start3A_1200 = arith.constant 0 : i32
    %dma_start3A_1201 = tpu.memref_slice %arg5[%dma_start3A_1199, %dma_start3A_1200] : memref<64x2xi32, #tpu.memory_space<vmem>> -> memref<1x2xi32, #tpu.memory_space<vmem>>
    %dma_start3A_1202 = tpu.memref_squeeze %dma_start3A_1201 : memref<1x2xi32, #tpu.memory_space<vmem>> -> memref<2xi32, #tpu.memory_space<vmem>>
    %dma_start3A_1203 = arith.constant 0 : i32
    %dma_start3A_1204 = arith.constant 0 : i32
    %dma_start3A_1205 = tpu.memref_slice %arg3[%dma_start3A_1203, %dma_start3A_1204] : memref<100000x8192xf32, #tpu.memory_space<hbm>> -> memref<100000x8192xf32, #tpu.memory_space<hbm>>
    tpu.enqueue_indirect_dma source(%dma_start3A_1205 : memref<100000x8192xf32, #tpu.memory_space<hbm>>) target(%arg9 : memref<2x8192xf32, #tpu.memory_space<vmem>>) offsets(%dma_start3A_1202 : memref<2xi32, #tpu.memory_space<vmem>>) semaphore(%arg16 : memref<!tpu.dma_semaphore, #tpu.memory_space<semaphore_mem>>)
    %dma_wait3A_1206 = arith.constant 50 : i32
    %dma_wait3A_1207 = arith.constant 0 : i32
    %dma_wait3A_1208 = tpu.memref_slice %arg5[%dma_wait3A_1206, %dma_wait3A_1207] : memref<64x2xi32, #tpu.memory_space<vmem>> -> memref<1x2xi32, #tpu.memory_space<vmem>>
    %dma_wait3A_1209 = tpu.memref_squeeze %dma_wait3A_1208 : memref<1x2xi32, #tpu.memory_space<vmem>> -> memref<2xi32, #tpu.memory_space<vmem>>
    %dma_wait3A_1210 = arith.constant 0 : i32
    %dma_wait3A_1211 = arith.constant 0 : i32
    %dma_wait3A_1212 = tpu.memref_slice %arg3[%dma_wait3A_1210, %dma_wait3A_1211] : memref<100000x8192xf32, #tpu.memory_space<hbm>> -> memref<100000x8192xf32, #tpu.memory_space<hbm>>
    tpu.wait_indirect_dma semaphore(%arg14 : memref<!tpu.dma_semaphore, #tpu.memory_space<semaphore_mem>>) src(%dma_wait3A_1212 : memref<100000x8192xf32, #tpu.memory_space<hbm>>) dst(%arg7 : memref<2x8192xf32, #tpu.memory_space<vmem>>)
    %add3A_1213 = arith.constant 100 : i32
    %add3A_1214 = arith.addi %mul3A_2, %add3A_1213 : i32
    %dma_start3A_1215 = arith.constant 0 : i32
    %dma_start3A_1216 = tpu.memref_slice %arg4[%add3A_1214, %dma_start3A_1215] : memref<4096x8192xf32, #tpu.memory_space<hbm>> -> memref<2x8192xf32, #tpu.memory_space<hbm>>
    %dma_start3A_1217 = arith.constant 0 : i32
    %dma_start3A_1218 = tpu.memref_slice %arg4[%add3A_1214, %dma_start3A_1217] : memref<4096x8192xf32, #tpu.memory_space<hbm>> -> memref<2x8192xf32, #tpu.memory_space<hbm>>
    tpu.enqueue_dma source(%arg7 : memref<2x8192xf32, #tpu.memory_space<vmem>>) target(%dma_start3A_1218 : memref<2x8192xf32, #tpu.memory_space<hbm>>) target_semaphore(%arg21 : memref<!tpu.dma_semaphore, #tpu.memory_space<semaphore_mem>>)
    %dma_wait3A_1219 = arith.constant 0 : i32
    %dma_wait3A_1220 = tpu.memref_slice %arg4[%add3A_1118, %dma_wait3A_1219] : memref<4096x8192xf32, #tpu.memory_space<hbm>> -> memref<2x8192xf32, #tpu.memory_space<hbm>>
    %dma_wait3A_1221 = arith.constant 0 : i32
    %dma_wait3A_1222 = tpu.memref_slice %arg4[%add3A_1118, %dma_wait3A_1221] : memref<4096x8192xf32, #tpu.memory_space<hbm>> -> memref<2x8192xf32, #tpu.memory_space<hbm>>
    tpu.wait_dma2 semaphore(%arg24 : memref<!tpu.dma_semaphore, #tpu.memory_space<semaphore_mem>>) src(%arg10 : memref<2x8192xf32, #tpu.memory_space<vmem>>) dst(%dma_wait3A_1222 : memref<2x8192xf32, #tpu.memory_space<hbm>>)
    %dma_start3A_1223 = arith.constant 53 : i32
    %dma_start3A_1224 = arith.constant 0 : i32
    %dma_start3A_1225 = tpu.memref_slice %arg5[%dma_start3A_1223, %dma_start3A_1224] : memref<64x2xi32, #tpu.memory_space<vmem>> -> memref<1x2xi32, #tpu.memory_space<vmem>>
    %dma_start3A_1226 = tpu.memref_squeeze %dma_start3A_1225 : memref<1x2xi32, #tpu.memory_space<vmem>> -> memref<2xi32, #tpu.memory_space<vmem>>
    %dma_start3A_1227 = arith.constant 0 : i32
    %dma_start3A_1228 = arith.constant 0 : i32
    %dma_start3A_1229 = tpu.memref_slice %arg3[%dma_start3A_1227, %dma_start3A_1228] : memref<100000x8192xf32, #tpu.memory_space<hbm>> -> memref<100000x8192xf32, #tpu.memory_space<hbm>>
    tpu.enqueue_indirect_dma source(%dma_start3A_1229 : memref<100000x8192xf32, #tpu.memory_space<hbm>>) target(%arg10 : memref<2x8192xf32, #tpu.memory_space<vmem>>) offsets(%dma_start3A_1226 : memref<2xi32, #tpu.memory_space<vmem>>) semaphore(%arg17 : memref<!tpu.dma_semaphore, #tpu.memory_space<semaphore_mem>>)
    %dma_wait3A_1230 = arith.constant 51 : i32
    %dma_wait3A_1231 = arith.constant 0 : i32
    %dma_wait3A_1232 = tpu.memref_slice %arg5[%dma_wait3A_1230, %dma_wait3A_1231] : memref<64x2xi32, #tpu.memory_space<vmem>> -> memref<1x2xi32, #tpu.memory_space<vmem>>
    %dma_wait3A_1233 = tpu.memref_squeeze %dma_wait3A_1232 : memref<1x2xi32, #tpu.memory_space<vmem>> -> memref<2xi32, #tpu.memory_space<vmem>>
    %dma_wait3A_1234 = arith.constant 0 : i32
    %dma_wait3A_1235 = arith.constant 0 : i32
    %dma_wait3A_1236 = tpu.memref_slice %arg3[%dma_wait3A_1234, %dma_wait3A_1235] : memref<100000x8192xf32, #tpu.memory_space<hbm>> -> memref<100000x8192xf32, #tpu.memory_space<hbm>>
    tpu.wait_indirect_dma semaphore(%arg15 : memref<!tpu.dma_semaphore, #tpu.memory_space<semaphore_mem>>) src(%dma_wait3A_1236 : memref<100000x8192xf32, #tpu.memory_space<hbm>>) dst(%arg8 : memref<2x8192xf32, #tpu.memory_space<vmem>>)
    %add3A_1237 = arith.constant 102 : i32
    %add3A_1238 = arith.addi %mul3A_2, %add3A_1237 : i32
    %dma_start3A_1239 = arith.constant 0 : i32
    %dma_start3A_1240 = tpu.memref_slice %arg4[%add3A_1238, %dma_start3A_1239] : memref<4096x8192xf32, #tpu.memory_space<hbm>> -> memref<2x8192xf32, #tpu.memory_space<hbm>>
    %dma_start3A_1241 = arith.constant 0 : i32
    %dma_start3A_1242 = tpu.memref_slice %arg4[%add3A_1238, %dma_start3A_1241] : memref<4096x8192xf32, #tpu.memory_space<hbm>> -> memref<2x8192xf32, #tpu.memory_space<hbm>>
    tpu.enqueue_dma source(%arg8 : memref<2x8192xf32, #tpu.memory_space<vmem>>) target(%dma_start3A_1242 : memref<2x8192xf32, #tpu.memory_space<hbm>>) target_semaphore(%arg22 : memref<!tpu.dma_semaphore, #tpu.memory_space<semaphore_mem>>)
    %dma_wait3A_1243 = arith.constant 0 : i32
    %dma_wait3A_1244 = tpu.memref_slice %arg4[%add3A_1142, %dma_wait3A_1243] : memref<4096x8192xf32, #tpu.memory_space<hbm>> -> memref<2x8192xf32, #tpu.memory_space<hbm>>
    %dma_wait3A_1245 = arith.constant 0 : i32
    %dma_wait3A_1246 = tpu.memref_slice %arg4[%add3A_1142, %dma_wait3A_1245] : memref<4096x8192xf32, #tpu.memory_space<hbm>> -> memref<2x8192xf32, #tpu.memory_space<hbm>>
    tpu.wait_dma2 semaphore(%arg25 : memref<!tpu.dma_semaphore, #tpu.memory_space<semaphore_mem>>) src(%arg11 : memref<2x8192xf32, #tpu.memory_space<vmem>>) dst(%dma_wait3A_1246 : memref<2x8192xf32, #tpu.memory_space<hbm>>)
    %dma_start3A_1247 = arith.constant 54 : i32
    %dma_start3A_1248 = arith.constant 0 : i32
    %dma_start3A_1249 = tpu.memref_slice %arg5[%dma_start3A_1247, %dma_start3A_1248] : memref<64x2xi32, #tpu.memory_space<vmem>> -> memref<1x2xi32, #tpu.memory_space<vmem>>
    %dma_start3A_1250 = tpu.memref_squeeze %dma_start3A_1249 : memref<1x2xi32, #tpu.memory_space<vmem>> -> memref<2xi32, #tpu.memory_space<vmem>>
    %dma_start3A_1251 = arith.constant 0 : i32
    %dma_start3A_1252 = arith.constant 0 : i32
    %dma_start3A_1253 = tpu.memref_slice %arg3[%dma_start3A_1251, %dma_start3A_1252] : memref<100000x8192xf32, #tpu.memory_space<hbm>> -> memref<100000x8192xf32, #tpu.memory_space<hbm>>
    tpu.enqueue_indirect_dma source(%dma_start3A_1253 : memref<100000x8192xf32, #tpu.memory_space<hbm>>) target(%arg11 : memref<2x8192xf32, #tpu.memory_space<vmem>>) offsets(%dma_start3A_1250 : memref<2xi32, #tpu.memory_space<vmem>>) semaphore(%arg18 : memref<!tpu.dma_semaphore, #tpu.memory_space<semaphore_mem>>)
    %dma_wait3A_1254 = arith.constant 52 : i32
    %dma_wait3A_1255 = arith.constant 0 : i32
    %dma_wait3A_1256 = tpu.memref_slice %arg5[%dma_wait3A_1254, %dma_wait3A_1255] : memref<64x2xi32, #tpu.memory_space<vmem>> -> memref<1x2xi32, #tpu.memory_space<vmem>>
    %dma_wait3A_1257 = tpu.memref_squeeze %dma_wait3A_1256 : memref<1x2xi32, #tpu.memory_space<vmem>> -> memref<2xi32, #tpu.memory_space<vmem>>
    %dma_wait3A_1258 = arith.constant 0 : i32
    %dma_wait3A_1259 = arith.constant 0 : i32
    %dma_wait3A_1260 = tpu.memref_slice %arg3[%dma_wait3A_1258, %dma_wait3A_1259] : memref<100000x8192xf32, #tpu.memory_space<hbm>> -> memref<100000x8192xf32, #tpu.memory_space<hbm>>
    tpu.wait_indirect_dma semaphore(%arg16 : memref<!tpu.dma_semaphore, #tpu.memory_space<semaphore_mem>>) src(%dma_wait3A_1260 : memref<100000x8192xf32, #tpu.memory_space<hbm>>) dst(%arg9 : memref<2x8192xf32, #tpu.memory_space<vmem>>)
    %add3A_1261 = arith.constant 104 : i32
    %add3A_1262 = arith.addi %mul3A_2, %add3A_1261 : i32
    %dma_start3A_1263 = arith.constant 0 : i32
    %dma_start3A_1264 = tpu.memref_slice %arg4[%add3A_1262, %dma_start3A_1263] : memref<4096x8192xf32, #tpu.memory_space<hbm>> -> memref<2x8192xf32, #tpu.memory_space<hbm>>
    %dma_start3A_1265 = arith.constant 0 : i32
    %dma_start3A_1266 = tpu.memref_slice %arg4[%add3A_1262, %dma_start3A_1265] : memref<4096x8192xf32, #tpu.memory_space<hbm>> -> memref<2x8192xf32, #tpu.memory_space<hbm>>
    tpu.enqueue_dma source(%arg9 : memref<2x8192xf32, #tpu.memory_space<vmem>>) target(%dma_start3A_1266 : memref<2x8192xf32, #tpu.memory_space<hbm>>) target_semaphore(%arg23 : memref<!tpu.dma_semaphore, #tpu.memory_space<semaphore_mem>>)
    %dma_wait3A_1267 = arith.constant 0 : i32
    %dma_wait3A_1268 = tpu.memref_slice %arg4[%add3A_1166, %dma_wait3A_1267] : memref<4096x8192xf32, #tpu.memory_space<hbm>> -> memref<2x8192xf32, #tpu.memory_space<hbm>>
    %dma_wait3A_1269 = arith.constant 0 : i32
    %dma_wait3A_1270 = tpu.memref_slice %arg4[%add3A_1166, %dma_wait3A_1269] : memref<4096x8192xf32, #tpu.memory_space<hbm>> -> memref<2x8192xf32, #tpu.memory_space<hbm>>
    tpu.wait_dma2 semaphore(%arg26 : memref<!tpu.dma_semaphore, #tpu.memory_space<semaphore_mem>>) src(%arg12 : memref<2x8192xf32, #tpu.memory_space<vmem>>) dst(%dma_wait3A_1270 : memref<2x8192xf32, #tpu.memory_space<hbm>>)
    %dma_start3A_1271 = arith.constant 55 : i32
    %dma_start3A_1272 = arith.constant 0 : i32
    %dma_start3A_1273 = tpu.memref_slice %arg5[%dma_start3A_1271, %dma_start3A_1272] : memref<64x2xi32, #tpu.memory_space<vmem>> -> memref<1x2xi32, #tpu.memory_space<vmem>>
    %dma_start3A_1274 = tpu.memref_squeeze %dma_start3A_1273 : memref<1x2xi32, #tpu.memory_space<vmem>> -> memref<2xi32, #tpu.memory_space<vmem>>
    %dma_start3A_1275 = arith.constant 0 : i32
    %dma_start3A_1276 = arith.constant 0 : i32
    %dma_start3A_1277 = tpu.memref_slice %arg3[%dma_start3A_1275, %dma_start3A_1276] : memref<100000x8192xf32, #tpu.memory_space<hbm>> -> memref<100000x8192xf32, #tpu.memory_space<hbm>>
    tpu.enqueue_indirect_dma source(%dma_start3A_1277 : memref<100000x8192xf32, #tpu.memory_space<hbm>>) target(%arg12 : memref<2x8192xf32, #tpu.memory_space<vmem>>) offsets(%dma_start3A_1274 : memref<2xi32, #tpu.memory_space<vmem>>) semaphore(%arg19 : memref<!tpu.dma_semaphore, #tpu.memory_space<semaphore_mem>>)
    %dma_wait3A_1278 = arith.constant 53 : i32
    %dma_wait3A_1279 = arith.constant 0 : i32
    %dma_wait3A_1280 = tpu.memref_slice %arg5[%dma_wait3A_1278, %dma_wait3A_1279] : memref<64x2xi32, #tpu.memory_space<vmem>> -> memref<1x2xi32, #tpu.memory_space<vmem>>
    %dma_wait3A_1281 = tpu.memref_squeeze %dma_wait3A_1280 : memref<1x2xi32, #tpu.memory_space<vmem>> -> memref<2xi32, #tpu.memory_space<vmem>>
    %dma_wait3A_1282 = arith.constant 0 : i32
    %dma_wait3A_1283 = arith.constant 0 : i32
    %dma_wait3A_1284 = tpu.memref_slice %arg3[%dma_wait3A_1282, %dma_wait3A_1283] : memref<100000x8192xf32, #tpu.memory_space<hbm>> -> memref<100000x8192xf32, #tpu.memory_space<hbm>>
    tpu.wait_indirect_dma semaphore(%arg17 : memref<!tpu.dma_semaphore, #tpu.memory_space<semaphore_mem>>) src(%dma_wait3A_1284 : memref<100000x8192xf32, #tpu.memory_space<hbm>>) dst(%arg10 : memref<2x8192xf32, #tpu.memory_space<vmem>>)
    %add3A_1285 = arith.constant 106 : i32
    %add3A_1286 = arith.addi %mul3A_2, %add3A_1285 : i32
    %dma_start3A_1287 = arith.constant 0 : i32
    %dma_start3A_1288 = tpu.memref_slice %arg4[%add3A_1286, %dma_start3A_1287] : memref<4096x8192xf32, #tpu.memory_space<hbm>> -> memref<2x8192xf32, #tpu.memory_space<hbm>>
    %dma_start3A_1289 = arith.constant 0 : i32
    %dma_start3A_1290 = tpu.memref_slice %arg4[%add3A_1286, %dma_start3A_1289] : memref<4096x8192xf32, #tpu.memory_space<hbm>> -> memref<2x8192xf32, #tpu.memory_space<hbm>>
    tpu.enqueue_dma source(%arg10 : memref<2x8192xf32, #tpu.memory_space<vmem>>) target(%dma_start3A_1290 : memref<2x8192xf32, #tpu.memory_space<hbm>>) target_semaphore(%arg24 : memref<!tpu.dma_semaphore, #tpu.memory_space<semaphore_mem>>)
    %dma_wait3A_1291 = arith.constant 0 : i32
    %dma_wait3A_1292 = tpu.memref_slice %arg4[%add3A_1190, %dma_wait3A_1291] : memref<4096x8192xf32, #tpu.memory_space<hbm>> -> memref<2x8192xf32, #tpu.memory_space<hbm>>
    %dma_wait3A_1293 = arith.constant 0 : i32
    %dma_wait3A_1294 = tpu.memref_slice %arg4[%add3A_1190, %dma_wait3A_1293] : memref<4096x8192xf32, #tpu.memory_space<hbm>> -> memref<2x8192xf32, #tpu.memory_space<hbm>>
    tpu.wait_dma2 semaphore(%arg20 : memref<!tpu.dma_semaphore, #tpu.memory_space<semaphore_mem>>) src(%arg6 : memref<2x8192xf32, #tpu.memory_space<vmem>>) dst(%dma_wait3A_1294 : memref<2x8192xf32, #tpu.memory_space<hbm>>)
    %dma_start3A_1295 = arith.constant 56 : i32
    %dma_start3A_1296 = arith.constant 0 : i32
    %dma_start3A_1297 = tpu.memref_slice %arg5[%dma_start3A_1295, %dma_start3A_1296] : memref<64x2xi32, #tpu.memory_space<vmem>> -> memref<1x2xi32, #tpu.memory_space<vmem>>
    %dma_start3A_1298 = tpu.memref_squeeze %dma_start3A_1297 : memref<1x2xi32, #tpu.memory_space<vmem>> -> memref<2xi32, #tpu.memory_space<vmem>>
    %dma_start3A_1299 = arith.constant 0 : i32
    %dma_start3A_1300 = arith.constant 0 : i32
    %dma_start3A_1301 = tpu.memref_slice %arg3[%dma_start3A_1299, %dma_start3A_1300] : memref<100000x8192xf32, #tpu.memory_space<hbm>> -> memref<100000x8192xf32, #tpu.memory_space<hbm>>
    tpu.enqueue_indirect_dma source(%dma_start3A_1301 : memref<100000x8192xf32, #tpu.memory_space<hbm>>) target(%arg6 : memref<2x8192xf32, #tpu.memory_space<vmem>>) offsets(%dma_start3A_1298 : memref<2xi32, #tpu.memory_space<vmem>>) semaphore(%arg13 : memref<!tpu.dma_semaphore, #tpu.memory_space<semaphore_mem>>)
    %dma_wait3A_1302 = arith.constant 54 : i32
    %dma_wait3A_1303 = arith.constant 0 : i32
    %dma_wait3A_1304 = tpu.memref_slice %arg5[%dma_wait3A_1302, %dma_wait3A_1303] : memref<64x2xi32, #tpu.memory_space<vmem>> -> memref<1x2xi32, #tpu.memory_space<vmem>>
    %dma_wait3A_1305 = tpu.memref_squeeze %dma_wait3A_1304 : memref<1x2xi32, #tpu.memory_space<vmem>> -> memref<2xi32, #tpu.memory_space<vmem>>
    %dma_wait3A_1306 = arith.constant 0 : i32
    %dma_wait3A_1307 = arith.constant 0 : i32
    %dma_wait3A_1308 = tpu.memref_slice %arg3[%dma_wait3A_1306, %dma_wait3A_1307] : memref<100000x8192xf32, #tpu.memory_space<hbm>> -> memref<100000x8192xf32, #tpu.memory_space<hbm>>
    tpu.wait_indirect_dma semaphore(%arg18 : memref<!tpu.dma_semaphore, #tpu.memory_space<semaphore_mem>>) src(%dma_wait3A_1308 : memref<100000x8192xf32, #tpu.memory_space<hbm>>) dst(%arg11 : memref<2x8192xf32, #tpu.memory_space<vmem>>)
    %add3A_1309 = arith.constant 108 : i32
    %add3A_1310 = arith.addi %mul3A_2, %add3A_1309 : i32
    %dma_start3A_1311 = arith.constant 0 : i32
    %dma_start3A_1312 = tpu.memref_slice %arg4[%add3A_1310, %dma_start3A_1311] : memref<4096x8192xf32, #tpu.memory_space<hbm>> -> memref<2x8192xf32, #tpu.memory_space<hbm>>
    %dma_start3A_1313 = arith.constant 0 : i32
    %dma_start3A_1314 = tpu.memref_slice %arg4[%add3A_1310, %dma_start3A_1313] : memref<4096x8192xf32, #tpu.memory_space<hbm>> -> memref<2x8192xf32, #tpu.memory_space<hbm>>
    tpu.enqueue_dma source(%arg11 : memref<2x8192xf32, #tpu.memory_space<vmem>>) target(%dma_start3A_1314 : memref<2x8192xf32, #tpu.memory_space<hbm>>) target_semaphore(%arg25 : memref<!tpu.dma_semaphore, #tpu.memory_space<semaphore_mem>>)
    %dma_wait3A_1315 = arith.constant 0 : i32
    %dma_wait3A_1316 = tpu.memref_slice %arg4[%add3A_1214, %dma_wait3A_1315] : memref<4096x8192xf32, #tpu.memory_space<hbm>> -> memref<2x8192xf32, #tpu.memory_space<hbm>>
    %dma_wait3A_1317 = arith.constant 0 : i32
    %dma_wait3A_1318 = tpu.memref_slice %arg4[%add3A_1214, %dma_wait3A_1317] : memref<4096x8192xf32, #tpu.memory_space<hbm>> -> memref<2x8192xf32, #tpu.memory_space<hbm>>
    tpu.wait_dma2 semaphore(%arg21 : memref<!tpu.dma_semaphore, #tpu.memory_space<semaphore_mem>>) src(%arg7 : memref<2x8192xf32, #tpu.memory_space<vmem>>) dst(%dma_wait3A_1318 : memref<2x8192xf32, #tpu.memory_space<hbm>>)
    %dma_start3A_1319 = arith.constant 57 : i32
    %dma_start3A_1320 = arith.constant 0 : i32
    %dma_start3A_1321 = tpu.memref_slice %arg5[%dma_start3A_1319, %dma_start3A_1320] : memref<64x2xi32, #tpu.memory_space<vmem>> -> memref<1x2xi32, #tpu.memory_space<vmem>>
    %dma_start3A_1322 = tpu.memref_squeeze %dma_start3A_1321 : memref<1x2xi32, #tpu.memory_space<vmem>> -> memref<2xi32, #tpu.memory_space<vmem>>
    %dma_start3A_1323 = arith.constant 0 : i32
    %dma_start3A_1324 = arith.constant 0 : i32
    %dma_start3A_1325 = tpu.memref_slice %arg3[%dma_start3A_1323, %dma_start3A_1324] : memref<100000x8192xf32, #tpu.memory_space<hbm>> -> memref<100000x8192xf32, #tpu.memory_space<hbm>>
    tpu.enqueue_indirect_dma source(%dma_start3A_1325 : memref<100000x8192xf32, #tpu.memory_space<hbm>>) target(%arg7 : memref<2x8192xf32, #tpu.memory_space<vmem>>) offsets(%dma_start3A_1322 : memref<2xi32, #tpu.memory_space<vmem>>) semaphore(%arg14 : memref<!tpu.dma_semaphore, #tpu.memory_space<semaphore_mem>>)
    %dma_wait3A_1326 = arith.constant 55 : i32
    %dma_wait3A_1327 = arith.constant 0 : i32
    %dma_wait3A_1328 = tpu.memref_slice %arg5[%dma_wait3A_1326, %dma_wait3A_1327] : memref<64x2xi32, #tpu.memory_space<vmem>> -> memref<1x2xi32, #tpu.memory_space<vmem>>
    %dma_wait3A_1329 = tpu.memref_squeeze %dma_wait3A_1328 : memref<1x2xi32, #tpu.memory_space<vmem>> -> memref<2xi32, #tpu.memory_space<vmem>>
    %dma_wait3A_1330 = arith.constant 0 : i32
    %dma_wait3A_1331 = arith.constant 0 : i32
    %dma_wait3A_1332 = tpu.memref_slice %arg3[%dma_wait3A_1330, %dma_wait3A_1331] : memref<100000x8192xf32, #tpu.memory_space<hbm>> -> memref<100000x8192xf32, #tpu.memory_space<hbm>>
    tpu.wait_indirect_dma semaphore(%arg19 : memref<!tpu.dma_semaphore, #tpu.memory_space<semaphore_mem>>) src(%dma_wait3A_1332 : memref<100000x8192xf32, #tpu.memory_space<hbm>>) dst(%arg12 : memref<2x8192xf32, #tpu.memory_space<vmem>>)
    %add3A_1333 = arith.constant 110 : i32
    %add3A_1334 = arith.addi %mul3A_2, %add3A_1333 : i32
    %dma_start3A_1335 = arith.constant 0 : i32
    %dma_start3A_1336 = tpu.memref_slice %arg4[%add3A_1334, %dma_start3A_1335] : memref<4096x8192xf32, #tpu.memory_space<hbm>> -> memref<2x8192xf32, #tpu.memory_space<hbm>>
    %dma_start3A_1337 = arith.constant 0 : i32
    %dma_start3A_1338 = tpu.memref_slice %arg4[%add3A_1334, %dma_start3A_1337] : memref<4096x8192xf32, #tpu.memory_space<hbm>> -> memref<2x8192xf32, #tpu.memory_space<hbm>>
    tpu.enqueue_dma source(%arg12 : memref<2x8192xf32, #tpu.memory_space<vmem>>) target(%dma_start3A_1338 : memref<2x8192xf32, #tpu.memory_space<hbm>>) target_semaphore(%arg26 : memref<!tpu.dma_semaphore, #tpu.memory_space<semaphore_mem>>)
    %dma_wait3A_1339 = arith.constant 0 : i32
    %dma_wait3A_1340 = tpu.memref_slice %arg4[%add3A_1238, %dma_wait3A_1339] : memref<4096x8192xf32, #tpu.memory_space<hbm>> -> memref<2x8192xf32, #tpu.memory_space<hbm>>
    %dma_wait3A_1341 = arith.constant 0 : i32
    %dma_wait3A_1342 = tpu.memref_slice %arg4[%add3A_1238, %dma_wait3A_1341] : memref<4096x8192xf32, #tpu.memory_space<hbm>> -> memref<2x8192xf32, #tpu.memory_space<hbm>>
    tpu.wait_dma2 semaphore(%arg22 : memref<!tpu.dma_semaphore, #tpu.memory_space<semaphore_mem>>) src(%arg8 : memref<2x8192xf32, #tpu.memory_space<vmem>>) dst(%dma_wait3A_1342 : memref<2x8192xf32, #tpu.memory_space<hbm>>)
    %dma_start3A_1343 = arith.constant 58 : i32
    %dma_start3A_1344 = arith.constant 0 : i32
    %dma_start3A_1345 = tpu.memref_slice %arg5[%dma_start3A_1343, %dma_start3A_1344] : memref<64x2xi32, #tpu.memory_space<vmem>> -> memref<1x2xi32, #tpu.memory_space<vmem>>
    %dma_start3A_1346 = tpu.memref_squeeze %dma_start3A_1345 : memref<1x2xi32, #tpu.memory_space<vmem>> -> memref<2xi32, #tpu.memory_space<vmem>>
    %dma_start3A_1347 = arith.constant 0 : i32
    %dma_start3A_1348 = arith.constant 0 : i32
    %dma_start3A_1349 = tpu.memref_slice %arg3[%dma_start3A_1347, %dma_start3A_1348] : memref<100000x8192xf32, #tpu.memory_space<hbm>> -> memref<100000x8192xf32, #tpu.memory_space<hbm>>
    tpu.enqueue_indirect_dma source(%dma_start3A_1349 : memref<100000x8192xf32, #tpu.memory_space<hbm>>) target(%arg8 : memref<2x8192xf32, #tpu.memory_space<vmem>>) offsets(%dma_start3A_1346 : memref<2xi32, #tpu.memory_space<vmem>>) semaphore(%arg15 : memref<!tpu.dma_semaphore, #tpu.memory_space<semaphore_mem>>)
    %dma_wait3A_1350 = arith.constant 56 : i32
    %dma_wait3A_1351 = arith.constant 0 : i32
    %dma_wait3A_1352 = tpu.memref_slice %arg5[%dma_wait3A_1350, %dma_wait3A_1351] : memref<64x2xi32, #tpu.memory_space<vmem>> -> memref<1x2xi32, #tpu.memory_space<vmem>>
    %dma_wait3A_1353 = tpu.memref_squeeze %dma_wait3A_1352 : memref<1x2xi32, #tpu.memory_space<vmem>> -> memref<2xi32, #tpu.memory_space<vmem>>
    %dma_wait3A_1354 = arith.constant 0 : i32
    %dma_wait3A_1355 = arith.constant 0 : i32
    %dma_wait3A_1356 = tpu.memref_slice %arg3[%dma_wait3A_1354, %dma_wait3A_1355] : memref<100000x8192xf32, #tpu.memory_space<hbm>> -> memref<100000x8192xf32, #tpu.memory_space<hbm>>
    tpu.wait_indirect_dma semaphore(%arg13 : memref<!tpu.dma_semaphore, #tpu.memory_space<semaphore_mem>>) src(%dma_wait3A_1356 : memref<100000x8192xf32, #tpu.memory_space<hbm>>) dst(%arg6 : memref<2x8192xf32, #tpu.memory_space<vmem>>)
    %add3A_1357 = arith.constant 112 : i32
    %add3A_1358 = arith.addi %mul3A_2, %add3A_1357 : i32
    %dma_start3A_1359 = arith.constant 0 : i32
    %dma_start3A_1360 = tpu.memref_slice %arg4[%add3A_1358, %dma_start3A_1359] : memref<4096x8192xf32, #tpu.memory_space<hbm>> -> memref<2x8192xf32, #tpu.memory_space<hbm>>
    %dma_start3A_1361 = arith.constant 0 : i32
    %dma_start3A_1362 = tpu.memref_slice %arg4[%add3A_1358, %dma_start3A_1361] : memref<4096x8192xf32, #tpu.memory_space<hbm>> -> memref<2x8192xf32, #tpu.memory_space<hbm>>
    tpu.enqueue_dma source(%arg6 : memref<2x8192xf32, #tpu.memory_space<vmem>>) target(%dma_start3A_1362 : memref<2x8192xf32, #tpu.memory_space<hbm>>) target_semaphore(%arg20 : memref<!tpu.dma_semaphore, #tpu.memory_space<semaphore_mem>>)
    %dma_wait3A_1363 = arith.constant 0 : i32
    %dma_wait3A_1364 = tpu.memref_slice %arg4[%add3A_1262, %dma_wait3A_1363] : memref<4096x8192xf32, #tpu.memory_space<hbm>> -> memref<2x8192xf32, #tpu.memory_space<hbm>>
    %dma_wait3A_1365 = arith.constant 0 : i32
    %dma_wait3A_1366 = tpu.memref_slice %arg4[%add3A_1262, %dma_wait3A_1365] : memref<4096x8192xf32, #tpu.memory_space<hbm>> -> memref<2x8192xf32, #tpu.memory_space<hbm>>
    tpu.wait_dma2 semaphore(%arg23 : memref<!tpu.dma_semaphore, #tpu.memory_space<semaphore_mem>>) src(%arg9 : memref<2x8192xf32, #tpu.memory_space<vmem>>) dst(%dma_wait3A_1366 : memref<2x8192xf32, #tpu.memory_space<hbm>>)
    %dma_start3A_1367 = arith.constant 59 : i32
    %dma_start3A_1368 = arith.constant 0 : i32
    %dma_start3A_1369 = tpu.memref_slice %arg5[%dma_start3A_1367, %dma_start3A_1368] : memref<64x2xi32, #tpu.memory_space<vmem>> -> memref<1x2xi32, #tpu.memory_space<vmem>>
    %dma_start3A_1370 = tpu.memref_squeeze %dma_start3A_1369 : memref<1x2xi32, #tpu.memory_space<vmem>> -> memref<2xi32, #tpu.memory_space<vmem>>
    %dma_start3A_1371 = arith.constant 0 : i32
    %dma_start3A_1372 = arith.constant 0 : i32
    %dma_start3A_1373 = tpu.memref_slice %arg3[%dma_start3A_1371, %dma_start3A_1372] : memref<100000x8192xf32, #tpu.memory_space<hbm>> -> memref<100000x8192xf32, #tpu.memory_space<hbm>>
    tpu.enqueue_indirect_dma source(%dma_start3A_1373 : memref<100000x8192xf32, #tpu.memory_space<hbm>>) target(%arg9 : memref<2x8192xf32, #tpu.memory_space<vmem>>) offsets(%dma_start3A_1370 : memref<2xi32, #tpu.memory_space<vmem>>) semaphore(%arg16 : memref<!tpu.dma_semaphore, #tpu.memory_space<semaphore_mem>>)
    %dma_wait3A_1374 = arith.constant 57 : i32
    %dma_wait3A_1375 = arith.constant 0 : i32
    %dma_wait3A_1376 = tpu.memref_slice %arg5[%dma_wait3A_1374, %dma_wait3A_1375] : memref<64x2xi32, #tpu.memory_space<vmem>> -> memref<1x2xi32, #tpu.memory_space<vmem>>
    %dma_wait3A_1377 = tpu.memref_squeeze %dma_wait3A_1376 : memref<1x2xi32, #tpu.memory_space<vmem>> -> memref<2xi32, #tpu.memory_space<vmem>>
    %dma_wait3A_1378 = arith.constant 0 : i32
    %dma_wait3A_1379 = arith.constant 0 : i32
    %dma_wait3A_1380 = tpu.memref_slice %arg3[%dma_wait3A_1378, %dma_wait3A_1379] : memref<100000x8192xf32, #tpu.memory_space<hbm>> -> memref<100000x8192xf32, #tpu.memory_space<hbm>>
    tpu.wait_indirect_dma semaphore(%arg14 : memref<!tpu.dma_semaphore, #tpu.memory_space<semaphore_mem>>) src(%dma_wait3A_1380 : memref<100000x8192xf32, #tpu.memory_space<hbm>>) dst(%arg7 : memref<2x8192xf32, #tpu.memory_space<vmem>>)
    %add3A_1381 = arith.constant 114 : i32
    %add3A_1382 = arith.addi %mul3A_2, %add3A_1381 : i32
    %dma_start3A_1383 = arith.constant 0 : i32
    %dma_start3A_1384 = tpu.memref_slice %arg4[%add3A_1382, %dma_start3A_1383] : memref<4096x8192xf32, #tpu.memory_space<hbm>> -> memref<2x8192xf32, #tpu.memory_space<hbm>>
    %dma_start3A_1385 = arith.constant 0 : i32
    %dma_start3A_1386 = tpu.memref_slice %arg4[%add3A_1382, %dma_start3A_1385] : memref<4096x8192xf32, #tpu.memory_space<hbm>> -> memref<2x8192xf32, #tpu.memory_space<hbm>>
    tpu.enqueue_dma source(%arg7 : memref<2x8192xf32, #tpu.memory_space<vmem>>) target(%dma_start3A_1386 : memref<2x8192xf32, #tpu.memory_space<hbm>>) target_semaphore(%arg21 : memref<!tpu.dma_semaphore, #tpu.memory_space<semaphore_mem>>)
    %dma_wait3A_1387 = arith.constant 0 : i32
    %dma_wait3A_1388 = tpu.memref_slice %arg4[%add3A_1286, %dma_wait3A_1387] : memref<4096x8192xf32, #tpu.memory_space<hbm>> -> memref<2x8192xf32, #tpu.memory_space<hbm>>
    %dma_wait3A_1389 = arith.constant 0 : i32
    %dma_wait3A_1390 = tpu.memref_slice %arg4[%add3A_1286, %dma_wait3A_1389] : memref<4096x8192xf32, #tpu.memory_space<hbm>> -> memref<2x8192xf32, #tpu.memory_space<hbm>>
    tpu.wait_dma2 semaphore(%arg24 : memref<!tpu.dma_semaphore, #tpu.memory_space<semaphore_mem>>) src(%arg10 : memref<2x8192xf32, #tpu.memory_space<vmem>>) dst(%dma_wait3A_1390 : memref<2x8192xf32, #tpu.memory_space<hbm>>)
    %dma_start3A_1391 = arith.constant 60 : i32
    %dma_start3A_1392 = arith.constant 0 : i32
    %dma_start3A_1393 = tpu.memref_slice %arg5[%dma_start3A_1391, %dma_start3A_1392] : memref<64x2xi32, #tpu.memory_space<vmem>> -> memref<1x2xi32, #tpu.memory_space<vmem>>
    %dma_start3A_1394 = tpu.memref_squeeze %dma_start3A_1393 : memref<1x2xi32, #tpu.memory_space<vmem>> -> memref<2xi32, #tpu.memory_space<vmem>>
    %dma_start3A_1395 = arith.constant 0 : i32
    %dma_start3A_1396 = arith.constant 0 : i32
    %dma_start3A_1397 = tpu.memref_slice %arg3[%dma_start3A_1395, %dma_start3A_1396] : memref<100000x8192xf32, #tpu.memory_space<hbm>> -> memref<100000x8192xf32, #tpu.memory_space<hbm>>
    tpu.enqueue_indirect_dma source(%dma_start3A_1397 : memref<100000x8192xf32, #tpu.memory_space<hbm>>) target(%arg10 : memref<2x8192xf32, #tpu.memory_space<vmem>>) offsets(%dma_start3A_1394 : memref<2xi32, #tpu.memory_space<vmem>>) semaphore(%arg17 : memref<!tpu.dma_semaphore, #tpu.memory_space<semaphore_mem>>)
    %dma_wait3A_1398 = arith.constant 58 : i32
    %dma_wait3A_1399 = arith.constant 0 : i32
    %dma_wait3A_1400 = tpu.memref_slice %arg5[%dma_wait3A_1398, %dma_wait3A_1399] : memref<64x2xi32, #tpu.memory_space<vmem>> -> memref<1x2xi32, #tpu.memory_space<vmem>>
    %dma_wait3A_1401 = tpu.memref_squeeze %dma_wait3A_1400 : memref<1x2xi32, #tpu.memory_space<vmem>> -> memref<2xi32, #tpu.memory_space<vmem>>
    %dma_wait3A_1402 = arith.constant 0 : i32
    %dma_wait3A_1403 = arith.constant 0 : i32
    %dma_wait3A_1404 = tpu.memref_slice %arg3[%dma_wait3A_1402, %dma_wait3A_1403] : memref<100000x8192xf32, #tpu.memory_space<hbm>> -> memref<100000x8192xf32, #tpu.memory_space<hbm>>
    tpu.wait_indirect_dma semaphore(%arg15 : memref<!tpu.dma_semaphore, #tpu.memory_space<semaphore_mem>>) src(%dma_wait3A_1404 : memref<100000x8192xf32, #tpu.memory_space<hbm>>) dst(%arg8 : memref<2x8192xf32, #tpu.memory_space<vmem>>)
    %add3A_1405 = arith.constant 116 : i32
    %add3A_1406 = arith.addi %mul3A_2, %add3A_1405 : i32
    %dma_start3A_1407 = arith.constant 0 : i32
    %dma_start3A_1408 = tpu.memref_slice %arg4[%add3A_1406, %dma_start3A_1407] : memref<4096x8192xf32, #tpu.memory_space<hbm>> -> memref<2x8192xf32, #tpu.memory_space<hbm>>
    %dma_start3A_1409 = arith.constant 0 : i32
    %dma_start3A_1410 = tpu.memref_slice %arg4[%add3A_1406, %dma_start3A_1409] : memref<4096x8192xf32, #tpu.memory_space<hbm>> -> memref<2x8192xf32, #tpu.memory_space<hbm>>
    tpu.enqueue_dma source(%arg8 : memref<2x8192xf32, #tpu.memory_space<vmem>>) target(%dma_start3A_1410 : memref<2x8192xf32, #tpu.memory_space<hbm>>) target_semaphore(%arg22 : memref<!tpu.dma_semaphore, #tpu.memory_space<semaphore_mem>>)
    %dma_wait3A_1411 = arith.constant 0 : i32
    %dma_wait3A_1412 = tpu.memref_slice %arg4[%add3A_1310, %dma_wait3A_1411] : memref<4096x8192xf32, #tpu.memory_space<hbm>> -> memref<2x8192xf32, #tpu.memory_space<hbm>>
    %dma_wait3A_1413 = arith.constant 0 : i32
    %dma_wait3A_1414 = tpu.memref_slice %arg4[%add3A_1310, %dma_wait3A_1413] : memref<4096x8192xf32, #tpu.memory_space<hbm>> -> memref<2x8192xf32, #tpu.memory_space<hbm>>
    tpu.wait_dma2 semaphore(%arg25 : memref<!tpu.dma_semaphore, #tpu.memory_space<semaphore_mem>>) src(%arg11 : memref<2x8192xf32, #tpu.memory_space<vmem>>) dst(%dma_wait3A_1414 : memref<2x8192xf32, #tpu.memory_space<hbm>>)
    %dma_start3A_1415 = arith.constant 61 : i32
    %dma_start3A_1416 = arith.constant 0 : i32
    %dma_start3A_1417 = tpu.memref_slice %arg5[%dma_start3A_1415, %dma_start3A_1416] : memref<64x2xi32, #tpu.memory_space<vmem>> -> memref<1x2xi32, #tpu.memory_space<vmem>>
    %dma_start3A_1418 = tpu.memref_squeeze %dma_start3A_1417 : memref<1x2xi32, #tpu.memory_space<vmem>> -> memref<2xi32, #tpu.memory_space<vmem>>
    %dma_start3A_1419 = arith.constant 0 : i32
    %dma_start3A_1420 = arith.constant 0 : i32
    %dma_start3A_1421 = tpu.memref_slice %arg3[%dma_start3A_1419, %dma_start3A_1420] : memref<100000x8192xf32, #tpu.memory_space<hbm>> -> memref<100000x8192xf32, #tpu.memory_space<hbm>>
    tpu.enqueue_indirect_dma source(%dma_start3A_1421 : memref<100000x8192xf32, #tpu.memory_space<hbm>>) target(%arg11 : memref<2x8192xf32, #tpu.memory_space<vmem>>) offsets(%dma_start3A_1418 : memref<2xi32, #tpu.memory_space<vmem>>) semaphore(%arg18 : memref<!tpu.dma_semaphore, #tpu.memory_space<semaphore_mem>>)
    %dma_wait3A_1422 = arith.constant 59 : i32
    %dma_wait3A_1423 = arith.constant 0 : i32
    %dma_wait3A_1424 = tpu.memref_slice %arg5[%dma_wait3A_1422, %dma_wait3A_1423] : memref<64x2xi32, #tpu.memory_space<vmem>> -> memref<1x2xi32, #tpu.memory_space<vmem>>
    %dma_wait3A_1425 = tpu.memref_squeeze %dma_wait3A_1424 : memref<1x2xi32, #tpu.memory_space<vmem>> -> memref<2xi32, #tpu.memory_space<vmem>>
    %dma_wait3A_1426 = arith.constant 0 : i32
    %dma_wait3A_1427 = arith.constant 0 : i32
    %dma_wait3A_1428 = tpu.memref_slice %arg3[%dma_wait3A_1426, %dma_wait3A_1427] : memref<100000x8192xf32, #tpu.memory_space<hbm>> -> memref<100000x8192xf32, #tpu.memory_space<hbm>>
    tpu.wait_indirect_dma semaphore(%arg16 : memref<!tpu.dma_semaphore, #tpu.memory_space<semaphore_mem>>) src(%dma_wait3A_1428 : memref<100000x8192xf32, #tpu.memory_space<hbm>>) dst(%arg9 : memref<2x8192xf32, #tpu.memory_space<vmem>>)
    %add3A_1429 = arith.constant 118 : i32
    %add3A_1430 = arith.addi %mul3A_2, %add3A_1429 : i32
    %dma_start3A_1431 = arith.constant 0 : i32
    %dma_start3A_1432 = tpu.memref_slice %arg4[%add3A_1430, %dma_start3A_1431] : memref<4096x8192xf32, #tpu.memory_space<hbm>> -> memref<2x8192xf32, #tpu.memory_space<hbm>>
    %dma_start3A_1433 = arith.constant 0 : i32
    %dma_start3A_1434 = tpu.memref_slice %arg4[%add3A_1430, %dma_start3A_1433] : memref<4096x8192xf32, #tpu.memory_space<hbm>> -> memref<2x8192xf32, #tpu.memory_space<hbm>>
    tpu.enqueue_dma source(%arg9 : memref<2x8192xf32, #tpu.memory_space<vmem>>) target(%dma_start3A_1434 : memref<2x8192xf32, #tpu.memory_space<hbm>>) target_semaphore(%arg23 : memref<!tpu.dma_semaphore, #tpu.memory_space<semaphore_mem>>)
    %dma_wait3A_1435 = arith.constant 0 : i32
    %dma_wait3A_1436 = tpu.memref_slice %arg4[%add3A_1334, %dma_wait3A_1435] : memref<4096x8192xf32, #tpu.memory_space<hbm>> -> memref<2x8192xf32, #tpu.memory_space<hbm>>
    %dma_wait3A_1437 = arith.constant 0 : i32
    %dma_wait3A_1438 = tpu.memref_slice %arg4[%add3A_1334, %dma_wait3A_1437] : memref<4096x8192xf32, #tpu.memory_space<hbm>> -> memref<2x8192xf32, #tpu.memory_space<hbm>>
    tpu.wait_dma2 semaphore(%arg26 : memref<!tpu.dma_semaphore, #tpu.memory_space<semaphore_mem>>) src(%arg12 : memref<2x8192xf32, #tpu.memory_space<vmem>>) dst(%dma_wait3A_1438 : memref<2x8192xf32, #tpu.memory_space<hbm>>)
    %dma_start3A_1439 = arith.constant 62 : i32
    %dma_start3A_1440 = arith.constant 0 : i32
    %dma_start3A_1441 = tpu.memref_slice %arg5[%dma_start3A_1439, %dma_start3A_1440] : memref<64x2xi32, #tpu.memory_space<vmem>> -> memref<1x2xi32, #tpu.memory_space<vmem>>
    %dma_start3A_1442 = tpu.memref_squeeze %dma_start3A_1441 : memref<1x2xi32, #tpu.memory_space<vmem>> -> memref<2xi32, #tpu.memory_space<vmem>>
    %dma_start3A_1443 = arith.constant 0 : i32
    %dma_start3A_1444 = arith.constant 0 : i32
    %dma_start3A_1445 = tpu.memref_slice %arg3[%dma_start3A_1443, %dma_start3A_1444] : memref<100000x8192xf32, #tpu.memory_space<hbm>> -> memref<100000x8192xf32, #tpu.memory_space<hbm>>
    tpu.enqueue_indirect_dma source(%dma_start3A_1445 : memref<100000x8192xf32, #tpu.memory_space<hbm>>) target(%arg12 : memref<2x8192xf32, #tpu.memory_space<vmem>>) offsets(%dma_start3A_1442 : memref<2xi32, #tpu.memory_space<vmem>>) semaphore(%arg19 : memref<!tpu.dma_semaphore, #tpu.memory_space<semaphore_mem>>)
    %dma_wait3A_1446 = arith.constant 60 : i32
    %dma_wait3A_1447 = arith.constant 0 : i32
    %dma_wait3A_1448 = tpu.memref_slice %arg5[%dma_wait3A_1446, %dma_wait3A_1447] : memref<64x2xi32, #tpu.memory_space<vmem>> -> memref<1x2xi32, #tpu.memory_space<vmem>>
    %dma_wait3A_1449 = tpu.memref_squeeze %dma_wait3A_1448 : memref<1x2xi32, #tpu.memory_space<vmem>> -> memref<2xi32, #tpu.memory_space<vmem>>
    %dma_wait3A_1450 = arith.constant 0 : i32
    %dma_wait3A_1451 = arith.constant 0 : i32
    %dma_wait3A_1452 = tpu.memref_slice %arg3[%dma_wait3A_1450, %dma_wait3A_1451] : memref<100000x8192xf32, #tpu.memory_space<hbm>> -> memref<100000x8192xf32, #tpu.memory_space<hbm>>
    tpu.wait_indirect_dma semaphore(%arg17 : memref<!tpu.dma_semaphore, #tpu.memory_space<semaphore_mem>>) src(%dma_wait3A_1452 : memref<100000x8192xf32, #tpu.memory_space<hbm>>) dst(%arg10 : memref<2x8192xf32, #tpu.memory_space<vmem>>)
    %add3A_1453 = arith.constant 120 : i32
    %add3A_1454 = arith.addi %mul3A_2, %add3A_1453 : i32
    %dma_start3A_1455 = arith.constant 0 : i32
    %dma_start3A_1456 = tpu.memref_slice %arg4[%add3A_1454, %dma_start3A_1455] : memref<4096x8192xf32, #tpu.memory_space<hbm>> -> memref<2x8192xf32, #tpu.memory_space<hbm>>
    %dma_start3A_1457 = arith.constant 0 : i32
    %dma_start3A_1458 = tpu.memref_slice %arg4[%add3A_1454, %dma_start3A_1457] : memref<4096x8192xf32, #tpu.memory_space<hbm>> -> memref<2x8192xf32, #tpu.memory_space<hbm>>
    tpu.enqueue_dma source(%arg10 : memref<2x8192xf32, #tpu.memory_space<vmem>>) target(%dma_start3A_1458 : memref<2x8192xf32, #tpu.memory_space<hbm>>) target_semaphore(%arg24 : memref<!tpu.dma_semaphore, #tpu.memory_space<semaphore_mem>>)
    %dma_wait3A_1459 = arith.constant 0 : i32
    %dma_wait3A_1460 = tpu.memref_slice %arg4[%add3A_1358, %dma_wait3A_1459] : memref<4096x8192xf32, #tpu.memory_space<hbm>> -> memref<2x8192xf32, #tpu.memory_space<hbm>>
    %dma_wait3A_1461 = arith.constant 0 : i32
    %dma_wait3A_1462 = tpu.memref_slice %arg4[%add3A_1358, %dma_wait3A_1461] : memref<4096x8192xf32, #tpu.memory_space<hbm>> -> memref<2x8192xf32, #tpu.memory_space<hbm>>
    tpu.wait_dma2 semaphore(%arg20 : memref<!tpu.dma_semaphore, #tpu.memory_space<semaphore_mem>>) src(%arg6 : memref<2x8192xf32, #tpu.memory_space<vmem>>) dst(%dma_wait3A_1462 : memref<2x8192xf32, #tpu.memory_space<hbm>>)
    %dma_start3A_1463 = arith.constant 63 : i32
    %dma_start3A_1464 = arith.constant 0 : i32
    %dma_start3A_1465 = tpu.memref_slice %arg5[%dma_start3A_1463, %dma_start3A_1464] : memref<64x2xi32, #tpu.memory_space<vmem>> -> memref<1x2xi32, #tpu.memory_space<vmem>>
    %dma_start3A_1466 = tpu.memref_squeeze %dma_start3A_1465 : memref<1x2xi32, #tpu.memory_space<vmem>> -> memref<2xi32, #tpu.memory_space<vmem>>
    %dma_start3A_1467 = arith.constant 0 : i32
    %dma_start3A_1468 = arith.constant 0 : i32
    %dma_start3A_1469 = tpu.memref_slice %arg3[%dma_start3A_1467, %dma_start3A_1468] : memref<100000x8192xf32, #tpu.memory_space<hbm>> -> memref<100000x8192xf32, #tpu.memory_space<hbm>>
    tpu.enqueue_indirect_dma source(%dma_start3A_1469 : memref<100000x8192xf32, #tpu.memory_space<hbm>>) target(%arg6 : memref<2x8192xf32, #tpu.memory_space<vmem>>) offsets(%dma_start3A_1466 : memref<2xi32, #tpu.memory_space<vmem>>) semaphore(%arg13 : memref<!tpu.dma_semaphore, #tpu.memory_space<semaphore_mem>>)
    %dma_wait3A_1470 = arith.constant 61 : i32
    %dma_wait3A_1471 = arith.constant 0 : i32
    %dma_wait3A_1472 = tpu.memref_slice %arg5[%dma_wait3A_1470, %dma_wait3A_1471] : memref<64x2xi32, #tpu.memory_space<vmem>> -> memref<1x2xi32, #tpu.memory_space<vmem>>
    %dma_wait3A_1473 = tpu.memref_squeeze %dma_wait3A_1472 : memref<1x2xi32, #tpu.memory_space<vmem>> -> memref<2xi32, #tpu.memory_space<vmem>>
    %dma_wait3A_1474 = arith.constant 0 : i32
    %dma_wait3A_1475 = arith.constant 0 : i32
    %dma_wait3A_1476 = tpu.memref_slice %arg3[%dma_wait3A_1474, %dma_wait3A_1475] : memref<100000x8192xf32, #tpu.memory_space<hbm>> -> memref<100000x8192xf32, #tpu.memory_space<hbm>>
    tpu.wait_indirect_dma semaphore(%arg18 : memref<!tpu.dma_semaphore, #tpu.memory_space<semaphore_mem>>) src(%dma_wait3A_1476 : memref<100000x8192xf32, #tpu.memory_space<hbm>>) dst(%arg11 : memref<2x8192xf32, #tpu.memory_space<vmem>>)
    %add3A_1477 = arith.constant 122 : i32
    %add3A_1478 = arith.addi %mul3A_2, %add3A_1477 : i32
    %dma_start3A_1479 = arith.constant 0 : i32
    %dma_start3A_1480 = tpu.memref_slice %arg4[%add3A_1478, %dma_start3A_1479] : memref<4096x8192xf32, #tpu.memory_space<hbm>> -> memref<2x8192xf32, #tpu.memory_space<hbm>>
    %dma_start3A_1481 = arith.constant 0 : i32
    %dma_start3A_1482 = tpu.memref_slice %arg4[%add3A_1478, %dma_start3A_1481] : memref<4096x8192xf32, #tpu.memory_space<hbm>> -> memref<2x8192xf32, #tpu.memory_space<hbm>>
    tpu.enqueue_dma source(%arg11 : memref<2x8192xf32, #tpu.memory_space<vmem>>) target(%dma_start3A_1482 : memref<2x8192xf32, #tpu.memory_space<hbm>>) target_semaphore(%arg25 : memref<!tpu.dma_semaphore, #tpu.memory_space<semaphore_mem>>)
    %dma_wait3A_1483 = arith.constant 62 : i32
    %dma_wait3A_1484 = arith.constant 0 : i32
    %dma_wait3A_1485 = tpu.memref_slice %arg5[%dma_wait3A_1483, %dma_wait3A_1484] : memref<64x2xi32, #tpu.memory_space<vmem>> -> memref<1x2xi32, #tpu.memory_space<vmem>>
    %dma_wait3A_1486 = tpu.memref_squeeze %dma_wait3A_1485 : memref<1x2xi32, #tpu.memory_space<vmem>> -> memref<2xi32, #tpu.memory_space<vmem>>
    %dma_wait3A_1487 = arith.constant 0 : i32
    %dma_wait3A_1488 = arith.constant 0 : i32
    %dma_wait3A_1489 = tpu.memref_slice %arg3[%dma_wait3A_1487, %dma_wait3A_1488] : memref<100000x8192xf32, #tpu.memory_space<hbm>> -> memref<100000x8192xf32, #tpu.memory_space<hbm>>
    tpu.wait_indirect_dma semaphore(%arg19 : memref<!tpu.dma_semaphore, #tpu.memory_space<semaphore_mem>>) src(%dma_wait3A_1489 : memref<100000x8192xf32, #tpu.memory_space<hbm>>) dst(%arg12 : memref<2x8192xf32, #tpu.memory_space<vmem>>)
    %add3A_1490 = arith.constant 124 : i32
    %add3A_1491 = arith.addi %mul3A_2, %add3A_1490 : i32
    %dma_start3A_1492 = arith.constant 0 : i32
    %dma_start3A_1493 = tpu.memref_slice %arg4[%add3A_1491, %dma_start3A_1492] : memref<4096x8192xf32, #tpu.memory_space<hbm>> -> memref<2x8192xf32, #tpu.memory_space<hbm>>
    %dma_start3A_1494 = arith.constant 0 : i32
    %dma_start3A_1495 = tpu.memref_slice %arg4[%add3A_1491, %dma_start3A_1494] : memref<4096x8192xf32, #tpu.memory_space<hbm>> -> memref<2x8192xf32, #tpu.memory_space<hbm>>
    tpu.enqueue_dma source(%arg12 : memref<2x8192xf32, #tpu.memory_space<vmem>>) target(%dma_start3A_1495 : memref<2x8192xf32, #tpu.memory_space<hbm>>) target_semaphore(%arg26 : memref<!tpu.dma_semaphore, #tpu.memory_space<semaphore_mem>>)
    %dma_wait3A_1496 = arith.constant 63 : i32
    %dma_wait3A_1497 = arith.constant 0 : i32
    %dma_wait3A_1498 = tpu.memref_slice %arg5[%dma_wait3A_1496, %dma_wait3A_1497] : memref<64x2xi32, #tpu.memory_space<vmem>> -> memref<1x2xi32, #tpu.memory_space<vmem>>
    %dma_wait3A_1499 = tpu.memref_squeeze %dma_wait3A_1498 : memref<1x2xi32, #tpu.memory_space<vmem>> -> memref<2xi32, #tpu.memory_space<vmem>>
    %dma_wait3A_1500 = arith.constant 0 : i32
    %dma_wait3A_1501 = arith.constant 0 : i32
    %dma_wait3A_1502 = tpu.memref_slice %arg3[%dma_wait3A_1500, %dma_wait3A_1501] : memref<100000x8192xf32, #tpu.memory_space<hbm>> -> memref<100000x8192xf32, #tpu.memory_space<hbm>>
    tpu.wait_indirect_dma semaphore(%arg13 : memref<!tpu.dma_semaphore, #tpu.memory_space<semaphore_mem>>) src(%dma_wait3A_1502 : memref<100000x8192xf32, #tpu.memory_space<hbm>>) dst(%arg6 : memref<2x8192xf32, #tpu.memory_space<vmem>>)
    %add3A_1503 = arith.constant 126 : i32
    %add3A_1504 = arith.addi %mul3A_2, %add3A_1503 : i32
    %dma_start3A_1505 = arith.constant 0 : i32
    %dma_start3A_1506 = tpu.memref_slice %arg4[%add3A_1504, %dma_start3A_1505] : memref<4096x8192xf32, #tpu.memory_space<hbm>> -> memref<2x8192xf32, #tpu.memory_space<hbm>>
    %dma_start3A_1507 = arith.constant 0 : i32
    %dma_start3A_1508 = tpu.memref_slice %arg4[%add3A_1504, %dma_start3A_1507] : memref<4096x8192xf32, #tpu.memory_space<hbm>> -> memref<2x8192xf32, #tpu.memory_space<hbm>>
    tpu.enqueue_dma source(%arg6 : memref<2x8192xf32, #tpu.memory_space<vmem>>) target(%dma_start3A_1508 : memref<2x8192xf32, #tpu.memory_space<hbm>>) target_semaphore(%arg20 : memref<!tpu.dma_semaphore, #tpu.memory_space<semaphore_mem>>)
    %dma_wait3A_1509 = arith.constant 0 : i32
    %dma_wait3A_1510 = tpu.memref_slice %arg4[%add3A_1504, %dma_wait3A_1509] : memref<4096x8192xf32, #tpu.memory_space<hbm>> -> memref<2x8192xf32, #tpu.memory_space<hbm>>
    %dma_wait3A_1511 = arith.constant 0 : i32
    %dma_wait3A_1512 = tpu.memref_slice %arg4[%add3A_1504, %dma_wait3A_1511] : memref<4096x8192xf32, #tpu.memory_space<hbm>> -> memref<2x8192xf32, #tpu.memory_space<hbm>>
    tpu.wait_dma2 semaphore(%arg20 : memref<!tpu.dma_semaphore, #tpu.memory_space<semaphore_mem>>) src(%arg6 : memref<2x8192xf32, #tpu.memory_space<vmem>>) dst(%dma_wait3A_1512 : memref<2x8192xf32, #tpu.memory_space<hbm>>)
    %dma_wait3A_1513 = arith.constant 0 : i32
    %dma_wait3A_1514 = tpu.memref_slice %arg4[%add3A_1382, %dma_wait3A_1513] : memref<4096x8192xf32, #tpu.memory_space<hbm>> -> memref<2x8192xf32, #tpu.memory_space<hbm>>
    %dma_wait3A_1515 = arith.constant 0 : i32
    %dma_wait3A_1516 = tpu.memref_slice %arg4[%add3A_1382, %dma_wait3A_1515] : memref<4096x8192xf32, #tpu.memory_space<hbm>> -> memref<2x8192xf32, #tpu.memory_space<hbm>>
    tpu.wait_dma2 semaphore(%arg21 : memref<!tpu.dma_semaphore, #tpu.memory_space<semaphore_mem>>) src(%arg7 : memref<2x8192xf32, #tpu.memory_space<vmem>>) dst(%dma_wait3A_1516 : memref<2x8192xf32, #tpu.memory_space<hbm>>)
    %dma_wait3A_1517 = arith.constant 0 : i32
    %dma_wait3A_1518 = tpu.memref_slice %arg4[%add3A_1406, %dma_wait3A_1517] : memref<4096x8192xf32, #tpu.memory_space<hbm>> -> memref<2x8192xf32, #tpu.memory_space<hbm>>
    %dma_wait3A_1519 = arith.constant 0 : i32
    %dma_wait3A_1520 = tpu.memref_slice %arg4[%add3A_1406, %dma_wait3A_1519] : memref<4096x8192xf32, #tpu.memory_space<hbm>> -> memref<2x8192xf32, #tpu.memory_space<hbm>>
    tpu.wait_dma2 semaphore(%arg22 : memref<!tpu.dma_semaphore, #tpu.memory_space<semaphore_mem>>) src(%arg8 : memref<2x8192xf32, #tpu.memory_space<vmem>>) dst(%dma_wait3A_1520 : memref<2x8192xf32, #tpu.memory_space<hbm>>)
    %dma_wait3A_1521 = arith.constant 0 : i32
    %dma_wait3A_1522 = tpu.memref_slice %arg4[%add3A_1430, %dma_wait3A_1521] : memref<4096x8192xf32, #tpu.memory_space<hbm>> -> memref<2x8192xf32, #tpu.memory_space<hbm>>
    %dma_wait3A_1523 = arith.constant 0 : i32
    %dma_wait3A_1524 = tpu.memref_slice %arg4[%add3A_1430, %dma_wait3A_1523] : memref<4096x8192xf32, #tpu.memory_space<hbm>> -> memref<2x8192xf32, #tpu.memory_space<hbm>>
    tpu.wait_dma2 semaphore(%arg23 : memref<!tpu.dma_semaphore, #tpu.memory_space<semaphore_mem>>) src(%arg9 : memref<2x8192xf32, #tpu.memory_space<vmem>>) dst(%dma_wait3A_1524 : memref<2x8192xf32, #tpu.memory_space<hbm>>)
    %dma_wait3A_1525 = arith.constant 0 : i32
    %dma_wait3A_1526 = tpu.memref_slice %arg4[%add3A_1454, %dma_wait3A_1525] : memref<4096x8192xf32, #tpu.memory_space<hbm>> -> memref<2x8192xf32, #tpu.memory_space<hbm>>
    %dma_wait3A_1527 = arith.constant 0 : i32
    %dma_wait3A_1528 = tpu.memref_slice %arg4[%add3A_1454, %dma_wait3A_1527] : memref<4096x8192xf32, #tpu.memory_space<hbm>> -> memref<2x8192xf32, #tpu.memory_space<hbm>>
    tpu.wait_dma2 semaphore(%arg24 : memref<!tpu.dma_semaphore, #tpu.memory_space<semaphore_mem>>) src(%arg10 : memref<2x8192xf32, #tpu.memory_space<vmem>>) dst(%dma_wait3A_1528 : memref<2x8192xf32, #tpu.memory_space<hbm>>)
    %dma_wait3A_1529 = arith.constant 0 : i32
    %dma_wait3A_1530 = tpu.memref_slice %arg4[%add3A_1478, %dma_wait3A_1529] : memref<4096x8192xf32, #tpu.memory_space<hbm>> -> memref<2x8192xf32, #tpu.memory_space<hbm>>
    %dma_wait3A_1531 = arith.constant 0 : i32
    %dma_wait3A_1532 = tpu.memref_slice %arg4[%add3A_1478, %dma_wait3A_1531] : memref<4096x8192xf32, #tpu.memory_space<hbm>> -> memref<2x8192xf32, #tpu.memory_space<hbm>>
    tpu.wait_dma2 semaphore(%arg25 : memref<!tpu.dma_semaphore, #tpu.memory_space<semaphore_mem>>) src(%arg11 : memref<2x8192xf32, #tpu.memory_space<vmem>>) dst(%dma_wait3A_1532 : memref<2x8192xf32, #tpu.memory_space<hbm>>)
    %dma_wait3A_1533 = arith.constant 0 : i32
    %dma_wait3A_1534 = tpu.memref_slice %arg4[%add3A_1491, %dma_wait3A_1533] : memref<4096x8192xf32, #tpu.memory_space<hbm>> -> memref<2x8192xf32, #tpu.memory_space<hbm>>
    %dma_wait3A_1535 = arith.constant 0 : i32
    %dma_wait3A_1536 = tpu.memref_slice %arg4[%add3A_1491, %dma_wait3A_1535] : memref<4096x8192xf32, #tpu.memory_space<hbm>> -> memref<2x8192xf32, #tpu.memory_space<hbm>>
    tpu.wait_dma2 semaphore(%arg26 : memref<!tpu.dma_semaphore, #tpu.memory_space<semaphore_mem>>) src(%arg12 : memref<2x8192xf32, #tpu.memory_space<vmem>>) dst(%dma_wait3A_1536 : memref<2x8192xf32, #tpu.memory_space<hbm>>)
    return
  }
}

</mosaic_0001>

<sc_bundles>
// kernel: _run.3.cloned.1.call-start
scs
__scs_entry_jumppad:
0x0: {  	(pc) =	sbr.rel $0x88, $3  }
0x1: {  	(tag) =	ssettag $0x0;
	lr =	simm.s32 $0x1  }
0x2: {  	[smem:$0x3F9F] =	sst lr;
	_ =	strace $0xD0000000  }
0x3: {  	_ = 	snop  }
0x4: {  	_ = 	snop  }
0x5: {  	_ = 	snop  }
0x6: {  	_ = 	snop  }
0x7: {  	_ = 	snop  }
__scs_overlays_trampoline_lowered:
0x8: {  	[smem:$0x3FAE] =	sst s0  }
0x9: {  	[smem:$0x3FAF] =	sst s1  }
0xa: {  	[smem:$0x3FB0] =	sst s2  }
0xb: {  	[smem:$0x3FB1] =	sst s3  }
0xc: {  	[smem:$0x3FB2] =	sst s4  }
0xd: {  	[smem:$0x3FB3] =	sst s5  }
0xe: {  	[smem:$0x3FB4] =	sst s6  }
0xf: {  	[smem:$0x3FB5] =	sst s7  }
0x10: {  	[smem:$0x3FB6] =	sst s8  }
0x11: {  	[smem:$0x3FB7] =	sst s9;
	s0 =	simm.s32 @!p0 $0x0  }
0x12: {  	s1 =	sld [smem:$0x3F9D];
	s0 =	simm.s32 @p0 $0x1  }
0x13: {  	[smem:$0x3FB8] =	sst s0;
	s0 =	simm.s32 @!p1 $0x0  }
0x14: {  	s2 =	sld [smem:$0x3F9C];
	s0 =	simm.s32 @p1 $0x1  }
0x15: {  	[smem:$0x3FB9] =	sst s0;
	s0 =	simm.s32 @!p2 $0x0  }
0x16: {  	s3 =	sld [smem:$0x3FDB];
	s0 =	simm.s32 @p2 $0x1  }
0x17: {  	s4 =	simm.s32 $0x1BF5;
	[smem:$0x3FBB] =	sst s0  }
0x18: {  	s0 =	sld [smem:$0x3F9E];
	_ =	swait.ge [sflag:s4], $0x0  }
0x19: {  	s7 =	sld [smem:$0x3F9F]  }
0x1a: {  	s8 =	sadd.s32 $0xFFFFE003, lr  }
0x1b: {  	s9 =	sadd.s32 $0xFFFFFEF7, lr;
	s5 =	simm.s32 $0xFFFFFFFF;
	p2 =	slt.u32 s8, $0xFFFFF086  }
0x1c: {  	p1 =	slt.u32 s9, $0xF7A;
	s5 =	simm.s32 @!p2 $0x0  }
0x1d: {  	s5 =	simm.s32 @p1 $0x1;
	p0 =	seq.s32 s7, s2  }
0x1e: {  	s7 =	smul.u32 @!p0 $0xF7A, s2;
	p2 =	seq.s32 @!p0 s5, $0x0  }
0x1f: {  	s9 =	smul.u32 $0xF7A, s1;
	s8 =	simm.s32 @!p0 $0x1BF5;
	p2 =	por !p2, p0  }
0x20: {  	[sflag:s8] =	ssyncset.s32 @!p0 $0xFFFFF086;
	s6 =	sadd.s32 @!p0 s3, s7;
	s7 =	simm.s32 @!p0 $0x108  }
0x21: {  	s3 =	sadd.s32 s3, s9;
	s6 =	sadd.s32 @!p0 $0x88, s6;
	s7 =	simm.s32 @p2 $0x1082  }
0x22: {  	[simem:s7], [sflag:s8] =	dma.local @!p0 [hbm:s6], $0xF7A  }
0x23: {  	s9 =	sor.u32 $0xD0000000, s2;
	s6 =	simm.s32 $0x108;
	_ =	swait.ge @!p0 [sflag:s8], $0x0  }
0x24: {  	s3 =	sadd.s32 $0x88, s3;
	s6 =	simm.s32 @!p1 $0x1082;
	[sflag:s4] =	ssyncset.s32 $0xFFFFF086  }
0x25: {  	[simem:s6], [sflag:s4] =	dma.local [hbm:s3], $0xF7A  }
0x26: {  	[smem:$0x3F9F] =	sst s1;
	(tag) =	ssettag s2;
	_ =	strace s9  }
0x27: {  	s1 =	sld [smem:$0x3FAF]  }
0x28: {  	s2 =	sld [smem:$0x3FB0]  }
0x29: {  	s4 =	sld [smem:$0x3FB2]  }
0x2a: {  	p0 =	seq.s32 s5, $0x0;
	s5 =	sld [smem:$0x3FB3]  }
0x2b: {  	s6 =	sld [smem:$0x3FB4]  }
0x2c: {  	s7 =	sld [smem:$0x3FB5]  }
0x2d: {  	s3 =	simm.s32 $0x108;
	s8 =	sld [smem:$0x3FB6]  }
0x2e: {  	s3 =	simm.s32 @!p0 $0x1082;
	s9 =	sld [smem:$0x3FB7]  }
0x2f: {  	lr =	sadd.s32 s0, s3;
	s0 =	sld [smem:$0x3FAE]  }
0x30: {  	s3 =	sld [smem:$0x3FB1]  }
0x31: {  	[smem:$0x3FBA] =	sst s10  }
0x32: {  	s10 =	sld [smem:$0x3FB8];
	_ =	sdelay $0x3  }
0x33: {  	p0 =	seq.s32 s10, $0x1;
	s10 =	sld [smem:$0x3FBA];
	_ =	sdelay $0x3  }
0x34: {  	[smem:$0x3FBA] =	sst s10  }
0x35: {  	s10 =	sld [smem:$0x3FB9];
	_ =	sdelay $0x3  }
0x36: {  	p1 =	seq.s32 s10, $0x1;
	s10 =	sld [smem:$0x3FBA];
	_ =	sdelay $0x3  }
0x37: {  	[smem:$0x3FBA] =	sst s10  }
0x38: {  	s10 =	sld [smem:$0x3FBB]  }
0x39: {  	_ = 	snop;
	(pc) =	sbr.ind lr, $3  }
0x3a: {  	_ = 	snop  }
0x3b: {  	_ = 	snop  }
0x3c: {  	p2 =	seq.s32 s10, $0x1;
	s10 =	sld [smem:$0x3FBA]  }
0x3d: {  	_ =	shalt  }
0x3e: {  	_ =	shalt  }
0x3f: {  	_ =	shalt  }
0x40: {  	_ =	shalt  }
0x41: {  	_ =	shalt  }
0x42: {  	_ =	shalt  }
0x43: {  	_ =	shalt  }
0x44: {  	_ =	shalt  }
0x45: {  	_ =	shalt  }
0x46: {  	_ =	shalt  }
0x47: {  	_ =	shalt  }
0x48: {  	_ =	shalt  }
0x49: {  	_ =	shalt  }
0x4a: {  	_ =	shalt  }
0x4b: {  	_ =	shalt  }
0x4c: {  	_ =	shalt  }
0x4d: {  	_ =	shalt  }
0x4e: {  	_ =	shalt  }
0x4f: {  	_ =	shalt  }
0x50: {  	_ =	shalt  }
0x51: {  	_ =	shalt  }
0x52: {  	_ =	shalt  }
0x53: {  	_ =	shalt  }
0x54: {  	_ =	shalt  }
0x55: {  	_ =	shalt  }
0x56: {  	_ =	shalt  }
0x57: {  	_ =	shalt  }
0x58: {  	_ =	shalt  }
0x59: {  	_ =	shalt  }
0x5a: {  	_ =	shalt  }
0x5b: {  	_ =	shalt  }
0x5c: {  	_ =	shalt  }
0x5d: {  	_ =	shalt  }
0x5e: {  	_ =	shalt  }
0x5f: {  	_ =	shalt  }
0x60: {  	_ =	shalt  }
0x61: {  	_ =	shalt  }
0x62: {  	_ =	shalt  }
0x63: {  	_ =	shalt  }
0x64: {  	_ =	shalt  }
0x65: {  	_ =	shalt  }
0x66: {  	_ =	shalt  }
0x67: {  	_ =	shalt  }
0x68: {  	_ =	shalt  }
0x69: {  	_ =	shalt  }
0x6a: {  	_ =	shalt  }
0x6b: {  	_ =	shalt  }
0x6c: {  	_ =	shalt  }
0x6d: {  	_ =	shalt  }
0x6e: {  	_ =	shalt  }
0x6f: {  	_ =	shalt  }
0x70: {  	_ =	shalt  }
0x71: {  	_ =	shalt  }
0x72: {  	_ =	shalt  }
0x73: {  	_ =	shalt  }
0x74: {  	_ =	shalt  }
0x75: {  	_ =	shalt  }
0x76: {  	_ =	shalt  }
0x77: {  	_ =	shalt  }
0x78: {  	_ =	shalt  }
0x79: {  	_ =	shalt  }
0x7a: {  	_ =	shalt  }
0x7b: {  	_ =	shalt  }
0x7c: {  	_ =	shalt  }
0x7d: {  	_ =	shalt  }
0x7e: {  	_ =	shalt  }
0x7f: {  	_ =	shalt  }
0x80: {  	_ =	shalt  }
0x81: {  	_ =	shalt  }
0x82: {  	_ =	shalt  }
0x83: {  	_ =	shalt  }
0x84: {  	_ =	shalt  }
0x85: {  	_ =	shalt  }
0x86: {  	_ =	shalt  }
0x87: {  	_ =	shalt  }
.Lfunc_end0:
.L_simem_size_0:
called_computation_lowered:
.L_overlay_start_0:
0x88: {  	s2 =	sld [smem:$0x3FD9]  }
0x89: {  	s3 =	sld [smem:$0x3FFE];
	_ =	sdelay $0x1  }
0x8a: {  	s1 =	srdreg.scid  }
0x8b: {  	s0 =	sand.u32 $0x1, s1  }
0x8c: {  	s17 =	sshll.u32 s0, $0xA;
	s2 =	sadd.s32 s3, s2  }
0x8d: {  	s2 =	sadd.s32 s2, s17  }
0x8e: {  	[smem:$0x3FC6] =	sst s2  }
0x8f: {  	_ = 	snop  }
0x90: {  	s2 =	sld [smem:$0x3FC8]  }
0x91: {  	s18 =	sld [smem:$0x3FD0];
	(tm) =	ssettm $0x1  }
0x92: {  	s4 =	sld [smem:$0x3FFB];
	_ =	sdelay $0x3  }
0x93: {  	_ =	strace s4  }
0x94: {  	s4 =	sld [smem:$0x3FFC];
	_ =	sdelay $0x3  }
0x95: {  	_ =	strace s4  }
0x96: {  	s4 =	sld [smem:$0x3FFD];
	_ =	sdelay $0x3  }
0x97: {  	_ =	strace s4  }
0x98: {  	_ =	strace $0x8FFFFFFF  }
0x99: {  	s19 =	sld [smem:$0x3FDB];
	_ =	sdelay $0x1  }
0x9a: {  	s5 =	simm.s32 $_scs_section_size  }
0x9b: {  	s6 =	simm.s32 $_size__tile_overlayer_lowered;
	s7 =	simm.s32 $_tile_overlayer_lowered  }
0x9c: {  	s22 =	simm.s32 $0x1BFF;
	s21 =	sshll.u32 s7, $0x1;
	s4 =	sadd.s32 s5, s19  }
0x9d: {  	s8 =	simm.s32 $0x0;
	s20 =	sshll.u32 s6, $0x1;
	s6 =	sadd.s32 s21, s4  }
0x9e: {  	[timem:s8], [sflag:s22] =	dma.local [hbm:s6], s20  }
0x9f: {  	_ =	swait.ge [sflag:s22], s20  }
0xa0: {  	s5 =	ssub.s32 $0x0, s20;
	[sflag:s22] =	ssyncset.done $0x0  }
0xa1: {  	[sflag:s22] =	ssyncadd.s32 s5;
	_ =	sdelay $0x1  }
0xa2: {  	s23 =	simm.s32 $0x1B8B  }
0xa3: {  	_ =	swait.ge [sflag:s23], $0x1  }
0xa4: {  	[sflag:s23] =	ssyncset.done $0x0  }
0xa5: {  	s25 =	simm.s32 $0x1B8E;
	s24 =	sld [smem:$0x3FFE];
	[sflag:s23] =	ssyncadd.s32 $0xFFFFFFFF  }
0xa6: {  	s26 =	simm.s32 $execute0_lowered;
	[smem:$0x3FD2] =	sst s25  }
0xa7: {  	s6 =	sshll.u32 s26, $0x1;
	_ =	strace $0x80000046;
	[dreg:$0x1] =	wrdreg $0xFFFFFFFF  }
0xa8: {  	s28 =	simm.s32 $_size_execute0_lowered;
	s4 =	sadd.s32 s4, s6;
	[dreg:$0x0] =	wrdreg $0x0  }
0xa9: {  	s6 =	sshll.u32 s28, $0x1;
	[dreg:$0x2] =	wrdreg s4  }
0xaa: {  	[dreg:$0x3] =	wrdreg s6  }
0xab: {  	[dreg:$0x4] =	wrdreg $0xC0  }
0xac: {  	_ =	task [dreg:s8], $0x5FFFF  }
0xad: {  	[dreg:$0x1] =	wrdreg $0xFFFFFFFF  }
0xae: {  	[dreg:$0x0] =	wrdreg $0x60  }
0xaf: {  	[dreg:$0x2] =	wrdreg s24  }
0xb0: {  	[dreg:$0x3] =	wrdreg s2  }
0xb1: {  	[dreg:$0x4] =	wrdreg s18  }
0xb2: {  	[dreg:$0x5] =	wrdreg $0x9  }
0xb3: {  	_ =	task.clear_ibuf [dreg:s8], $0x6FFFF;
	_ =	strace $0x90000046  }
0xb4: {  	s29 =	simm.s32 $0x9;
	_ =	strace $0x80000048  }
0xb5: {  	_ =	swait.ge [sflag:s29], $0x1  }
0xb6: {  	[sflag:s29] =	ssyncadd.s32 $0xFFFFFFFF  }
0xb7: {  	_ =	strace $0x90000048  }
0xb8: {  	_ =	sfence  }
0xb9: {  	s30 =	sld [smem:$0x0];
	_ =	sdelay $0x2  }
0xba: {  	s31 =	sshll.u32 s1, $0xD;
	s1 =	sshrl.u32 s1, $0x2  }
0xbb: {  	s3 =	sand.u32 $0x4000, s31;
	s1 =	sadd.s32 s1, s30  }
0xbc: {  	s0 =	sor.u32 s3, s0;
	s1 =	sshll.u32 s1, $0x11  }
0xbd: {  	s0 =	sor.u32 s1, s0  }
0xbe: {  	s0 =	sadd.s32 $0x8F2B, s0  }
0xbf: {  	[sflag:s0] =	ssyncadd.remote.s32 $0x1  }
0xc0: {  	_ =	sfence.sel $0xFFFF  }
0xc1: {  	[dreg:$0x0] =	wrdreg $0xFFFFFFFF;
	(pc) =	sbr.abs _section_cstart, $3  }
0xc2: {  	[dreg:$0x1] =	wrdreg $0xFFFFFFFF  }
0xc3: {  	_ =	task.clear_ibuf [dreg:s8], $0x2FFFF;
	_ =	strace $0x9FFFFFFF  }
0xc4: {  	(tm) =	ssettm $0x7FFFFFFF  }
0xc5: {  	_ =	shalt  }
tec
execute0_lowered:
.L_overlay_start_1:
0x0: {  	(tag) =	ssettag $0x1  }
0x1: {  	s1 =	rddreg [dreg:$0x0]  }
0x2: {  	s0 =	srdreg.scid;
	s3 =	stileid.u32  }
0x3: {  	s2 =	rddreg [dreg:$0x1];
	s0 =	sand.u32 $0x1, s0;
	s3 =	sshll.u32 s3, $0x1  }
0x4: {  	s4 =	rddreg [dreg:$0x2];
	s5 =	sor.u32 s0, s3  }
0x5: {  	s3 =	simm.s32 $0x0;
	s6 =	sshll.u32 s5, $0xA;
	s5 =	sshll.u32 s5, $0x11  }
0x6: {  	[smem:$0x7FF] =	sst s3;
	s1 =	sadd.s32 s6, s1;
	s12 =	sadd.s32 s4, s5  }
0x7: {  	_ =	strace $0x80000047;
	s1 =	sadd.s32 $0x400, s1;
	[smem:$0x7FC] =	sst s12  }
0x8: {  	s9 =	sadd.s32 $0x20, s12;
	[dreg:$0x4] =	wrdreg s1  }
0x9: {  	s10 =	sadd.s32 $0x40, s12;
	[dreg:$0x5] =	wrdreg s9  }
0xa: {  	s11 =	sadd.s32 $0x60, s12;
	[dreg:$0x6] =	wrdreg s10  }
0xb: {  	s13 =	sadd.s32 $0x2000, s12;
	[dreg:$0x7] =	wrdreg s11  }
0xc: {  	s14 =	sadd.s32 $0x2020, s12;
	[dreg:$0x8] =	wrdreg s13  }
0xd: {  	s15 =	sadd.s32 $0x2040, s12;
	[dreg:$0x9] =	wrdreg s14  }
0xe: {  	s16 =	sadd.s32 $0x2060, s12;
	[dreg:$0xa] =	wrdreg s15  }
0xf: {  	s17 =	sadd.s32 $0x4000, s12;
	[dreg:$0xb] =	wrdreg s16  }
0x10: {  	s18 =	sadd.s32 $0x4020, s12;
	[dreg:$0xc] =	wrdreg s17  }
0x11: {  	s19 =	sadd.s32 $0x4040, s12;
	[dreg:$0xd] =	wrdreg s18  }
0x12: {  	s20 =	sadd.s32 $0x4060, s12;
	[dreg:$0xe] =	wrdreg s19  }
0x13: {  	s21 =	sadd.s32 $0x6000, s12;
	[dreg:$0xf] =	wrdreg s20  }
0x14: {  	s22 =	sadd.s32 $0x6020, s12;
	[dreg:$0x10] =	wrdreg s21  }
0x15: {  	s23 =	sadd.s32 $0x6040, s12;
	[dreg:$0x11] =	wrdreg s22  }
0x16: {  	s24 =	sadd.s32 $0x6060, s12;
	[dreg:$0x12] =	wrdreg s23  }
0x17: {  	s25 =	sadd.s32 $0x8000, s12;
	[dreg:$0x13] =	wrdreg s24  }
0x18: {  	s26 =	sadd.s32 $0x8020, s12;
	[dreg:$0x14] =	wrdreg s25  }
0x19: {  	s30 =	sadd.s32 $0x8040, s12;
	[dreg:$0x15] =	wrdreg s26  }
0x1a: {  	s4 =	sadd.s32 $0x8060, s12;
	[dreg:$0x16] =	wrdreg s30  }
0x1b: {  	s5 =	sadd.s32 $0xA000, s12;
	[dreg:$0x17] =	wrdreg s4  }
0x1c: {  	s6 =	sadd.s32 $0xA020, s12;
	[dreg:$0x18] =	wrdreg s5  }
0x1d: {  	s7 =	sadd.s32 $0xA040, s12;
	[dreg:$0x19] =	wrdreg s6  }
0x1e: {  	s8 =	sadd.s32 $0xA060, s12;
	[dreg:$0x1a] =	wrdreg s7  }
0x1f: {  	[dreg:$0x1b] =	wrdreg s8;
	s9 =	sadd.s32 $0xC000, s12  }
0x20: {  	s10 =	sadd.s32 $0xC020, s12;
	[dreg:$0x1c] =	wrdreg s9  }
0x21: {  	s11 =	sadd.s32 $0xC040, s12;
	[dreg:$0x1d] =	wrdreg s10  }
0x22: {  	s13 =	sadd.s32 $0xC060, s12;
	[dreg:$0x1e] =	wrdreg s11  }
0x23: {  	s14 =	sadd.s32 $0xE000, s12;
	[dreg:$0x1f] =	wrdreg s13  }
0x24: {  	s15 =	sadd.s32 $0xE020, s12;
	[smem:$0x7D9] =	sst s14  }
0x25: {  	s16 =	sadd.s32 $0xE040, s12;
	[smem:$0x7DA] =	sst s15  }
0x26: {  	s17 =	sadd.s32 $0xE060, s12;
	[smem:$0x7DB] =	sst s16  }
0x27: {  	s18 =	sadd.s32 $0x10000, s12;
	[smem:$0x7DC] =	sst s17  }
0x28: {  	s19 =	sadd.s32 $0x10020, s12;
	[smem:$0x7DD] =	sst s18  }
0x29: {  	s20 =	sadd.s32 $0x10040, s12;
	[smem:$0x7DE] =	sst s19  }
0x2a: {  	s21 =	sadd.s32 $0x10060, s12;
	[smem:$0x7DF] =	sst s20  }
0x2b: {  	s22 =	sadd.s32 $0x12000, s12;
	[smem:$0x7E0] =	sst s21  }
0x2c: {  	s23 =	sadd.s32 $0x12020, s12;
	[smem:$0x7E1] =	sst s22  }
0x2d: {  	s24 =	sadd.s32 $0x12040, s12;
	[smem:$0x7E2] =	sst s23  }
0x2e: {  	s25 =	sadd.s32 $0x12060, s12;
	[smem:$0x7E3] =	sst s24  }
0x2f: {  	s26 =	sadd.s32 $0x14000, s12;
	[smem:$0x7E4] =	sst s25  }
0x30: {  	s30 =	sadd.s32 $0x14020, s12;
	[smem:$0x7E5] =	sst s26  }
0x31: {  	s4 =	sadd.s32 $0x14040, s12;
	[smem:$0x7E6] =	sst s30  }
0x32: {  	s5 =	sadd.s32 $0x14060, s12;
	[smem:$0x7E7] =	sst s4  }
0x33: {  	s6 =	sadd.s32 $0x16000, s12;
	[smem:$0x7E8] =	sst s5  }
0x34: {  	s7 =	sadd.s32 $0x16020, s12;
	[smem:$0x7E9] =	sst s6  }
0x35: {  	s8 =	sadd.s32 $0x16040, s12;
	[smem:$0x7EA] =	sst s7  }
0x36: {  	[smem:$0x7EB] =	sst s8;
	s9 =	sadd.s32 $0x16060, s12  }
0x37: {  	s10 =	sadd.s32 $0x18000, s12;
	[smem:$0x7EC] =	sst s9  }
0x38: {  	s11 =	sadd.s32 $0x18020, s12;
	[smem:$0x7ED] =	sst s10  }
0x39: {  	s13 =	sadd.s32 $0x18040, s12;
	[smem:$0x7EE] =	sst s11  }
0x3a: {  	s14 =	sadd.s32 $0x18060, s12;
	[smem:$0x7EF] =	sst s13  }
0x3b: {  	s15 =	sadd.s32 $0x1A000, s12;
	[smem:$0x7F0] =	sst s14  }
0x3c: {  	s16 =	sadd.s32 $0x1A020, s12;
	[smem:$0x7F1] =	sst s15  }
0x3d: {  	s28 =	simm.s32 $0x100;
	s17 =	sadd.s32 $0x1A040, s12;
	[smem:$0x7F2] =	sst s16  }
0x3e: {  	s29 =	simm.s32 $0x400;
	s19 =	sadd.s32 $0x1A060, s12;
	[smem:$0x7F3] =	sst s17  }
0x3f: {  	s0 =	ssub.s32 $0x2, s0;
	s20 =	sadd.s32 $0x1C000, s12;
	[smem:$0x7F4] =	sst s19  }
0x40: {  	s18 =	sshrl.u32 s0, $0x1;
	s21 =	sadd.s32 $0x1C020, s12;
	[smem:$0x7F5] =	sst s20  }
0x41: {  	s5 =	sadd.s32 $0x400, s2;
	s22 =	sadd.s32 $0x1C040, s12;
	[smem:$0x7F6] =	sst s21  }
0x42: {  	s6 =	sadd.s32 $0x800, s2;
	s23 =	sadd.s32 $0x1C060, s12;
	[smem:$0x7F7] =	sst s22  }
0x43: {  	s7 =	sadd.s32 $0xC00, s2;
	s24 =	sadd.s32 $0x1E000, s12;
	[smem:$0x7F8] =	sst s23  }
0x44: {  	s8 =	sadd.s32 $0x1000, s2;
	s25 =	sadd.s32 $0x1E020, s12;
	[smem:$0x7F9] =	sst s24  }
0x45: {  	s26 =	sadd.s32 $0x1E040, s12;
	s30 =	sadd.s32 $0x1E060, s12;
	[smem:$0x7FA] =	sst s25  }
0x46: {  	s0 =	ssub.s32 s0, s18;
	s9 =	sadd.s32 $0x1400, s2;
	[smem:$0x7FB] =	sst s26  }
0x47: {  	v0 =	vlaneseq.u32;
	s10 =	sadd.s32 $0x1800, s2;
	s11 =	sadd.s32 $0x1C00, s2;
	[smem:$0x7FD] =	sst s30  }
0x48: {  	v1 =	vshrl.u32 v0, $0x1;
	s19 =	simm.s32 $0x1;
	s15 =	simm.s32 $0x8;
	s18 =	simm.s32 $0xB  }
0x49: {  	vm0 =	vmmov $0xffff;
	v0 =	vand.u32 $0x1, v0;
	v1 =	vmul.u32 $0x8, v1;
	s22 =	simm.s32 $0xD;
	s26 =	simm.s32 $0xE;
	s31 =	smax.u32 s0, $0x1  }
.LBB2_1:
0x4a: {  	[smem:$0x7D8] =	sst s31  }
0x4b: {  	s31 =	rddreg [dreg:$0x4]  }
0x4c: {  	[tilespmem:s3], [sflag:$0xF] =	stream.linear.gather [hbm4b:s31+s3], $0x2000, $0x38;
	[tilespmem:$0x1E000] =	vst v63  }
0x4d: {  	s31 =	simm.s32 $0xF  }
0x4e: {  	_ =	swait.ge [sflag:s31], $0x2000  }
0x4f: {  	[sflag:s31] =	ssyncset.done $0x0  }
0x50: {  	[sflag:s31] =	ssyncadd.s32 $0xFFFFE000  }
0x51: {  	v2 =	vld.msk [tilespmem:$0x0], $0x3;
	_ =	sdelay $0x4  }
0x52: {  	v3 =	vshll.u32 v2, $0x6  }
0x53: {  	v2 =	vand.u32 $0x7, v2;
	v3 =	vand.u32 $0xFFFFFE00, v3  }
0x54: {  	v2 =	vor.u32 v2, v3  }
0x55: {  	v2 =	vperm.xlane v2, v0;
	_ =	sdelay $0x1  }
0x56: {  	v2 =	vadd.s32 v1, v2;
	_ =	sdelay $0x3  }
0x57: {  	s0 =	simm.s32 $0x2000  }
0x58: {  	[tilespmem:s0], [sflag:$0x1] =	stream.indirect_vreg.gather [hbm4b:s2+s3], $0x80, v2, vm0, $0xb8;
	[tilespmem:$0x1E000] =	vst v63  }
0x59: {  	s4 =	simm.s32 $0x2800  }
0x5a: {  	[tilespmem:s4], [sflag:$0x1] =	stream.indirect_vreg.gather [hbm4b:s5+s3], $0x80, v2, vm0, $0xb8;
	[tilespmem:$0x1E000] =	vst v63  }
0x5b: {  	s23 =	simm.s32 $0x3000  }
0x5c: {  	[tilespmem:s23], [sflag:$0x1] =	stream.indirect_vreg.gather [hbm4b:s6+s3], $0x80, v2, vm0, $0xb8;
	[tilespmem:$0x1E000] =	vst v63  }
0x5d: {  	s24 =	simm.s32 $0x3800  }
0x5e: {  	[tilespmem:s24], [sflag:$0x1] =	stream.indirect_vreg.gather [hbm4b:s7+s3], $0x80, v2, vm0, $0xb8;
	[tilespmem:$0x1E000] =	vst v63  }
0x5f: {  	s25 =	simm.s32 $0x4000  }
0x60: {  	[tilespmem:s25], [sflag:$0x1] =	stream.indirect_vreg.gather [hbm4b:s8+s3], $0x80, v2, vm0, $0xb8;
	[tilespmem:$0x1E000] =	vst v63  }
0x61: {  	s30 =	simm.s32 $0x4800  }
0x62: {  	[tilespmem:s30], [sflag:$0x1] =	stream.indirect_vreg.gather [hbm4b:s9+s3], $0x80, v2, vm0, $0xb8;
	[tilespmem:$0x1E000] =	vst v63  }
0x63: {  	s1 =	simm.s32 $0x5000  }
0x64: {  	[tilespmem:s1], [sflag:$0x1] =	stream.indirect_vreg.gather [hbm4b:s10+s3], $0x80, v2, vm0, $0xb8;
	[tilespmem:$0x1E000] =	vst v63  }
0x65: {  	s12 =	simm.s32 $0x5800  }
0x66: {  	[tilespmem:s12], [sflag:$0x1] =	stream.indirect_vreg.gather [hbm4b:s11+s3], $0x80, v2, vm0, $0xb8;
	[tilespmem:$0x1E000] =	vst v63  }
0x67: {  	v2 =	vld.msk [tilespmem:$0x80], $0x3;
	_ =	sdelay $0x4  }
0x68: {  	v3 =	vshll.u32 v2, $0x6  }
0x69: {  	v2 =	vand.u32 $0x7, v2;
	v3 =	vand.u32 $0xFFFFFE00, v3  }
0x6a: {  	v2 =	vor.u32 v2, v3  }
0x6b: {  	v2 =	vperm.xlane v2, v0;
	_ =	sdelay $0x1  }
0x6c: {  	v2 =	vadd.s32 v1, v2;
	_ =	sdelay $0x3  }
0x6d: {  	s1 =	simm.s32 $0x6000  }
0x6e: {  	[tilespmem:s1], [sflag:$0x2] =	stream.indirect_vreg.gather [hbm4b:s2+s3], $0x80, v2, vm0, $0xb8;
	[tilespmem:$0x1E000] =	vst v63  }
0x6f: {  	s13 =	simm.s32 $0x6800  }
0x70: {  	[tilespmem:s13], [sflag:$0x2] =	stream.indirect_vreg.gather [hbm4b:s5+s3], $0x80, v2, vm0, $0xb8;
	[tilespmem:$0x1E000] =	vst v63  }
0x71: {  	s14 =	simm.s32 $0x7000  }
0x72: {  	[tilespmem:s14], [sflag:$0x2] =	stream.indirect_vreg.gather [hbm4b:s6+s3], $0x80, v2, vm0, $0xb8;
	[tilespmem:$0x1E000] =	vst v63  }
0x73: {  	s16 =	simm.s32 $0x7800  }
0x74: {  	[tilespmem:s16], [sflag:$0x2] =	stream.indirect_vreg.gather [hbm4b:s7+s3], $0x80, v2, vm0, $0xb8;
	[tilespmem:$0x1E000] =	vst v63  }
0x75: {  	s17 =	simm.s32 $0x8000  }
0x76: {  	[tilespmem:s17], [sflag:$0x2] =	stream.indirect_vreg.gather [hbm4b:s8+s3], $0x80, v2, vm0, $0xb8;
	[tilespmem:$0x1E000] =	vst v63  }
0x77: {  	s21 =	simm.s32 $0x8800  }
0x78: {  	[tilespmem:s21], [sflag:$0x2] =	stream.indirect_vreg.gather [hbm4b:s9+s3], $0x80, v2, vm0, $0xb8;
	[tilespmem:$0x1E000] =	vst v63  }
0x79: {  	s23 =	simm.s32 $0x9000  }
0x7a: {  	[tilespmem:s23], [sflag:$0x2] =	stream.indirect_vreg.gather [hbm4b:s10+s3], $0x80, v2, vm0, $0xb8;
	[tilespmem:$0x1E000] =	vst v63  }
0x7b: {  	s24 =	simm.s32 $0x9800  }
0x7c: {  	[tilespmem:s24], [sflag:$0x2] =	stream.indirect_vreg.gather [hbm4b:s11+s3], $0x80, v2, vm0, $0xb8;
	[tilespmem:$0x1E000] =	vst v63  }
0x7d: {  	v2 =	vld.msk [tilespmem:$0x100], $0x3;
	_ =	sdelay $0x4  }
0x7e: {  	v3 =	vshll.u32 v2, $0x6  }
0x7f: {  	v2 =	vand.u32 $0x7, v2;
	v3 =	vand.u32 $0xFFFFFE00, v3  }
0x80: {  	v2 =	vor.u32 v2, v3  }
0x81: {  	v2 =	vperm.xlane v2, v0;
	_ =	sdelay $0x1  }
0x82: {  	v2 =	vadd.s32 v1, v2;
	_ =	sdelay $0x3  }
0x83: {  	s25 =	simm.s32 $0xA000  }
0x84: {  	[tilespmem:s25], [sflag:$0x3] =	stream.indirect_vreg.gather [hbm4b:s2+s3], $0x80, v2, vm0, $0xb8;
	[tilespmem:$0x1E000] =	vst v63  }
0x85: {  	s13 =	simm.s32 $0xA800  }
0x86: {  	[tilespmem:s13], [sflag:$0x3] =	stream.indirect_vreg.gather [hbm4b:s5+s3], $0x80, v2, vm0, $0xb8;
	[tilespmem:$0x1E000] =	vst v63  }
0x87: {  	s30 =	simm.s32 $0xB000  }
0x88: {  	[tilespmem:s30], [sflag:$0x3] =	stream.indirect_vreg.gather [hbm4b:s6+s3], $0x80, v2, vm0, $0xb8;
	[tilespmem:$0x1E000] =	vst v63  }
0x89: {  	s14 =	simm.s32 $0xB800  }
0x8a: {  	[tilespmem:s14], [sflag:$0x3] =	stream.indirect_vreg.gather [hbm4b:s7+s3], $0x80, v2, vm0, $0xb8;
	[tilespmem:$0x1E000] =	vst v63  }
0x8b: {  	s16 =	simm.s32 $0xC000  }
0x8c: {  	[tilespmem:s16], [sflag:$0x3] =	stream.indirect_vreg.gather [hbm4b:s8+s3], $0x80, v2, vm0, $0xb8;
	[tilespmem:$0x1E000] =	vst v63  }
0x8d: {  	s17 =	simm.s32 $0xC800  }
0x8e: {  	[tilespmem:s17], [sflag:$0x3] =	stream.indirect_vreg.gather [hbm4b:s9+s3], $0x80, v2, vm0, $0xb8;
	[tilespmem:$0x1E000] =	vst v63  }
0x8f: {  	s21 =	simm.s32 $0xD000  }
0x90: {  	[tilespmem:s21], [sflag:$0x3] =	stream.indirect_vreg.gather [hbm4b:s10+s3], $0x80, v2, vm0, $0xb8;
	[tilespmem:$0x1E000] =	vst v63  }
0x91: {  	s23 =	simm.s32 $0xD800  }
0x92: {  	[tilespmem:s23], [sflag:$0x3] =	stream.indirect_vreg.gather [hbm4b:s11+s3], $0x80, v2, vm0, $0xb8;
	[tilespmem:$0x1E000] =	vst v63  }
0x93: {  	_ =	swait.ge [sflag:s19], $0x4000  }
0x94: {  	s31 =	sld [smem:$0x7FC]  }
0x95: {  	[sflag:s19] =	ssyncset.done $0x0  }
0x96: {  	s0 =	simm.s32 $0x2000;
	[sflag:s19] =	ssyncadd.s32 $0xFFFFC000  }
0x97: {  	[hbm4b:s31+s28] =	stream.strided.scatter [tilespmem:s0], [sflag:$0x8], $0x4000, s29, s28, $0x38;
	[tilespmem:$0x1E000] =	vst v63  }
0x98: {  	v2 =	vld.msk [tilespmem:$0x180], $0x3;
	_ =	sdelay $0x4  }
0x99: {  	v3 =	vshll.u32 v2, $0x6  }
0x9a: {  	v2 =	vand.u32 $0x7, v2;
	v3 =	vand.u32 $0xFFFFFE00, v3  }
0x9b: {  	v2 =	vor.u32 v2, v3  }
0x9c: {  	v2 =	vperm.xlane v2, v0;
	_ =	sdelay $0x1  }
0x9d: {  	v2 =	vadd.s32 v1, v2;
	_ =	sdelay $0x3  }
0x9e: {  	s24 =	simm.s32 $0xE000  }
0x9f: {  	[tilespmem:s24], [sflag:$0x4] =	stream.indirect_vreg.gather [hbm4b:s2+s3], $0x80, v2, vm0, $0xb8;
	[tilespmem:$0x1E000] =	vst v63  }
0xa0: {  	s25 =	simm.s32 $0xE800  }
0xa1: {  	[tilespmem:s25], [sflag:$0x4] =	stream.indirect_vreg.gather [hbm4b:s5+s3], $0x80, v2, vm0, $0xb8;
	[tilespmem:$0x1E000] =	vst v63  }
0xa2: {  	s14 =	simm.s32 $0xF000  }
0xa3: {  	[tilespmem:s14], [sflag:$0x4] =	stream.indirect_vreg.gather [hbm4b:s6+s3], $0x80, v2, vm0, $0xb8;
	[tilespmem:$0x1E000] =	vst v63  }
0xa4: {  	s16 =	simm.s32 $0xF800  }
0xa5: {  	[tilespmem:s16], [sflag:$0x4] =	stream.indirect_vreg.gather [hbm4b:s7+s3], $0x80, v2, vm0, $0xb8;
	[tilespmem:$0x1E000] =	vst v63  }
0xa6: {  	s17 =	simm.s32 $0x10000  }
0xa7: {  	[tilespmem:s17], [sflag:$0x4] =	stream.indirect_vreg.gather [hbm4b:s8+s3], $0x80, v2, vm0, $0xb8;
	[tilespmem:$0x1E000] =	vst v63  }
0xa8: {  	s21 =	simm.s32 $0x10800  }
0xa9: {  	[tilespmem:s21], [sflag:$0x4] =	stream.indirect_vreg.gather [hbm4b:s9+s3], $0x80, v2, vm0, $0xb8;
	[tilespmem:$0x1E000] =	vst v63  }
0xaa: {  	s23 =	simm.s32 $0x11000  }
0xab: {  	[tilespmem:s23], [sflag:$0x4] =	stream.indirect_vreg.gather [hbm4b:s10+s3], $0x80, v2, vm0, $0xb8;
	[tilespmem:$0x1E000] =	vst v63  }
0xac: {  	s24 =	simm.s32 $0x11800;
	s25 =	simm.s32 $0x2  }
0xad: {  	[tilespmem:s24], [sflag:$0x4] =	stream.indirect_vreg.gather [hbm4b:s11+s3], $0x80, v2, vm0, $0xb8;
	[tilespmem:$0x1E000] =	vst v63  }
0xae: {  	_ =	swait.ge [sflag:s25], $0x4000  }
0xaf: {  	[sflag:s25] =	ssyncset.done $0x0  }
0xb0: {  	s1 =	simm.s32 $0x6000;
	s31 =	rddreg [dreg:$0x5];
	[sflag:s25] =	ssyncadd.s32 $0xFFFFC000  }
0xb1: {  	[hbm4b:s31+s28] =	stream.strided.scatter [tilespmem:s1], [sflag:$0x9], $0x4000, s29, s28, $0x38;
	[tilespmem:$0x1E000] =	vst v63  }
0xb2: {  	v2 =	vld.msk [tilespmem:$0x200], $0x3;
	_ =	sdelay $0x4  }
0xb3: {  	v3 =	vshll.u32 v2, $0x6  }
0xb4: {  	v2 =	vand.u32 $0x7, v2;
	v3 =	vand.u32 $0xFFFFFE00, v3  }
0xb5: {  	v2 =	vor.u32 v2, v3  }
0xb6: {  	v2 =	vperm.xlane v2, v0;
	_ =	sdelay $0x1  }
0xb7: {  	v2 =	vadd.s32 v1, v2;
	_ =	sdelay $0x3  }
0xb8: {  	s1 =	simm.s32 $0x12000  }
0xb9: {  	[tilespmem:s1], [sflag:$0x5] =	stream.indirect_vreg.gather [hbm4b:s2+s3], $0x80, v2, vm0, $0xb8;
	[tilespmem:$0x1E000] =	vst v63  }
0xba: {  	s14 =	simm.s32 $0x12800  }
0xbb: {  	[tilespmem:s14], [sflag:$0x5] =	stream.indirect_vreg.gather [hbm4b:s5+s3], $0x80, v2, vm0, $0xb8;
	[tilespmem:$0x1E000] =	vst v63  }
0xbc: {  	s16 =	simm.s32 $0x13000  }
0xbd: {  	[tilespmem:s16], [sflag:$0x5] =	stream.indirect_vreg.gather [hbm4b:s6+s3], $0x80, v2, vm0, $0xb8;
	[tilespmem:$0x1E000] =	vst v63  }
0xbe: {  	s17 =	simm.s32 $0x13800  }
0xbf: {  	[tilespmem:s17], [sflag:$0x5] =	stream.indirect_vreg.gather [hbm4b:s7+s3], $0x80, v2, vm0, $0xb8;
	[tilespmem:$0x1E000] =	vst v63  }
0xc0: {  	s21 =	simm.s32 $0x14000  }
0xc1: {  	[tilespmem:s21], [sflag:$0x5] =	stream.indirect_vreg.gather [hbm4b:s8+s3], $0x80, v2, vm0, $0xb8;
	[tilespmem:$0x1E000] =	vst v63  }
0xc2: {  	s23 =	simm.s32 $0x14800  }
0xc3: {  	[tilespmem:s23], [sflag:$0x5] =	stream.indirect_vreg.gather [hbm4b:s9+s3], $0x80, v2, vm0, $0xb8;
	[tilespmem:$0x1E000] =	vst v63  }
0xc4: {  	s25 =	simm.s32 $0x15000  }
0xc5: {  	[tilespmem:s25], [sflag:$0x5] =	stream.indirect_vreg.gather [hbm4b:s10+s3], $0x80, v2, vm0, $0xb8;
	[tilespmem:$0x1E000] =	vst v63  }
0xc6: {  	s1 =	simm.s32 $0x15800;
	s14 =	simm.s32 $0x3  }
0xc7: {  	[tilespmem:s1], [sflag:$0x5] =	stream.indirect_vreg.gather [hbm4b:s11+s3], $0x80, v2, vm0, $0xb8;
	[tilespmem:$0x1E000] =	vst v63  }
0xc8: {  	_ =	swait.ge [sflag:s14], $0x4000  }
0xc9: {  	[sflag:s14] =	ssyncset.done $0x0  }
0xca: {  	s4 =	simm.s32 $0xA000;
	s31 =	rddreg [dreg:$0x6];
	[sflag:s14] =	ssyncadd.s32 $0xFFFFC000  }
0xcb: {  	[hbm4b:s31+s28] =	stream.strided.scatter [tilespmem:s4], [sflag:$0xA], $0x4000, s29, s28, $0x38;
	[tilespmem:$0x1E000] =	vst v63  }
0xcc: {  	v2 =	vld.msk [tilespmem:$0x280], $0x3;
	_ =	sdelay $0x4  }
0xcd: {  	v3 =	vshll.u32 v2, $0x6  }
0xce: {  	v2 =	vand.u32 $0x7, v2;
	v3 =	vand.u32 $0xFFFFFE00, v3  }
0xcf: {  	v2 =	vor.u32 v2, v3  }
0xd0: {  	v2 =	vperm.xlane v2, v0;
	_ =	sdelay $0x1  }
0xd1: {  	v2 =	vadd.s32 v1, v2;
	_ =	sdelay $0x3  }
0xd2: {  	s16 =	simm.s32 $0x16000  }
0xd3: {  	[tilespmem:s16], [sflag:$0x6] =	stream.indirect_vreg.gather [hbm4b:s2+s3], $0x80, v2, vm0, $0xb8;
	[tilespmem:$0x1E000] =	vst v63  }
0xd4: {  	s17 =	simm.s32 $0x16800  }
0xd5: {  	[tilespmem:s17], [sflag:$0x6] =	stream.indirect_vreg.gather [hbm4b:s5+s3], $0x80, v2, vm0, $0xb8;
	[tilespmem:$0x1E000] =	vst v63  }
0xd6: {  	s21 =	simm.s32 $0x17000  }
0xd7: {  	[tilespmem:s21], [sflag:$0x6] =	stream.indirect_vreg.gather [hbm4b:s6+s3], $0x80, v2, vm0, $0xb8;
	[tilespmem:$0x1E000] =	vst v63  }
0xd8: {  	s23 =	simm.s32 $0x17800  }
0xd9: {  	[tilespmem:s23], [sflag:$0x6] =	stream.indirect_vreg.gather [hbm4b:s7+s3], $0x80, v2, vm0, $0xb8;
	[tilespmem:$0x1E000] =	vst v63  }
0xda: {  	s25 =	simm.s32 $0x18000  }
0xdb: {  	[tilespmem:s25], [sflag:$0x6] =	stream.indirect_vreg.gather [hbm4b:s8+s3], $0x80, v2, vm0, $0xb8;
	[tilespmem:$0x1E000] =	vst v63  }
0xdc: {  	s4 =	simm.s32 $0x18800  }
0xdd: {  	[tilespmem:s4], [sflag:$0x6] =	stream.indirect_vreg.gather [hbm4b:s9+s3], $0x80, v2, vm0, $0xb8;
	[tilespmem:$0x1E000] =	vst v63  }
0xde: {  	s14 =	simm.s32 $0x19000  }
0xdf: {  	[tilespmem:s14], [sflag:$0x6] =	stream.indirect_vreg.gather [hbm4b:s10+s3], $0x80, v2, vm0, $0xb8;
	[tilespmem:$0x1E000] =	vst v63  }
0xe0: {  	s16 =	simm.s32 $0x19800;
	s17 =	simm.s32 $0x4  }
0xe1: {  	[tilespmem:s16], [sflag:$0x6] =	stream.indirect_vreg.gather [hbm4b:s11+s3], $0x80, v2, vm0, $0xb8;
	[tilespmem:$0x1E000] =	vst v63  }
0xe2: {  	_ =	swait.ge [sflag:s17], $0x4000  }
0xe3: {  	[sflag:s17] =	ssyncset.done $0x0  }
0xe4: {  	s30 =	simm.s32 $0xE000;
	s31 =	rddreg [dreg:$0x7];
	[sflag:s17] =	ssyncadd.s32 $0xFFFFC000  }
0xe5: {  	[hbm4b:s31+s28] =	stream.strided.scatter [tilespmem:s30], [sflag:$0xB], $0x4000, s29, s28, $0x38;
	[tilespmem:$0x1E000] =	vst v63  }
0xe6: {  	v2 =	vld.msk [tilespmem:$0x300], $0x3;
	_ =	sdelay $0x4  }
0xe7: {  	v3 =	vshll.u32 v2, $0x6  }
0xe8: {  	v2 =	vand.u32 $0x7, v2;
	v3 =	vand.u32 $0xFFFFFE00, v3  }
0xe9: {  	v2 =	vor.u32 v2, v3  }
0xea: {  	v2 =	vperm.xlane v2, v0;
	_ =	sdelay $0x1  }
0xeb: {  	v2 =	vadd.s32 v1, v2;
	_ =	sdelay $0x3  }
0xec: {  	s21 =	simm.s32 $0x1A000  }
0xed: {  	[tilespmem:s21], [sflag:$0x7] =	stream.indirect_vreg.gather [hbm4b:s2+s3], $0x80, v2, vm0, $0xb8;
	[tilespmem:$0x1E000] =	vst v63  }
0xee: {  	s23 =	simm.s32 $0x1A800  }
0xef: {  	[tilespmem:s23], [sflag:$0x7] =	stream.indirect_vreg.gather [hbm4b:s5+s3], $0x80, v2, vm0, $0xb8;
	[tilespmem:$0x1E000] =	vst v63  }
0xf0: {  	s25 =	simm.s32 $0x1B000  }
0xf1: {  	[tilespmem:s25], [sflag:$0x7] =	stream.indirect_vreg.gather [hbm4b:s6+s3], $0x80, v2, vm0, $0xb8;
	[tilespmem:$0x1E000] =	vst v63  }
0xf2: {  	s30 =	simm.s32 $0x1B800  }
0xf3: {  	[tilespmem:s30], [sflag:$0x7] =	stream.indirect_vreg.gather [hbm4b:s7+s3], $0x80, v2, vm0, $0xb8;
	[tilespmem:$0x1E000] =	vst v63  }
0xf4: {  	s14 =	simm.s32 $0x1C000  }
0xf5: {  	[tilespmem:s14], [sflag:$0x7] =	stream.indirect_vreg.gather [hbm4b:s8+s3], $0x80, v2, vm0, $0xb8;
	[tilespmem:$0x1E000] =	vst v63  }
0xf6: {  	s16 =	simm.s32 $0x1C800  }
0xf7: {  	[tilespmem:s16], [sflag:$0x7] =	stream.indirect_vreg.gather [hbm4b:s9+s3], $0x80, v2, vm0, $0xb8;
	[tilespmem:$0x1E000] =	vst v63  }
0xf8: {  	s17 =	simm.s32 $0x1D000  }
0xf9: {  	[tilespmem:s17], [sflag:$0x7] =	stream.indirect_vreg.gather [hbm4b:s10+s3], $0x80, v2, vm0, $0xb8;
	[tilespmem:$0x1E000] =	vst v63  }
0xfa: {  	s21 =	simm.s32 $0x1D800;
	s23 =	simm.s32 $0x5  }
0xfb: {  	[tilespmem:s21], [sflag:$0x7] =	stream.indirect_vreg.gather [hbm4b:s11+s3], $0x80, v2, vm0, $0xb8;
	[tilespmem:$0x1E000] =	vst v63  }
0xfc: {  	_ =	swait.ge [sflag:s23], $0x4000  }
0xfd: {  	[sflag:s23] =	ssyncset.done $0x0  }
0xfe: {  	s24 =	simm.s32 $0x12000;
	s31 =	rddreg [dreg:$0x8];
	[sflag:s23] =	ssyncadd.s32 $0xFFFFC000  }
0xff: {  	[hbm4b:s31+s28] =	stream.strided.scatter [tilespmem:s24], [sflag:$0xC], $0x4000, s29, s28, $0x38;
	[tilespmem:$0x1E000] =	vst v63  }
0x100: {  	_ =	swait.ge [sflag:s15], $0x4000  }
0x101: {  	[sflag:s15] =	ssyncset.done $0x0  }
0x102: {  	[sflag:s15] =	ssyncadd.s32 $0xFFFFC000  }
0x103: {  	v2 =	vld.msk [tilespmem:$0x380], $0x3;
	_ =	sdelay $0x4  }
0x104: {  	v3 =	vshll.u32 v2, $0x6  }
0x105: {  	v2 =	vand.u32 $0x7, v2;
	v3 =	vand.u32 $0xFFFFFE00, v3  }
0x106: {  	v2 =	vor.u32 v2, v3  }
0x107: {  	v2 =	vperm.xlane v2, v0;
	_ =	sdelay $0x1  }
0x108: {  	v2 =	vadd.s32 v1, v2;
	_ =	sdelay $0x3  }
0x109: {  	s13 =	simm.s32 $0x2000  }
0x10a: {  	[tilespmem:s13], [sflag:$0x1] =	stream.indirect_vreg.gather [hbm4b:s2+s3], $0x80, v2, vm0, $0xb8;
	[tilespmem:$0x1E000] =	vst v63  }
0x10b: {  	s25 =	simm.s32 $0x2800  }
0x10c: {  	[tilespmem:s25], [sflag:$0x1] =	stream.indirect_vreg.gather [hbm4b:s5+s3], $0x80, v2, vm0, $0xb8;
	[tilespmem:$0x1E000] =	vst v63  }
0x10d: {  	s24 =	simm.s32 $0x3000  }
0x10e: {  	[tilespmem:s24], [sflag:$0x1] =	stream.indirect_vreg.gather [hbm4b:s6+s3], $0x80, v2, vm0, $0xb8;
	[tilespmem:$0x1E000] =	vst v63  }
0x10f: {  	s30 =	simm.s32 $0x3800  }
0x110: {  	[tilespmem:s30], [sflag:$0x1] =	stream.indirect_vreg.gather [hbm4b:s7+s3], $0x80, v2, vm0, $0xb8;
	[tilespmem:$0x1E000] =	vst v63  }
0x111: {  	s14 =	simm.s32 $0x4000  }
0x112: {  	[tilespmem:s14], [sflag:$0x1] =	stream.indirect_vreg.gather [hbm4b:s8+s3], $0x80, v2, vm0, $0xb8;
	[tilespmem:$0x1E000] =	vst v63  }
0x113: {  	s21 =	simm.s32 $0x4800  }
0x114: {  	[tilespmem:s21], [sflag:$0x1] =	stream.indirect_vreg.gather [hbm4b:s9+s3], $0x80, v2, vm0, $0xb8;
	[tilespmem:$0x1E000] =	vst v63  }
0x115: {  	s23 =	simm.s32 $0x5000  }
0x116: {  	[tilespmem:s23], [sflag:$0x1] =	stream.indirect_vreg.gather [hbm4b:s10+s3], $0x80, v2, vm0, $0xb8;
	[tilespmem:$0x1E000] =	vst v63  }
0x117: {  	s24 =	simm.s32 $0x5800;
	s30 =	simm.s32 $0x6  }
0x118: {  	[tilespmem:s24], [sflag:$0x1] =	stream.indirect_vreg.gather [hbm4b:s11+s3], $0x80, v2, vm0, $0xb8;
	[tilespmem:$0x1E000] =	vst v63  }
0x119: {  	_ =	swait.ge [sflag:s30], $0x4000  }
0x11a: {  	s0 =	simm.s32 $0x16000;
	[sflag:s30] =	ssyncset.done $0x0  }
0x11b: {  	s14 =	simm.s32 $0x9;
	s31 =	rddreg [dreg:$0x9];
	[sflag:s30] =	ssyncadd.s32 $0xFFFFC000  }
0x11c: {  	[hbm4b:s31+s28] =	stream.strided.scatter [tilespmem:s0], [sflag:$0xD], $0x4000, s29, s28, $0x38;
	[tilespmem:$0x1E000] =	vst v63  }
0x11d: {  	_ =	swait.ge [sflag:s14], $0x4000  }
0x11e: {  	[sflag:s14] =	ssyncset.done $0x0  }
0x11f: {  	[sflag:s14] =	ssyncadd.s32 $0xFFFFC000  }
0x120: {  	v2 =	vld.msk [tilespmem:$0x400], $0x3;
	_ =	sdelay $0x4  }
0x121: {  	v3 =	vshll.u32 v2, $0x6  }
0x122: {  	v2 =	vand.u32 $0x7, v2;
	v3 =	vand.u32 $0xFFFFFE00, v3  }
0x123: {  	v2 =	vor.u32 v2, v3  }
0x124: {  	v2 =	vperm.xlane v2, v0;
	_ =	sdelay $0x1  }
0x125: {  	v2 =	vadd.s32 v1, v2;
	_ =	sdelay $0x3  }
0x126: {  	s14 =	simm.s32 $0x6000  }
0x127: {  	[tilespmem:s14], [sflag:$0x2] =	stream.indirect_vreg.gather [hbm4b:s2+s3], $0x80, v2, vm0, $0xb8;
	[tilespmem:$0x1E000] =	vst v63  }
0x128: {  	s12 =	simm.s32 $0x6800  }
0x129: {  	[tilespmem:s12], [sflag:$0x2] =	stream.indirect_vreg.gather [hbm4b:s5+s3], $0x80, v2, vm0, $0xb8;
	[tilespmem:$0x1E000] =	vst v63  }
0x12a: {  	s20 =	simm.s32 $0x7000  }
0x12b: {  	[tilespmem:s20], [sflag:$0x2] =	stream.indirect_vreg.gather [hbm4b:s6+s3], $0x80, v2, vm0, $0xb8;
	[tilespmem:$0x1E000] =	vst v63  }
0x12c: {  	s21 =	simm.s32 $0x7800  }
0x12d: {  	[tilespmem:s21], [sflag:$0x2] =	stream.indirect_vreg.gather [hbm4b:s7+s3], $0x80, v2, vm0, $0xb8;
	[tilespmem:$0x1E000] =	vst v63  }
0x12e: {  	s23 =	simm.s32 $0x8000  }
0x12f: {  	[tilespmem:s23], [sflag:$0x2] =	stream.indirect_vreg.gather [hbm4b:s8+s3], $0x80, v2, vm0, $0xb8;
	[tilespmem:$0x1E000] =	vst v63  }
0x130: {  	s24 =	simm.s32 $0x8800  }
0x131: {  	[tilespmem:s24], [sflag:$0x2] =	stream.indirect_vreg.gather [hbm4b:s9+s3], $0x80, v2, vm0, $0xb8;
	[tilespmem:$0x1E000] =	vst v63  }
0x132: {  	s30 =	simm.s32 $0x9000  }
0x133: {  	[tilespmem:s30], [sflag:$0x2] =	stream.indirect_vreg.gather [hbm4b:s10+s3], $0x80, v2, vm0, $0xb8;
	[tilespmem:$0x1E000] =	vst v63  }
0x134: {  	s12 =	simm.s32 $0x9800;
	s30 =	simm.s32 $0x7  }
0x135: {  	[tilespmem:s12], [sflag:$0x2] =	stream.indirect_vreg.gather [hbm4b:s11+s3], $0x80, v2, vm0, $0xb8;
	[tilespmem:$0x1E000] =	vst v63  }
0x136: {  	_ =	swait.ge [sflag:s30], $0x4000  }
0x137: {  	s1 =	simm.s32 $0x1A000;
	[sflag:s30] =	ssyncset.done $0x0  }
0x138: {  	s13 =	simm.s32 $0xA;
	s31 =	rddreg [dreg:$0xa];
	[sflag:s30] =	ssyncadd.s32 $0xFFFFC000  }
0x139: {  	[hbm4b:s31+s28] =	stream.strided.scatter [tilespmem:s1], [sflag:$0xE], $0x4000, s29, s28, $0x38;
	[tilespmem:$0x1E000] =	vst v63  }
0x13a: {  	_ =	swait.ge [sflag:s13], $0x4000  }
0x13b: {  	[sflag:s13] =	ssyncset.done $0x0  }
0x13c: {  	[sflag:s13] =	ssyncadd.s32 $0xFFFFC000  }
0x13d: {  	v2 =	vld.msk [tilespmem:$0x480], $0x3;
	_ =	sdelay $0x4  }
0x13e: {  	v3 =	vshll.u32 v2, $0x6  }
0x13f: {  	v2 =	vand.u32 $0x7, v2;
	v3 =	vand.u32 $0xFFFFFE00, v3  }
0x140: {  	v2 =	vor.u32 v2, v3  }
0x141: {  	v2 =	vperm.xlane v2, v0;
	_ =	sdelay $0x1  }
0x142: {  	v2 =	vadd.s32 v1, v2;
	_ =	sdelay $0x3  }
0x143: {  	s0 =	simm.s32 $0xA000  }
0x144: {  	[tilespmem:s0], [sflag:$0x3] =	stream.indirect_vreg.gather [hbm4b:s2+s3], $0x80, v2, vm0, $0xb8;
	[tilespmem:$0x1E000] =	vst v63  }
0x145: {  	s20 =	simm.s32 $0xA800  }
0x146: {  	[tilespmem:s20], [sflag:$0x3] =	stream.indirect_vreg.gather [hbm4b:s5+s3], $0x80, v2, vm0, $0xb8;
	[tilespmem:$0x1E000] =	vst v63  }
0x147: {  	s21 =	simm.s32 $0xB000  }
0x148: {  	[tilespmem:s21], [sflag:$0x3] =	stream.indirect_vreg.gather [hbm4b:s6+s3], $0x80, v2, vm0, $0xb8;
	[tilespmem:$0x1E000] =	vst v63  }
0x149: {  	s23 =	simm.s32 $0xB800  }
0x14a: {  	[tilespmem:s23], [sflag:$0x3] =	stream.indirect_vreg.gather [hbm4b:s7+s3], $0x80, v2, vm0, $0xb8;
	[tilespmem:$0x1E000] =	vst v63  }
0x14b: {  	s24 =	simm.s32 $0xC000  }
0x14c: {  	[tilespmem:s24], [sflag:$0x3] =	stream.indirect_vreg.gather [hbm4b:s8+s3], $0x80, v2, vm0, $0xb8;
	[tilespmem:$0x1E000] =	vst v63  }
0x14d: {  	s13 =	simm.s32 $0xC800  }
0x14e: {  	[tilespmem:s13], [sflag:$0x3] =	stream.indirect_vreg.gather [hbm4b:s9+s3], $0x80, v2, vm0, $0xb8;
	[tilespmem:$0x1E000] =	vst v63  }
0x14f: {  	s20 =	simm.s32 $0xD000  }
0x150: {  	[tilespmem:s20], [sflag:$0x3] =	stream.indirect_vreg.gather [hbm4b:s10+s3], $0x80, v2, vm0, $0xb8;
	[tilespmem:$0x1E000] =	vst v63  }
0x151: {  	s21 =	simm.s32 $0xD800  }
0x152: {  	[tilespmem:s21], [sflag:$0x3] =	stream.indirect_vreg.gather [hbm4b:s11+s3], $0x80, v2, vm0, $0xb8;
	[tilespmem:$0x1E000] =	vst v63  }
0x153: {  	_ =	swait.ge [sflag:s19], $0x4000  }
0x154: {  	[sflag:s19] =	ssyncset.done $0x0  }
0x155: {  	s4 =	simm.s32 $0x2000;
	s31 =	rddreg [dreg:$0xb];
	[sflag:s19] =	ssyncadd.s32 $0xFFFFC000  }
0x156: {  	[hbm4b:s31+s28] =	stream.strided.scatter [tilespmem:s4], [sflag:$0x8], $0x4000, s29, s28, $0x38;
	[tilespmem:$0x1E000] =	vst v63  }
0x157: {  	_ =	swait.ge [sflag:s18], $0x4000  }
0x158: {  	[sflag:s18] =	ssyncset.done $0x0  }
0x159: {  	[sflag:s18] =	ssyncadd.s32 $0xFFFFC000  }
0x15a: {  	v2 =	vld.msk [tilespmem:$0x500], $0x3;
	_ =	sdelay $0x4  }
0x15b: {  	v3 =	vshll.u32 v2, $0x6  }
0x15c: {  	v2 =	vand.u32 $0x7, v2;
	v3 =	vand.u32 $0xFFFFFE00, v3  }
0x15d: {  	v2 =	vor.u32 v2, v3  }
0x15e: {  	v2 =	vperm.xlane v2, v0;
	_ =	sdelay $0x1  }
0x15f: {  	v2 =	vadd.s32 v1, v2;
	_ =	sdelay $0x3  }
0x160: {  	s1 =	simm.s32 $0xE000  }
0x161: {  	[tilespmem:s1], [sflag:$0x4] =	stream.indirect_vreg.gather [hbm4b:s2+s3], $0x80, v2, vm0, $0xb8;
	[tilespmem:$0x1E000] =	vst v63  }
0x162: {  	s23 =	simm.s32 $0xE800  }
0x163: {  	[tilespmem:s23], [sflag:$0x4] =	stream.indirect_vreg.gather [hbm4b:s5+s3], $0x80, v2, vm0, $0xb8;
	[tilespmem:$0x1E000] =	vst v63  }
0x164: {  	s24 =	simm.s32 $0xF000  }
0x165: {  	[tilespmem:s24], [sflag:$0x4] =	stream.indirect_vreg.gather [hbm4b:s6+s3], $0x80, v2, vm0, $0xb8;
	[tilespmem:$0x1E000] =	vst v63  }
0x166: {  	s13 =	simm.s32 $0xF800  }
0x167: {  	[tilespmem:s13], [sflag:$0x4] =	stream.indirect_vreg.gather [hbm4b:s7+s3], $0x80, v2, vm0, $0xb8;
	[tilespmem:$0x1E000] =	vst v63  }
0x168: {  	s20 =	simm.s32 $0x10000  }
0x169: {  	[tilespmem:s20], [sflag:$0x4] =	stream.indirect_vreg.gather [hbm4b:s8+s3], $0x80, v2, vm0, $0xb8;
	[tilespmem:$0x1E000] =	vst v63  }
0x16a: {  	s21 =	simm.s32 $0x10800  }
0x16b: {  	[tilespmem:s21], [sflag:$0x4] =	stream.indirect_vreg.gather [hbm4b:s9+s3], $0x80, v2, vm0, $0xb8;
	[tilespmem:$0x1E000] =	vst v63  }
0x16c: {  	s23 =	simm.s32 $0x11000  }
0x16d: {  	[tilespmem:s23], [sflag:$0x4] =	stream.indirect_vreg.gather [hbm4b:s10+s3], $0x80, v2, vm0, $0xb8;
	[tilespmem:$0x1E000] =	vst v63  }
0x16e: {  	s24 =	simm.s32 $0x11800;
	s13 =	simm.s32 $0x2  }
0x16f: {  	[tilespmem:s24], [sflag:$0x4] =	stream.indirect_vreg.gather [hbm4b:s11+s3], $0x80, v2, vm0, $0xb8;
	[tilespmem:$0x1E000] =	vst v63  }
0x170: {  	_ =	swait.ge [sflag:s13], $0x4000  }
0x171: {  	[sflag:s13] =	ssyncset.done $0x0  }
0x172: {  	s31 =	rddreg [dreg:$0xc];
	[sflag:s13] =	ssyncadd.s32 $0xFFFFC000;
	s13 =	simm.s32 $0xC  }
0x173: {  	[hbm4b:s31+s28] =	stream.strided.scatter [tilespmem:s14], [sflag:$0x9], $0x4000, s29, s28, $0x38;
	[tilespmem:$0x1E000] =	vst v63  }
0x174: {  	_ =	swait.ge [sflag:s13], $0x4000  }
0x175: {  	[sflag:s13] =	ssyncset.done $0x0  }
0x176: {  	[sflag:s13] =	ssyncadd.s32 $0xFFFFC000  }
0x177: {  	v2 =	vld.msk [tilespmem:$0x580], $0x3;
	_ =	sdelay $0x4  }
0x178: {  	v3 =	vshll.u32 v2, $0x6  }
0x179: {  	v2 =	vand.u32 $0x7, v2;
	v3 =	vand.u32 $0xFFFFFE00, v3  }
0x17a: {  	v2 =	vor.u32 v2, v3  }
0x17b: {  	v2 =	vperm.xlane v2, v0;
	_ =	sdelay $0x1  }
0x17c: {  	v2 =	vadd.s32 v1, v2;
	_ =	sdelay $0x3  }
0x17d: {  	s17 =	simm.s32 $0x12000  }
0x17e: {  	[tilespmem:s17], [sflag:$0x5] =	stream.indirect_vreg.gather [hbm4b:s2+s3], $0x80, v2, vm0, $0xb8;
	[tilespmem:$0x1E000] =	vst v63  }
0x17f: {  	s20 =	simm.s32 $0x12800  }
0x180: {  	[tilespmem:s20], [sflag:$0x5] =	stream.indirect_vreg.gather [hbm4b:s5+s3], $0x80, v2, vm0, $0xb8;
	[tilespmem:$0x1E000] =	vst v63  }
0x181: {  	s23 =	simm.s32 $0x13000  }
0x182: {  	[tilespmem:s23], [sflag:$0x5] =	stream.indirect_vreg.gather [hbm4b:s6+s3], $0x80, v2, vm0, $0xb8;
	[tilespmem:$0x1E000] =	vst v63  }
0x183: {  	s17 =	simm.s32 $0x13800  }
0x184: {  	[tilespmem:s17], [sflag:$0x5] =	stream.indirect_vreg.gather [hbm4b:s7+s3], $0x80, v2, vm0, $0xb8;
	[tilespmem:$0x1E000] =	vst v63  }
0x185: {  	s20 =	simm.s32 $0x14000  }
0x186: {  	[tilespmem:s20], [sflag:$0x5] =	stream.indirect_vreg.gather [hbm4b:s8+s3], $0x80, v2, vm0, $0xb8;
	[tilespmem:$0x1E000] =	vst v63  }
0x187: {  	s23 =	simm.s32 $0x14800  }
0x188: {  	[tilespmem:s23], [sflag:$0x5] =	stream.indirect_vreg.gather [hbm4b:s9+s3], $0x80, v2, vm0, $0xb8;
	[tilespmem:$0x1E000] =	vst v63  }
0x189: {  	s17 =	simm.s32 $0x15000  }
0x18a: {  	[tilespmem:s17], [sflag:$0x5] =	stream.indirect_vreg.gather [hbm4b:s10+s3], $0x80, v2, vm0, $0xb8;
	[tilespmem:$0x1E000] =	vst v63  }
0x18b: {  	s20 =	simm.s32 $0x15800;
	s23 =	simm.s32 $0x3  }
0x18c: {  	[tilespmem:s20], [sflag:$0x5] =	stream.indirect_vreg.gather [hbm4b:s11+s3], $0x80, v2, vm0, $0xb8;
	[tilespmem:$0x1E000] =	vst v63  }
0x18d: {  	_ =	swait.ge [sflag:s23], $0x4000  }
0x18e: {  	[sflag:s23] =	ssyncset.done $0x0  }
0x18f: {  	s31 =	rddreg [dreg:$0xd];
	[sflag:s23] =	ssyncadd.s32 $0xFFFFC000  }
0x190: {  	[hbm4b:s31+s28] =	stream.strided.scatter [tilespmem:s0], [sflag:$0xA], $0x4000, s29, s28, $0x38;
	[tilespmem:$0x1E000] =	vst v63  }
0x191: {  	_ =	swait.ge [sflag:s22], $0x4000  }
0x192: {  	[sflag:s22] =	ssyncset.done $0x0  }
0x193: {  	[sflag:s22] =	ssyncadd.s32 $0xFFFFC000  }
0x194: {  	v2 =	vld.msk [tilespmem:$0x600], $0x3;
	_ =	sdelay $0x4  }
0x195: {  	v3 =	vshll.u32 v2, $0x6  }
0x196: {  	v2 =	vand.u32 $0x7, v2;
	v3 =	vand.u32 $0xFFFFFE00, v3  }
0x197: {  	v2 =	vor.u32 v2, v3  }
0x198: {  	v2 =	vperm.xlane v2, v0;
	_ =	sdelay $0x1  }
0x199: {  	v2 =	vadd.s32 v1, v2;
	_ =	sdelay $0x3  }
0x19a: {  	s0 =	simm.s32 $0x16000  }
0x19b: {  	[tilespmem:s0], [sflag:$0x6] =	stream.indirect_vreg.gather [hbm4b:s2+s3], $0x80, v2, vm0, $0xb8;
	[tilespmem:$0x1E000] =	vst v63  }
0x19c: {  	s17 =	simm.s32 $0x16800  }
0x19d: {  	[tilespmem:s17], [sflag:$0x6] =	stream.indirect_vreg.gather [hbm4b:s5+s3], $0x80, v2, vm0, $0xb8;
	[tilespmem:$0x1E000] =	vst v63  }
0x19e: {  	s20 =	simm.s32 $0x17000  }
0x19f: {  	[tilespmem:s20], [sflag:$0x6] =	stream.indirect_vreg.gather [hbm4b:s6+s3], $0x80, v2, vm0, $0xb8;
	[tilespmem:$0x1E000] =	vst v63  }
0x1a0: {  	s17 =	simm.s32 $0x17800  }
0x1a1: {  	[tilespmem:s17], [sflag:$0x6] =	stream.indirect_vreg.gather [hbm4b:s7+s3], $0x80, v2, vm0, $0xb8;
	[tilespmem:$0x1E000] =	vst v63  }
0x1a2: {  	s20 =	simm.s32 $0x18000  }
0x1a3: {  	[tilespmem:s20], [sflag:$0x6] =	stream.indirect_vreg.gather [hbm4b:s8+s3], $0x80, v2, vm0, $0xb8;
	[tilespmem:$0x1E000] =	vst v63  }
0x1a4: {  	s17 =	simm.s32 $0x18800  }
0x1a5: {  	[tilespmem:s17], [sflag:$0x6] =	stream.indirect_vreg.gather [hbm4b:s9+s3], $0x80, v2, vm0, $0xb8;
	[tilespmem:$0x1E000] =	vst v63  }
0x1a6: {  	s20 =	simm.s32 $0x19000  }
0x1a7: {  	[tilespmem:s20], [sflag:$0x6] =	stream.indirect_vreg.gather [hbm4b:s10+s3], $0x80, v2, vm0, $0xb8;
	[tilespmem:$0x1E000] =	vst v63  }
0x1a8: {  	s17 =	simm.s32 $0x19800;
	s20 =	simm.s32 $0x4  }
0x1a9: {  	[tilespmem:s17], [sflag:$0x6] =	stream.indirect_vreg.gather [hbm4b:s11+s3], $0x80, v2, vm0, $0xb8;
	[tilespmem:$0x1E000] =	vst v63  }
0x1aa: {  	_ =	swait.ge [sflag:s20], $0x4000  }
0x1ab: {  	[sflag:s20] =	ssyncset.done $0x0  }
0x1ac: {  	s31 =	rddreg [dreg:$0xe];
	[sflag:s20] =	ssyncadd.s32 $0xFFFFC000  }
0x1ad: {  	[hbm4b:s31+s28] =	stream.strided.scatter [tilespmem:s1], [sflag:$0xB], $0x4000, s29, s28, $0x38;
	[tilespmem:$0x1E000] =	vst v63  }
0x1ae: {  	_ =	swait.ge [sflag:s26], $0x4000  }
0x1af: {  	[sflag:s26] =	ssyncset.done $0x0  }
0x1b0: {  	[sflag:s26] =	ssyncadd.s32 $0xFFFFC000  }
0x1b1: {  	v2 =	vld.msk [tilespmem:$0x680], $0x3;
	_ =	sdelay $0x4  }
0x1b2: {  	v3 =	vshll.u32 v2, $0x6  }
0x1b3: {  	v2 =	vand.u32 $0x7, v2;
	v3 =	vand.u32 $0xFFFFFE00, v3  }
0x1b4: {  	v2 =	vor.u32 v2, v3  }
0x1b5: {  	v2 =	vperm.xlane v2, v0;
	_ =	sdelay $0x1  }
0x1b6: {  	v2 =	vadd.s32 v1, v2;
	_ =	sdelay $0x3  }
0x1b7: {  	s17 =	simm.s32 $0x1A000  }
0x1b8: {  	[tilespmem:s17], [sflag:$0x7] =	stream.indirect_vreg.gather [hbm4b:s2+s3], $0x80, v2, vm0, $0xb8;
	[tilespmem:$0x1E000] =	vst v63  }
0x1b9: {  	s4 =	simm.s32 $0x1A800  }
0x1ba: {  	[tilespmem:s4], [sflag:$0x7] =	stream.indirect_vreg.gather [hbm4b:s5+s3], $0x80, v2, vm0, $0xb8;
	[tilespmem:$0x1E000] =	vst v63  }
0x1bb: {  	s4 =	simm.s32 $0x1B000  }
0x1bc: {  	[tilespmem:s4], [sflag:$0x7] =	stream.indirect_vreg.gather [hbm4b:s6+s3], $0x80, v2, vm0, $0xb8;
	[tilespmem:$0x1E000] =	vst v63  }
0x1bd: {  	s4 =	simm.s32 $0x1B800  }
0x1be: {  	[tilespmem:s4], [sflag:$0x7] =	stream.indirect_vreg.gather [hbm4b:s7+s3], $0x80, v2, vm0, $0xb8;
	[tilespmem:$0x1E000] =	vst v63  }
0x1bf: {  	s4 =	simm.s32 $0x1C000  }
0x1c0: {  	[tilespmem:s4], [sflag:$0x7] =	stream.indirect_vreg.gather [hbm4b:s8+s3], $0x80, v2, vm0, $0xb8;
	[tilespmem:$0x1E000] =	vst v63  }
0x1c1: {  	s4 =	simm.s32 $0x1C800  }
0x1c2: {  	[tilespmem:s4], [sflag:$0x7] =	stream.indirect_vreg.gather [hbm4b:s9+s3], $0x80, v2, vm0, $0xb8;
	[tilespmem:$0x1E000] =	vst v63  }
0x1c3: {  	s4 =	simm.s32 $0x1D000  }
0x1c4: {  	[tilespmem:s4], [sflag:$0x7] =	stream.indirect_vreg.gather [hbm4b:s10+s3], $0x80, v2, vm0, $0xb8;
	[tilespmem:$0x1E000] =	vst v63  }
0x1c5: {  	s16 =	simm.s32 $0x5;
	s4 =	simm.s32 $0x1D800  }
0x1c6: {  	[tilespmem:s4], [sflag:$0x7] =	stream.indirect_vreg.gather [hbm4b:s11+s3], $0x80, v2, vm0, $0xb8;
	[tilespmem:$0x1E000] =	vst v63  }
0x1c7: {  	_ =	swait.ge [sflag:s16], $0x4000  }
0x1c8: {  	[sflag:s16] =	ssyncset.done $0x0  }
0x1c9: {  	s21 =	simm.s32 $0x12000;
	s31 =	rddreg [dreg:$0xf];
	[sflag:s16] =	ssyncadd.s32 $0xFFFFC000  }
0x1ca: {  	[hbm4b:s31+s28] =	stream.strided.scatter [tilespmem:s21], [sflag:$0xC], $0x4000, s29, s28, $0x38;
	[tilespmem:$0x1E000] =	vst v63  }
0x1cb: {  	_ =	swait.ge [sflag:s15], $0x4000  }
0x1cc: {  	[sflag:s15] =	ssyncset.done $0x0  }
0x1cd: {  	[sflag:s15] =	ssyncadd.s32 $0xFFFFC000  }
0x1ce: {  	v2 =	vld.msk [tilespmem:$0x700], $0x3;
	_ =	sdelay $0x4  }
0x1cf: {  	v3 =	vshll.u32 v2, $0x6  }
0x1d0: {  	v2 =	vand.u32 $0x7, v2;
	v3 =	vand.u32 $0xFFFFFE00, v3  }
0x1d1: {  	v2 =	vor.u32 v2, v3  }
0x1d2: {  	v2 =	vperm.xlane v2, v0;
	_ =	sdelay $0x1  }
0x1d3: {  	v2 =	vadd.s32 v1, v2;
	_ =	sdelay $0x3  }
0x1d4: {  	s16 =	simm.s32 $0x2000  }
0x1d5: {  	[tilespmem:s16], [sflag:$0x1] =	stream.indirect_vreg.gather [hbm4b:s2+s3], $0x80, v2, vm0, $0xb8;
	[tilespmem:$0x1E000] =	vst v63  }
0x1d6: {  	_ = 	snop  }
0x1d7: {  	[tilespmem:s25], [sflag:$0x1] =	stream.indirect_vreg.gather [hbm4b:s5+s3], $0x80, v2, vm0, $0xb8;
	[tilespmem:$0x1E000] =	vst v63  }
0x1d8: {  	s25 =	simm.s32 $0x3000  }
0x1d9: {  	[tilespmem:s25], [sflag:$0x1] =	stream.indirect_vreg.gather [hbm4b:s6+s3], $0x80, v2, vm0, $0xb8;
	[tilespmem:$0x1E000] =	vst v63  }
0x1da: {  	s4 =	simm.s32 $0x3800  }
0x1db: {  	[tilespmem:s4], [sflag:$0x1] =	stream.indirect_vreg.gather [hbm4b:s7+s3], $0x80, v2, vm0, $0xb8;
	[tilespmem:$0x1E000] =	vst v63  }
0x1dc: {  	s21 =	simm.s32 $0x4000  }
0x1dd: {  	[tilespmem:s21], [sflag:$0x1] =	stream.indirect_vreg.gather [hbm4b:s8+s3], $0x80, v2, vm0, $0xb8;
	[tilespmem:$0x1E000] =	vst v63  }
0x1de: {  	s25 =	simm.s32 $0x4800  }
0x1df: {  	[tilespmem:s25], [sflag:$0x1] =	stream.indirect_vreg.gather [hbm4b:s9+s3], $0x80, v2, vm0, $0xb8;
	[tilespmem:$0x1E000] =	vst v63  }
0x1e0: {  	s4 =	simm.s32 $0x5000  }
0x1e1: {  	[tilespmem:s4], [sflag:$0x1] =	stream.indirect_vreg.gather [hbm4b:s10+s3], $0x80, v2, vm0, $0xb8;
	[tilespmem:$0x1E000] =	vst v63  }
0x1e2: {  	s21 =	simm.s32 $0x5800;
	s25 =	simm.s32 $0x6  }
0x1e3: {  	[tilespmem:s21], [sflag:$0x1] =	stream.indirect_vreg.gather [hbm4b:s11+s3], $0x80, v2, vm0, $0xb8;
	[tilespmem:$0x1E000] =	vst v63  }
0x1e4: {  	_ =	swait.ge [sflag:s25], $0x4000  }
0x1e5: {  	[sflag:s25] =	ssyncset.done $0x0  }
0x1e6: {  	s4 =	simm.s32 $0x9;
	s31 =	rddreg [dreg:$0x10];
	[sflag:s25] =	ssyncadd.s32 $0xFFFFC000  }
0x1e7: {  	[hbm4b:s31+s28] =	stream.strided.scatter [tilespmem:s0], [sflag:$0xD], $0x4000, s29, s28, $0x38;
	[tilespmem:$0x1E000] =	vst v63  }
0x1e8: {  	_ =	swait.ge [sflag:s4], $0x4000  }
0x1e9: {  	[sflag:s4] =	ssyncset.done $0x0  }
0x1ea: {  	[sflag:s4] =	ssyncadd.s32 $0xFFFFC000  }
0x1eb: {  	v2 =	vld.msk [tilespmem:$0x780], $0x3;
	_ =	sdelay $0x4  }
0x1ec: {  	v3 =	vshll.u32 v2, $0x6  }
0x1ed: {  	v2 =	vand.u32 $0x7, v2;
	v3 =	vand.u32 $0xFFFFFE00, v3  }
0x1ee: {  	v2 =	vor.u32 v2, v3  }
0x1ef: {  	v2 =	vperm.xlane v2, v0;
	_ =	sdelay $0x1  }
0x1f0: {  	v2 =	vadd.s32 v1, v2;
	_ =	sdelay $0x3  }
0x1f1: {  	s14 =	simm.s32 $0x6000  }
0x1f2: {  	[tilespmem:s14], [sflag:$0x2] =	stream.indirect_vreg.gather [hbm4b:s2+s3], $0x80, v2, vm0, $0xb8;
	[tilespmem:$0x1E000] =	vst v63  }
0x1f3: {  	s14 =	simm.s32 $0x6800  }
0x1f4: {  	[tilespmem:s14], [sflag:$0x2] =	stream.indirect_vreg.gather [hbm4b:s5+s3], $0x80, v2, vm0, $0xb8;
	[tilespmem:$0x1E000] =	vst v63  }
0x1f5: {  	s25 =	simm.s32 $0x7000  }
0x1f6: {  	[tilespmem:s25], [sflag:$0x2] =	stream.indirect_vreg.gather [hbm4b:s6+s3], $0x80, v2, vm0, $0xb8;
	[tilespmem:$0x1E000] =	vst v63  }
0x1f7: {  	s14 =	simm.s32 $0x7800  }
0x1f8: {  	[tilespmem:s14], [sflag:$0x2] =	stream.indirect_vreg.gather [hbm4b:s7+s3], $0x80, v2, vm0, $0xb8;
	[tilespmem:$0x1E000] =	vst v63  }
0x1f9: {  	s25 =	simm.s32 $0x8000  }
0x1fa: {  	[tilespmem:s25], [sflag:$0x2] =	stream.indirect_vreg.gather [hbm4b:s8+s3], $0x80, v2, vm0, $0xb8;
	[tilespmem:$0x1E000] =	vst v63  }
0x1fb: {  	s14 =	simm.s32 $0x8800  }
0x1fc: {  	[tilespmem:s14], [sflag:$0x2] =	stream.indirect_vreg.gather [hbm4b:s9+s3], $0x80, v2, vm0, $0xb8;
	[tilespmem:$0x1E000] =	vst v63  }
0x1fd: {  	s25 =	simm.s32 $0x9000  }
0x1fe: {  	[tilespmem:s25], [sflag:$0x2] =	stream.indirect_vreg.gather [hbm4b:s10+s3], $0x80, v2, vm0, $0xb8;
	[tilespmem:$0x1E000] =	vst v63  }
0x1ff: {  	s14 =	simm.s32 $0x9800  }
0x200: {  	[tilespmem:s14], [sflag:$0x2] =	stream.indirect_vreg.gather [hbm4b:s11+s3], $0x80, v2, vm0, $0xb8;
	[tilespmem:$0x1E000] =	vst v63  }
0x201: {  	_ =	swait.ge [sflag:s30], $0x4000  }
0x202: {  	[sflag:s30] =	ssyncset.done $0x0  }
0x203: {  	s12 =	simm.s32 $0xA;
	s31 =	rddreg [dreg:$0x11];
	[sflag:s30] =	ssyncadd.s32 $0xFFFFC000  }
0x204: {  	[hbm4b:s31+s28] =	stream.strided.scatter [tilespmem:s17], [sflag:$0xE], $0x4000, s29, s28, $0x38;
	[tilespmem:$0x1E000] =	vst v63  }
0x205: {  	_ =	swait.ge [sflag:s12], $0x4000  }
0x206: {  	[sflag:s12] =	ssyncset.done $0x0  }
0x207: {  	[sflag:s12] =	ssyncadd.s32 $0xFFFFC000  }
0x208: {  	v2 =	vld.msk [tilespmem:$0x800], $0x3;
	_ =	sdelay $0x4  }
0x209: {  	v3 =	vshll.u32 v2, $0x6  }
0x20a: {  	v2 =	vand.u32 $0x7, v2;
	v3 =	vand.u32 $0xFFFFFE00, v3  }
0x20b: {  	v2 =	vor.u32 v2, v3  }
0x20c: {  	v2 =	vperm.xlane v2, v0;
	_ =	sdelay $0x1  }
0x20d: {  	v2 =	vadd.s32 v1, v2;
	_ =	sdelay $0x3  }
0x20e: {  	s14 =	simm.s32 $0xA000  }
0x20f: {  	[tilespmem:s14], [sflag:$0x3] =	stream.indirect_vreg.gather [hbm4b:s2+s3], $0x80, v2, vm0, $0xb8;
	[tilespmem:$0x1E000] =	vst v63  }
0x210: {  	s25 =	simm.s32 $0xA800  }
0x211: {  	[tilespmem:s25], [sflag:$0x3] =	stream.indirect_vreg.gather [hbm4b:s5+s3], $0x80, v2, vm0, $0xb8;
	[tilespmem:$0x1E000] =	vst v63  }
0x212: {  	s25 =	simm.s32 $0xB000  }
0x213: {  	[tilespmem:s25], [sflag:$0x3] =	stream.indirect_vreg.gather [hbm4b:s6+s3], $0x80, v2, vm0, $0xb8;
	[tilespmem:$0x1E000] =	vst v63  }
0x214: {  	s25 =	simm.s32 $0xB800  }
0x215: {  	[tilespmem:s25], [sflag:$0x3] =	stream.indirect_vreg.gather [hbm4b:s7+s3], $0x80, v2, vm0, $0xb8;
	[tilespmem:$0x1E000] =	vst v63  }
0x216: {  	s25 =	simm.s32 $0xC000  }
0x217: {  	[tilespmem:s25], [sflag:$0x3] =	stream.indirect_vreg.gather [hbm4b:s8+s3], $0x80, v2, vm0, $0xb8;
	[tilespmem:$0x1E000] =	vst v63  }
0x218: {  	s25 =	simm.s32 $0xC800  }
0x219: {  	[tilespmem:s25], [sflag:$0x3] =	stream.indirect_vreg.gather [hbm4b:s9+s3], $0x80, v2, vm0, $0xb8;
	[tilespmem:$0x1E000] =	vst v63  }
0x21a: {  	s25 =	simm.s32 $0xD000  }
0x21b: {  	[tilespmem:s25], [sflag:$0x3] =	stream.indirect_vreg.gather [hbm4b:s10+s3], $0x80, v2, vm0, $0xb8;
	[tilespmem:$0x1E000] =	vst v63  }
0x21c: {  	s25 =	simm.s32 $0xD800  }
0x21d: {  	[tilespmem:s25], [sflag:$0x3] =	stream.indirect_vreg.gather [hbm4b:s11+s3], $0x80, v2, vm0, $0xb8;
	[tilespmem:$0x1E000] =	vst v63  }
0x21e: {  	_ =	swait.ge [sflag:s19], $0x4000  }
0x21f: {  	[sflag:s19] =	ssyncset.done $0x0  }
0x220: {  	s31 =	rddreg [dreg:$0x12];
	[sflag:s19] =	ssyncadd.s32 $0xFFFFC000  }
0x221: {  	[hbm4b:s31+s28] =	stream.strided.scatter [tilespmem:s16], [sflag:$0x8], $0x4000, s29, s28, $0x38;
	[tilespmem:$0x1E000] =	vst v63  }
0x222: {  	_ =	swait.ge [sflag:s18], $0x4000  }
0x223: {  	[sflag:s18] =	ssyncset.done $0x0  }
0x224: {  	[sflag:s18] =	ssyncadd.s32 $0xFFFFC000  }
0x225: {  	v2 =	vld.msk [tilespmem:$0x880], $0x3;
	_ =	sdelay $0x4  }
0x226: {  	v3 =	vshll.u32 v2, $0x6  }
0x227: {  	v2 =	vand.u32 $0x7, v2;
	v3 =	vand.u32 $0xFFFFFE00, v3  }
0x228: {  	v2 =	vor.u32 v2, v3  }
0x229: {  	v2 =	vperm.xlane v2, v0;
	_ =	sdelay $0x1  }
0x22a: {  	v2 =	vadd.s32 v1, v2;
	_ =	sdelay $0x3  }
0x22b: {  	s25 =	simm.s32 $0xE000  }
0x22c: {  	[tilespmem:s25], [sflag:$0x4] =	stream.indirect_vreg.gather [hbm4b:s2+s3], $0x80, v2, vm0, $0xb8;
	[tilespmem:$0x1E000] =	vst v63  }
0x22d: {  	s25 =	simm.s32 $0xE800  }
0x22e: {  	[tilespmem:s25], [sflag:$0x4] =	stream.indirect_vreg.gather [hbm4b:s5+s3], $0x80, v2, vm0, $0xb8;
	[tilespmem:$0x1E000] =	vst v63  }
0x22f: {  	s25 =	simm.s32 $0xF000  }
0x230: {  	[tilespmem:s25], [sflag:$0x4] =	stream.indirect_vreg.gather [hbm4b:s6+s3], $0x80, v2, vm0, $0xb8;
	[tilespmem:$0x1E000] =	vst v63  }
0x231: {  	s25 =	simm.s32 $0xF800  }
0x232: {  	[tilespmem:s25], [sflag:$0x4] =	stream.indirect_vreg.gather [hbm4b:s7+s3], $0x80, v2, vm0, $0xb8;
	[tilespmem:$0x1E000] =	vst v63  }
0x233: {  	s25 =	simm.s32 $0x10000  }
0x234: {  	[tilespmem:s25], [sflag:$0x4] =	stream.indirect_vreg.gather [hbm4b:s8+s3], $0x80, v2, vm0, $0xb8;
	[tilespmem:$0x1E000] =	vst v63  }
0x235: {  	s25 =	simm.s32 $0x10800  }
0x236: {  	[tilespmem:s25], [sflag:$0x4] =	stream.indirect_vreg.gather [hbm4b:s9+s3], $0x80, v2, vm0, $0xb8;
	[tilespmem:$0x1E000] =	vst v63  }
0x237: {  	s25 =	simm.s32 $0x11000  }
0x238: {  	[tilespmem:s25], [sflag:$0x4] =	stream.indirect_vreg.gather [hbm4b:s10+s3], $0x80, v2, vm0, $0xb8;
	[tilespmem:$0x1E000] =	vst v63  }
0x239: {  	s24 =	simm.s32 $0x2;
	s25 =	simm.s32 $0x11800  }
0x23a: {  	[tilespmem:s25], [sflag:$0x4] =	stream.indirect_vreg.gather [hbm4b:s11+s3], $0x80, v2, vm0, $0xb8;
	[tilespmem:$0x1E000] =	vst v63  }
0x23b: {  	_ =	swait.ge [sflag:s24], $0x4000  }
0x23c: {  	[sflag:s24] =	ssyncset.done $0x0  }
0x23d: {  	s21 =	simm.s32 $0x6000;
	s31 =	rddreg [dreg:$0x13];
	[sflag:s24] =	ssyncadd.s32 $0xFFFFC000  }
0x23e: {  	[hbm4b:s31+s28] =	stream.strided.scatter [tilespmem:s21], [sflag:$0x9], $0x4000, s29, s28, $0x38;
	[tilespmem:$0x1E000] =	vst v63  }
0x23f: {  	_ =	swait.ge [sflag:s13], $0x4000  }
0x240: {  	[sflag:s13] =	ssyncset.done $0x0  }
0x241: {  	[sflag:s13] =	ssyncadd.s32 $0xFFFFC000  }
0x242: {  	v2 =	vld.msk [tilespmem:$0x900], $0x3;
	_ =	sdelay $0x4  }
0x243: {  	v3 =	vshll.u32 v2, $0x6  }
0x244: {  	v2 =	vand.u32 $0x7, v2;
	v3 =	vand.u32 $0xFFFFFE00, v3  }
0x245: {  	v2 =	vor.u32 v2, v3  }
0x246: {  	v2 =	vperm.xlane v2, v0;
	_ =	sdelay $0x1  }
0x247: {  	v2 =	vadd.s32 v1, v2;
	_ =	sdelay $0x3  }
0x248: {  	s25 =	simm.s32 $0x12000  }
0x249: {  	[tilespmem:s25], [sflag:$0x5] =	stream.indirect_vreg.gather [hbm4b:s2+s3], $0x80, v2, vm0, $0xb8;
	[tilespmem:$0x1E000] =	vst v63  }
0x24a: {  	s24 =	simm.s32 $0x12800  }
0x24b: {  	[tilespmem:s24], [sflag:$0x5] =	stream.indirect_vreg.gather [hbm4b:s5+s3], $0x80, v2, vm0, $0xb8;
	[tilespmem:$0x1E000] =	vst v63  }
0x24c: {  	s24 =	simm.s32 $0x13000  }
0x24d: {  	[tilespmem:s24], [sflag:$0x5] =	stream.indirect_vreg.gather [hbm4b:s6+s3], $0x80, v2, vm0, $0xb8;
	[tilespmem:$0x1E000] =	vst v63  }
0x24e: {  	s24 =	simm.s32 $0x13800  }
0x24f: {  	[tilespmem:s24], [sflag:$0x5] =	stream.indirect_vreg.gather [hbm4b:s7+s3], $0x80, v2, vm0, $0xb8;
	[tilespmem:$0x1E000] =	vst v63  }
0x250: {  	s24 =	simm.s32 $0x14000  }
0x251: {  	[tilespmem:s24], [sflag:$0x5] =	stream.indirect_vreg.gather [hbm4b:s8+s3], $0x80, v2, vm0, $0xb8;
	[tilespmem:$0x1E000] =	vst v63  }
0x252: {  	s24 =	simm.s32 $0x14800  }
0x253: {  	[tilespmem:s24], [sflag:$0x5] =	stream.indirect_vreg.gather [hbm4b:s9+s3], $0x80, v2, vm0, $0xb8;
	[tilespmem:$0x1E000] =	vst v63  }
0x254: {  	s24 =	simm.s32 $0x15000  }
0x255: {  	[tilespmem:s24], [sflag:$0x5] =	stream.indirect_vreg.gather [hbm4b:s10+s3], $0x80, v2, vm0, $0xb8;
	[tilespmem:$0x1E000] =	vst v63  }
0x256: {  	s23 =	simm.s32 $0x3;
	s24 =	simm.s32 $0x15800  }
0x257: {  	[tilespmem:s24], [sflag:$0x5] =	stream.indirect_vreg.gather [hbm4b:s11+s3], $0x80, v2, vm0, $0xb8;
	[tilespmem:$0x1E000] =	vst v63  }
0x258: {  	_ =	swait.ge [sflag:s23], $0x4000  }
0x259: {  	[sflag:s23] =	ssyncset.done $0x0  }
0x25a: {  	s31 =	rddreg [dreg:$0x14];
	[sflag:s23] =	ssyncadd.s32 $0xFFFFC000  }
0x25b: {  	[hbm4b:s31+s28] =	stream.strided.scatter [tilespmem:s14], [sflag:$0xA], $0x4000, s29, s28, $0x38;
	[tilespmem:$0x1E000] =	vst v63  }
0x25c: {  	_ =	swait.ge [sflag:s22], $0x4000  }
0x25d: {  	[sflag:s22] =	ssyncset.done $0x0  }
0x25e: {  	[sflag:s22] =	ssyncadd.s32 $0xFFFFC000  }
0x25f: {  	v2 =	vld.msk [tilespmem:$0x980], $0x3;
	_ =	sdelay $0x4  }
0x260: {  	v3 =	vshll.u32 v2, $0x6  }
0x261: {  	v2 =	vand.u32 $0x7, v2;
	v3 =	vand.u32 $0xFFFFFE00, v3  }
0x262: {  	v2 =	vor.u32 v2, v3  }
0x263: {  	v2 =	vperm.xlane v2, v0;
	_ =	sdelay $0x1  }
0x264: {  	v2 =	vadd.s32 v1, v2;
	_ =	sdelay $0x4  }
0x265: {  	[tilespmem:s0], [sflag:$0x6] =	stream.indirect_vreg.gather [hbm4b:s2+s3], $0x80, v2, vm0, $0xb8;
	[tilespmem:$0x1E000] =	vst v63  }
0x266: {  	s24 =	simm.s32 $0x16800  }
0x267: {  	[tilespmem:s24], [sflag:$0x6] =	stream.indirect_vreg.gather [hbm4b:s5+s3], $0x80, v2, vm0, $0xb8;
	[tilespmem:$0x1E000] =	vst v63  }
0x268: {  	s24 =	simm.s32 $0x17000  }
0x269: {  	[tilespmem:s24], [sflag:$0x6] =	stream.indirect_vreg.gather [hbm4b:s6+s3], $0x80, v2, vm0, $0xb8;
	[tilespmem:$0x1E000] =	vst v63  }
0x26a: {  	s24 =	simm.s32 $0x17800  }
0x26b: {  	[tilespmem:s24], [sflag:$0x6] =	stream.indirect_vreg.gather [hbm4b:s7+s3], $0x80, v2, vm0, $0xb8;
	[tilespmem:$0x1E000] =	vst v63  }
0x26c: {  	s24 =	simm.s32 $0x18000  }
0x26d: {  	[tilespmem:s24], [sflag:$0x6] =	stream.indirect_vreg.gather [hbm4b:s8+s3], $0x80, v2, vm0, $0xb8;
	[tilespmem:$0x1E000] =	vst v63  }
0x26e: {  	s24 =	simm.s32 $0x18800  }
0x26f: {  	[tilespmem:s24], [sflag:$0x6] =	stream.indirect_vreg.gather [hbm4b:s9+s3], $0x80, v2, vm0, $0xb8;
	[tilespmem:$0x1E000] =	vst v63  }
0x270: {  	s24 =	simm.s32 $0x19000  }
0x271: {  	[tilespmem:s24], [sflag:$0x6] =	stream.indirect_vreg.gather [hbm4b:s10+s3], $0x80, v2, vm0, $0xb8;
	[tilespmem:$0x1E000] =	vst v63  }
0x272: {  	s20 =	simm.s32 $0x4;
	s24 =	simm.s32 $0x19800  }
0x273: {  	[tilespmem:s24], [sflag:$0x6] =	stream.indirect_vreg.gather [hbm4b:s11+s3], $0x80, v2, vm0, $0xb8;
	[tilespmem:$0x1E000] =	vst v63  }
0x274: {  	_ =	swait.ge [sflag:s20], $0x4000  }
0x275: {  	[sflag:s20] =	ssyncset.done $0x0  }
0x276: {  	s1 =	simm.s32 $0xE000;
	s31 =	rddreg [dreg:$0x15];
	[sflag:s20] =	ssyncadd.s32 $0xFFFFC000  }
0x277: {  	[hbm4b:s31+s28] =	stream.strided.scatter [tilespmem:s1], [sflag:$0xB], $0x4000, s29, s28, $0x38;
	[tilespmem:$0x1E000] =	vst v63  }
0x278: {  	_ =	swait.ge [sflag:s26], $0x4000  }
0x279: {  	[sflag:s26] =	ssyncset.done $0x0  }
0x27a: {  	[sflag:s26] =	ssyncadd.s32 $0xFFFFC000  }
0x27b: {  	v2 =	vld.msk [tilespmem:$0xA00], $0x3;
	_ =	sdelay $0x4  }
0x27c: {  	v3 =	vshll.u32 v2, $0x6  }
0x27d: {  	v2 =	vand.u32 $0x7, v2;
	v3 =	vand.u32 $0xFFFFFE00, v3  }
0x27e: {  	v2 =	vor.u32 v2, v3  }
0x27f: {  	v2 =	vperm.xlane v2, v0;
	_ =	sdelay $0x1  }
0x280: {  	v2 =	vadd.s32 v1, v2;
	_ =	sdelay $0x4  }
0x281: {  	[tilespmem:s17], [sflag:$0x7] =	stream.indirect_vreg.gather [hbm4b:s2+s3], $0x80, v2, vm0, $0xb8;
	[tilespmem:$0x1E000] =	vst v63  }
0x282: {  	s24 =	simm.s32 $0x1A800  }
0x283: {  	[tilespmem:s24], [sflag:$0x7] =	stream.indirect_vreg.gather [hbm4b:s5+s3], $0x80, v2, vm0, $0xb8;
	[tilespmem:$0x1E000] =	vst v63  }
0x284: {  	s24 =	simm.s32 $0x1B000  }
0x285: {  	[tilespmem:s24], [sflag:$0x7] =	stream.indirect_vreg.gather [hbm4b:s6+s3], $0x80, v2, vm0, $0xb8;
	[tilespmem:$0x1E000] =	vst v63  }
0x286: {  	s24 =	simm.s32 $0x1B800  }
0x287: {  	[tilespmem:s24], [sflag:$0x7] =	stream.indirect_vreg.gather [hbm4b:s7+s3], $0x80, v2, vm0, $0xb8;
	[tilespmem:$0x1E000] =	vst v63  }
0x288: {  	s24 =	simm.s32 $0x1C000  }
0x289: {  	[tilespmem:s24], [sflag:$0x7] =	stream.indirect_vreg.gather [hbm4b:s8+s3], $0x80, v2, vm0, $0xb8;
	[tilespmem:$0x1E000] =	vst v63  }
0x28a: {  	s24 =	simm.s32 $0x1C800  }
0x28b: {  	[tilespmem:s24], [sflag:$0x7] =	stream.indirect_vreg.gather [hbm4b:s9+s3], $0x80, v2, vm0, $0xb8;
	[tilespmem:$0x1E000] =	vst v63  }
0x28c: {  	s24 =	simm.s32 $0x1D000  }
0x28d: {  	[tilespmem:s24], [sflag:$0x7] =	stream.indirect_vreg.gather [hbm4b:s10+s3], $0x80, v2, vm0, $0xb8;
	[tilespmem:$0x1E000] =	vst v63  }
0x28e: {  	s24 =	simm.s32 $0x1D800  }
0x28f: {  	[tilespmem:s24], [sflag:$0x7] =	stream.indirect_vreg.gather [hbm4b:s11+s3], $0x80, v2, vm0, $0xb8;
	[tilespmem:$0x1E000] =	vst v63  }
0x290: {  	s24 =	simm.s32 $0x5  }
0x291: {  	_ =	swait.ge [sflag:s24], $0x4000  }
0x292: {  	[sflag:s24] =	ssyncset.done $0x0  }
0x293: {  	s25 =	simm.s32 $0x12000;
	s31 =	rddreg [dreg:$0x16];
	[sflag:s24] =	ssyncadd.s32 $0xFFFFC000  }
0x294: {  	[hbm4b:s31+s28] =	stream.strided.scatter [tilespmem:s25], [sflag:$0xC], $0x4000, s29, s28, $0x38;
	[tilespmem:$0x1E000] =	vst v63  }
0x295: {  	_ =	swait.ge [sflag:s15], $0x4000  }
0x296: {  	[sflag:s15] =	ssyncset.done $0x0  }
0x297: {  	[sflag:s15] =	ssyncadd.s32 $0xFFFFC000  }
0x298: {  	v2 =	vld.msk [tilespmem:$0xA80], $0x3;
	_ =	sdelay $0x4  }
0x299: {  	v3 =	vshll.u32 v2, $0x6  }
0x29a: {  	v2 =	vand.u32 $0x7, v2;
	v3 =	vand.u32 $0xFFFFFE00, v3  }
0x29b: {  	v2 =	vor.u32 v2, v3  }
0x29c: {  	v2 =	vperm.xlane v2, v0;
	_ =	sdelay $0x1  }
0x29d: {  	v2 =	vadd.s32 v1, v2;
	_ =	sdelay $0x4  }
0x29e: {  	[tilespmem:s16], [sflag:$0x1] =	stream.indirect_vreg.gather [hbm4b:s2+s3], $0x80, v2, vm0, $0xb8;
	[tilespmem:$0x1E000] =	vst v63  }
0x29f: {  	s25 =	simm.s32 $0x2800  }
0x2a0: {  	[tilespmem:s25], [sflag:$0x1] =	stream.indirect_vreg.gather [hbm4b:s5+s3], $0x80, v2, vm0, $0xb8;
	[tilespmem:$0x1E000] =	vst v63  }
0x2a1: {  	s25 =	simm.s32 $0x3000  }
0x2a2: {  	[tilespmem:s25], [sflag:$0x1] =	stream.indirect_vreg.gather [hbm4b:s6+s3], $0x80, v2, vm0, $0xb8;
	[tilespmem:$0x1E000] =	vst v63  }
0x2a3: {  	s25 =	simm.s32 $0x3800  }
0x2a4: {  	[tilespmem:s25], [sflag:$0x1] =	stream.indirect_vreg.gather [hbm4b:s7+s3], $0x80, v2, vm0, $0xb8;
	[tilespmem:$0x1E000] =	vst v63  }
0x2a5: {  	s25 =	simm.s32 $0x4000  }
0x2a6: {  	[tilespmem:s25], [sflag:$0x1] =	stream.indirect_vreg.gather [hbm4b:s8+s3], $0x80, v2, vm0, $0xb8;
	[tilespmem:$0x1E000] =	vst v63  }
0x2a7: {  	s25 =	simm.s32 $0x4800  }
0x2a8: {  	[tilespmem:s25], [sflag:$0x1] =	stream.indirect_vreg.gather [hbm4b:s9+s3], $0x80, v2, vm0, $0xb8;
	[tilespmem:$0x1E000] =	vst v63  }
0x2a9: {  	s25 =	simm.s32 $0x5000  }
0x2aa: {  	[tilespmem:s25], [sflag:$0x1] =	stream.indirect_vreg.gather [hbm4b:s10+s3], $0x80, v2, vm0, $0xb8;
	[tilespmem:$0x1E000] =	vst v63  }
0x2ab: {  	s25 =	simm.s32 $0x5800  }
0x2ac: {  	[tilespmem:s25], [sflag:$0x1] =	stream.indirect_vreg.gather [hbm4b:s11+s3], $0x80, v2, vm0, $0xb8;
	[tilespmem:$0x1E000] =	vst v63  }
0x2ad: {  	s25 =	simm.s32 $0x6  }
0x2ae: {  	_ =	swait.ge [sflag:s25], $0x4000  }
0x2af: {  	s4 =	simm.s32 $0x9;
	[sflag:s25] =	ssyncset.done $0x0  }
0x2b0: {  	s0 =	simm.s32 $0x16000;
	s31 =	rddreg [dreg:$0x17];
	[sflag:s25] =	ssyncadd.s32 $0xFFFFC000  }
0x2b1: {  	[hbm4b:s31+s28] =	stream.strided.scatter [tilespmem:s0], [sflag:$0xD], $0x4000, s29, s28, $0x38;
	[tilespmem:$0x1E000] =	vst v63  }
0x2b2: {  	_ =	swait.ge [sflag:s4], $0x4000  }
0x2b3: {  	[sflag:s4] =	ssyncset.done $0x0  }
0x2b4: {  	[sflag:s4] =	ssyncadd.s32 $0xFFFFC000  }
0x2b5: {  	v2 =	vld.msk [tilespmem:$0xB00], $0x3;
	_ =	sdelay $0x4  }
0x2b6: {  	v3 =	vshll.u32 v2, $0x6  }
0x2b7: {  	v2 =	vand.u32 $0x7, v2;
	v3 =	vand.u32 $0xFFFFFE00, v3  }
0x2b8: {  	v2 =	vor.u32 v2, v3  }
0x2b9: {  	v2 =	vperm.xlane v2, v0;
	_ =	sdelay $0x1  }
0x2ba: {  	v2 =	vadd.s32 v1, v2;
	_ =	sdelay $0x4  }
0x2bb: {  	[tilespmem:s21], [sflag:$0x2] =	stream.indirect_vreg.gather [hbm4b:s2+s3], $0x80, v2, vm0, $0xb8;
	[tilespmem:$0x1E000] =	vst v63  }
0x2bc: {  	s16 =	simm.s32 $0x6800  }
0x2bd: {  	[tilespmem:s16], [sflag:$0x2] =	stream.indirect_vreg.gather [hbm4b:s5+s3], $0x80, v2, vm0, $0xb8;
	[tilespmem:$0x1E000] =	vst v63  }
0x2be: {  	s25 =	simm.s32 $0x7000  }
0x2bf: {  	[tilespmem:s25], [sflag:$0x2] =	stream.indirect_vreg.gather [hbm4b:s6+s3], $0x80, v2, vm0, $0xb8;
	[tilespmem:$0x1E000] =	vst v63  }
0x2c0: {  	s4 =	simm.s32 $0x7800  }
0x2c1: {  	[tilespmem:s4], [sflag:$0x2] =	stream.indirect_vreg.gather [hbm4b:s7+s3], $0x80, v2, vm0, $0xb8;
	[tilespmem:$0x1E000] =	vst v63  }
0x2c2: {  	s16 =	simm.s32 $0x8000  }
0x2c3: {  	[tilespmem:s16], [sflag:$0x2] =	stream.indirect_vreg.gather [hbm4b:s8+s3], $0x80, v2, vm0, $0xb8;
	[tilespmem:$0x1E000] =	vst v63  }
0x2c4: {  	s25 =	simm.s32 $0x8800  }
0x2c5: {  	[tilespmem:s25], [sflag:$0x2] =	stream.indirect_vreg.gather [hbm4b:s9+s3], $0x80, v2, vm0, $0xb8;
	[tilespmem:$0x1E000] =	vst v63  }
0x2c6: {  	s4 =	simm.s32 $0x9000  }
0x2c7: {  	[tilespmem:s4], [sflag:$0x2] =	stream.indirect_vreg.gather [hbm4b:s10+s3], $0x80, v2, vm0, $0xb8;
	[tilespmem:$0x1E000] =	vst v63  }
0x2c8: {  	s16 =	simm.s32 $0x9800  }
0x2c9: {  	[tilespmem:s16], [sflag:$0x2] =	stream.indirect_vreg.gather [hbm4b:s11+s3], $0x80, v2, vm0, $0xb8;
	[tilespmem:$0x1E000] =	vst v63  }
0x2ca: {  	_ =	swait.ge [sflag:s30], $0x4000  }
0x2cb: {  	[sflag:s30] =	ssyncset.done $0x0  }
0x2cc: {  	s17 =	simm.s32 $0x1A000;
	s31 =	rddreg [dreg:$0x18];
	[sflag:s30] =	ssyncadd.s32 $0xFFFFC000  }
0x2cd: {  	[hbm4b:s31+s28] =	stream.strided.scatter [tilespmem:s17], [sflag:$0xE], $0x4000, s29, s28, $0x38;
	[tilespmem:$0x1E000] =	vst v63  }
0x2ce: {  	_ =	swait.ge [sflag:s12], $0x4000  }
0x2cf: {  	[sflag:s12] =	ssyncset.done $0x0  }
0x2d0: {  	[sflag:s12] =	ssyncadd.s32 $0xFFFFC000  }
0x2d1: {  	v2 =	vld.msk [tilespmem:$0xB80], $0x3;
	_ =	sdelay $0x4  }
0x2d2: {  	v3 =	vshll.u32 v2, $0x6  }
0x2d3: {  	v2 =	vand.u32 $0x7, v2;
	v3 =	vand.u32 $0xFFFFFE00, v3  }
0x2d4: {  	v2 =	vor.u32 v2, v3  }
0x2d5: {  	v2 =	vperm.xlane v2, v0;
	_ =	sdelay $0x1  }
0x2d6: {  	v2 =	vadd.s32 v1, v2;
	_ =	sdelay $0x4  }
0x2d7: {  	[tilespmem:s14], [sflag:$0x3] =	stream.indirect_vreg.gather [hbm4b:s2+s3], $0x80, v2, vm0, $0xb8;
	[tilespmem:$0x1E000] =	vst v63  }
0x2d8: {  	s17 =	simm.s32 $0xA800  }
0x2d9: {  	[tilespmem:s17], [sflag:$0x3] =	stream.indirect_vreg.gather [hbm4b:s5+s3], $0x80, v2, vm0, $0xb8;
	[tilespmem:$0x1E000] =	vst v63  }
0x2da: {  	s25 =	simm.s32 $0xB000  }
0x2db: {  	[tilespmem:s25], [sflag:$0x3] =	stream.indirect_vreg.gather [hbm4b:s6+s3], $0x80, v2, vm0, $0xb8;
	[tilespmem:$0x1E000] =	vst v63  }
0x2dc: {  	s0 =	simm.s32 $0xB800  }
0x2dd: {  	[tilespmem:s0], [sflag:$0x3] =	stream.indirect_vreg.gather [hbm4b:s7+s3], $0x80, v2, vm0, $0xb8;
	[tilespmem:$0x1E000] =	vst v63  }
0x2de: {  	s12 =	simm.s32 $0xC000  }
0x2df: {  	[tilespmem:s12], [sflag:$0x3] =	stream.indirect_vreg.gather [hbm4b:s8+s3], $0x80, v2, vm0, $0xb8;
	[tilespmem:$0x1E000] =	vst v63  }
0x2e0: {  	s16 =	simm.s32 $0xC800  }
0x2e1: {  	[tilespmem:s16], [sflag:$0x3] =	stream.indirect_vreg.gather [hbm4b:s9+s3], $0x80, v2, vm0, $0xb8;
	[tilespmem:$0x1E000] =	vst v63  }
0x2e2: {  	s25 =	simm.s32 $0xD000  }
0x2e3: {  	[tilespmem:s25], [sflag:$0x3] =	stream.indirect_vreg.gather [hbm4b:s10+s3], $0x80, v2, vm0, $0xb8;
	[tilespmem:$0x1E000] =	vst v63  }
0x2e4: {  	s0 =	simm.s32 $0xD800  }
0x2e5: {  	[tilespmem:s0], [sflag:$0x3] =	stream.indirect_vreg.gather [hbm4b:s11+s3], $0x80, v2, vm0, $0xb8;
	[tilespmem:$0x1E000] =	vst v63  }
0x2e6: {  	_ =	swait.ge [sflag:s19], $0x4000  }
0x2e7: {  	[sflag:s19] =	ssyncset.done $0x0  }
0x2e8: {  	s1 =	simm.s32 $0x2000;
	s31 =	rddreg [dreg:$0x19];
	[sflag:s19] =	ssyncadd.s32 $0xFFFFC000  }
0x2e9: {  	[hbm4b:s31+s28] =	stream.strided.scatter [tilespmem:s1], [sflag:$0x8], $0x4000, s29, s28, $0x38;
	[tilespmem:$0x1E000] =	vst v63  }
0x2ea: {  	_ =	swait.ge [sflag:s18], $0x4000  }
0x2eb: {  	[sflag:s18] =	ssyncset.done $0x0  }
0x2ec: {  	[sflag:s18] =	ssyncadd.s32 $0xFFFFC000  }
0x2ed: {  	v2 =	vld.msk [tilespmem:$0xC00], $0x3;
	_ =	sdelay $0x4  }
0x2ee: {  	v3 =	vshll.u32 v2, $0x6  }
0x2ef: {  	v2 =	vand.u32 $0x7, v2;
	v3 =	vand.u32 $0xFFFFFE00, v3  }
0x2f0: {  	v2 =	vor.u32 v2, v3  }
0x2f1: {  	v2 =	vperm.xlane v2, v0;
	_ =	sdelay $0x1  }
0x2f2: {  	v2 =	vadd.s32 v1, v2;
	_ =	sdelay $0x3  }
0x2f3: {  	s0 =	simm.s32 $0xE000  }
0x2f4: {  	[tilespmem:s0], [sflag:$0x4] =	stream.indirect_vreg.gather [hbm4b:s2+s3], $0x80, v2, vm0, $0xb8;
	[tilespmem:$0x1E000] =	vst v63  }
0x2f5: {  	s4 =	simm.s32 $0xE800  }
0x2f6: {  	[tilespmem:s4], [sflag:$0x4] =	stream.indirect_vreg.gather [hbm4b:s5+s3], $0x80, v2, vm0, $0xb8;
	[tilespmem:$0x1E000] =	vst v63  }
0x2f7: {  	s12 =	simm.s32 $0xF000  }
0x2f8: {  	[tilespmem:s12], [sflag:$0x4] =	stream.indirect_vreg.gather [hbm4b:s6+s3], $0x80, v2, vm0, $0xb8;
	[tilespmem:$0x1E000] =	vst v63  }
0x2f9: {  	s25 =	simm.s32 $0xF800  }
0x2fa: {  	[tilespmem:s25], [sflag:$0x4] =	stream.indirect_vreg.gather [hbm4b:s7+s3], $0x80, v2, vm0, $0xb8;
	[tilespmem:$0x1E000] =	vst v63  }
0x2fb: {  	s4 =	simm.s32 $0x10000  }
0x2fc: {  	[tilespmem:s4], [sflag:$0x4] =	stream.indirect_vreg.gather [hbm4b:s8+s3], $0x80, v2, vm0, $0xb8;
	[tilespmem:$0x1E000] =	vst v63  }
0x2fd: {  	s12 =	simm.s32 $0x10800  }
0x2fe: {  	[tilespmem:s12], [sflag:$0x4] =	stream.indirect_vreg.gather [hbm4b:s9+s3], $0x80, v2, vm0, $0xb8;
	[tilespmem:$0x1E000] =	vst v63  }
0x2ff: {  	s25 =	simm.s32 $0x11000  }
0x300: {  	[tilespmem:s25], [sflag:$0x4] =	stream.indirect_vreg.gather [hbm4b:s10+s3], $0x80, v2, vm0, $0xb8;
	[tilespmem:$0x1E000] =	vst v63  }
0x301: {  	s4 =	simm.s32 $0x11800;
	s12 =	simm.s32 $0x2  }
0x302: {  	[tilespmem:s4], [sflag:$0x4] =	stream.indirect_vreg.gather [hbm4b:s11+s3], $0x80, v2, vm0, $0xb8;
	[tilespmem:$0x1E000] =	vst v63  }
0x303: {  	_ =	swait.ge [sflag:s12], $0x4000  }
0x304: {  	[sflag:s12] =	ssyncset.done $0x0  }
0x305: {  	s31 =	rddreg [dreg:$0x1a];
	[sflag:s12] =	ssyncadd.s32 $0xFFFFC000  }
0x306: {  	[hbm4b:s31+s28] =	stream.strided.scatter [tilespmem:s21], [sflag:$0x9], $0x4000, s29, s28, $0x38;
	[tilespmem:$0x1E000] =	vst v63  }
0x307: {  	_ =	swait.ge [sflag:s13], $0x4000  }
0x308: {  	[sflag:s13] =	ssyncset.done $0x0  }
0x309: {  	[sflag:s13] =	ssyncadd.s32 $0xFFFFC000  }
0x30a: {  	v2 =	vld.msk [tilespmem:$0xC80], $0x3;
	_ =	sdelay $0x4  }
0x30b: {  	v3 =	vshll.u32 v2, $0x6  }
0x30c: {  	v2 =	vand.u32 $0x7, v2;
	v3 =	vand.u32 $0xFFFFFE00, v3  }
0x30d: {  	v2 =	vor.u32 v2, v3  }
0x30e: {  	v2 =	vperm.xlane v2, v0;
	_ =	sdelay $0x1  }
0x30f: {  	v2 =	vadd.s32 v1, v2;
	_ =	sdelay $0x3  }
0x310: {  	s12 =	simm.s32 $0x12000  }
0x311: {  	[tilespmem:s12], [sflag:$0x5] =	stream.indirect_vreg.gather [hbm4b:s2+s3], $0x80, v2, vm0, $0xb8;
	[tilespmem:$0x1E000] =	vst v63  }
0x312: {  	s21 =	simm.s32 $0x12800  }
0x313: {  	[tilespmem:s21], [sflag:$0x5] =	stream.indirect_vreg.gather [hbm4b:s5+s3], $0x80, v2, vm0, $0xb8;
	[tilespmem:$0x1E000] =	vst v63  }
0x314: {  	s4 =	simm.s32 $0x13000  }
0x315: {  	[tilespmem:s4], [sflag:$0x5] =	stream.indirect_vreg.gather [hbm4b:s6+s3], $0x80, v2, vm0, $0xb8;
	[tilespmem:$0x1E000] =	vst v63  }
0x316: {  	s21 =	simm.s32 $0x13800  }
0x317: {  	[tilespmem:s21], [sflag:$0x5] =	stream.indirect_vreg.gather [hbm4b:s7+s3], $0x80, v2, vm0, $0xb8;
	[tilespmem:$0x1E000] =	vst v63  }
0x318: {  	s4 =	simm.s32 $0x14000  }
0x319: {  	[tilespmem:s4], [sflag:$0x5] =	stream.indirect_vreg.gather [hbm4b:s8+s3], $0x80, v2, vm0, $0xb8;
	[tilespmem:$0x1E000] =	vst v63  }
0x31a: {  	s21 =	simm.s32 $0x14800  }
0x31b: {  	[tilespmem:s21], [sflag:$0x5] =	stream.indirect_vreg.gather [hbm4b:s9+s3], $0x80, v2, vm0, $0xb8;
	[tilespmem:$0x1E000] =	vst v63  }
0x31c: {  	s4 =	simm.s32 $0x15000  }
0x31d: {  	[tilespmem:s4], [sflag:$0x5] =	stream.indirect_vreg.gather [hbm4b:s10+s3], $0x80, v2, vm0, $0xb8;
	[tilespmem:$0x1E000] =	vst v63  }
0x31e: {  	s21 =	simm.s32 $0x15800  }
0x31f: {  	[tilespmem:s21], [sflag:$0x5] =	stream.indirect_vreg.gather [hbm4b:s11+s3], $0x80, v2, vm0, $0xb8;
	[tilespmem:$0x1E000] =	vst v63  }
0x320: {  	_ =	swait.ge [sflag:s23], $0x4000  }
0x321: {  	[sflag:s23] =	ssyncset.done $0x0  }
0x322: {  	s14 =	simm.s32 $0xA000;
	s31 =	rddreg [dreg:$0x1b];
	[sflag:s23] =	ssyncadd.s32 $0xFFFFC000  }
0x323: {  	[hbm4b:s31+s28] =	stream.strided.scatter [tilespmem:s14], [sflag:$0xA], $0x4000, s29, s28, $0x38;
	[tilespmem:$0x1E000] =	vst v63  }
0x324: {  	_ =	swait.ge [sflag:s22], $0x4000  }
0x325: {  	[sflag:s22] =	ssyncset.done $0x0  }
0x326: {  	[sflag:s22] =	ssyncadd.s32 $0xFFFFC000  }
0x327: {  	v2 =	vld.msk [tilespmem:$0xD00], $0x3;
	_ =	sdelay $0x4  }
0x328: {  	v3 =	vshll.u32 v2, $0x6  }
0x329: {  	v2 =	vand.u32 $0x7, v2;
	v3 =	vand.u32 $0xFFFFFE00, v3  }
0x32a: {  	v2 =	vor.u32 v2, v3  }
0x32b: {  	v2 =	vperm.xlane v2, v0;
	_ =	sdelay $0x1  }
0x32c: {  	v2 =	vadd.s32 v1, v2;
	_ =	sdelay $0x3  }
0x32d: {  	s4 =	simm.s32 $0x16000  }
0x32e: {  	[tilespmem:s4], [sflag:$0x6] =	stream.indirect_vreg.gather [hbm4b:s2+s3], $0x80, v2, vm0, $0xb8;
	[tilespmem:$0x1E000] =	vst v63  }
0x32f: {  	s14 =	simm.s32 $0x16800  }
0x330: {  	[tilespmem:s14], [sflag:$0x6] =	stream.indirect_vreg.gather [hbm4b:s5+s3], $0x80, v2, vm0, $0xb8;
	[tilespmem:$0x1E000] =	vst v63  }
0x331: {  	s14 =	simm.s32 $0x17000  }
0x332: {  	[tilespmem:s14], [sflag:$0x6] =	stream.indirect_vreg.gather [hbm4b:s6+s3], $0x80, v2, vm0, $0xb8;
	[tilespmem:$0x1E000] =	vst v63  }
0x333: {  	s14 =	simm.s32 $0x17800  }
0x334: {  	[tilespmem:s14], [sflag:$0x6] =	stream.indirect_vreg.gather [hbm4b:s7+s3], $0x80, v2, vm0, $0xb8;
	[tilespmem:$0x1E000] =	vst v63  }
0x335: {  	s14 =	simm.s32 $0x18000  }
0x336: {  	[tilespmem:s14], [sflag:$0x6] =	stream.indirect_vreg.gather [hbm4b:s8+s3], $0x80, v2, vm0, $0xb8;
	[tilespmem:$0x1E000] =	vst v63  }
0x337: {  	s14 =	simm.s32 $0x18800  }
0x338: {  	[tilespmem:s14], [sflag:$0x6] =	stream.indirect_vreg.gather [hbm4b:s9+s3], $0x80, v2, vm0, $0xb8;
	[tilespmem:$0x1E000] =	vst v63  }
0x339: {  	s14 =	simm.s32 $0x19000  }
0x33a: {  	[tilespmem:s14], [sflag:$0x6] =	stream.indirect_vreg.gather [hbm4b:s10+s3], $0x80, v2, vm0, $0xb8;
	[tilespmem:$0x1E000] =	vst v63  }
0x33b: {  	s14 =	simm.s32 $0x19800  }
0x33c: {  	[tilespmem:s14], [sflag:$0x6] =	stream.indirect_vreg.gather [hbm4b:s11+s3], $0x80, v2, vm0, $0xb8;
	[tilespmem:$0x1E000] =	vst v63  }
0x33d: {  	_ =	swait.ge [sflag:s20], $0x4000  }
0x33e: {  	[sflag:s20] =	ssyncset.done $0x0  }
0x33f: {  	s31 =	rddreg [dreg:$0x1c];
	[sflag:s20] =	ssyncadd.s32 $0xFFFFC000  }
0x340: {  	[hbm4b:s31+s28] =	stream.strided.scatter [tilespmem:s0], [sflag:$0xB], $0x4000, s29, s28, $0x38;
	[tilespmem:$0x1E000] =	vst v63  }
0x341: {  	_ =	swait.ge [sflag:s26], $0x4000  }
0x342: {  	[sflag:s26] =	ssyncset.done $0x0  }
0x343: {  	[sflag:s26] =	ssyncadd.s32 $0xFFFFC000  }
0x344: {  	v2 =	vld.msk [tilespmem:$0xD80], $0x3;
	_ =	sdelay $0x4  }
0x345: {  	v3 =	vshll.u32 v2, $0x6  }
0x346: {  	v2 =	vand.u32 $0x7, v2;
	v3 =	vand.u32 $0xFFFFFE00, v3  }
0x347: {  	v2 =	vor.u32 v2, v3  }
0x348: {  	v2 =	vperm.xlane v2, v0;
	_ =	sdelay $0x1  }
0x349: {  	v2 =	vadd.s32 v1, v2;
	_ =	sdelay $0x3  }
0x34a: {  	s14 =	simm.s32 $0x1A000  }
0x34b: {  	[tilespmem:s14], [sflag:$0x7] =	stream.indirect_vreg.gather [hbm4b:s2+s3], $0x80, v2, vm0, $0xb8;
	[tilespmem:$0x1E000] =	vst v63  }
0x34c: {  	s20 =	simm.s32 $0x1A800  }
0x34d: {  	[tilespmem:s20], [sflag:$0x7] =	stream.indirect_vreg.gather [hbm4b:s5+s3], $0x80, v2, vm0, $0xb8;
	[tilespmem:$0x1E000] =	vst v63  }
0x34e: {  	s14 =	simm.s32 $0x1B000  }
0x34f: {  	[tilespmem:s14], [sflag:$0x7] =	stream.indirect_vreg.gather [hbm4b:s6+s3], $0x80, v2, vm0, $0xb8;
	[tilespmem:$0x1E000] =	vst v63  }
0x350: {  	s20 =	simm.s32 $0x1B800  }
0x351: {  	[tilespmem:s20], [sflag:$0x7] =	stream.indirect_vreg.gather [hbm4b:s7+s3], $0x80, v2, vm0, $0xb8;
	[tilespmem:$0x1E000] =	vst v63  }
0x352: {  	s14 =	simm.s32 $0x1C000  }
0x353: {  	[tilespmem:s14], [sflag:$0x7] =	stream.indirect_vreg.gather [hbm4b:s8+s3], $0x80, v2, vm0, $0xb8;
	[tilespmem:$0x1E000] =	vst v63  }
0x354: {  	s20 =	simm.s32 $0x1C800  }
0x355: {  	[tilespmem:s20], [sflag:$0x7] =	stream.indirect_vreg.gather [hbm4b:s9+s3], $0x80, v2, vm0, $0xb8;
	[tilespmem:$0x1E000] =	vst v63  }
0x356: {  	s14 =	simm.s32 $0x1D000  }
0x357: {  	[tilespmem:s14], [sflag:$0x7] =	stream.indirect_vreg.gather [hbm4b:s10+s3], $0x80, v2, vm0, $0xb8;
	[tilespmem:$0x1E000] =	vst v63  }
0x358: {  	s24 =	simm.s32 $0x5;
	s20 =	simm.s32 $0x1D800  }
0x359: {  	[tilespmem:s20], [sflag:$0x7] =	stream.indirect_vreg.gather [hbm4b:s11+s3], $0x80, v2, vm0, $0xb8;
	[tilespmem:$0x1E000] =	vst v63  }
0x35a: {  	_ =	swait.ge [sflag:s24], $0x4000  }
0x35b: {  	[sflag:s24] =	ssyncset.done $0x0  }
0x35c: {  	s31 =	rddreg [dreg:$0x1d];
	[sflag:s24] =	ssyncadd.s32 $0xFFFFC000  }
0x35d: {  	[hbm4b:s31+s28] =	stream.strided.scatter [tilespmem:s12], [sflag:$0xC], $0x4000, s29, s28, $0x38;
	[tilespmem:$0x1E000] =	vst v63  }
0x35e: {  	_ =	swait.ge [sflag:s15], $0x4000  }
0x35f: {  	[sflag:s15] =	ssyncset.done $0x0  }
0x360: {  	[sflag:s15] =	ssyncadd.s32 $0xFFFFC000  }
0x361: {  	v2 =	vld.msk [tilespmem:$0xE00], $0x3;
	_ =	sdelay $0x4  }
0x362: {  	v3 =	vshll.u32 v2, $0x6  }
0x363: {  	v2 =	vand.u32 $0x7, v2;
	v3 =	vand.u32 $0xFFFFFE00, v3  }
0x364: {  	v2 =	vor.u32 v2, v3  }
0x365: {  	v2 =	vperm.xlane v2, v0;
	_ =	sdelay $0x1  }
0x366: {  	v2 =	vadd.s32 v1, v2;
	_ =	sdelay $0x3  }
0x367: {  	s16 =	simm.s32 $0x2000  }
0x368: {  	[tilespmem:s16], [sflag:$0x1] =	stream.indirect_vreg.gather [hbm4b:s2+s3], $0x80, v2, vm0, $0xb8;
	[tilespmem:$0x1E000] =	vst v63  }
0x369: {  	s14 =	simm.s32 $0x2800  }
0x36a: {  	[tilespmem:s14], [sflag:$0x1] =	stream.indirect_vreg.gather [hbm4b:s5+s3], $0x80, v2, vm0, $0xb8;
	[tilespmem:$0x1E000] =	vst v63  }
0x36b: {  	s20 =	simm.s32 $0x3000  }
0x36c: {  	[tilespmem:s20], [sflag:$0x1] =	stream.indirect_vreg.gather [hbm4b:s6+s3], $0x80, v2, vm0, $0xb8;
	[tilespmem:$0x1E000] =	vst v63  }
0x36d: {  	s24 =	simm.s32 $0x3800  }
0x36e: {  	[tilespmem:s24], [sflag:$0x1] =	stream.indirect_vreg.gather [hbm4b:s7+s3], $0x80, v2, vm0, $0xb8;
	[tilespmem:$0x1E000] =	vst v63  }
0x36f: {  	s12 =	simm.s32 $0x4000  }
0x370: {  	[tilespmem:s12], [sflag:$0x1] =	stream.indirect_vreg.gather [hbm4b:s8+s3], $0x80, v2, vm0, $0xb8;
	[tilespmem:$0x1E000] =	vst v63  }
0x371: {  	s14 =	simm.s32 $0x4800  }
0x372: {  	[tilespmem:s14], [sflag:$0x1] =	stream.indirect_vreg.gather [hbm4b:s9+s3], $0x80, v2, vm0, $0xb8;
	[tilespmem:$0x1E000] =	vst v63  }
0x373: {  	s20 =	simm.s32 $0x5000  }
0x374: {  	[tilespmem:s20], [sflag:$0x1] =	stream.indirect_vreg.gather [hbm4b:s10+s3], $0x80, v2, vm0, $0xb8;
	[tilespmem:$0x1E000] =	vst v63  }
0x375: {  	s24 =	simm.s32 $0x5800;
	s12 =	simm.s32 $0x6  }
0x376: {  	[tilespmem:s24], [sflag:$0x1] =	stream.indirect_vreg.gather [hbm4b:s11+s3], $0x80, v2, vm0, $0xb8;
	[tilespmem:$0x1E000] =	vst v63  }
0x377: {  	_ =	swait.ge [sflag:s12], $0x4000  }
0x378: {  	s1 =	simm.s32 $0x16000;
	[sflag:s12] =	ssyncset.done $0x0  }
0x379: {  	s14 =	simm.s32 $0x9;
	s31 =	rddreg [dreg:$0x1e];
	[sflag:s12] =	ssyncadd.s32 $0xFFFFC000  }
0x37a: {  	[hbm4b:s31+s28] =	stream.strided.scatter [tilespmem:s1], [sflag:$0xD], $0x4000, s29, s28, $0x38;
	[tilespmem:$0x1E000] =	vst v63  }
0x37b: {  	_ =	swait.ge [sflag:s14], $0x4000  }
0x37c: {  	[sflag:s14] =	ssyncset.done $0x0  }
0x37d: {  	[sflag:s14] =	ssyncadd.s32 $0xFFFFC000  }
0x37e: {  	v2 =	vld.msk [tilespmem:$0xE80], $0x3;
	_ =	sdelay $0x4  }
0x37f: {  	v3 =	vshll.u32 v2, $0x6  }
0x380: {  	v2 =	vand.u32 $0x7, v2;
	v3 =	vand.u32 $0xFFFFFE00, v3  }
0x381: {  	v2 =	vor.u32 v2, v3  }
0x382: {  	v2 =	vperm.xlane v2, v0;
	_ =	sdelay $0x1  }
0x383: {  	v2 =	vadd.s32 v1, v2;
	_ =	sdelay $0x3  }
0x384: {  	s0 =	simm.s32 $0x6000  }
0x385: {  	[tilespmem:s0], [sflag:$0x2] =	stream.indirect_vreg.gather [hbm4b:s2+s3], $0x80, v2, vm0, $0xb8;
	[tilespmem:$0x1E000] =	vst v63  }
0x386: {  	s24 =	simm.s32 $0x6800  }
0x387: {  	[tilespmem:s24], [sflag:$0x2] =	stream.indirect_vreg.gather [hbm4b:s5+s3], $0x80, v2, vm0, $0xb8;
	[tilespmem:$0x1E000] =	vst v63  }
0x388: {  	s12 =	simm.s32 $0x7000  }
0x389: {  	[tilespmem:s12], [sflag:$0x2] =	stream.indirect_vreg.gather [hbm4b:s6+s3], $0x80, v2, vm0, $0xb8;
	[tilespmem:$0x1E000] =	vst v63  }
0x38a: {  	s24 =	simm.s32 $0x7800  }
0x38b: {  	[tilespmem:s24], [sflag:$0x2] =	stream.indirect_vreg.gather [hbm4b:s7+s3], $0x80, v2, vm0, $0xb8;
	[tilespmem:$0x1E000] =	vst v63  }
0x38c: {  	s12 =	simm.s32 $0x8000  }
0x38d: {  	[tilespmem:s12], [sflag:$0x2] =	stream.indirect_vreg.gather [hbm4b:s8+s3], $0x80, v2, vm0, $0xb8;
	[tilespmem:$0x1E000] =	vst v63  }
0x38e: {  	s24 =	simm.s32 $0x8800  }
0x38f: {  	[tilespmem:s24], [sflag:$0x2] =	stream.indirect_vreg.gather [hbm4b:s9+s3], $0x80, v2, vm0, $0xb8;
	[tilespmem:$0x1E000] =	vst v63  }
0x390: {  	s12 =	simm.s32 $0x9000  }
0x391: {  	[tilespmem:s12], [sflag:$0x2] =	stream.indirect_vreg.gather [hbm4b:s10+s3], $0x80, v2, vm0, $0xb8;
	[tilespmem:$0x1E000] =	vst v63  }
0x392: {  	s24 =	simm.s32 $0x9800  }
0x393: {  	[tilespmem:s24], [sflag:$0x2] =	stream.indirect_vreg.gather [hbm4b:s11+s3], $0x80, v2, vm0, $0xb8;
	[tilespmem:$0x1E000] =	vst v63  }
0x394: {  	_ =	swait.ge [sflag:s30], $0x4000  }
0x395: {  	s4 =	simm.s32 $0x1A000;
	[sflag:s30] =	ssyncset.done $0x0  }
0x396: {  	s12 =	simm.s32 $0xA;
	s31 =	rddreg [dreg:$0x1f];
	[sflag:s30] =	ssyncadd.s32 $0xFFFFC000  }
0x397: {  	[hbm4b:s31+s28] =	stream.strided.scatter [tilespmem:s4], [sflag:$0xE], $0x4000, s29, s28, $0x38;
	[tilespmem:$0x1E000] =	vst v63  }
0x398: {  	_ =	swait.ge [sflag:s12], $0x4000  }
0x399: {  	[sflag:s12] =	ssyncset.done $0x0  }
0x39a: {  	[sflag:s12] =	ssyncadd.s32 $0xFFFFC000  }
0x39b: {  	v2 =	vld.msk [tilespmem:$0xF00], $0x3;
	_ =	sdelay $0x4  }
0x39c: {  	v3 =	vshll.u32 v2, $0x6  }
0x39d: {  	v2 =	vand.u32 $0x7, v2;
	v3 =	vand.u32 $0xFFFFFE00, v3  }
0x39e: {  	v2 =	vor.u32 v2, v3  }
0x39f: {  	v2 =	vperm.xlane v2, v0;
	_ =	sdelay $0x1  }
0x3a0: {  	v2 =	vadd.s32 v1, v2;
	_ =	sdelay $0x3  }
0x3a1: {  	s21 =	simm.s32 $0xA000  }
0x3a2: {  	[tilespmem:s21], [sflag:$0x3] =	stream.indirect_vreg.gather [hbm4b:s2+s3], $0x80, v2, vm0, $0xb8;
	[tilespmem:$0x1E000] =	vst v63  }
0x3a3: {  	_ = 	snop  }
0x3a4: {  	[tilespmem:s17], [sflag:$0x3] =	stream.indirect_vreg.gather [hbm4b:s5+s3], $0x80, v2, vm0, $0xb8;
	[tilespmem:$0x1E000] =	vst v63  }
0x3a5: {  	s17 =	simm.s32 $0xB000  }
0x3a6: {  	[tilespmem:s17], [sflag:$0x3] =	stream.indirect_vreg.gather [hbm4b:s6+s3], $0x80, v2, vm0, $0xb8;
	[tilespmem:$0x1E000] =	vst v63  }
0x3a7: {  	s4 =	simm.s32 $0xB800  }
0x3a8: {  	[tilespmem:s4], [sflag:$0x3] =	stream.indirect_vreg.gather [hbm4b:s7+s3], $0x80, v2, vm0, $0xb8;
	[tilespmem:$0x1E000] =	vst v63  }
0x3a9: {  	s17 =	simm.s32 $0xC000  }
0x3aa: {  	[tilespmem:s17], [sflag:$0x3] =	stream.indirect_vreg.gather [hbm4b:s8+s3], $0x80, v2, vm0, $0xb8;
	[tilespmem:$0x1E000] =	vst v63  }
0x3ab: {  	s4 =	simm.s32 $0xC800  }
0x3ac: {  	[tilespmem:s4], [sflag:$0x3] =	stream.indirect_vreg.gather [hbm4b:s9+s3], $0x80, v2, vm0, $0xb8;
	[tilespmem:$0x1E000] =	vst v63  }
0x3ad: {  	s17 =	simm.s32 $0xD000  }
0x3ae: {  	[tilespmem:s17], [sflag:$0x3] =	stream.indirect_vreg.gather [hbm4b:s10+s3], $0x80, v2, vm0, $0xb8;
	[tilespmem:$0x1E000] =	vst v63  }
0x3af: {  	s4 =	simm.s32 $0xD800  }
0x3b0: {  	[tilespmem:s4], [sflag:$0x3] =	stream.indirect_vreg.gather [hbm4b:s11+s3], $0x80, v2, vm0, $0xb8;
	[tilespmem:$0x1E000] =	vst v63  }
0x3b1: {  	_ =	swait.ge [sflag:s19], $0x4000  }
0x3b2: {  	s31 =	sld [smem:$0x7D9]  }
0x3b3: {  	[sflag:s19] =	ssyncset.done $0x0  }
0x3b4: {  	[sflag:s19] =	ssyncadd.s32 $0xFFFFC000  }
0x3b5: {  	[hbm4b:s31+s28] =	stream.strided.scatter [tilespmem:s16], [sflag:$0x8], $0x4000, s29, s28, $0x38;
	[tilespmem:$0x1E000] =	vst v63  }
0x3b6: {  	_ =	swait.ge [sflag:s18], $0x4000  }
0x3b7: {  	[sflag:s18] =	ssyncset.done $0x0  }
0x3b8: {  	[sflag:s18] =	ssyncadd.s32 $0xFFFFC000  }
0x3b9: {  	v2 =	vld.msk [tilespmem:$0xF80], $0x3;
	_ =	sdelay $0x4  }
0x3ba: {  	v3 =	vshll.u32 v2, $0x6  }
0x3bb: {  	v2 =	vand.u32 $0x7, v2;
	v3 =	vand.u32 $0xFFFFFE00, v3  }
0x3bc: {  	v2 =	vor.u32 v2, v3  }
0x3bd: {  	v2 =	vperm.xlane v2, v0;
	_ =	sdelay $0x1  }
0x3be: {  	v2 =	vadd.s32 v1, v2;
	_ =	sdelay $0x3  }
0x3bf: {  	s1 =	simm.s32 $0xE000  }
0x3c0: {  	[tilespmem:s1], [sflag:$0x4] =	stream.indirect_vreg.gather [hbm4b:s2+s3], $0x80, v2, vm0, $0xb8;
	[tilespmem:$0x1E000] =	vst v63  }
0x3c1: {  	s17 =	simm.s32 $0xE800  }
0x3c2: {  	[tilespmem:s17], [sflag:$0x4] =	stream.indirect_vreg.gather [hbm4b:s5+s3], $0x80, v2, vm0, $0xb8;
	[tilespmem:$0x1E000] =	vst v63  }
0x3c3: {  	s16 =	simm.s32 $0xF000  }
0x3c4: {  	[tilespmem:s16], [sflag:$0x4] =	stream.indirect_vreg.gather [hbm4b:s6+s3], $0x80, v2, vm0, $0xb8;
	[tilespmem:$0x1E000] =	vst v63  }
0x3c5: {  	s17 =	simm.s32 $0xF800  }
0x3c6: {  	[tilespmem:s17], [sflag:$0x4] =	stream.indirect_vreg.gather [hbm4b:s7+s3], $0x80, v2, vm0, $0xb8;
	[tilespmem:$0x1E000] =	vst v63  }
0x3c7: {  	s16 =	simm.s32 $0x10000  }
0x3c8: {  	[tilespmem:s16], [sflag:$0x4] =	stream.indirect_vreg.gather [hbm4b:s8+s3], $0x80, v2, vm0, $0xb8;
	[tilespmem:$0x1E000] =	vst v63  }
0x3c9: {  	s17 =	simm.s32 $0x10800  }
0x3ca: {  	[tilespmem:s17], [sflag:$0x4] =	stream.indirect_vreg.gather [hbm4b:s9+s3], $0x80, v2, vm0, $0xb8;
	[tilespmem:$0x1E000] =	vst v63  }
0x3cb: {  	s16 =	simm.s32 $0x11000  }
0x3cc: {  	[tilespmem:s16], [sflag:$0x4] =	stream.indirect_vreg.gather [hbm4b:s10+s3], $0x80, v2, vm0, $0xb8;
	[tilespmem:$0x1E000] =	vst v63  }
0x3cd: {  	s25 =	simm.s32 $0x2;
	s17 =	simm.s32 $0x11800  }
0x3ce: {  	[tilespmem:s17], [sflag:$0x4] =	stream.indirect_vreg.gather [hbm4b:s11+s3], $0x80, v2, vm0, $0xb8;
	[tilespmem:$0x1E000] =	vst v63  }
0x3cf: {  	_ =	swait.ge [sflag:s25], $0x4000  }
0x3d0: {  	s31 =	sld [smem:$0x7DA]  }
0x3d1: {  	[sflag:s25] =	ssyncset.done $0x0  }
0x3d2: {  	[sflag:s25] =	ssyncadd.s32 $0xFFFFC000  }
0x3d3: {  	[hbm4b:s31+s28] =	stream.strided.scatter [tilespmem:s0], [sflag:$0x9], $0x4000, s29, s28, $0x38;
	[tilespmem:$0x1E000] =	vst v63  }
0x3d4: {  	_ =	swait.ge [sflag:s13], $0x4000  }
0x3d5: {  	[sflag:s13] =	ssyncset.done $0x0  }
0x3d6: {  	[sflag:s13] =	ssyncadd.s32 $0xFFFFC000  }
0x3d7: {  	v2 =	vld.msk [tilespmem:$0x1000], $0x3;
	_ =	sdelay $0x4  }
0x3d8: {  	v3 =	vshll.u32 v2, $0x6  }
0x3d9: {  	v2 =	vand.u32 $0x7, v2;
	v3 =	vand.u32 $0xFFFFFE00, v3  }
0x3da: {  	v2 =	vor.u32 v2, v3  }
0x3db: {  	v2 =	vperm.xlane v2, v0;
	_ =	sdelay $0x1  }
0x3dc: {  	v2 =	vadd.s32 v1, v2;
	_ =	sdelay $0x3  }
0x3dd: {  	s17 =	simm.s32 $0x12000  }
0x3de: {  	[tilespmem:s17], [sflag:$0x5] =	stream.indirect_vreg.gather [hbm4b:s2+s3], $0x80, v2, vm0, $0xb8;
	[tilespmem:$0x1E000] =	vst v63  }
0x3df: {  	s16 =	simm.s32 $0x12800  }
0x3e0: {  	[tilespmem:s16], [sflag:$0x5] =	stream.indirect_vreg.gather [hbm4b:s5+s3], $0x80, v2, vm0, $0xb8;
	[tilespmem:$0x1E000] =	vst v63  }
0x3e1: {  	s25 =	simm.s32 $0x13000  }
0x3e2: {  	[tilespmem:s25], [sflag:$0x5] =	stream.indirect_vreg.gather [hbm4b:s6+s3], $0x80, v2, vm0, $0xb8;
	[tilespmem:$0x1E000] =	vst v63  }
0x3e3: {  	s16 =	simm.s32 $0x13800  }
0x3e4: {  	[tilespmem:s16], [sflag:$0x5] =	stream.indirect_vreg.gather [hbm4b:s7+s3], $0x80, v2, vm0, $0xb8;
	[tilespmem:$0x1E000] =	vst v63  }
0x3e5: {  	s25 =	simm.s32 $0x14000  }
0x3e6: {  	[tilespmem:s25], [sflag:$0x5] =	stream.indirect_vreg.gather [hbm4b:s8+s3], $0x80, v2, vm0, $0xb8;
	[tilespmem:$0x1E000] =	vst v63  }
0x3e7: {  	s16 =	simm.s32 $0x14800  }
0x3e8: {  	[tilespmem:s16], [sflag:$0x5] =	stream.indirect_vreg.gather [hbm4b:s9+s3], $0x80, v2, vm0, $0xb8;
	[tilespmem:$0x1E000] =	vst v63  }
0x3e9: {  	s25 =	simm.s32 $0x15000  }
0x3ea: {  	[tilespmem:s25], [sflag:$0x5] =	stream.indirect_vreg.gather [hbm4b:s10+s3], $0x80, v2, vm0, $0xb8;
	[tilespmem:$0x1E000] =	vst v63  }
0x3eb: {  	s16 =	simm.s32 $0x15800  }
0x3ec: {  	[tilespmem:s16], [sflag:$0x5] =	stream.indirect_vreg.gather [hbm4b:s11+s3], $0x80, v2, vm0, $0xb8;
	[tilespmem:$0x1E000] =	vst v63  }
0x3ed: {  	_ =	swait.ge [sflag:s23], $0x4000  }
0x3ee: {  	s31 =	sld [smem:$0x7DB]  }
0x3ef: {  	[sflag:s23] =	ssyncset.done $0x0  }
0x3f0: {  	[sflag:s23] =	ssyncadd.s32 $0xFFFFC000  }
0x3f1: {  	[hbm4b:s31+s28] =	stream.strided.scatter [tilespmem:s21], [sflag:$0xA], $0x4000, s29, s28, $0x38;
	[tilespmem:$0x1E000] =	vst v63  }
0x3f2: {  	_ =	swait.ge [sflag:s22], $0x4000  }
0x3f3: {  	[sflag:s22] =	ssyncset.done $0x0  }
0x3f4: {  	[sflag:s22] =	ssyncadd.s32 $0xFFFFC000  }
0x3f5: {  	v2 =	vld.msk [tilespmem:$0x1080], $0x3;
	_ =	sdelay $0x4  }
0x3f6: {  	v3 =	vshll.u32 v2, $0x6  }
0x3f7: {  	v2 =	vand.u32 $0x7, v2;
	v3 =	vand.u32 $0xFFFFFE00, v3  }
0x3f8: {  	v2 =	vor.u32 v2, v3  }
0x3f9: {  	v2 =	vperm.xlane v2, v0;
	_ =	sdelay $0x1  }
0x3fa: {  	v2 =	vadd.s32 v1, v2;
	_ =	sdelay $0x3  }
0x3fb: {  	s21 =	simm.s32 $0x16000  }
0x3fc: {  	[tilespmem:s21], [sflag:$0x6] =	stream.indirect_vreg.gather [hbm4b:s2+s3], $0x80, v2, vm0, $0xb8;
	[tilespmem:$0x1E000] =	vst v63  }
0x3fd: {  	s23 =	simm.s32 $0x16800  }
0x3fe: {  	[tilespmem:s23], [sflag:$0x6] =	stream.indirect_vreg.gather [hbm4b:s5+s3], $0x80, v2, vm0, $0xb8;
	[tilespmem:$0x1E000] =	vst v63  }
0x3ff: {  	s25 =	simm.s32 $0x17000  }
0x400: {  	[tilespmem:s25], [sflag:$0x6] =	stream.indirect_vreg.gather [hbm4b:s6+s3], $0x80, v2, vm0, $0xb8;
	[tilespmem:$0x1E000] =	vst v63  }
0x401: {  	s16 =	simm.s32 $0x17800  }
0x402: {  	[tilespmem:s16], [sflag:$0x6] =	stream.indirect_vreg.gather [hbm4b:s7+s3], $0x80, v2, vm0, $0xb8;
	[tilespmem:$0x1E000] =	vst v63  }
0x403: {  	s21 =	simm.s32 $0x18000  }
0x404: {  	[tilespmem:s21], [sflag:$0x6] =	stream.indirect_vreg.gather [hbm4b:s8+s3], $0x80, v2, vm0, $0xb8;
	[tilespmem:$0x1E000] =	vst v63  }
0x405: {  	s23 =	simm.s32 $0x18800  }
0x406: {  	[tilespmem:s23], [sflag:$0x6] =	stream.indirect_vreg.gather [hbm4b:s9+s3], $0x80, v2, vm0, $0xb8;
	[tilespmem:$0x1E000] =	vst v63  }
0x407: {  	s25 =	simm.s32 $0x19000  }
0x408: {  	[tilespmem:s25], [sflag:$0x6] =	stream.indirect_vreg.gather [hbm4b:s10+s3], $0x80, v2, vm0, $0xb8;
	[tilespmem:$0x1E000] =	vst v63  }
0x409: {  	s16 =	simm.s32 $0x19800;
	s21 =	simm.s32 $0x4  }
0x40a: {  	[tilespmem:s16], [sflag:$0x6] =	stream.indirect_vreg.gather [hbm4b:s11+s3], $0x80, v2, vm0, $0xb8;
	[tilespmem:$0x1E000] =	vst v63  }
0x40b: {  	_ =	swait.ge [sflag:s21], $0x4000  }
0x40c: {  	s31 =	sld [smem:$0x7DC]  }
0x40d: {  	[sflag:s21] =	ssyncset.done $0x0  }
0x40e: {  	[sflag:s21] =	ssyncadd.s32 $0xFFFFC000  }
0x40f: {  	[hbm4b:s31+s28] =	stream.strided.scatter [tilespmem:s1], [sflag:$0xB], $0x4000, s29, s28, $0x38;
	[tilespmem:$0x1E000] =	vst v63  }
0x410: {  	_ =	swait.ge [sflag:s26], $0x4000  }
0x411: {  	[sflag:s26] =	ssyncset.done $0x0  }
0x412: {  	[sflag:s26] =	ssyncadd.s32 $0xFFFFC000  }
0x413: {  	v2 =	vld.msk [tilespmem:$0x1100], $0x3;
	_ =	sdelay $0x4  }
0x414: {  	v3 =	vshll.u32 v2, $0x6  }
0x415: {  	v2 =	vand.u32 $0x7, v2;
	v3 =	vand.u32 $0xFFFFFE00, v3  }
0x416: {  	v2 =	vor.u32 v2, v3  }
0x417: {  	v2 =	vperm.xlane v2, v0;
	_ =	sdelay $0x1  }
0x418: {  	v2 =	vadd.s32 v1, v2;
	_ =	sdelay $0x3  }
0x419: {  	s24 =	simm.s32 $0x1A000  }
0x41a: {  	[tilespmem:s24], [sflag:$0x7] =	stream.indirect_vreg.gather [hbm4b:s2+s3], $0x80, v2, vm0, $0xb8;
	[tilespmem:$0x1E000] =	vst v63  }
0x41b: {  	s23 =	simm.s32 $0x1A800  }
0x41c: {  	[tilespmem:s23], [sflag:$0x7] =	stream.indirect_vreg.gather [hbm4b:s5+s3], $0x80, v2, vm0, $0xb8;
	[tilespmem:$0x1E000] =	vst v63  }
0x41d: {  	s24 =	simm.s32 $0x1B000  }
0x41e: {  	[tilespmem:s24], [sflag:$0x7] =	stream.indirect_vreg.gather [hbm4b:s6+s3], $0x80, v2, vm0, $0xb8;
	[tilespmem:$0x1E000] =	vst v63  }
0x41f: {  	s21 =	simm.s32 $0x1B800  }
0x420: {  	[tilespmem:s21], [sflag:$0x7] =	stream.indirect_vreg.gather [hbm4b:s7+s3], $0x80, v2, vm0, $0xb8;
	[tilespmem:$0x1E000] =	vst v63  }
0x421: {  	s23 =	simm.s32 $0x1C000  }
0x422: {  	[tilespmem:s23], [sflag:$0x7] =	stream.indirect_vreg.gather [hbm4b:s8+s3], $0x80, v2, vm0, $0xb8;
	[tilespmem:$0x1E000] =	vst v63  }
0x423: {  	s24 =	simm.s32 $0x1C800  }
0x424: {  	[tilespmem:s24], [sflag:$0x7] =	stream.indirect_vreg.gather [hbm4b:s9+s3], $0x80, v2, vm0, $0xb8;
	[tilespmem:$0x1E000] =	vst v63  }
0x425: {  	s21 =	simm.s32 $0x1D000  }
0x426: {  	[tilespmem:s21], [sflag:$0x7] =	stream.indirect_vreg.gather [hbm4b:s10+s3], $0x80, v2, vm0, $0xb8;
	[tilespmem:$0x1E000] =	vst v63  }
0x427: {  	s23 =	simm.s32 $0x1D800;
	s24 =	simm.s32 $0x5  }
0x428: {  	[tilespmem:s23], [sflag:$0x7] =	stream.indirect_vreg.gather [hbm4b:s11+s3], $0x80, v2, vm0, $0xb8;
	[tilespmem:$0x1E000] =	vst v63  }
0x429: {  	_ =	swait.ge [sflag:s24], $0x4000  }
0x42a: {  	s31 =	sld [smem:$0x7DD]  }
0x42b: {  	[sflag:s24] =	ssyncset.done $0x0  }
0x42c: {  	[sflag:s24] =	ssyncadd.s32 $0xFFFFC000  }
0x42d: {  	[hbm4b:s31+s28] =	stream.strided.scatter [tilespmem:s17], [sflag:$0xC], $0x4000, s29, s28, $0x38;
	[tilespmem:$0x1E000] =	vst v63  }
0x42e: {  	_ =	swait.ge [sflag:s15], $0x4000  }
0x42f: {  	[sflag:s15] =	ssyncset.done $0x0  }
0x430: {  	[sflag:s15] =	ssyncadd.s32 $0xFFFFC000  }
0x431: {  	v2 =	vld.msk [tilespmem:$0x1180], $0x3;
	_ =	sdelay $0x4  }
0x432: {  	v3 =	vshll.u32 v2, $0x6  }
0x433: {  	v2 =	vand.u32 $0x7, v2;
	v3 =	vand.u32 $0xFFFFFE00, v3  }
0x434: {  	v2 =	vor.u32 v2, v3  }
0x435: {  	v2 =	vperm.xlane v2, v0;
	_ =	sdelay $0x1  }
0x436: {  	v2 =	vadd.s32 v1, v2;
	_ =	sdelay $0x3  }
0x437: {  	s23 =	simm.s32 $0x2000  }
0x438: {  	[tilespmem:s23], [sflag:$0x1] =	stream.indirect_vreg.gather [hbm4b:s2+s3], $0x80, v2, vm0, $0xb8;
	[tilespmem:$0x1E000] =	vst v63  }
0x439: {  	s21 =	simm.s32 $0x2800  }
0x43a: {  	[tilespmem:s21], [sflag:$0x1] =	stream.indirect_vreg.gather [hbm4b:s5+s3], $0x80, v2, vm0, $0xb8;
	[tilespmem:$0x1E000] =	vst v63  }
0x43b: {  	s24 =	simm.s32 $0x3000  }
0x43c: {  	[tilespmem:s24], [sflag:$0x1] =	stream.indirect_vreg.gather [hbm4b:s6+s3], $0x80, v2, vm0, $0xb8;
	[tilespmem:$0x1E000] =	vst v63  }
0x43d: {  	s21 =	simm.s32 $0x3800  }
0x43e: {  	[tilespmem:s21], [sflag:$0x1] =	stream.indirect_vreg.gather [hbm4b:s7+s3], $0x80, v2, vm0, $0xb8;
	[tilespmem:$0x1E000] =	vst v63  }
0x43f: {  	s24 =	simm.s32 $0x4000  }
0x440: {  	[tilespmem:s24], [sflag:$0x1] =	stream.indirect_vreg.gather [hbm4b:s8+s3], $0x80, v2, vm0, $0xb8;
	[tilespmem:$0x1E000] =	vst v63  }
0x441: {  	s21 =	simm.s32 $0x4800  }
0x442: {  	[tilespmem:s21], [sflag:$0x1] =	stream.indirect_vreg.gather [hbm4b:s9+s3], $0x80, v2, vm0, $0xb8;
	[tilespmem:$0x1E000] =	vst v63  }
0x443: {  	s24 =	simm.s32 $0x5000  }
0x444: {  	[tilespmem:s24], [sflag:$0x1] =	stream.indirect_vreg.gather [hbm4b:s10+s3], $0x80, v2, vm0, $0xb8;
	[tilespmem:$0x1E000] =	vst v63  }
0x445: {  	s20 =	simm.s32 $0x6;
	s1 =	simm.s32 $0x5800  }
0x446: {  	[tilespmem:s1], [sflag:$0x1] =	stream.indirect_vreg.gather [hbm4b:s11+s3], $0x80, v2, vm0, $0xb8;
	[tilespmem:$0x1E000] =	vst v63  }
0x447: {  	_ =	swait.ge [sflag:s20], $0x4000  }
0x448: {  	s31 =	sld [smem:$0x7DE]  }
0x449: {  	[sflag:s20] =	ssyncset.done $0x0  }
0x44a: {  	s14 =	simm.s32 $0x9;
	[sflag:s20] =	ssyncadd.s32 $0xFFFFC000;
	s20 =	simm.s32 $0x16000  }
0x44b: {  	[hbm4b:s31+s28] =	stream.strided.scatter [tilespmem:s20], [sflag:$0xD], $0x4000, s29, s28, $0x38;
	[tilespmem:$0x1E000] =	vst v63  }
0x44c: {  	_ =	swait.ge [sflag:s14], $0x4000  }
0x44d: {  	[sflag:s14] =	ssyncset.done $0x0  }
0x44e: {  	[sflag:s14] =	ssyncadd.s32 $0xFFFFC000  }
0x44f: {  	v2 =	vld.msk [tilespmem:$0x1200], $0x3;
	_ =	sdelay $0x4  }
0x450: {  	v3 =	vshll.u32 v2, $0x6  }
0x451: {  	v2 =	vand.u32 $0x7, v2;
	v3 =	vand.u32 $0xFFFFFE00, v3  }
0x452: {  	v2 =	vor.u32 v2, v3  }
0x453: {  	v2 =	vperm.xlane v2, v0;
	_ =	sdelay $0x1  }
0x454: {  	v2 =	vadd.s32 v1, v2;
	_ =	sdelay $0x3  }
0x455: {  	s0 =	simm.s32 $0x6000  }
0x456: {  	[tilespmem:s0], [sflag:$0x2] =	stream.indirect_vreg.gather [hbm4b:s2+s3], $0x80, v2, vm0, $0xb8;
	[tilespmem:$0x1E000] =	vst v63  }
0x457: {  	s14 =	simm.s32 $0x6800  }
0x458: {  	[tilespmem:s14], [sflag:$0x2] =	stream.indirect_vreg.gather [hbm4b:s5+s3], $0x80, v2, vm0, $0xb8;
	[tilespmem:$0x1E000] =	vst v63  }
0x459: {  	s21 =	simm.s32 $0x7000  }
0x45a: {  	[tilespmem:s21], [sflag:$0x2] =	stream.indirect_vreg.gather [hbm4b:s6+s3], $0x80, v2, vm0, $0xb8;
	[tilespmem:$0x1E000] =	vst v63  }
0x45b: {  	s21 =	simm.s32 $0x7800  }
0x45c: {  	[tilespmem:s21], [sflag:$0x2] =	stream.indirect_vreg.gather [hbm4b:s7+s3], $0x80, v2, vm0, $0xb8;
	[tilespmem:$0x1E000] =	vst v63  }
0x45d: {  	s24 =	simm.s32 $0x8000  }
0x45e: {  	[tilespmem:s24], [sflag:$0x2] =	stream.indirect_vreg.gather [hbm4b:s8+s3], $0x80, v2, vm0, $0xb8;
	[tilespmem:$0x1E000] =	vst v63  }
0x45f: {  	s14 =	simm.s32 $0x8800  }
0x460: {  	[tilespmem:s14], [sflag:$0x2] =	stream.indirect_vreg.gather [hbm4b:s9+s3], $0x80, v2, vm0, $0xb8;
	[tilespmem:$0x1E000] =	vst v63  }
0x461: {  	s24 =	simm.s32 $0x9000  }
0x462: {  	[tilespmem:s24], [sflag:$0x2] =	stream.indirect_vreg.gather [hbm4b:s10+s3], $0x80, v2, vm0, $0xb8;
	[tilespmem:$0x1E000] =	vst v63  }
0x463: {  	s14 =	simm.s32 $0x9800  }
0x464: {  	[tilespmem:s14], [sflag:$0x2] =	stream.indirect_vreg.gather [hbm4b:s11+s3], $0x80, v2, vm0, $0xb8;
	[tilespmem:$0x1E000] =	vst v63  }
0x465: {  	_ =	swait.ge [sflag:s30], $0x4000  }
0x466: {  	s31 =	sld [smem:$0x7DF]  }
0x467: {  	[sflag:s30] =	ssyncset.done $0x0  }
0x468: {  	s12 =	simm.s32 $0xA;
	s16 =	simm.s32 $0x1A000;
	[sflag:s30] =	ssyncadd.s32 $0xFFFFC000  }
0x469: {  	[hbm4b:s31+s28] =	stream.strided.scatter [tilespmem:s16], [sflag:$0xE], $0x4000, s29, s28, $0x38;
	[tilespmem:$0x1E000] =	vst v63  }
0x46a: {  	_ =	swait.ge [sflag:s12], $0x4000  }
0x46b: {  	[sflag:s12] =	ssyncset.done $0x0  }
0x46c: {  	[sflag:s12] =	ssyncadd.s32 $0xFFFFC000  }
0x46d: {  	v2 =	vld.msk [tilespmem:$0x1280], $0x3;
	_ =	sdelay $0x4  }
0x46e: {  	v3 =	vshll.u32 v2, $0x6  }
0x46f: {  	v2 =	vand.u32 $0x7, v2;
	v3 =	vand.u32 $0xFFFFFE00, v3  }
0x470: {  	v2 =	vor.u32 v2, v3  }
0x471: {  	v2 =	vperm.xlane v2, v0;
	_ =	sdelay $0x1  }
0x472: {  	v2 =	vadd.s32 v1, v2;
	_ =	sdelay $0x3  }
0x473: {  	s1 =	simm.s32 $0xA000  }
0x474: {  	[tilespmem:s1], [sflag:$0x3] =	stream.indirect_vreg.gather [hbm4b:s2+s3], $0x80, v2, vm0, $0xb8;
	[tilespmem:$0x1E000] =	vst v63  }
0x475: {  	s24 =	simm.s32 $0xA800  }
0x476: {  	[tilespmem:s24], [sflag:$0x3] =	stream.indirect_vreg.gather [hbm4b:s5+s3], $0x80, v2, vm0, $0xb8;
	[tilespmem:$0x1E000] =	vst v63  }
0x477: {  	s12 =	simm.s32 $0xB000  }
0x478: {  	[tilespmem:s12], [sflag:$0x3] =	stream.indirect_vreg.gather [hbm4b:s6+s3], $0x80, v2, vm0, $0xb8;
	[tilespmem:$0x1E000] =	vst v63  }
0x479: {  	s24 =	simm.s32 $0xB800  }
0x47a: {  	[tilespmem:s24], [sflag:$0x3] =	stream.indirect_vreg.gather [hbm4b:s7+s3], $0x80, v2, vm0, $0xb8;
	[tilespmem:$0x1E000] =	vst v63  }
0x47b: {  	s12 =	simm.s32 $0xC000  }
0x47c: {  	[tilespmem:s12], [sflag:$0x3] =	stream.indirect_vreg.gather [hbm4b:s8+s3], $0x80, v2, vm0, $0xb8;
	[tilespmem:$0x1E000] =	vst v63  }
0x47d: {  	s24 =	simm.s32 $0xC800  }
0x47e: {  	[tilespmem:s24], [sflag:$0x3] =	stream.indirect_vreg.gather [hbm4b:s9+s3], $0x80, v2, vm0, $0xb8;
	[tilespmem:$0x1E000] =	vst v63  }
0x47f: {  	s12 =	simm.s32 $0xD000  }
0x480: {  	[tilespmem:s12], [sflag:$0x3] =	stream.indirect_vreg.gather [hbm4b:s10+s3], $0x80, v2, vm0, $0xb8;
	[tilespmem:$0x1E000] =	vst v63  }
0x481: {  	s24 =	simm.s32 $0xD800  }
0x482: {  	[tilespmem:s24], [sflag:$0x3] =	stream.indirect_vreg.gather [hbm4b:s11+s3], $0x80, v2, vm0, $0xb8;
	[tilespmem:$0x1E000] =	vst v63  }
0x483: {  	_ =	swait.ge [sflag:s19], $0x4000  }
0x484: {  	s31 =	sld [smem:$0x7E0]  }
0x485: {  	[sflag:s19] =	ssyncset.done $0x0  }
0x486: {  	[sflag:s19] =	ssyncadd.s32 $0xFFFFC000  }
0x487: {  	[hbm4b:s31+s28] =	stream.strided.scatter [tilespmem:s23], [sflag:$0x8], $0x4000, s29, s28, $0x38;
	[tilespmem:$0x1E000] =	vst v63  }
0x488: {  	_ =	swait.ge [sflag:s18], $0x4000  }
0x489: {  	[sflag:s18] =	ssyncset.done $0x0  }
0x48a: {  	[sflag:s18] =	ssyncadd.s32 $0xFFFFC000  }
0x48b: {  	v2 =	vld.msk [tilespmem:$0x1300], $0x3;
	_ =	sdelay $0x4  }
0x48c: {  	v3 =	vshll.u32 v2, $0x6  }
0x48d: {  	v2 =	vand.u32 $0x7, v2;
	v3 =	vand.u32 $0xFFFFFE00, v3  }
0x48e: {  	v2 =	vor.u32 v2, v3  }
0x48f: {  	v2 =	vperm.xlane v2, v0;
	_ =	sdelay $0x1  }
0x490: {  	v2 =	vadd.s32 v1, v2;
	_ =	sdelay $0x3  }
0x491: {  	s4 =	simm.s32 $0xE000  }
0x492: {  	[tilespmem:s4], [sflag:$0x4] =	stream.indirect_vreg.gather [hbm4b:s2+s3], $0x80, v2, vm0, $0xb8;
	[tilespmem:$0x1E000] =	vst v63  }
0x493: {  	s12 =	simm.s32 $0xE800  }
0x494: {  	[tilespmem:s12], [sflag:$0x4] =	stream.indirect_vreg.gather [hbm4b:s5+s3], $0x80, v2, vm0, $0xb8;
	[tilespmem:$0x1E000] =	vst v63  }
0x495: {  	s24 =	simm.s32 $0xF000  }
0x496: {  	[tilespmem:s24], [sflag:$0x4] =	stream.indirect_vreg.gather [hbm4b:s6+s3], $0x80, v2, vm0, $0xb8;
	[tilespmem:$0x1E000] =	vst v63  }
0x497: {  	s12 =	simm.s32 $0xF800  }
0x498: {  	[tilespmem:s12], [sflag:$0x4] =	stream.indirect_vreg.gather [hbm4b:s7+s3], $0x80, v2, vm0, $0xb8;
	[tilespmem:$0x1E000] =	vst v63  }
0x499: {  	s24 =	simm.s32 $0x10000  }
0x49a: {  	[tilespmem:s24], [sflag:$0x4] =	stream.indirect_vreg.gather [hbm4b:s8+s3], $0x80, v2, vm0, $0xb8;
	[tilespmem:$0x1E000] =	vst v63  }
0x49b: {  	s12 =	simm.s32 $0x10800  }
0x49c: {  	[tilespmem:s12], [sflag:$0x4] =	stream.indirect_vreg.gather [hbm4b:s9+s3], $0x80, v2, vm0, $0xb8;
	[tilespmem:$0x1E000] =	vst v63  }
0x49d: {  	s24 =	simm.s32 $0x11000  }
0x49e: {  	[tilespmem:s24], [sflag:$0x4] =	stream.indirect_vreg.gather [hbm4b:s10+s3], $0x80, v2, vm0, $0xb8;
	[tilespmem:$0x1E000] =	vst v63  }
0x49f: {  	s12 =	simm.s32 $0x11800;
	s24 =	simm.s32 $0x2  }
0x4a0: {  	[tilespmem:s12], [sflag:$0x4] =	stream.indirect_vreg.gather [hbm4b:s11+s3], $0x80, v2, vm0, $0xb8;
	[tilespmem:$0x1E000] =	vst v63  }
0x4a1: {  	_ =	swait.ge [sflag:s24], $0x4000  }
0x4a2: {  	s31 =	sld [smem:$0x7E1]  }
0x4a3: {  	[sflag:s24] =	ssyncset.done $0x0  }
0x4a4: {  	[sflag:s24] =	ssyncadd.s32 $0xFFFFC000  }
0x4a5: {  	[hbm4b:s31+s28] =	stream.strided.scatter [tilespmem:s0], [sflag:$0x9], $0x4000, s29, s28, $0x38;
	[tilespmem:$0x1E000] =	vst v63  }
0x4a6: {  	_ =	swait.ge [sflag:s13], $0x4000  }
0x4a7: {  	[sflag:s13] =	ssyncset.done $0x0  }
0x4a8: {  	[sflag:s13] =	ssyncadd.s32 $0xFFFFC000  }
0x4a9: {  	v2 =	vld.msk [tilespmem:$0x1380], $0x3;
	_ =	sdelay $0x4  }
0x4aa: {  	v3 =	vshll.u32 v2, $0x6  }
0x4ab: {  	v2 =	vand.u32 $0x7, v2;
	v3 =	vand.u32 $0xFFFFFE00, v3  }
0x4ac: {  	v2 =	vor.u32 v2, v3  }
0x4ad: {  	v2 =	vperm.xlane v2, v0;
	_ =	sdelay $0x1  }
0x4ae: {  	v2 =	vadd.s32 v1, v2;
	_ =	sdelay $0x3  }
0x4af: {  	s17 =	simm.s32 $0x12000  }
0x4b0: {  	[tilespmem:s17], [sflag:$0x5] =	stream.indirect_vreg.gather [hbm4b:s2+s3], $0x80, v2, vm0, $0xb8;
	[tilespmem:$0x1E000] =	vst v63  }
0x4b1: {  	s12 =	simm.s32 $0x12800  }
0x4b2: {  	[tilespmem:s12], [sflag:$0x5] =	stream.indirect_vreg.gather [hbm4b:s5+s3], $0x80, v2, vm0, $0xb8;
	[tilespmem:$0x1E000] =	vst v63  }
0x4b3: {  	s24 =	simm.s32 $0x13000  }
0x4b4: {  	[tilespmem:s24], [sflag:$0x5] =	stream.indirect_vreg.gather [hbm4b:s6+s3], $0x80, v2, vm0, $0xb8;
	[tilespmem:$0x1E000] =	vst v63  }
0x4b5: {  	s12 =	simm.s32 $0x13800  }
0x4b6: {  	[tilespmem:s12], [sflag:$0x5] =	stream.indirect_vreg.gather [hbm4b:s7+s3], $0x80, v2, vm0, $0xb8;
	[tilespmem:$0x1E000] =	vst v63  }
0x4b7: {  	s24 =	simm.s32 $0x14000  }
0x4b8: {  	[tilespmem:s24], [sflag:$0x5] =	stream.indirect_vreg.gather [hbm4b:s8+s3], $0x80, v2, vm0, $0xb8;
	[tilespmem:$0x1E000] =	vst v63  }
0x4b9: {  	s12 =	simm.s32 $0x14800  }
0x4ba: {  	[tilespmem:s12], [sflag:$0x5] =	stream.indirect_vreg.gather [hbm4b:s9+s3], $0x80, v2, vm0, $0xb8;
	[tilespmem:$0x1E000] =	vst v63  }
0x4bb: {  	s24 =	simm.s32 $0x15000  }
0x4bc: {  	[tilespmem:s24], [sflag:$0x5] =	stream.indirect_vreg.gather [hbm4b:s10+s3], $0x80, v2, vm0, $0xb8;
	[tilespmem:$0x1E000] =	vst v63  }
0x4bd: {  	s12 =	simm.s32 $0x15800;
	s24 =	simm.s32 $0x3  }
0x4be: {  	[tilespmem:s12], [sflag:$0x5] =	stream.indirect_vreg.gather [hbm4b:s11+s3], $0x80, v2, vm0, $0xb8;
	[tilespmem:$0x1E000] =	vst v63  }
0x4bf: {  	_ =	swait.ge [sflag:s24], $0x4000  }
0x4c0: {  	s31 =	sld [smem:$0x7E2]  }
0x4c1: {  	[sflag:s24] =	ssyncset.done $0x0  }
0x4c2: {  	[sflag:s24] =	ssyncadd.s32 $0xFFFFC000  }
0x4c3: {  	[hbm4b:s31+s28] =	stream.strided.scatter [tilespmem:s1], [sflag:$0xA], $0x4000, s29, s28, $0x38;
	[tilespmem:$0x1E000] =	vst v63  }
0x4c4: {  	_ =	swait.ge [sflag:s22], $0x4000  }
0x4c5: {  	[sflag:s22] =	ssyncset.done $0x0  }
0x4c6: {  	[sflag:s22] =	ssyncadd.s32 $0xFFFFC000  }
0x4c7: {  	v2 =	vld.msk [tilespmem:$0x1400], $0x3;
	_ =	sdelay $0x4  }
0x4c8: {  	v3 =	vshll.u32 v2, $0x6  }
0x4c9: {  	v2 =	vand.u32 $0x7, v2;
	v3 =	vand.u32 $0xFFFFFE00, v3  }
0x4ca: {  	v2 =	vor.u32 v2, v3  }
0x4cb: {  	v2 =	vperm.xlane v2, v0;
	_ =	sdelay $0x1  }
0x4cc: {  	v2 =	vadd.s32 v1, v2;
	_ =	sdelay $0x4  }
0x4cd: {  	[tilespmem:s20], [sflag:$0x6] =	stream.indirect_vreg.gather [hbm4b:s2+s3], $0x80, v2, vm0, $0xb8;
	[tilespmem:$0x1E000] =	vst v63  }
0x4ce: {  	s12 =	simm.s32 $0x16800  }
0x4cf: {  	[tilespmem:s12], [sflag:$0x6] =	stream.indirect_vreg.gather [hbm4b:s5+s3], $0x80, v2, vm0, $0xb8;
	[tilespmem:$0x1E000] =	vst v63  }
0x4d0: {  	s20 =	simm.s32 $0x17000  }
0x4d1: {  	[tilespmem:s20], [sflag:$0x6] =	stream.indirect_vreg.gather [hbm4b:s6+s3], $0x80, v2, vm0, $0xb8;
	[tilespmem:$0x1E000] =	vst v63  }
0x4d2: {  	s12 =	simm.s32 $0x17800  }
0x4d3: {  	[tilespmem:s12], [sflag:$0x6] =	stream.indirect_vreg.gather [hbm4b:s7+s3], $0x80, v2, vm0, $0xb8;
	[tilespmem:$0x1E000] =	vst v63  }
0x4d4: {  	s20 =	simm.s32 $0x18000  }
0x4d5: {  	[tilespmem:s20], [sflag:$0x6] =	stream.indirect_vreg.gather [hbm4b:s8+s3], $0x80, v2, vm0, $0xb8;
	[tilespmem:$0x1E000] =	vst v63  }
0x4d6: {  	s12 =	simm.s32 $0x18800  }
0x4d7: {  	[tilespmem:s12], [sflag:$0x6] =	stream.indirect_vreg.gather [hbm4b:s9+s3], $0x80, v2, vm0, $0xb8;
	[tilespmem:$0x1E000] =	vst v63  }
0x4d8: {  	s20 =	simm.s32 $0x19000  }
0x4d9: {  	[tilespmem:s20], [sflag:$0x6] =	stream.indirect_vreg.gather [hbm4b:s10+s3], $0x80, v2, vm0, $0xb8;
	[tilespmem:$0x1E000] =	vst v63  }
0x4da: {  	s12 =	simm.s32 $0x19800;
	s20 =	simm.s32 $0x4  }
0x4db: {  	[tilespmem:s12], [sflag:$0x6] =	stream.indirect_vreg.gather [hbm4b:s11+s3], $0x80, v2, vm0, $0xb8;
	[tilespmem:$0x1E000] =	vst v63  }
0x4dc: {  	_ =	swait.ge [sflag:s20], $0x4000  }
0x4dd: {  	s31 =	sld [smem:$0x7E3]  }
0x4de: {  	[sflag:s20] =	ssyncset.done $0x0  }
0x4df: {  	[sflag:s20] =	ssyncadd.s32 $0xFFFFC000  }
0x4e0: {  	[hbm4b:s31+s28] =	stream.strided.scatter [tilespmem:s4], [sflag:$0xB], $0x4000, s29, s28, $0x38;
	[tilespmem:$0x1E000] =	vst v63  }
0x4e1: {  	_ =	swait.ge [sflag:s26], $0x4000  }
0x4e2: {  	[sflag:s26] =	ssyncset.done $0x0  }
0x4e3: {  	[sflag:s26] =	ssyncadd.s32 $0xFFFFC000  }
0x4e4: {  	v2 =	vld.msk [tilespmem:$0x1480], $0x3;
	_ =	sdelay $0x4  }
0x4e5: {  	v3 =	vshll.u32 v2, $0x6  }
0x4e6: {  	v2 =	vand.u32 $0x7, v2;
	v3 =	vand.u32 $0xFFFFFE00, v3  }
0x4e7: {  	v2 =	vor.u32 v2, v3  }
0x4e8: {  	v2 =	vperm.xlane v2, v0;
	_ =	sdelay $0x1  }
0x4e9: {  	v2 =	vadd.s32 v1, v2;
	_ =	sdelay $0x3  }
0x4ea: {  	s14 =	simm.s32 $0x1A000  }
0x4eb: {  	[tilespmem:s14], [sflag:$0x7] =	stream.indirect_vreg.gather [hbm4b:s2+s3], $0x80, v2, vm0, $0xb8;
	[tilespmem:$0x1E000] =	vst v63  }
0x4ec: {  	s25 =	simm.s32 $0x1A800  }
0x4ed: {  	[tilespmem:s25], [sflag:$0x7] =	stream.indirect_vreg.gather [hbm4b:s5+s3], $0x80, v2, vm0, $0xb8;
	[tilespmem:$0x1E000] =	vst v63  }
0x4ee: {  	s25 =	simm.s32 $0x1B000  }
0x4ef: {  	[tilespmem:s25], [sflag:$0x7] =	stream.indirect_vreg.gather [hbm4b:s6+s3], $0x80, v2, vm0, $0xb8;
	[tilespmem:$0x1E000] =	vst v63  }
0x4f0: {  	s12 =	simm.s32 $0x1B800  }
0x4f1: {  	[tilespmem:s12], [sflag:$0x7] =	stream.indirect_vreg.gather [hbm4b:s7+s3], $0x80, v2, vm0, $0xb8;
	[tilespmem:$0x1E000] =	vst v63  }
0x4f2: {  	s14 =	simm.s32 $0x1C000  }
0x4f3: {  	[tilespmem:s14], [sflag:$0x7] =	stream.indirect_vreg.gather [hbm4b:s8+s3], $0x80, v2, vm0, $0xb8;
	[tilespmem:$0x1E000] =	vst v63  }
0x4f4: {  	s25 =	simm.s32 $0x1C800  }
0x4f5: {  	[tilespmem:s25], [sflag:$0x7] =	stream.indirect_vreg.gather [hbm4b:s9+s3], $0x80, v2, vm0, $0xb8;
	[tilespmem:$0x1E000] =	vst v63  }
0x4f6: {  	s12 =	simm.s32 $0x1D000  }
0x4f7: {  	[tilespmem:s12], [sflag:$0x7] =	stream.indirect_vreg.gather [hbm4b:s10+s3], $0x80, v2, vm0, $0xb8;
	[tilespmem:$0x1E000] =	vst v63  }
0x4f8: {  	s14 =	simm.s32 $0x1D800;
	s25 =	simm.s32 $0x5  }
0x4f9: {  	[tilespmem:s14], [sflag:$0x7] =	stream.indirect_vreg.gather [hbm4b:s11+s3], $0x80, v2, vm0, $0xb8;
	[tilespmem:$0x1E000] =	vst v63  }
0x4fa: {  	_ =	swait.ge [sflag:s25], $0x4000  }
0x4fb: {  	s31 =	sld [smem:$0x7E4]  }
0x4fc: {  	[sflag:s25] =	ssyncset.done $0x0  }
0x4fd: {  	[sflag:s25] =	ssyncadd.s32 $0xFFFFC000  }
0x4fe: {  	[hbm4b:s31+s28] =	stream.strided.scatter [tilespmem:s17], [sflag:$0xC], $0x4000, s29, s28, $0x38;
	[tilespmem:$0x1E000] =	vst v63  }
0x4ff: {  	_ =	swait.ge [sflag:s15], $0x4000  }
0x500: {  	[sflag:s15] =	ssyncset.done $0x0  }
0x501: {  	[sflag:s15] =	ssyncadd.s32 $0xFFFFC000  }
0x502: {  	v2 =	vld.msk [tilespmem:$0x1500], $0x3;
	_ =	sdelay $0x4  }
0x503: {  	v3 =	vshll.u32 v2, $0x6  }
0x504: {  	v2 =	vand.u32 $0x7, v2;
	v3 =	vand.u32 $0xFFFFFE00, v3  }
0x505: {  	v2 =	vor.u32 v2, v3  }
0x506: {  	v2 =	vperm.xlane v2, v0;
	_ =	sdelay $0x1  }
0x507: {  	v2 =	vadd.s32 v1, v2;
	_ =	sdelay $0x3  }
0x508: {  	s23 =	simm.s32 $0x2000  }
0x509: {  	[tilespmem:s23], [sflag:$0x1] =	stream.indirect_vreg.gather [hbm4b:s2+s3], $0x80, v2, vm0, $0xb8;
	[tilespmem:$0x1E000] =	vst v63  }
0x50a: {  	s12 =	simm.s32 $0x2800  }
0x50b: {  	[tilespmem:s12], [sflag:$0x1] =	stream.indirect_vreg.gather [hbm4b:s5+s3], $0x80, v2, vm0, $0xb8;
	[tilespmem:$0x1E000] =	vst v63  }
0x50c: {  	s14 =	simm.s32 $0x3000  }
0x50d: {  	[tilespmem:s14], [sflag:$0x1] =	stream.indirect_vreg.gather [hbm4b:s6+s3], $0x80, v2, vm0, $0xb8;
	[tilespmem:$0x1E000] =	vst v63  }
0x50e: {  	s17 =	simm.s32 $0x3800  }
0x50f: {  	[tilespmem:s17], [sflag:$0x1] =	stream.indirect_vreg.gather [hbm4b:s7+s3], $0x80, v2, vm0, $0xb8;
	[tilespmem:$0x1E000] =	vst v63  }
0x510: {  	s23 =	simm.s32 $0x4000  }
0x511: {  	[tilespmem:s23], [sflag:$0x1] =	stream.indirect_vreg.gather [hbm4b:s8+s3], $0x80, v2, vm0, $0xb8;
	[tilespmem:$0x1E000] =	vst v63  }
0x512: {  	s12 =	simm.s32 $0x4800  }
0x513: {  	[tilespmem:s12], [sflag:$0x1] =	stream.indirect_vreg.gather [hbm4b:s9+s3], $0x80, v2, vm0, $0xb8;
	[tilespmem:$0x1E000] =	vst v63  }
0x514: {  	s14 =	simm.s32 $0x5000  }
0x515: {  	[tilespmem:s14], [sflag:$0x1] =	stream.indirect_vreg.gather [hbm4b:s10+s3], $0x80, v2, vm0, $0xb8;
	[tilespmem:$0x1E000] =	vst v63  }
0x516: {  	s17 =	simm.s32 $0x5800;
	s23 =	simm.s32 $0x6  }
0x517: {  	[tilespmem:s17], [sflag:$0x1] =	stream.indirect_vreg.gather [hbm4b:s11+s3], $0x80, v2, vm0, $0xb8;
	[tilespmem:$0x1E000] =	vst v63  }
0x518: {  	_ =	swait.ge [sflag:s23], $0x4000  }
0x519: {  	s31 =	sld [smem:$0x7E5]  }
0x51a: {  	[sflag:s23] =	ssyncset.done $0x0  }
0x51b: {  	s1 =	simm.s32 $0x16000;
	[sflag:s23] =	ssyncadd.s32 $0xFFFFC000  }
0x51c: {  	[hbm4b:s31+s28] =	stream.strided.scatter [tilespmem:s1], [sflag:$0xD], $0x4000, s29, s28, $0x38;
	[tilespmem:$0x1E000] =	vst v63  }
0x51d: {  	s1 =	simm.s32 $0x9  }
0x51e: {  	_ =	swait.ge [sflag:s1], $0x4000  }
0x51f: {  	[sflag:s1] =	ssyncset.done $0x0  }
0x520: {  	[sflag:s1] =	ssyncadd.s32 $0xFFFFC000  }
0x521: {  	v2 =	vld.msk [tilespmem:$0x1580], $0x3;
	_ =	sdelay $0x4  }
0x522: {  	v3 =	vshll.u32 v2, $0x6  }
0x523: {  	v2 =	vand.u32 $0x7, v2;
	v3 =	vand.u32 $0xFFFFFE00, v3  }
0x524: {  	v2 =	vor.u32 v2, v3  }
0x525: {  	v2 =	vperm.xlane v2, v0;
	_ =	sdelay $0x1  }
0x526: {  	v2 =	vadd.s32 v1, v2;
	_ =	sdelay $0x3  }
0x527: {  	s1 =	simm.s32 $0x6000  }
0x528: {  	[tilespmem:s1], [sflag:$0x2] =	stream.indirect_vreg.gather [hbm4b:s2+s3], $0x80, v2, vm0, $0xb8;
	[tilespmem:$0x1E000] =	vst v63  }
0x529: {  	s12 =	simm.s32 $0x6800  }
0x52a: {  	[tilespmem:s12], [sflag:$0x2] =	stream.indirect_vreg.gather [hbm4b:s5+s3], $0x80, v2, vm0, $0xb8;
	[tilespmem:$0x1E000] =	vst v63  }
0x52b: {  	s14 =	simm.s32 $0x7000  }
0x52c: {  	[tilespmem:s14], [sflag:$0x2] =	stream.indirect_vreg.gather [hbm4b:s6+s3], $0x80, v2, vm0, $0xb8;
	[tilespmem:$0x1E000] =	vst v63  }
0x52d: {  	_ = 	snop  }
0x52e: {  	[tilespmem:s21], [sflag:$0x2] =	stream.indirect_vreg.gather [hbm4b:s7+s3], $0x80, v2, vm0, $0xb8;
	[tilespmem:$0x1E000] =	vst v63  }
0x52f: {  	s12 =	simm.s32 $0x8000  }
0x530: {  	[tilespmem:s12], [sflag:$0x2] =	stream.indirect_vreg.gather [hbm4b:s8+s3], $0x80, v2, vm0, $0xb8;
	[tilespmem:$0x1E000] =	vst v63  }
0x531: {  	s14 =	simm.s32 $0x8800  }
0x532: {  	[tilespmem:s14], [sflag:$0x2] =	stream.indirect_vreg.gather [hbm4b:s9+s3], $0x80, v2, vm0, $0xb8;
	[tilespmem:$0x1E000] =	vst v63  }
0x533: {  	s21 =	simm.s32 $0x9000  }
0x534: {  	[tilespmem:s21], [sflag:$0x2] =	stream.indirect_vreg.gather [hbm4b:s10+s3], $0x80, v2, vm0, $0xb8;
	[tilespmem:$0x1E000] =	vst v63  }
0x535: {  	s12 =	simm.s32 $0x9800  }
0x536: {  	[tilespmem:s12], [sflag:$0x2] =	stream.indirect_vreg.gather [hbm4b:s11+s3], $0x80, v2, vm0, $0xb8;
	[tilespmem:$0x1E000] =	vst v63  }
0x537: {  	_ =	swait.ge [sflag:s30], $0x4000  }
0x538: {  	s31 =	sld [smem:$0x7E6]  }
0x539: {  	[sflag:s30] =	ssyncset.done $0x0  }
0x53a: {  	s4 =	simm.s32 $0x1A000;
	s14 =	simm.s32 $0xA;
	[sflag:s30] =	ssyncadd.s32 $0xFFFFC000  }
0x53b: {  	[hbm4b:s31+s28] =	stream.strided.scatter [tilespmem:s4], [sflag:$0xE], $0x4000, s29, s28, $0x38;
	[tilespmem:$0x1E000] =	vst v63  }
0x53c: {  	_ =	swait.ge [sflag:s14], $0x4000  }
0x53d: {  	[sflag:s14] =	ssyncset.done $0x0  }
0x53e: {  	[sflag:s14] =	ssyncadd.s32 $0xFFFFC000  }
0x53f: {  	v2 =	vld.msk [tilespmem:$0x1600], $0x3;
	_ =	sdelay $0x4  }
0x540: {  	v3 =	vshll.u32 v2, $0x6  }
0x541: {  	v2 =	vand.u32 $0x7, v2;
	v3 =	vand.u32 $0xFFFFFE00, v3  }
0x542: {  	v2 =	vor.u32 v2, v3  }
0x543: {  	v2 =	vperm.xlane v2, v0;
	_ =	sdelay $0x1  }
0x544: {  	v2 =	vadd.s32 v1, v2;
	_ =	sdelay $0x3  }
0x545: {  	s0 =	simm.s32 $0xA000  }
0x546: {  	[tilespmem:s0], [sflag:$0x3] =	stream.indirect_vreg.gather [hbm4b:s2+s3], $0x80, v2, vm0, $0xb8;
	[tilespmem:$0x1E000] =	vst v63  }
0x547: {  	s21 =	simm.s32 $0xA800  }
0x548: {  	[tilespmem:s21], [sflag:$0x3] =	stream.indirect_vreg.gather [hbm4b:s5+s3], $0x80, v2, vm0, $0xb8;
	[tilespmem:$0x1E000] =	vst v63  }
0x549: {  	s21 =	simm.s32 $0xB000  }
0x54a: {  	[tilespmem:s21], [sflag:$0x3] =	stream.indirect_vreg.gather [hbm4b:s6+s3], $0x80, v2, vm0, $0xb8;
	[tilespmem:$0x1E000] =	vst v63  }
0x54b: {  	s21 =	simm.s32 $0xB800  }
0x54c: {  	[tilespmem:s21], [sflag:$0x3] =	stream.indirect_vreg.gather [hbm4b:s7+s3], $0x80, v2, vm0, $0xb8;
	[tilespmem:$0x1E000] =	vst v63  }
0x54d: {  	s21 =	simm.s32 $0xC000  }
0x54e: {  	[tilespmem:s21], [sflag:$0x3] =	stream.indirect_vreg.gather [hbm4b:s8+s3], $0x80, v2, vm0, $0xb8;
	[tilespmem:$0x1E000] =	vst v63  }
0x54f: {  	s21 =	simm.s32 $0xC800  }
0x550: {  	[tilespmem:s21], [sflag:$0x3] =	stream.indirect_vreg.gather [hbm4b:s9+s3], $0x80, v2, vm0, $0xb8;
	[tilespmem:$0x1E000] =	vst v63  }
0x551: {  	s21 =	simm.s32 $0xD000  }
0x552: {  	[tilespmem:s21], [sflag:$0x3] =	stream.indirect_vreg.gather [hbm4b:s10+s3], $0x80, v2, vm0, $0xb8;
	[tilespmem:$0x1E000] =	vst v63  }
0x553: {  	s21 =	simm.s32 $0xD800  }
0x554: {  	[tilespmem:s21], [sflag:$0x3] =	stream.indirect_vreg.gather [hbm4b:s11+s3], $0x80, v2, vm0, $0xb8;
	[tilespmem:$0x1E000] =	vst v63  }
0x555: {  	_ =	swait.ge [sflag:s19], $0x4000  }
0x556: {  	s31 =	sld [smem:$0x7E7]  }
0x557: {  	[sflag:s19] =	ssyncset.done $0x0  }
0x558: {  	s21 =	simm.s32 $0x2000;
	[sflag:s19] =	ssyncadd.s32 $0xFFFFC000  }
0x559: {  	[hbm4b:s31+s28] =	stream.strided.scatter [tilespmem:s21], [sflag:$0x8], $0x4000, s29, s28, $0x38;
	[tilespmem:$0x1E000] =	vst v63  }
0x55a: {  	_ =	swait.ge [sflag:s18], $0x4000  }
0x55b: {  	[sflag:s18] =	ssyncset.done $0x0  }
0x55c: {  	[sflag:s18] =	ssyncadd.s32 $0xFFFFC000  }
0x55d: {  	v2 =	vld.msk [tilespmem:$0x1680], $0x3;
	_ =	sdelay $0x4  }
0x55e: {  	v3 =	vshll.u32 v2, $0x6  }
0x55f: {  	v2 =	vand.u32 $0x7, v2;
	v3 =	vand.u32 $0xFFFFFE00, v3  }
0x560: {  	v2 =	vor.u32 v2, v3  }
0x561: {  	v2 =	vperm.xlane v2, v0;
	_ =	sdelay $0x1  }
0x562: {  	v2 =	vadd.s32 v1, v2;
	_ =	sdelay $0x3  }
0x563: {  	s14 =	simm.s32 $0xE000  }
0x564: {  	[tilespmem:s14], [sflag:$0x4] =	stream.indirect_vreg.gather [hbm4b:s2+s3], $0x80, v2, vm0, $0xb8;
	[tilespmem:$0x1E000] =	vst v63  }
0x565: {  	s31 =	simm.s32 $0xE800  }
0x566: {  	[tilespmem:s31], [sflag:$0x4] =	stream.indirect_vreg.gather [hbm4b:s5+s3], $0x80, v2, vm0, $0xb8;
	[tilespmem:$0x1E000] =	vst v63  }
0x567: {  	s31 =	simm.s32 $0xF000  }
0x568: {  	[tilespmem:s31], [sflag:$0x4] =	stream.indirect_vreg.gather [hbm4b:s6+s3], $0x80, v2, vm0, $0xb8;
	[tilespmem:$0x1E000] =	vst v63  }
0x569: {  	s31 =	simm.s32 $0xF800  }
0x56a: {  	[tilespmem:s31], [sflag:$0x4] =	stream.indirect_vreg.gather [hbm4b:s7+s3], $0x80, v2, vm0, $0xb8;
	[tilespmem:$0x1E000] =	vst v63  }
0x56b: {  	s31 =	simm.s32 $0x10000  }
0x56c: {  	[tilespmem:s31], [sflag:$0x4] =	stream.indirect_vreg.gather [hbm4b:s8+s3], $0x80, v2, vm0, $0xb8;
	[tilespmem:$0x1E000] =	vst v63  }
0x56d: {  	s31 =	simm.s32 $0x10800  }
0x56e: {  	[tilespmem:s31], [sflag:$0x4] =	stream.indirect_vreg.gather [hbm4b:s9+s3], $0x80, v2, vm0, $0xb8;
	[tilespmem:$0x1E000] =	vst v63  }
0x56f: {  	s31 =	simm.s32 $0x11000  }
0x570: {  	[tilespmem:s31], [sflag:$0x4] =	stream.indirect_vreg.gather [hbm4b:s10+s3], $0x80, v2, vm0, $0xb8;
	[tilespmem:$0x1E000] =	vst v63  }
0x571: {  	s16 =	simm.s32 $0x2;
	s31 =	simm.s32 $0x11800  }
0x572: {  	[tilespmem:s31], [sflag:$0x4] =	stream.indirect_vreg.gather [hbm4b:s11+s3], $0x80, v2, vm0, $0xb8;
	[tilespmem:$0x1E000] =	vst v63  }
0x573: {  	_ =	swait.ge [sflag:s16], $0x4000  }
0x574: {  	s31 =	sld [smem:$0x7E8]  }
0x575: {  	[sflag:s16] =	ssyncset.done $0x0  }
0x576: {  	[sflag:s16] =	ssyncadd.s32 $0xFFFFC000  }
0x577: {  	[hbm4b:s31+s28] =	stream.strided.scatter [tilespmem:s1], [sflag:$0x9], $0x4000, s29, s28, $0x38;
	[tilespmem:$0x1E000] =	vst v63  }
0x578: {  	_ =	swait.ge [sflag:s13], $0x4000  }
0x579: {  	[sflag:s13] =	ssyncset.done $0x0  }
0x57a: {  	[sflag:s13] =	ssyncadd.s32 $0xFFFFC000  }
0x57b: {  	v2 =	vld.msk [tilespmem:$0x1700], $0x3;
	_ =	sdelay $0x4  }
0x57c: {  	v3 =	vshll.u32 v2, $0x6  }
0x57d: {  	v2 =	vand.u32 $0x7, v2;
	v3 =	vand.u32 $0xFFFFFE00, v3  }
0x57e: {  	v2 =	vor.u32 v2, v3  }
0x57f: {  	v2 =	vperm.xlane v2, v0;
	_ =	sdelay $0x1  }
0x580: {  	v2 =	vadd.s32 v1, v2;
	_ =	sdelay $0x3  }
0x581: {  	s16 =	simm.s32 $0x12000  }
0x582: {  	[tilespmem:s16], [sflag:$0x5] =	stream.indirect_vreg.gather [hbm4b:s2+s3], $0x80, v2, vm0, $0xb8;
	[tilespmem:$0x1E000] =	vst v63  }
0x583: {  	s31 =	simm.s32 $0x12800  }
0x584: {  	[tilespmem:s31], [sflag:$0x5] =	stream.indirect_vreg.gather [hbm4b:s5+s3], $0x80, v2, vm0, $0xb8;
	[tilespmem:$0x1E000] =	vst v63  }
0x585: {  	s31 =	simm.s32 $0x13000  }
0x586: {  	[tilespmem:s31], [sflag:$0x5] =	stream.indirect_vreg.gather [hbm4b:s6+s3], $0x80, v2, vm0, $0xb8;
	[tilespmem:$0x1E000] =	vst v63  }
0x587: {  	s31 =	simm.s32 $0x13800  }
0x588: {  	[tilespmem:s31], [sflag:$0x5] =	stream.indirect_vreg.gather [hbm4b:s7+s3], $0x80, v2, vm0, $0xb8;
	[tilespmem:$0x1E000] =	vst v63  }
0x589: {  	s31 =	simm.s32 $0x14000  }
0x58a: {  	[tilespmem:s31], [sflag:$0x5] =	stream.indirect_vreg.gather [hbm4b:s8+s3], $0x80, v2, vm0, $0xb8;
	[tilespmem:$0x1E000] =	vst v63  }
0x58b: {  	s31 =	simm.s32 $0x14800  }
0x58c: {  	[tilespmem:s31], [sflag:$0x5] =	stream.indirect_vreg.gather [hbm4b:s9+s3], $0x80, v2, vm0, $0xb8;
	[tilespmem:$0x1E000] =	vst v63  }
0x58d: {  	s31 =	simm.s32 $0x15000  }
0x58e: {  	[tilespmem:s31], [sflag:$0x5] =	stream.indirect_vreg.gather [hbm4b:s10+s3], $0x80, v2, vm0, $0xb8;
	[tilespmem:$0x1E000] =	vst v63  }
0x58f: {  	s24 =	simm.s32 $0x3;
	s31 =	simm.s32 $0x15800  }
0x590: {  	[tilespmem:s31], [sflag:$0x5] =	stream.indirect_vreg.gather [hbm4b:s11+s3], $0x80, v2, vm0, $0xb8;
	[tilespmem:$0x1E000] =	vst v63  }
0x591: {  	_ =	swait.ge [sflag:s24], $0x4000  }
0x592: {  	s31 =	sld [smem:$0x7E9]  }
0x593: {  	[sflag:s24] =	ssyncset.done $0x0  }
0x594: {  	[sflag:s24] =	ssyncadd.s32 $0xFFFFC000  }
0x595: {  	[hbm4b:s31+s28] =	stream.strided.scatter [tilespmem:s0], [sflag:$0xA], $0x4000, s29, s28, $0x38;
	[tilespmem:$0x1E000] =	vst v63  }
0x596: {  	_ =	swait.ge [sflag:s22], $0x4000  }
0x597: {  	[sflag:s22] =	ssyncset.done $0x0  }
0x598: {  	[sflag:s22] =	ssyncadd.s32 $0xFFFFC000  }
0x599: {  	v2 =	vld.msk [tilespmem:$0x1780], $0x3;
	_ =	sdelay $0x4  }
0x59a: {  	v3 =	vshll.u32 v2, $0x6  }
0x59b: {  	v2 =	vand.u32 $0x7, v2;
	v3 =	vand.u32 $0xFFFFFE00, v3  }
0x59c: {  	v2 =	vor.u32 v2, v3  }
0x59d: {  	v2 =	vperm.xlane v2, v0;
	_ =	sdelay $0x1  }
0x59e: {  	v2 =	vadd.s32 v1, v2;
	_ =	sdelay $0x3  }
0x59f: {  	s0 =	simm.s32 $0x16000  }
0x5a0: {  	[tilespmem:s0], [sflag:$0x6] =	stream.indirect_vreg.gather [hbm4b:s2+s3], $0x80, v2, vm0, $0xb8;
	[tilespmem:$0x1E000] =	vst v63  }
0x5a1: {  	s24 =	simm.s32 $0x16800  }
0x5a2: {  	[tilespmem:s24], [sflag:$0x6] =	stream.indirect_vreg.gather [hbm4b:s5+s3], $0x80, v2, vm0, $0xb8;
	[tilespmem:$0x1E000] =	vst v63  }
0x5a3: {  	s24 =	simm.s32 $0x17000  }
0x5a4: {  	[tilespmem:s24], [sflag:$0x6] =	stream.indirect_vreg.gather [hbm4b:s6+s3], $0x80, v2, vm0, $0xb8;
	[tilespmem:$0x1E000] =	vst v63  }
0x5a5: {  	s24 =	simm.s32 $0x17800  }
0x5a6: {  	[tilespmem:s24], [sflag:$0x6] =	stream.indirect_vreg.gather [hbm4b:s7+s3], $0x80, v2, vm0, $0xb8;
	[tilespmem:$0x1E000] =	vst v63  }
0x5a7: {  	s24 =	simm.s32 $0x18000  }
0x5a8: {  	[tilespmem:s24], [sflag:$0x6] =	stream.indirect_vreg.gather [hbm4b:s8+s3], $0x80, v2, vm0, $0xb8;
	[tilespmem:$0x1E000] =	vst v63  }
0x5a9: {  	s24 =	simm.s32 $0x18800  }
0x5aa: {  	[tilespmem:s24], [sflag:$0x6] =	stream.indirect_vreg.gather [hbm4b:s9+s3], $0x80, v2, vm0, $0xb8;
	[tilespmem:$0x1E000] =	vst v63  }
0x5ab: {  	s24 =	simm.s32 $0x19000  }
0x5ac: {  	[tilespmem:s24], [sflag:$0x6] =	stream.indirect_vreg.gather [hbm4b:s10+s3], $0x80, v2, vm0, $0xb8;
	[tilespmem:$0x1E000] =	vst v63  }
0x5ad: {  	s20 =	simm.s32 $0x4;
	s24 =	simm.s32 $0x19800  }
0x5ae: {  	[tilespmem:s24], [sflag:$0x6] =	stream.indirect_vreg.gather [hbm4b:s11+s3], $0x80, v2, vm0, $0xb8;
	[tilespmem:$0x1E000] =	vst v63  }
0x5af: {  	_ =	swait.ge [sflag:s20], $0x4000  }
0x5b0: {  	s31 =	sld [smem:$0x7EA]  }
0x5b1: {  	[sflag:s20] =	ssyncset.done $0x0  }
0x5b2: {  	[sflag:s20] =	ssyncadd.s32 $0xFFFFC000  }
0x5b3: {  	[hbm4b:s31+s28] =	stream.strided.scatter [tilespmem:s14], [sflag:$0xB], $0x4000, s29, s28, $0x38;
	[tilespmem:$0x1E000] =	vst v63  }
0x5b4: {  	_ =	swait.ge [sflag:s26], $0x4000  }
0x5b5: {  	[sflag:s26] =	ssyncset.done $0x0  }
0x5b6: {  	[sflag:s26] =	ssyncadd.s32 $0xFFFFC000  }
0x5b7: {  	v2 =	vld.msk [tilespmem:$0x1800], $0x3;
	_ =	sdelay $0x4  }
0x5b8: {  	v3 =	vshll.u32 v2, $0x6  }
0x5b9: {  	v2 =	vand.u32 $0x7, v2;
	v3 =	vand.u32 $0xFFFFFE00, v3  }
0x5ba: {  	v2 =	vor.u32 v2, v3  }
0x5bb: {  	v2 =	vperm.xlane v2, v0;
	_ =	sdelay $0x1  }
0x5bc: {  	v2 =	vadd.s32 v1, v2;
	_ =	sdelay $0x3  }
0x5bd: {  	s4 =	simm.s32 $0x1A000  }
0x5be: {  	[tilespmem:s4], [sflag:$0x7] =	stream.indirect_vreg.gather [hbm4b:s2+s3], $0x80, v2, vm0, $0xb8;
	[tilespmem:$0x1E000] =	vst v63  }
0x5bf: {  	s24 =	simm.s32 $0x1A800  }
0x5c0: {  	[tilespmem:s24], [sflag:$0x7] =	stream.indirect_vreg.gather [hbm4b:s5+s3], $0x80, v2, vm0, $0xb8;
	[tilespmem:$0x1E000] =	vst v63  }
0x5c1: {  	s14 =	simm.s32 $0x1B000  }
0x5c2: {  	[tilespmem:s14], [sflag:$0x7] =	stream.indirect_vreg.gather [hbm4b:s6+s3], $0x80, v2, vm0, $0xb8;
	[tilespmem:$0x1E000] =	vst v63  }
0x5c3: {  	s14 =	simm.s32 $0x1B800  }
0x5c4: {  	[tilespmem:s14], [sflag:$0x7] =	stream.indirect_vreg.gather [hbm4b:s7+s3], $0x80, v2, vm0, $0xb8;
	[tilespmem:$0x1E000] =	vst v63  }
0x5c5: {  	s14 =	simm.s32 $0x1C000  }
0x5c6: {  	[tilespmem:s14], [sflag:$0x7] =	stream.indirect_vreg.gather [hbm4b:s8+s3], $0x80, v2, vm0, $0xb8;
	[tilespmem:$0x1E000] =	vst v63  }
0x5c7: {  	s14 =	simm.s32 $0x1C800  }
0x5c8: {  	[tilespmem:s14], [sflag:$0x7] =	stream.indirect_vreg.gather [hbm4b:s9+s3], $0x80, v2, vm0, $0xb8;
	[tilespmem:$0x1E000] =	vst v63  }
0x5c9: {  	s14 =	simm.s32 $0x1D000  }
0x5ca: {  	[tilespmem:s14], [sflag:$0x7] =	stream.indirect_vreg.gather [hbm4b:s10+s3], $0x80, v2, vm0, $0xb8;
	[tilespmem:$0x1E000] =	vst v63  }
0x5cb: {  	s25 =	simm.s32 $0x5;
	s14 =	simm.s32 $0x1D800  }
0x5cc: {  	[tilespmem:s14], [sflag:$0x7] =	stream.indirect_vreg.gather [hbm4b:s11+s3], $0x80, v2, vm0, $0xb8;
	[tilespmem:$0x1E000] =	vst v63  }
0x5cd: {  	_ =	swait.ge [sflag:s25], $0x4000  }
0x5ce: {  	s31 =	sld [smem:$0x7EB]  }
0x5cf: {  	[sflag:s25] =	ssyncset.done $0x0  }
0x5d0: {  	[sflag:s25] =	ssyncadd.s32 $0xFFFFC000  }
0x5d1: {  	[hbm4b:s31+s28] =	stream.strided.scatter [tilespmem:s16], [sflag:$0xC], $0x4000, s29, s28, $0x38;
	[tilespmem:$0x1E000] =	vst v63  }
0x5d2: {  	_ =	swait.ge [sflag:s15], $0x4000  }
0x5d3: {  	[sflag:s15] =	ssyncset.done $0x0  }
0x5d4: {  	[sflag:s15] =	ssyncadd.s32 $0xFFFFC000  }
0x5d5: {  	v2 =	vld.msk [tilespmem:$0x1880], $0x3;
	_ =	sdelay $0x4  }
0x5d6: {  	v3 =	vshll.u32 v2, $0x6  }
0x5d7: {  	v2 =	vand.u32 $0x7, v2;
	v3 =	vand.u32 $0xFFFFFE00, v3  }
0x5d8: {  	v2 =	vor.u32 v2, v3  }
0x5d9: {  	v2 =	vperm.xlane v2, v0;
	_ =	sdelay $0x1  }
0x5da: {  	v2 =	vadd.s32 v1, v2;
	_ =	sdelay $0x4  }
0x5db: {  	[tilespmem:s21], [sflag:$0x1] =	stream.indirect_vreg.gather [hbm4b:s2+s3], $0x80, v2, vm0, $0xb8;
	[tilespmem:$0x1E000] =	vst v63  }
0x5dc: {  	s21 =	simm.s32 $0x2800  }
0x5dd: {  	[tilespmem:s21], [sflag:$0x1] =	stream.indirect_vreg.gather [hbm4b:s5+s3], $0x80, v2, vm0, $0xb8;
	[tilespmem:$0x1E000] =	vst v63  }
0x5de: {  	s25 =	simm.s32 $0x3000  }
0x5df: {  	[tilespmem:s25], [sflag:$0x1] =	stream.indirect_vreg.gather [hbm4b:s6+s3], $0x80, v2, vm0, $0xb8;
	[tilespmem:$0x1E000] =	vst v63  }
0x5e0: {  	s4 =	simm.s32 $0x3800  }
0x5e1: {  	[tilespmem:s4], [sflag:$0x1] =	stream.indirect_vreg.gather [hbm4b:s7+s3], $0x80, v2, vm0, $0xb8;
	[tilespmem:$0x1E000] =	vst v63  }
0x5e2: {  	s25 =	simm.s32 $0x4000  }
0x5e3: {  	[tilespmem:s25], [sflag:$0x1] =	stream.indirect_vreg.gather [hbm4b:s8+s3], $0x80, v2, vm0, $0xb8;
	[tilespmem:$0x1E000] =	vst v63  }
0x5e4: {  	s4 =	simm.s32 $0x4800  }
0x5e5: {  	[tilespmem:s4], [sflag:$0x1] =	stream.indirect_vreg.gather [hbm4b:s9+s3], $0x80, v2, vm0, $0xb8;
	[tilespmem:$0x1E000] =	vst v63  }
0x5e6: {  	s25 =	simm.s32 $0x5000  }
0x5e7: {  	[tilespmem:s25], [sflag:$0x1] =	stream.indirect_vreg.gather [hbm4b:s10+s3], $0x80, v2, vm0, $0xb8;
	[tilespmem:$0x1E000] =	vst v63  }
0x5e8: {  	s23 =	simm.s32 $0x6;
	s4 =	simm.s32 $0x5800  }
0x5e9: {  	[tilespmem:s4], [sflag:$0x1] =	stream.indirect_vreg.gather [hbm4b:s11+s3], $0x80, v2, vm0, $0xb8;
	[tilespmem:$0x1E000] =	vst v63  }
0x5ea: {  	_ =	swait.ge [sflag:s23], $0x4000  }
0x5eb: {  	s31 =	sld [smem:$0x7EC]  }
0x5ec: {  	[sflag:s23] =	ssyncset.done $0x0  }
0x5ed: {  	s17 =	simm.s32 $0x9;
	[sflag:s23] =	ssyncadd.s32 $0xFFFFC000  }
0x5ee: {  	[hbm4b:s31+s28] =	stream.strided.scatter [tilespmem:s0], [sflag:$0xD], $0x4000, s29, s28, $0x38;
	[tilespmem:$0x1E000] =	vst v63  }
0x5ef: {  	_ =	swait.ge [sflag:s17], $0x4000  }
0x5f0: {  	[sflag:s17] =	ssyncset.done $0x0  }
0x5f1: {  	[sflag:s17] =	ssyncadd.s32 $0xFFFFC000  }
0x5f2: {  	v2 =	vld.msk [tilespmem:$0x1900], $0x3;
	_ =	sdelay $0x4  }
0x5f3: {  	v3 =	vshll.u32 v2, $0x6  }
0x5f4: {  	v2 =	vand.u32 $0x7, v2;
	v3 =	vand.u32 $0xFFFFFE00, v3  }
0x5f5: {  	v2 =	vor.u32 v2, v3  }
0x5f6: {  	v2 =	vperm.xlane v2, v0;
	_ =	sdelay $0x1  }
0x5f7: {  	v2 =	vadd.s32 v1, v2;
	_ =	sdelay $0x3  }
0x5f8: {  	s1 =	simm.s32 $0x6000  }
0x5f9: {  	[tilespmem:s1], [sflag:$0x2] =	stream.indirect_vreg.gather [hbm4b:s2+s3], $0x80, v2, vm0, $0xb8;
	[tilespmem:$0x1E000] =	vst v63  }
0x5fa: {  	s17 =	simm.s32 $0x6800  }
0x5fb: {  	[tilespmem:s17], [sflag:$0x2] =	stream.indirect_vreg.gather [hbm4b:s5+s3], $0x80, v2, vm0, $0xb8;
	[tilespmem:$0x1E000] =	vst v63  }
0x5fc: {  	s21 =	simm.s32 $0x7000  }
0x5fd: {  	[tilespmem:s21], [sflag:$0x2] =	stream.indirect_vreg.gather [hbm4b:s6+s3], $0x80, v2, vm0, $0xb8;
	[tilespmem:$0x1E000] =	vst v63  }
0x5fe: {  	s23 =	simm.s32 $0x7800  }
0x5ff: {  	[tilespmem:s23], [sflag:$0x2] =	stream.indirect_vreg.gather [hbm4b:s7+s3], $0x80, v2, vm0, $0xb8;
	[tilespmem:$0x1E000] =	vst v63  }
0x600: {  	s25 =	simm.s32 $0x8000  }
0x601: {  	[tilespmem:s25], [sflag:$0x2] =	stream.indirect_vreg.gather [hbm4b:s8+s3], $0x80, v2, vm0, $0xb8;
	[tilespmem:$0x1E000] =	vst v63  }
0x602: {  	s0 =	simm.s32 $0x8800  }
0x603: {  	[tilespmem:s0], [sflag:$0x2] =	stream.indirect_vreg.gather [hbm4b:s9+s3], $0x80, v2, vm0, $0xb8;
	[tilespmem:$0x1E000] =	vst v63  }
0x604: {  	s4 =	simm.s32 $0x9000  }
0x605: {  	[tilespmem:s4], [sflag:$0x2] =	stream.indirect_vreg.gather [hbm4b:s10+s3], $0x80, v2, vm0, $0xb8;
	[tilespmem:$0x1E000] =	vst v63  }
0x606: {  	s21 =	simm.s32 $0x9800  }
0x607: {  	[tilespmem:s21], [sflag:$0x2] =	stream.indirect_vreg.gather [hbm4b:s11+s3], $0x80, v2, vm0, $0xb8;
	[tilespmem:$0x1E000] =	vst v63  }
0x608: {  	_ =	swait.ge [sflag:s30], $0x4000  }
0x609: {  	s31 =	sld [smem:$0x7ED]  }
0x60a: {  	[sflag:s30] =	ssyncset.done $0x0  }
0x60b: {  	s12 =	simm.s32 $0xA;
	s20 =	simm.s32 $0x1A000;
	[sflag:s30] =	ssyncadd.s32 $0xFFFFC000  }
0x60c: {  	[hbm4b:s31+s28] =	stream.strided.scatter [tilespmem:s20], [sflag:$0xE], $0x4000, s29, s28, $0x38;
	[tilespmem:$0x1E000] =	vst v63  }
0x60d: {  	_ =	swait.ge [sflag:s12], $0x4000  }
0x60e: {  	[sflag:s12] =	ssyncset.done $0x0  }
0x60f: {  	[sflag:s12] =	ssyncadd.s32 $0xFFFFC000  }
0x610: {  	v2 =	vld.msk [tilespmem:$0x1980], $0x3;
	_ =	sdelay $0x4  }
0x611: {  	v3 =	vshll.u32 v2, $0x6  }
0x612: {  	v2 =	vand.u32 $0x7, v2;
	v3 =	vand.u32 $0xFFFFFE00, v3  }
0x613: {  	v2 =	vor.u32 v2, v3  }
0x614: {  	v2 =	vperm.xlane v2, v0;
	_ =	sdelay $0x1  }
0x615: {  	v2 =	vadd.s32 v1, v2;
	_ =	sdelay $0x3  }
0x616: {  	s17 =	simm.s32 $0xA000  }
0x617: {  	[tilespmem:s17], [sflag:$0x3] =	stream.indirect_vreg.gather [hbm4b:s2+s3], $0x80, v2, vm0, $0xb8;
	[tilespmem:$0x1E000] =	vst v63  }
0x618: {  	s23 =	simm.s32 $0xA800  }
0x619: {  	[tilespmem:s23], [sflag:$0x3] =	stream.indirect_vreg.gather [hbm4b:s5+s3], $0x80, v2, vm0, $0xb8;
	[tilespmem:$0x1E000] =	vst v63  }
0x61a: {  	s25 =	simm.s32 $0xB000  }
0x61b: {  	[tilespmem:s25], [sflag:$0x3] =	stream.indirect_vreg.gather [hbm4b:s6+s3], $0x80, v2, vm0, $0xb8;
	[tilespmem:$0x1E000] =	vst v63  }
0x61c: {  	s0 =	simm.s32 $0xB800  }
0x61d: {  	[tilespmem:s0], [sflag:$0x3] =	stream.indirect_vreg.gather [hbm4b:s7+s3], $0x80, v2, vm0, $0xb8;
	[tilespmem:$0x1E000] =	vst v63  }
0x61e: {  	s4 =	simm.s32 $0xC000  }
0x61f: {  	[tilespmem:s4], [sflag:$0x3] =	stream.indirect_vreg.gather [hbm4b:s8+s3], $0x80, v2, vm0, $0xb8;
	[tilespmem:$0x1E000] =	vst v63  }
0x620: {  	s12 =	simm.s32 $0xC800  }
0x621: {  	[tilespmem:s12], [sflag:$0x3] =	stream.indirect_vreg.gather [hbm4b:s9+s3], $0x80, v2, vm0, $0xb8;
	[tilespmem:$0x1E000] =	vst v63  }
0x622: {  	s21 =	simm.s32 $0xD000  }
0x623: {  	[tilespmem:s21], [sflag:$0x3] =	stream.indirect_vreg.gather [hbm4b:s10+s3], $0x80, v2, vm0, $0xb8;
	[tilespmem:$0x1E000] =	vst v63  }
0x624: {  	s23 =	simm.s32 $0xD800  }
0x625: {  	[tilespmem:s23], [sflag:$0x3] =	stream.indirect_vreg.gather [hbm4b:s11+s3], $0x80, v2, vm0, $0xb8;
	[tilespmem:$0x1E000] =	vst v63  }
0x626: {  	_ =	swait.ge [sflag:s19], $0x4000  }
0x627: {  	s31 =	sld [smem:$0x7EE]  }
0x628: {  	[sflag:s19] =	ssyncset.done $0x0  }
0x629: {  	s14 =	simm.s32 $0x2000;
	[sflag:s19] =	ssyncadd.s32 $0xFFFFC000  }
0x62a: {  	[hbm4b:s31+s28] =	stream.strided.scatter [tilespmem:s14], [sflag:$0x8], $0x4000, s29, s28, $0x38;
	[tilespmem:$0x1E000] =	vst v63  }
0x62b: {  	_ =	swait.ge [sflag:s18], $0x4000  }
0x62c: {  	[sflag:s18] =	ssyncset.done $0x0  }
0x62d: {  	[sflag:s18] =	ssyncadd.s32 $0xFFFFC000  }
0x62e: {  	v2 =	vld.msk [tilespmem:$0x1A00], $0x3;
	_ =	sdelay $0x4  }
0x62f: {  	v3 =	vshll.u32 v2, $0x6  }
0x630: {  	v2 =	vand.u32 $0x7, v2;
	v3 =	vand.u32 $0xFFFFFE00, v3  }
0x631: {  	v2 =	vor.u32 v2, v3  }
0x632: {  	v2 =	vperm.xlane v2, v0;
	_ =	sdelay $0x1  }
0x633: {  	v2 =	vadd.s32 v1, v2;
	_ =	sdelay $0x3  }
0x634: {  	s0 =	simm.s32 $0xE000  }
0x635: {  	[tilespmem:s0], [sflag:$0x4] =	stream.indirect_vreg.gather [hbm4b:s2+s3], $0x80, v2, vm0, $0xb8;
	[tilespmem:$0x1E000] =	vst v63  }
0x636: {  	s25 =	simm.s32 $0xE800  }
0x637: {  	[tilespmem:s25], [sflag:$0x4] =	stream.indirect_vreg.gather [hbm4b:s5+s3], $0x80, v2, vm0, $0xb8;
	[tilespmem:$0x1E000] =	vst v63  }
0x638: {  	s4 =	simm.s32 $0xF000  }
0x639: {  	[tilespmem:s4], [sflag:$0x4] =	stream.indirect_vreg.gather [hbm4b:s6+s3], $0x80, v2, vm0, $0xb8;
	[tilespmem:$0x1E000] =	vst v63  }
0x63a: {  	s12 =	simm.s32 $0xF800  }
0x63b: {  	[tilespmem:s12], [sflag:$0x4] =	stream.indirect_vreg.gather [hbm4b:s7+s3], $0x80, v2, vm0, $0xb8;
	[tilespmem:$0x1E000] =	vst v63  }
0x63c: {  	s21 =	simm.s32 $0x10000  }
0x63d: {  	[tilespmem:s21], [sflag:$0x4] =	stream.indirect_vreg.gather [hbm4b:s8+s3], $0x80, v2, vm0, $0xb8;
	[tilespmem:$0x1E000] =	vst v63  }
0x63e: {  	s23 =	simm.s32 $0x10800  }
0x63f: {  	[tilespmem:s23], [sflag:$0x4] =	stream.indirect_vreg.gather [hbm4b:s9+s3], $0x80, v2, vm0, $0xb8;
	[tilespmem:$0x1E000] =	vst v63  }
0x640: {  	s25 =	simm.s32 $0x11000  }
0x641: {  	[tilespmem:s25], [sflag:$0x4] =	stream.indirect_vreg.gather [hbm4b:s10+s3], $0x80, v2, vm0, $0xb8;
	[tilespmem:$0x1E000] =	vst v63  }
0x642: {  	s4 =	simm.s32 $0x11800;
	s12 =	simm.s32 $0x2  }
0x643: {  	[tilespmem:s4], [sflag:$0x4] =	stream.indirect_vreg.gather [hbm4b:s11+s3], $0x80, v2, vm0, $0xb8;
	[tilespmem:$0x1E000] =	vst v63  }
0x644: {  	_ =	swait.ge [sflag:s12], $0x4000  }
0x645: {  	s31 =	sld [smem:$0x7EF]  }
0x646: {  	[sflag:s12] =	ssyncset.done $0x0  }
0x647: {  	[sflag:s12] =	ssyncadd.s32 $0xFFFFC000  }
0x648: {  	[hbm4b:s31+s28] =	stream.strided.scatter [tilespmem:s1], [sflag:$0x9], $0x4000, s29, s28, $0x38;
	[tilespmem:$0x1E000] =	vst v63  }
0x649: {  	_ =	swait.ge [sflag:s13], $0x4000  }
0x64a: {  	[sflag:s13] =	ssyncset.done $0x0  }
0x64b: {  	[sflag:s13] =	ssyncadd.s32 $0xFFFFC000  }
0x64c: {  	v2 =	vld.msk [tilespmem:$0x1A80], $0x3;
	_ =	sdelay $0x4  }
0x64d: {  	v3 =	vshll.u32 v2, $0x6  }
0x64e: {  	v2 =	vand.u32 $0x7, v2;
	v3 =	vand.u32 $0xFFFFFE00, v3  }
0x64f: {  	v2 =	vor.u32 v2, v3  }
0x650: {  	v2 =	vperm.xlane v2, v0;
	_ =	sdelay $0x1  }
0x651: {  	v2 =	vadd.s32 v1, v2;
	_ =	sdelay $0x3  }
0x652: {  	s16 =	simm.s32 $0x12000  }
0x653: {  	[tilespmem:s16], [sflag:$0x5] =	stream.indirect_vreg.gather [hbm4b:s2+s3], $0x80, v2, vm0, $0xb8;
	[tilespmem:$0x1E000] =	vst v63  }
0x654: {  	s21 =	simm.s32 $0x12800  }
0x655: {  	[tilespmem:s21], [sflag:$0x5] =	stream.indirect_vreg.gather [hbm4b:s5+s3], $0x80, v2, vm0, $0xb8;
	[tilespmem:$0x1E000] =	vst v63  }
0x656: {  	s23 =	simm.s32 $0x13000  }
0x657: {  	[tilespmem:s23], [sflag:$0x5] =	stream.indirect_vreg.gather [hbm4b:s6+s3], $0x80, v2, vm0, $0xb8;
	[tilespmem:$0x1E000] =	vst v63  }
0x658: {  	s4 =	simm.s32 $0x13800  }
0x659: {  	[tilespmem:s4], [sflag:$0x5] =	stream.indirect_vreg.gather [hbm4b:s7+s3], $0x80, v2, vm0, $0xb8;
	[tilespmem:$0x1E000] =	vst v63  }
0x65a: {  	s12 =	simm.s32 $0x14000  }
0x65b: {  	[tilespmem:s12], [sflag:$0x5] =	stream.indirect_vreg.gather [hbm4b:s8+s3], $0x80, v2, vm0, $0xb8;
	[tilespmem:$0x1E000] =	vst v63  }
0x65c: {  	s20 =	simm.s32 $0x14800  }
0x65d: {  	[tilespmem:s20], [sflag:$0x5] =	stream.indirect_vreg.gather [hbm4b:s9+s3], $0x80, v2, vm0, $0xb8;
	[tilespmem:$0x1E000] =	vst v63  }
0x65e: {  	s21 =	simm.s32 $0x15000  }
0x65f: {  	[tilespmem:s21], [sflag:$0x5] =	stream.indirect_vreg.gather [hbm4b:s10+s3], $0x80, v2, vm0, $0xb8;
	[tilespmem:$0x1E000] =	vst v63  }
0x660: {  	s23 =	simm.s32 $0x15800;
	s4 =	simm.s32 $0x3  }
0x661: {  	[tilespmem:s23], [sflag:$0x5] =	stream.indirect_vreg.gather [hbm4b:s11+s3], $0x80, v2, vm0, $0xb8;
	[tilespmem:$0x1E000] =	vst v63  }
0x662: {  	_ =	swait.ge [sflag:s4], $0x4000  }
0x663: {  	s31 =	sld [smem:$0x7F0]  }
0x664: {  	[sflag:s4] =	ssyncset.done $0x0  }
0x665: {  	[sflag:s4] =	ssyncadd.s32 $0xFFFFC000  }
0x666: {  	[hbm4b:s31+s28] =	stream.strided.scatter [tilespmem:s17], [sflag:$0xA], $0x4000, s29, s28, $0x38;
	[tilespmem:$0x1E000] =	vst v63  }
0x667: {  	_ =	swait.ge [sflag:s22], $0x4000  }
0x668: {  	[sflag:s22] =	ssyncset.done $0x0  }
0x669: {  	[sflag:s22] =	ssyncadd.s32 $0xFFFFC000  }
0x66a: {  	v2 =	vld.msk [tilespmem:$0x1B00], $0x3;
	_ =	sdelay $0x4  }
0x66b: {  	v3 =	vshll.u32 v2, $0x6  }
0x66c: {  	v2 =	vand.u32 $0x7, v2;
	v3 =	vand.u32 $0xFFFFFE00, v3  }
0x66d: {  	v2 =	vor.u32 v2, v3  }
0x66e: {  	v2 =	vperm.xlane v2, v0;
	_ =	sdelay $0x1  }
0x66f: {  	v2 =	vadd.s32 v1, v2;
	_ =	sdelay $0x3  }
0x670: {  	s17 =	simm.s32 $0x16000  }
0x671: {  	[tilespmem:s17], [sflag:$0x6] =	stream.indirect_vreg.gather [hbm4b:s2+s3], $0x80, v2, vm0, $0xb8;
	[tilespmem:$0x1E000] =	vst v63  }
0x672: {  	s12 =	simm.s32 $0x16800  }
0x673: {  	[tilespmem:s12], [sflag:$0x6] =	stream.indirect_vreg.gather [hbm4b:s5+s3], $0x80, v2, vm0, $0xb8;
	[tilespmem:$0x1E000] =	vst v63  }
0x674: {  	s20 =	simm.s32 $0x17000  }
0x675: {  	[tilespmem:s20], [sflag:$0x6] =	stream.indirect_vreg.gather [hbm4b:s6+s3], $0x80, v2, vm0, $0xb8;
	[tilespmem:$0x1E000] =	vst v63  }
0x676: {  	s4 =	simm.s32 $0x17800  }
0x677: {  	[tilespmem:s4], [sflag:$0x6] =	stream.indirect_vreg.gather [hbm4b:s7+s3], $0x80, v2, vm0, $0xb8;
	[tilespmem:$0x1E000] =	vst v63  }
0x678: {  	s12 =	simm.s32 $0x18000  }
0x679: {  	[tilespmem:s12], [sflag:$0x6] =	stream.indirect_vreg.gather [hbm4b:s8+s3], $0x80, v2, vm0, $0xb8;
	[tilespmem:$0x1E000] =	vst v63  }
0x67a: {  	s20 =	simm.s32 $0x18800  }
0x67b: {  	[tilespmem:s20], [sflag:$0x6] =	stream.indirect_vreg.gather [hbm4b:s9+s3], $0x80, v2, vm0, $0xb8;
	[tilespmem:$0x1E000] =	vst v63  }
0x67c: {  	s4 =	simm.s32 $0x19000  }
0x67d: {  	[tilespmem:s4], [sflag:$0x6] =	stream.indirect_vreg.gather [hbm4b:s10+s3], $0x80, v2, vm0, $0xb8;
	[tilespmem:$0x1E000] =	vst v63  }
0x67e: {  	s12 =	simm.s32 $0x19800;
	s20 =	simm.s32 $0x4  }
0x67f: {  	[tilespmem:s12], [sflag:$0x6] =	stream.indirect_vreg.gather [hbm4b:s11+s3], $0x80, v2, vm0, $0xb8;
	[tilespmem:$0x1E000] =	vst v63  }
0x680: {  	_ =	swait.ge [sflag:s20], $0x4000  }
0x681: {  	s31 =	sld [smem:$0x7F1]  }
0x682: {  	[sflag:s20] =	ssyncset.done $0x0  }
0x683: {  	[sflag:s20] =	ssyncadd.s32 $0xFFFFC000  }
0x684: {  	[hbm4b:s31+s28] =	stream.strided.scatter [tilespmem:s0], [sflag:$0xB], $0x4000, s29, s28, $0x38;
	[tilespmem:$0x1E000] =	vst v63  }
0x685: {  	_ =	swait.ge [sflag:s26], $0x4000  }
0x686: {  	[sflag:s26] =	ssyncset.done $0x0  }
0x687: {  	[sflag:s26] =	ssyncadd.s32 $0xFFFFC000  }
0x688: {  	v2 =	vld.msk [tilespmem:$0x1B80], $0x3;
	_ =	sdelay $0x4  }
0x689: {  	v3 =	vshll.u32 v2, $0x6  }
0x68a: {  	v2 =	vand.u32 $0x7, v2;
	v3 =	vand.u32 $0xFFFFFE00, v3  }
0x68b: {  	v2 =	vor.u32 v2, v3  }
0x68c: {  	v2 =	vperm.xlane v2, v0;
	_ =	sdelay $0x1  }
0x68d: {  	v2 =	vadd.s32 v1, v2;
	_ =	sdelay $0x3  }
0x68e: {  	s4 =	simm.s32 $0x1A000  }
0x68f: {  	[tilespmem:s4], [sflag:$0x7] =	stream.indirect_vreg.gather [hbm4b:s2+s3], $0x80, v2, vm0, $0xb8;
	[tilespmem:$0x1E000] =	vst v63  }
0x690: {  	_ = 	snop  }
0x691: {  	[tilespmem:s24], [sflag:$0x7] =	stream.indirect_vreg.gather [hbm4b:s5+s3], $0x80, v2, vm0, $0xb8;
	[tilespmem:$0x1E000] =	vst v63  }
0x692: {  	s0 =	simm.s32 $0x1B000  }
0x693: {  	[tilespmem:s0], [sflag:$0x7] =	stream.indirect_vreg.gather [hbm4b:s6+s3], $0x80, v2, vm0, $0xb8;
	[tilespmem:$0x1E000] =	vst v63  }
0x694: {  	s12 =	simm.s32 $0x1B800  }
0x695: {  	[tilespmem:s12], [sflag:$0x7] =	stream.indirect_vreg.gather [hbm4b:s7+s3], $0x80, v2, vm0, $0xb8;
	[tilespmem:$0x1E000] =	vst v63  }
0x696: {  	s24 =	simm.s32 $0x1C000  }
0x697: {  	[tilespmem:s24], [sflag:$0x7] =	stream.indirect_vreg.gather [hbm4b:s8+s3], $0x80, v2, vm0, $0xb8;
	[tilespmem:$0x1E000] =	vst v63  }
0x698: {  	s0 =	simm.s32 $0x1C800  }
0x699: {  	[tilespmem:s0], [sflag:$0x7] =	stream.indirect_vreg.gather [hbm4b:s9+s3], $0x80, v2, vm0, $0xb8;
	[tilespmem:$0x1E000] =	vst v63  }
0x69a: {  	s12 =	simm.s32 $0x1D000  }
0x69b: {  	[tilespmem:s12], [sflag:$0x7] =	stream.indirect_vreg.gather [hbm4b:s10+s3], $0x80, v2, vm0, $0xb8;
	[tilespmem:$0x1E000] =	vst v63  }
0x69c: {  	s24 =	simm.s32 $0x1D800;
	s0 =	simm.s32 $0x5  }
0x69d: {  	[tilespmem:s24], [sflag:$0x7] =	stream.indirect_vreg.gather [hbm4b:s11+s3], $0x80, v2, vm0, $0xb8;
	[tilespmem:$0x1E000] =	vst v63  }
0x69e: {  	_ =	swait.ge [sflag:s0], $0x4000  }
0x69f: {  	s31 =	sld [smem:$0x7F2]  }
0x6a0: {  	[sflag:s0] =	ssyncset.done $0x0  }
0x6a1: {  	[sflag:s0] =	ssyncadd.s32 $0xFFFFC000  }
0x6a2: {  	[hbm4b:s31+s28] =	stream.strided.scatter [tilespmem:s16], [sflag:$0xC], $0x4000, s29, s28, $0x38;
	[tilespmem:$0x1E000] =	vst v63  }
0x6a3: {  	_ =	swait.ge [sflag:s15], $0x4000  }
0x6a4: {  	[sflag:s15] =	ssyncset.done $0x0  }
0x6a5: {  	[sflag:s15] =	ssyncadd.s32 $0xFFFFC000  }
0x6a6: {  	v2 =	vld.msk [tilespmem:$0x1C00], $0x3;
	_ =	sdelay $0x4  }
0x6a7: {  	v3 =	vshll.u32 v2, $0x6  }
0x6a8: {  	v2 =	vand.u32 $0x7, v2;
	v3 =	vand.u32 $0xFFFFFE00, v3  }
0x6a9: {  	v2 =	vor.u32 v2, v3  }
0x6aa: {  	v2 =	vperm.xlane v2, v0;
	_ =	sdelay $0x1  }
0x6ab: {  	v2 =	vadd.s32 v1, v2;
	_ =	sdelay $0x4  }
0x6ac: {  	[tilespmem:s14], [sflag:$0x1] =	stream.indirect_vreg.gather [hbm4b:s2+s3], $0x80, v2, vm0, $0xb8;
	[tilespmem:$0x1E000] =	vst v63  }
0x6ad: {  	s12 =	simm.s32 $0x2800  }
0x6ae: {  	[tilespmem:s12], [sflag:$0x1] =	stream.indirect_vreg.gather [hbm4b:s5+s3], $0x80, v2, vm0, $0xb8;
	[tilespmem:$0x1E000] =	vst v63  }
0x6af: {  	s16 =	simm.s32 $0x3000  }
0x6b0: {  	[tilespmem:s16], [sflag:$0x1] =	stream.indirect_vreg.gather [hbm4b:s6+s3], $0x80, v2, vm0, $0xb8;
	[tilespmem:$0x1E000] =	vst v63  }
0x6b1: {  	s0 =	simm.s32 $0x3800  }
0x6b2: {  	[tilespmem:s0], [sflag:$0x1] =	stream.indirect_vreg.gather [hbm4b:s7+s3], $0x80, v2, vm0, $0xb8;
	[tilespmem:$0x1E000] =	vst v63  }
0x6b3: {  	s12 =	simm.s32 $0x4000  }
0x6b4: {  	[tilespmem:s12], [sflag:$0x1] =	stream.indirect_vreg.gather [hbm4b:s8+s3], $0x80, v2, vm0, $0xb8;
	[tilespmem:$0x1E000] =	vst v63  }
0x6b5: {  	s16 =	simm.s32 $0x4800  }
0x6b6: {  	[tilespmem:s16], [sflag:$0x1] =	stream.indirect_vreg.gather [hbm4b:s9+s3], $0x80, v2, vm0, $0xb8;
	[tilespmem:$0x1E000] =	vst v63  }
0x6b7: {  	s0 =	simm.s32 $0x5000  }
0x6b8: {  	[tilespmem:s0], [sflag:$0x1] =	stream.indirect_vreg.gather [hbm4b:s10+s3], $0x80, v2, vm0, $0xb8;
	[tilespmem:$0x1E000] =	vst v63  }
0x6b9: {  	s12 =	simm.s32 $0x5800;
	s16 =	simm.s32 $0x6  }
0x6ba: {  	[tilespmem:s12], [sflag:$0x1] =	stream.indirect_vreg.gather [hbm4b:s11+s3], $0x80, v2, vm0, $0xb8;
	[tilespmem:$0x1E000] =	vst v63  }
0x6bb: {  	_ =	swait.ge [sflag:s16], $0x4000  }
0x6bc: {  	s31 =	sld [smem:$0x7F3]  }
0x6bd: {  	[sflag:s16] =	ssyncset.done $0x0  }
0x6be: {  	s0 =	simm.s32 $0x9;
	[sflag:s16] =	ssyncadd.s32 $0xFFFFC000  }
0x6bf: {  	[hbm4b:s31+s28] =	stream.strided.scatter [tilespmem:s17], [sflag:$0xD], $0x4000, s29, s28, $0x38;
	[tilespmem:$0x1E000] =	vst v63  }
0x6c0: {  	_ =	swait.ge [sflag:s0], $0x4000  }
0x6c1: {  	[sflag:s0] =	ssyncset.done $0x0  }
0x6c2: {  	[sflag:s0] =	ssyncadd.s32 $0xFFFFC000  }
0x6c3: {  	v2 =	vld.msk [tilespmem:$0x1C80], $0x3;
	_ =	sdelay $0x4  }
0x6c4: {  	v3 =	vshll.u32 v2, $0x6  }
0x6c5: {  	v2 =	vand.u32 $0x7, v2;
	v3 =	vand.u32 $0xFFFFFE00, v3  }
0x6c6: {  	v2 =	vor.u32 v2, v3  }
0x6c7: {  	v2 =	vperm.xlane v2, v0;
	_ =	sdelay $0x1  }
0x6c8: {  	v2 =	vadd.s32 v1, v2;
	_ =	sdelay $0x3  }
0x6c9: {  	s1 =	simm.s32 $0x6000  }
0x6ca: {  	[tilespmem:s1], [sflag:$0x2] =	stream.indirect_vreg.gather [hbm4b:s2+s3], $0x80, v2, vm0, $0xb8;
	[tilespmem:$0x1E000] =	vst v63  }
0x6cb: {  	s12 =	simm.s32 $0x6800  }
0x6cc: {  	[tilespmem:s12], [sflag:$0x2] =	stream.indirect_vreg.gather [hbm4b:s5+s3], $0x80, v2, vm0, $0xb8;
	[tilespmem:$0x1E000] =	vst v63  }
0x6cd: {  	s12 =	simm.s32 $0x7000  }
0x6ce: {  	[tilespmem:s12], [sflag:$0x2] =	stream.indirect_vreg.gather [hbm4b:s6+s3], $0x80, v2, vm0, $0xb8;
	[tilespmem:$0x1E000] =	vst v63  }
0x6cf: {  	s12 =	simm.s32 $0x7800  }
0x6d0: {  	[tilespmem:s12], [sflag:$0x2] =	stream.indirect_vreg.gather [hbm4b:s7+s3], $0x80, v2, vm0, $0xb8;
	[tilespmem:$0x1E000] =	vst v63  }
0x6d1: {  	s12 =	simm.s32 $0x8000  }
0x6d2: {  	[tilespmem:s12], [sflag:$0x2] =	stream.indirect_vreg.gather [hbm4b:s8+s3], $0x80, v2, vm0, $0xb8;
	[tilespmem:$0x1E000] =	vst v63  }
0x6d3: {  	s12 =	simm.s32 $0x8800  }
0x6d4: {  	[tilespmem:s12], [sflag:$0x2] =	stream.indirect_vreg.gather [hbm4b:s9+s3], $0x80, v2, vm0, $0xb8;
	[tilespmem:$0x1E000] =	vst v63  }
0x6d5: {  	s12 =	simm.s32 $0x9000  }
0x6d6: {  	[tilespmem:s12], [sflag:$0x2] =	stream.indirect_vreg.gather [hbm4b:s10+s3], $0x80, v2, vm0, $0xb8;
	[tilespmem:$0x1E000] =	vst v63  }
0x6d7: {  	s12 =	simm.s32 $0x9800  }
0x6d8: {  	[tilespmem:s12], [sflag:$0x2] =	stream.indirect_vreg.gather [hbm4b:s11+s3], $0x80, v2, vm0, $0xb8;
	[tilespmem:$0x1E000] =	vst v63  }
0x6d9: {  	_ =	swait.ge [sflag:s30], $0x4000  }
0x6da: {  	s31 =	sld [smem:$0x7F4]  }
0x6db: {  	[sflag:s30] =	ssyncset.done $0x0  }
0x6dc: {  	s12 =	simm.s32 $0xA;
	[sflag:s30] =	ssyncadd.s32 $0xFFFFC000  }
0x6dd: {  	[hbm4b:s31+s28] =	stream.strided.scatter [tilespmem:s4], [sflag:$0xE], $0x4000, s29, s28, $0x38;
	[tilespmem:$0x1E000] =	vst v63  }
0x6de: {  	_ =	swait.ge [sflag:s12], $0x4000  }
0x6df: {  	[sflag:s12] =	ssyncset.done $0x0  }
0x6e0: {  	[sflag:s12] =	ssyncadd.s32 $0xFFFFC000  }
0x6e1: {  	v2 =	vld.msk [tilespmem:$0x1D00], $0x3;
	_ =	sdelay $0x4  }
0x6e2: {  	v3 =	vshll.u32 v2, $0x6  }
0x6e3: {  	v2 =	vand.u32 $0x7, v2;
	v3 =	vand.u32 $0xFFFFFE00, v3  }
0x6e4: {  	v2 =	vor.u32 v2, v3  }
0x6e5: {  	v2 =	vperm.xlane v2, v0;
	_ =	sdelay $0x1  }
0x6e6: {  	v2 =	vadd.s32 v1, v2;
	_ =	sdelay $0x3  }
0x6e7: {  	s21 =	simm.s32 $0xA000  }
0x6e8: {  	[tilespmem:s21], [sflag:$0x3] =	stream.indirect_vreg.gather [hbm4b:s2+s3], $0x80, v2, vm0, $0xb8;
	[tilespmem:$0x1E000] =	vst v63  }
0x6e9: {  	s4 =	simm.s32 $0xA800  }
0x6ea: {  	[tilespmem:s4], [sflag:$0x3] =	stream.indirect_vreg.gather [hbm4b:s5+s3], $0x80, v2, vm0, $0xb8;
	[tilespmem:$0x1E000] =	vst v63  }
0x6eb: {  	s4 =	simm.s32 $0xB000  }
0x6ec: {  	[tilespmem:s4], [sflag:$0x3] =	stream.indirect_vreg.gather [hbm4b:s6+s3], $0x80, v2, vm0, $0xb8;
	[tilespmem:$0x1E000] =	vst v63  }
0x6ed: {  	s4 =	simm.s32 $0xB800  }
0x6ee: {  	[tilespmem:s4], [sflag:$0x3] =	stream.indirect_vreg.gather [hbm4b:s7+s3], $0x80, v2, vm0, $0xb8;
	[tilespmem:$0x1E000] =	vst v63  }
0x6ef: {  	s4 =	simm.s32 $0xC000  }
0x6f0: {  	[tilespmem:s4], [sflag:$0x3] =	stream.indirect_vreg.gather [hbm4b:s8+s3], $0x80, v2, vm0, $0xb8;
	[tilespmem:$0x1E000] =	vst v63  }
0x6f1: {  	s4 =	simm.s32 $0xC800  }
0x6f2: {  	[tilespmem:s4], [sflag:$0x3] =	stream.indirect_vreg.gather [hbm4b:s9+s3], $0x80, v2, vm0, $0xb8;
	[tilespmem:$0x1E000] =	vst v63  }
0x6f3: {  	s4 =	simm.s32 $0xD000  }
0x6f4: {  	[tilespmem:s4], [sflag:$0x3] =	stream.indirect_vreg.gather [hbm4b:s10+s3], $0x80, v2, vm0, $0xb8;
	[tilespmem:$0x1E000] =	vst v63  }
0x6f5: {  	s4 =	simm.s32 $0xD800  }
0x6f6: {  	[tilespmem:s4], [sflag:$0x3] =	stream.indirect_vreg.gather [hbm4b:s11+s3], $0x80, v2, vm0, $0xb8;
	[tilespmem:$0x1E000] =	vst v63  }
0x6f7: {  	_ =	swait.ge [sflag:s19], $0x4000  }
0x6f8: {  	s31 =	sld [smem:$0x7F5]  }
0x6f9: {  	[sflag:s19] =	ssyncset.done $0x0  }
0x6fa: {  	[sflag:s19] =	ssyncadd.s32 $0xFFFFC000  }
0x6fb: {  	[hbm4b:s31+s28] =	stream.strided.scatter [tilespmem:s14], [sflag:$0x8], $0x4000, s29, s28, $0x38;
	[tilespmem:$0x1E000] =	vst v63  }
0x6fc: {  	_ =	swait.ge [sflag:s18], $0x4000  }
0x6fd: {  	[sflag:s18] =	ssyncset.done $0x0  }
0x6fe: {  	[sflag:s18] =	ssyncadd.s32 $0xFFFFC000  }
0x6ff: {  	v2 =	vld.msk [tilespmem:$0x1D80], $0x3;
	_ =	sdelay $0x4  }
0x700: {  	v3 =	vshll.u32 v2, $0x6  }
0x701: {  	v2 =	vand.u32 $0x7, v2;
	v3 =	vand.u32 $0xFFFFFE00, v3  }
0x702: {  	v2 =	vor.u32 v2, v3  }
0x703: {  	v2 =	vperm.xlane v2, v0;
	_ =	sdelay $0x1  }
0x704: {  	v2 =	vadd.s32 v1, v2;
	_ =	sdelay $0x3  }
0x705: {  	s0 =	simm.s32 $0xE000  }
0x706: {  	[tilespmem:s0], [sflag:$0x4] =	stream.indirect_vreg.gather [hbm4b:s2+s3], $0x80, v2, vm0, $0xb8;
	[tilespmem:$0x1E000] =	vst v63  }
0x707: {  	s4 =	simm.s32 $0xE800  }
0x708: {  	[tilespmem:s4], [sflag:$0x4] =	stream.indirect_vreg.gather [hbm4b:s5+s3], $0x80, v2, vm0, $0xb8;
	[tilespmem:$0x1E000] =	vst v63  }
0x709: {  	s4 =	simm.s32 $0xF000  }
0x70a: {  	[tilespmem:s4], [sflag:$0x4] =	stream.indirect_vreg.gather [hbm4b:s6+s3], $0x80, v2, vm0, $0xb8;
	[tilespmem:$0x1E000] =	vst v63  }
0x70b: {  	s4 =	simm.s32 $0xF800  }
0x70c: {  	[tilespmem:s4], [sflag:$0x4] =	stream.indirect_vreg.gather [hbm4b:s7+s3], $0x80, v2, vm0, $0xb8;
	[tilespmem:$0x1E000] =	vst v63  }
0x70d: {  	s4 =	simm.s32 $0x10000  }
0x70e: {  	[tilespmem:s4], [sflag:$0x4] =	stream.indirect_vreg.gather [hbm4b:s8+s3], $0x80, v2, vm0, $0xb8;
	[tilespmem:$0x1E000] =	vst v63  }
0x70f: {  	s4 =	simm.s32 $0x10800  }
0x710: {  	[tilespmem:s4], [sflag:$0x4] =	stream.indirect_vreg.gather [hbm4b:s9+s3], $0x80, v2, vm0, $0xb8;
	[tilespmem:$0x1E000] =	vst v63  }
0x711: {  	s4 =	simm.s32 $0x11000  }
0x712: {  	[tilespmem:s4], [sflag:$0x4] =	stream.indirect_vreg.gather [hbm4b:s10+s3], $0x80, v2, vm0, $0xb8;
	[tilespmem:$0x1E000] =	vst v63  }
0x713: {  	s25 =	simm.s32 $0x2;
	s4 =	simm.s32 $0x11800  }
0x714: {  	[tilespmem:s4], [sflag:$0x4] =	stream.indirect_vreg.gather [hbm4b:s11+s3], $0x80, v2, vm0, $0xb8;
	[tilespmem:$0x1E000] =	vst v63  }
0x715: {  	_ =	swait.ge [sflag:s25], $0x4000  }
0x716: {  	s31 =	sld [smem:$0x7F6]  }
0x717: {  	[sflag:s25] =	ssyncset.done $0x0  }
0x718: {  	[sflag:s25] =	ssyncadd.s32 $0xFFFFC000  }
0x719: {  	[hbm4b:s31+s28] =	stream.strided.scatter [tilespmem:s1], [sflag:$0x9], $0x4000, s29, s28, $0x38;
	[tilespmem:$0x1E000] =	vst v63  }
0x71a: {  	_ =	swait.ge [sflag:s13], $0x4000  }
0x71b: {  	[sflag:s13] =	ssyncset.done $0x0  }
0x71c: {  	[sflag:s13] =	ssyncadd.s32 $0xFFFFC000  }
0x71d: {  	v2 =	vld.msk [tilespmem:$0x1E00], $0x3;
	_ =	sdelay $0x4  }
0x71e: {  	v3 =	vshll.u32 v2, $0x6  }
0x71f: {  	v2 =	vand.u32 $0x7, v2;
	v3 =	vand.u32 $0xFFFFFE00, v3  }
0x720: {  	v2 =	vor.u32 v2, v3  }
0x721: {  	v2 =	vperm.xlane v2, v0;
	_ =	sdelay $0x1  }
0x722: {  	v2 =	vadd.s32 v1, v2;
	_ =	sdelay $0x3  }
0x723: {  	s1 =	simm.s32 $0x12000  }
0x724: {  	[tilespmem:s1], [sflag:$0x5] =	stream.indirect_vreg.gather [hbm4b:s2+s3], $0x80, v2, vm0, $0xb8;
	[tilespmem:$0x1E000] =	vst v63  }
0x725: {  	s4 =	simm.s32 $0x12800  }
0x726: {  	[tilespmem:s4], [sflag:$0x5] =	stream.indirect_vreg.gather [hbm4b:s5+s3], $0x80, v2, vm0, $0xb8;
	[tilespmem:$0x1E000] =	vst v63  }
0x727: {  	s25 =	simm.s32 $0x13000  }
0x728: {  	[tilespmem:s25], [sflag:$0x5] =	stream.indirect_vreg.gather [hbm4b:s6+s3], $0x80, v2, vm0, $0xb8;
	[tilespmem:$0x1E000] =	vst v63  }
0x729: {  	s4 =	simm.s32 $0x13800  }
0x72a: {  	[tilespmem:s4], [sflag:$0x5] =	stream.indirect_vreg.gather [hbm4b:s7+s3], $0x80, v2, vm0, $0xb8;
	[tilespmem:$0x1E000] =	vst v63  }
0x72b: {  	s25 =	simm.s32 $0x14000  }
0x72c: {  	[tilespmem:s25], [sflag:$0x5] =	stream.indirect_vreg.gather [hbm4b:s8+s3], $0x80, v2, vm0, $0xb8;
	[tilespmem:$0x1E000] =	vst v63  }
0x72d: {  	s4 =	simm.s32 $0x14800  }
0x72e: {  	[tilespmem:s4], [sflag:$0x5] =	stream.indirect_vreg.gather [hbm4b:s9+s3], $0x80, v2, vm0, $0xb8;
	[tilespmem:$0x1E000] =	vst v63  }
0x72f: {  	s25 =	simm.s32 $0x15000  }
0x730: {  	[tilespmem:s25], [sflag:$0x5] =	stream.indirect_vreg.gather [hbm4b:s10+s3], $0x80, v2, vm0, $0xb8;
	[tilespmem:$0x1E000] =	vst v63  }
0x731: {  	s23 =	simm.s32 $0x3;
	s4 =	simm.s32 $0x15800  }
0x732: {  	[tilespmem:s4], [sflag:$0x5] =	stream.indirect_vreg.gather [hbm4b:s11+s3], $0x80, v2, vm0, $0xb8;
	[tilespmem:$0x1E000] =	vst v63  }
0x733: {  	_ =	swait.ge [sflag:s23], $0x4000  }
0x734: {  	s31 =	sld [smem:$0x7F7]  }
0x735: {  	[sflag:s23] =	ssyncset.done $0x0  }
0x736: {  	[sflag:s23] =	ssyncadd.s32 $0xFFFFC000  }
0x737: {  	[hbm4b:s31+s28] =	stream.strided.scatter [tilespmem:s21], [sflag:$0xA], $0x4000, s29, s28, $0x38;
	[tilespmem:$0x1E000] =	vst v63  }
0x738: {  	_ =	swait.ge [sflag:s22], $0x4000  }
0x739: {  	[sflag:s22] =	ssyncset.done $0x0  }
0x73a: {  	[sflag:s22] =	ssyncadd.s32 $0xFFFFC000  }
0x73b: {  	v2 =	vld.msk [tilespmem:$0x1E80], $0x3;
	_ =	sdelay $0x4  }
0x73c: {  	v3 =	vshll.u32 v2, $0x6  }
0x73d: {  	v2 =	vand.u32 $0x7, v2;
	v3 =	vand.u32 $0xFFFFFE00, v3  }
0x73e: {  	v2 =	vor.u32 v2, v3  }
0x73f: {  	v2 =	vperm.xlane v2, v0;
	_ =	sdelay $0x1  }
0x740: {  	v2 =	vadd.s32 v1, v2;
	_ =	sdelay $0x3  }
0x741: {  	s23 =	simm.s32 $0x16000  }
0x742: {  	[tilespmem:s23], [sflag:$0x6] =	stream.indirect_vreg.gather [hbm4b:s2+s3], $0x80, v2, vm0, $0xb8;
	[tilespmem:$0x1E000] =	vst v63  }
0x743: {  	s25 =	simm.s32 $0x16800  }
0x744: {  	[tilespmem:s25], [sflag:$0x6] =	stream.indirect_vreg.gather [hbm4b:s5+s3], $0x80, v2, vm0, $0xb8;
	[tilespmem:$0x1E000] =	vst v63  }
0x745: {  	s21 =	simm.s32 $0x17000  }
0x746: {  	[tilespmem:s21], [sflag:$0x6] =	stream.indirect_vreg.gather [hbm4b:s6+s3], $0x80, v2, vm0, $0xb8;
	[tilespmem:$0x1E000] =	vst v63  }
0x747: {  	s23 =	simm.s32 $0x17800  }
0x748: {  	[tilespmem:s23], [sflag:$0x6] =	stream.indirect_vreg.gather [hbm4b:s7+s3], $0x80, v2, vm0, $0xb8;
	[tilespmem:$0x1E000] =	vst v63  }
0x749: {  	s25 =	simm.s32 $0x18000  }
0x74a: {  	[tilespmem:s25], [sflag:$0x6] =	stream.indirect_vreg.gather [hbm4b:s8+s3], $0x80, v2, vm0, $0xb8;
	[tilespmem:$0x1E000] =	vst v63  }
0x74b: {  	s21 =	simm.s32 $0x18800  }
0x74c: {  	[tilespmem:s21], [sflag:$0x6] =	stream.indirect_vreg.gather [hbm4b:s9+s3], $0x80, v2, vm0, $0xb8;
	[tilespmem:$0x1E000] =	vst v63  }
0x74d: {  	s23 =	simm.s32 $0x19000  }
0x74e: {  	[tilespmem:s23], [sflag:$0x6] =	stream.indirect_vreg.gather [hbm4b:s10+s3], $0x80, v2, vm0, $0xb8;
	[tilespmem:$0x1E000] =	vst v63  }
0x74f: {  	s20 =	simm.s32 $0x4;
	s25 =	simm.s32 $0x19800  }
0x750: {  	[tilespmem:s25], [sflag:$0x6] =	stream.indirect_vreg.gather [hbm4b:s11+s3], $0x80, v2, vm0, $0xb8;
	[tilespmem:$0x1E000] =	vst v63  }
0x751: {  	_ =	swait.ge [sflag:s20], $0x4000  }
0x752: {  	s31 =	sld [smem:$0x7F8]  }
0x753: {  	[sflag:s20] =	ssyncset.done $0x0  }
0x754: {  	[sflag:s20] =	ssyncadd.s32 $0xFFFFC000  }
0x755: {  	[hbm4b:s31+s28] =	stream.strided.scatter [tilespmem:s0], [sflag:$0xB], $0x4000, s29, s28, $0x38;
	[tilespmem:$0x1E000] =	vst v63  }
0x756: {  	_ =	swait.ge [sflag:s26], $0x4000  }
0x757: {  	[sflag:s26] =	ssyncset.done $0x0  }
0x758: {  	[sflag:s26] =	ssyncadd.s32 $0xFFFFC000  }
0x759: {  	v2 =	vld.msk [tilespmem:$0x1F00], $0x3;
	_ =	sdelay $0x4  }
0x75a: {  	v3 =	vshll.u32 v2, $0x6  }
0x75b: {  	v2 =	vand.u32 $0x7, v2;
	v3 =	vand.u32 $0xFFFFFE00, v3  }
0x75c: {  	v2 =	vor.u32 v2, v3  }
0x75d: {  	v2 =	vperm.xlane v2, v0;
	_ =	sdelay $0x1  }
0x75e: {  	v2 =	vadd.s32 v1, v2;
	_ =	sdelay $0x3  }
0x75f: {  	s0 =	simm.s32 $0x1A000  }
0x760: {  	[tilespmem:s0], [sflag:$0x7] =	stream.indirect_vreg.gather [hbm4b:s2+s3], $0x80, v2, vm0, $0xb8;
	[tilespmem:$0x1E000] =	vst v63  }
0x761: {  	s20 =	simm.s32 $0x1A800  }
0x762: {  	[tilespmem:s20], [sflag:$0x7] =	stream.indirect_vreg.gather [hbm4b:s5+s3], $0x80, v2, vm0, $0xb8;
	[tilespmem:$0x1E000] =	vst v63  }
0x763: {  	s21 =	simm.s32 $0x1B000  }
0x764: {  	[tilespmem:s21], [sflag:$0x7] =	stream.indirect_vreg.gather [hbm4b:s6+s3], $0x80, v2, vm0, $0xb8;
	[tilespmem:$0x1E000] =	vst v63  }
0x765: {  	s23 =	simm.s32 $0x1B800  }
0x766: {  	[tilespmem:s23], [sflag:$0x7] =	stream.indirect_vreg.gather [hbm4b:s7+s3], $0x80, v2, vm0, $0xb8;
	[tilespmem:$0x1E000] =	vst v63  }
0x767: {  	s25 =	simm.s32 $0x1C000  }
0x768: {  	[tilespmem:s25], [sflag:$0x7] =	stream.indirect_vreg.gather [hbm4b:s8+s3], $0x80, v2, vm0, $0xb8;
	[tilespmem:$0x1E000] =	vst v63  }
0x769: {  	s20 =	simm.s32 $0x1C800  }
0x76a: {  	[tilespmem:s20], [sflag:$0x7] =	stream.indirect_vreg.gather [hbm4b:s9+s3], $0x80, v2, vm0, $0xb8;
	[tilespmem:$0x1E000] =	vst v63  }
0x76b: {  	s21 =	simm.s32 $0x1D000  }
0x76c: {  	[tilespmem:s21], [sflag:$0x7] =	stream.indirect_vreg.gather [hbm4b:s10+s3], $0x80, v2, vm0, $0xb8;
	[tilespmem:$0x1E000] =	vst v63  }
0x76d: {  	s24 =	simm.s32 $0x5;
	s23 =	simm.s32 $0x1D800  }
0x76e: {  	[tilespmem:s23], [sflag:$0x7] =	stream.indirect_vreg.gather [hbm4b:s11+s3], $0x80, v2, vm0, $0xb8;
	[tilespmem:$0x1E000] =	vst v63  }
0x76f: {  	_ =	swait.ge [sflag:s24], $0x4000  }
0x770: {  	s31 =	sld [smem:$0x7F9]  }
0x771: {  	[sflag:s24] =	ssyncset.done $0x0  }
0x772: {  	[sflag:s24] =	ssyncadd.s32 $0xFFFFC000  }
0x773: {  	[hbm4b:s31+s28] =	stream.strided.scatter [tilespmem:s1], [sflag:$0xC], $0x4000, s29, s28, $0x38;
	[tilespmem:$0x1E000] =	vst v63  }
0x774: {  	_ =	swait.ge [sflag:s15], $0x4000  }
0x775: {  	[sflag:s15] =	ssyncset.done $0x0  }
0x776: {  	[sflag:s15] =	ssyncadd.s32 $0xFFFFC000  }
0x777: {  	v2 =	vld.msk [tilespmem:$0x1F80], $0x3;
	_ =	sdelay $0x4  }
0x778: {  	v3 =	vshll.u32 v2, $0x6  }
0x779: {  	v2 =	vand.u32 $0x7, v2;
	v3 =	vand.u32 $0xFFFFFE00, v3  }
0x77a: {  	v2 =	vor.u32 v2, v3  }
0x77b: {  	v2 =	vperm.xlane v2, v0;
	_ =	sdelay $0x1  }
0x77c: {  	v2 =	vadd.s32 v1, v2;
	_ =	sdelay $0x3  }
0x77d: {  	s1 =	simm.s32 $0x2000  }
0x77e: {  	[tilespmem:s1], [sflag:$0x1] =	stream.indirect_vreg.gather [hbm4b:s2+s3], $0x80, v2, vm0, $0xb8;
	[tilespmem:$0x1E000] =	vst v63  }
0x77f: {  	s24 =	simm.s32 $0x2800  }
0x780: {  	[tilespmem:s24], [sflag:$0x1] =	stream.indirect_vreg.gather [hbm4b:s5+s3], $0x80, v2, vm0, $0xb8;
	[tilespmem:$0x1E000] =	vst v63  }
0x781: {  	s25 =	simm.s32 $0x3000  }
0x782: {  	[tilespmem:s25], [sflag:$0x1] =	stream.indirect_vreg.gather [hbm4b:s6+s3], $0x80, v2, vm0, $0xb8;
	[tilespmem:$0x1E000] =	vst v63  }
0x783: {  	s20 =	simm.s32 $0x3800  }
0x784: {  	[tilespmem:s20], [sflag:$0x1] =	stream.indirect_vreg.gather [hbm4b:s7+s3], $0x80, v2, vm0, $0xb8;
	[tilespmem:$0x1E000] =	vst v63  }
0x785: {  	s21 =	simm.s32 $0x4000  }
0x786: {  	[tilespmem:s21], [sflag:$0x1] =	stream.indirect_vreg.gather [hbm4b:s8+s3], $0x80, v2, vm0, $0xb8;
	[tilespmem:$0x1E000] =	vst v63  }
0x787: {  	s23 =	simm.s32 $0x4800  }
0x788: {  	[tilespmem:s23], [sflag:$0x1] =	stream.indirect_vreg.gather [hbm4b:s9+s3], $0x80, v2, vm0, $0xb8;
	[tilespmem:$0x1E000] =	vst v63  }
0x789: {  	s24 =	simm.s32 $0x5000  }
0x78a: {  	[tilespmem:s24], [sflag:$0x1] =	stream.indirect_vreg.gather [hbm4b:s10+s3], $0x80, v2, vm0, $0xb8;
	[tilespmem:$0x1E000] =	vst v63  }
0x78b: {  	s16 =	simm.s32 $0x6;
	s25 =	simm.s32 $0x5800  }
0x78c: {  	[tilespmem:s25], [sflag:$0x1] =	stream.indirect_vreg.gather [hbm4b:s11+s3], $0x80, v2, vm0, $0xb8;
	[tilespmem:$0x1E000] =	vst v63  }
0x78d: {  	_ =	swait.ge [sflag:s16], $0x4000  }
0x78e: {  	s31 =	sld [smem:$0x7FA]  }
0x78f: {  	[sflag:s16] =	ssyncset.done $0x0  }
0x790: {  	s4 =	simm.s32 $0x16000;
	[sflag:s16] =	ssyncadd.s32 $0xFFFFC000  }
0x791: {  	[hbm4b:s31+s28] =	stream.strided.scatter [tilespmem:s4], [sflag:$0xD], $0x4000, s29, s28, $0x38;
	[tilespmem:$0x1E000] =	vst v63  }
0x792: {  	_ =	swait.ge [sflag:s30], $0x4000  }
0x793: {  	s31 =	sld [smem:$0x7FB]  }
0x794: {  	[sflag:s30] =	ssyncset.done $0x0  }
0x795: {  	[sflag:s30] =	ssyncadd.s32 $0xFFFFC000  }
0x796: {  	[hbm4b:s31+s28] =	stream.strided.scatter [tilespmem:s0], [sflag:$0xE], $0x4000, s29, s28, $0x38;
	[tilespmem:$0x1E000] =	vst v63  }
0x797: {  	_ =	swait.ge [sflag:s19], $0x4000  }
0x798: {  	s31 =	sld [smem:$0x7FD]  }
0x799: {  	[sflag:s19] =	ssyncset.done $0x0  }
0x79a: {  	[sflag:s19] =	ssyncadd.s32 $0xFFFFC000  }
0x79b: {  	[hbm4b:s31+s28] =	stream.strided.scatter [tilespmem:s1], [sflag:$0x8], $0x4000, s29, s28, $0x38;
	[tilespmem:$0x1E000] =	vst v63  }
0x79c: {  	s31 =	sld [smem:$0x7D8];
	_ =	swait.ge [sflag:s15], $0x4000  }
0x79d: {  	[sflag:s15] =	ssyncset.done $0x0  }
0x79e: {  	s17 =	simm.s32 $0x9;
	[sflag:s15] =	ssyncadd.s32 $0xFFFFC000  }
0x79f: {  	_ =	swait.ge [sflag:s17], $0x4000  }
0x7a0: {  	[sflag:s17] =	ssyncset.done $0x0  }
0x7a1: {  	s12 =	simm.s32 $0xA;
	[sflag:s17] =	ssyncadd.s32 $0xFFFFC000  }
0x7a2: {  	_ =	swait.ge [sflag:s12], $0x4000  }
0x7a3: {  	[sflag:s12] =	ssyncset.done $0x0  }
0x7a4: {  	[sflag:s12] =	ssyncadd.s32 $0xFFFFC000  }
0x7a5: {  	_ =	swait.ge [sflag:s18], $0x4000  }
0x7a6: {  	[sflag:s18] =	ssyncset.done $0x0  }
0x7a7: {  	[sflag:s18] =	ssyncadd.s32 $0xFFFFC000  }
0x7a8: {  	_ =	swait.ge [sflag:s13], $0x4000  }
0x7a9: {  	[sflag:s13] =	ssyncset.done $0x0  }
0x7aa: {  	[sflag:s13] =	ssyncadd.s32 $0xFFFFC000  }
0x7ab: {  	p0 =	sne.s32 s31, $0x1;
	_ =	swait.ge [sflag:s22], $0x4000  }
.Ltmp0:
0x7ac: {  	[sflag:s22] =	ssyncset.done $0x0;
	(pc) =	sbr.rel @p0 .LBB2_1-.Ltmp0, $4  }
0x7ad: {  	[sflag:s22] =	ssyncadd.s32 $0xFFFFC000  }
0x7ae: {  	_ =	swait.ge [sflag:s26], $0x4000  }
0x7af: {  	[sflag:s26] =	ssyncset.done $0x0  }
0x7b0: {  	s31 =	sadd.s32 $0xFFFFFFFF, s31;
	[sflag:s26] =	ssyncadd.s32 $0xFFFFC000  }
0x7b1: {  	_ =	sfence.sel $0x180000  }
0x7b2: {  	[bflag:$0x0] =	sbarrier.arrive $0xFFFF  }
0x7b3: {  	_ =	strace $0x90000047  }
0x7b4: {  	s0 =	stileid.u32;
	[bflag:$0x2] =	sbarrier.arrive $0xFFFF  }
0x7b5: {  	p0 =	sne.s32 s0, $0x0;
	s0 =	rddreg [dreg:$0x3]  }
0x7b6: {  	s0 =	sadd.s32 @!p0 $0x100000, s0  }
0x7b7: {  	[sflag:s0] =	ssyncadd.tile.s32 @!p0 $0x1;
	_ =	shalt  }
.Lfunc_end2:
_tile_overlayer_lowered:
.L_overlay_start_2:
0x7b8: {  	(tag) =	ssettag $0x2  }
0x7b9: {  	s0 =	rddreg [dreg:$0x0];
	s2 =	stileid.u32  }
0x7ba: {  	s1 =	rddreg [dreg:$0x1];
	p0 =	sne.s32 s2, $0x0  }
0x7bb: {  	s3 =	rddreg [dreg:$0x2];
	[bflag:$0x3] =	sbarrier.arrive $0xFFFF;
	s2 =	simm.s32 @!p0 $0x1C0F  }
0x7bc: {  	[timem:s3], [sflag:s2] =	dma.local @!p0 [hbm:s0], s1  }
0x7bd: {  	s0 =	simm.s32 @!p0 $0xF  }
0x7be: {  	_ =	swait.ge @!p0 [sflag:s0], s1  }
0x7bf: {  	s1 =	ssub.s32 @!p0 $0x0, s1;
	[sflag:s0] =	ssyncset.done @!p0 $0x0  }
0x7c0: {  	[sflag:s0] =	ssyncadd.s32 @!p0 s1  }
0x7c1: {  	[bflag:$0x3] =	sbarrier.arrive $0xFFFF  }
0x7c2: {  	_ =	shalt  }

</sc_bundles>
